<compile_context>
chip_gen: v7x
topology: tpu7x:2x2x1
jax: 0.10.2.dev20260603
libtpu: 0.0.44.dev20260713+nightly
codegen_flags: <defaults>
</compile_context>

<pallas_src>
import functools
import math

import jax
import jax.numpy as jnp
import numpy as np
from jax import lax
from jax.experimental import pallas as pl
from jax.experimental.pallas import tpu as pltpu
from jax.experimental.pallas import tpu_sc as plsc

_PE_LEN = 2048
_LANES = 16
_NC, _NS = 2, 16
_NW = _NC * _NS
_NB = 4
_AHEAD = 2
_TBLK = 8192


def _pos_encoding(length: int, depth: int) -> np.ndarray:
    pos = np.arange(length, dtype=np.float64)[:, None]
    i = np.arange(depth, dtype=np.float64)[None, :]
    exponent = (i - (i % 2)) / depth
    angle = pos / np.power(10000.0, exponent)
    pe = np.where((np.arange(depth)[None, :] % 2) == 0, np.sin(angle), np.cos(angle))
    return np.asarray(pe, dtype=np.float32)


_PE = _pos_encoding(_PE_LEN, 64)


@functools.cache
def _build_transpose(V: int, D: int):
    scale = np.float32(math.sqrt(D))
    eye = np.eye(D, dtype=np.float32) * scale

    def body(t_ref, e_ref, o_ref):
        o_ref[...] = lax.dot_general(
            t_ref[...], e_ref[...],
            dimension_numbers=(((0,), (0,)), ((), ())),
            preferred_element_type=jnp.float32)

    grid = (V + _TBLK - 1) // _TBLK
    call = pl.pallas_call(
        body,
        grid=(grid,),
        in_specs=[pl.BlockSpec((D, _TBLK), lambda i: (0, i)),
                  pl.BlockSpec((D, D), lambda i: (0, 0))],
        out_specs=pl.BlockSpec((_TBLK, D), lambda i: (i, 0)),
        out_shape=jax.ShapeDtypeStruct((V, D), jnp.float32),
    )
    return lambda tab_t: call(tab_t, jnp.asarray(eye))


@functools.cache
def _build_gather(B: int, T: int, V: int, D: int):
    assert B % (128 * _NW) == 0 and D % _LANES == 0 and D % 8 == 0
    assert T % _NB == 0 and T > _NB + _AHEAD
    spw = B // _NW
    kt_n = D // 8
    kg_n = D // _LANES

    mesh = plsc.VectorSubcoreMesh(
        core_axis_name="c", subcore_axis_name="s",
        num_cores=_NC, num_subcores=_NS)

    scratch = [
        pltpu.VMEM((T, spw), jnp.int32),
        pltpu.VMEM((T, D), jnp.float32),
    ]
    scratch += [pltpu.VMEM((spw, D), jnp.float32) for _ in range(_NB)]
    scratch += [pltpu.VMEM((D, spw + 1), jnp.float32) for _ in range(_NB)]
    scratch += [pltpu.SemaphoreType.DMA for _ in range(2 * _NB)]

    @functools.partial(
        pl.kernel,
        out_type=jax.ShapeDtypeStruct((T, kt_n, _NW, 8, spw), jnp.float32),
        mesh=mesh,
        scratch_types=scratch,
        compiler_params=pltpu.CompilerParams(
            use_tc_tiling_on_sc=False, needs_layout_passes=False),
    )
    def run(xt_hbm, pe_hbm, tab_hbm, out_hbm, *refs):
        idx_v = refs[0]
        pe_v = refs[1]
        rows = refs[2:2 + _NB]
        chunk = refs[2 + _NB:2 + 2 * _NB]
        gsem = refs[2 + 2 * _NB:2 + 3 * _NB]
        osem = refs[2 + 3 * _NB:2 + 4 * _NB]

        wid = lax.axis_index("s") * _NC + lax.axis_index("c")
        pltpu.sync_copy(pe_hbm, pe_v)
        pltpu.sync_copy(xt_hbm.at[:, pl.ds(wid * spw, spw)], idx_v)

        iota = lax.iota(jnp.int32, _LANES)
        k_vecs = [iota + kg * _LANES for kg in range(kg_n)]

        def start_gather(t, slot):
            pltpu.async_copy(tab_hbm.at[idx_v.at[t]], rows[slot], gsem[slot])

        def drain_rows(slot):
            pltpu.make_async_copy(
                tab_hbm.at[pl.ds(0, spw)], rows[slot], gsem[slot]).wait()

        def drain_chunk(slot):
            for kt in range(kt_n):
                pltpu.make_async_copy(
                    out_hbm.at[0, 0, 0],
                    chunk[slot].at[pl.ds(kt * 8, 8), pl.ds(0, spw)],
                    osem[slot]).wait()

        for t0 in range(_AHEAD):
            start_gather(t0, t0)

        @pl.loop(0, T, step=_NB)
        def _round(s):
            for bb in range(_NB):
                t = s + bb
                j = t + _AHEAD
                slot_j = (bb + _AHEAD) % _NB

                @pl.when(j < T)
                def _():
                    @pl.when(j >= _NB)
                    def _():
                        drain_chunk(slot_j)
                    start_gather(j, slot_j)

                drain_rows(bb)

                pe_vecs = [pe_v[t, pl.ds(kg * _LANES, _LANES)]
                           for kg in range(kg_n)]

                @pl.loop(0, spw, unroll=8)
                def _row(b):
                    b_vec = jnp.full((_LANES,), b, jnp.int32)
                    for kg in range(kg_n):
                        val = rows[bb][b, pl.ds(kg * _LANES, _LANES)] \
                            + pe_vecs[kg]
                        plsc.store_scatter(
                            chunk[bb], [k_vecs[kg], b_vec], val)

                for kt in range(kt_n):
                    pltpu.async_copy(
                        chunk[bb].at[pl.ds(kt * 8, 8), pl.ds(0, spw)],
                        out_hbm.at[t, kt, wid], osem[bb])

        for bb in range(_NB):
            drain_chunk(bb)

    return run


def kernel(x, table):
    B, T = x.shape
    V, D = table.shape
    xt = x.T.astype(jnp.int32)
    pe = jnp.asarray(_PE[:T, :D])
    tab_rm = _build_transpose(V, D)(table.T)
    out5 = _build_gather(B, T, V, D)(xt, pe, tab_rm)
    return out5.transpose(2, 4, 0, 1, 3).reshape(B, T, D)

# --- scband reference (transcript-rebuilt; emitter-appended) ---
"""Pipeline reference for scband-positional-embedding-74981539054139 (READ-ONLY COPY).

The authoritative reference and input builder live on the scoring server;
editing this copy changes nothing except your own understanding.
"""

import jax, jax.numpy as jnp
import numpy as np

VOCAB = 1000000
D_MODEL = 64
PE_LEN = 2048

def positional_encoding(length, depth):
    pos = np.arange(length, dtype=np.float64)[:, None]
    i = np.arange(depth, dtype=np.float64)[None, :]
    # even i: sin(pos / 10000**(i/depth)); odd i: cos(pos / 10000**((i-1)/depth))
    exponent = (i - (i % 2)) / depth
    angle = pos / np.power(10000.0, exponent)
    pe = np.where((np.arange(depth)[None, :] % 2) == 0, np.sin(angle), np.cos(angle))
    return jnp.asarray(pe, dtype=jnp.float32)

POS_ENC = positional_encoding(PE_LEN, D_MODEL)

def setup_inputs(seed: int = 0) -> dict:
    key = jax.random.key(seed)
    k1, k2 = jax.random.split(key)
    x = jax.random.randint(k1, (4096, 200), 0, VOCAB, dtype=jnp.int64)
    table = jax.random.normal(k2, (VOCAB, D_MODEL), dtype=jnp.float32) * 0.05
    return {"x": x, "table": table}

def reference(x, table):
    length = x.shape[1]
    emb = jnp.take(table, x, axis=0)
    emb = emb * jnp.sqrt(jnp.asarray(D_MODEL, dtype=jnp.float32))
    out = emb + POS_ENC[jnp.newaxis, :length, :]
    return out

if __name__ == "__main__":
    import jax
    _d = setup_inputs()
    print(jax.jit(kernel)(*tuple(_d.values())))

</pallas_src>

<mosaic_0001>
#map = affine_map<(d0, d1) -> (0, 0)>
#map1 = affine_map<(d0, d1) -> (0, 0, 0, 0, 0)>
module attributes {stable_mosaic.version = 14 : i64} {
  func.func @run(%arg0: i32, %arg1: i32, %arg2: memref<200x4096xi32, #tpu.memory_space<hbm>>, %arg3: memref<200x64xf32, #tpu.memory_space<hbm>>, %arg4: memref<1000000x64xf32, #tpu.memory_space<hbm>>, %arg5: memref<200x8x32x8x128xf32, #tpu.memory_space<hbm>>, %arg6: memref<200x128xi32, #tpu.memory_space<vmem>>, %arg7: memref<200x64xf32, #tpu.memory_space<vmem>>, %arg8: memref<128x64xf32, #tpu.memory_space<vmem>>, %arg9: memref<128x64xf32, #tpu.memory_space<vmem>>, %arg10: memref<128x64xf32, #tpu.memory_space<vmem>>, %arg11: memref<128x64xf32, #tpu.memory_space<vmem>>, %arg12: memref<64x129xf32, #tpu.memory_space<vmem>>, %arg13: memref<64x129xf32, #tpu.memory_space<vmem>>, %arg14: memref<64x129xf32, #tpu.memory_space<vmem>>, %arg15: memref<64x129xf32, #tpu.memory_space<vmem>>, %arg16: memref<!tpu.dma_semaphore, #tpu.memory_space<semaphore_mem>>, %arg17: memref<!tpu.dma_semaphore, #tpu.memory_space<semaphore_mem>>, %arg18: memref<!tpu.dma_semaphore, #tpu.memory_space<semaphore_mem>>, %arg19: memref<!tpu.dma_semaphore, #tpu.memory_space<semaphore_mem>>, %arg20: memref<!tpu.dma_semaphore, #tpu.memory_space<semaphore_mem>>, %arg21: memref<!tpu.dma_semaphore, #tpu.memory_space<semaphore_mem>>, %arg22: memref<!tpu.dma_semaphore, #tpu.memory_space<semaphore_mem>>, %arg23: memref<!tpu.dma_semaphore, #tpu.memory_space<semaphore_mem>>) attributes {dimension_semantics = [#tpu.dimension_semantics<core_parallel>, #tpu.dimension_semantics<subcore_parallel>], iteration_bounds = array<i64: 2, 16>, scalar_prefetch = 0 : i64, scratch_operands = 18 : i64, tpu.core_type = #tpu.core_type<sc_vector_subcore>, window_params = [{transform_indices = #map}, {transform_indices = #map}, {transform_indices = #map}, {transform_indices = #map1}]} {
    %mul3A = arith.constant 2 : i32
    %mul3A_0 = arith.muli %arg1, %mul3A : i32
    %add3A = arith.addi %mul3A_0, %arg0 : i32
    "tpu.region"() ({
      %run_scoped3A = tpu.sem_alloc : memref<!tpu.dma_semaphore, #tpu.memory_space<semaphore_mem>>
      tpu.enqueue_dma source(%arg3 : memref<200x64xf32, #tpu.memory_space<hbm>>) target(%arg7 : memref<200x64xf32, #tpu.memory_space<vmem>>) target_semaphore(%run_scoped3A : memref<!tpu.dma_semaphore, #tpu.memory_space<semaphore_mem>>)
      tpu.wait_dma2 semaphore(%run_scoped3A : memref<!tpu.dma_semaphore, #tpu.memory_space<semaphore_mem>>) src(%arg3 : memref<200x64xf32, #tpu.memory_space<hbm>>) dst(%arg7 : memref<200x64xf32, #tpu.memory_space<vmem>>)
      tpu.yield
    }) : () -> ()
    %mul3A_1 = arith.constant 128 : i32
    %mul3A_2 = arith.muli %add3A, %mul3A_1 : i32
    "tpu.region"() ({
      %run_scoped3A = tpu.sem_alloc : memref<!tpu.dma_semaphore, #tpu.memory_space<semaphore_mem>>
      %dma_start3A_575 = arith.constant 0 : i32
      %dma_start3A_576 = tpu.memref_slice %arg2[%dma_start3A_575, %mul3A_2] : memref<200x4096xi32, #tpu.memory_space<hbm>> -> memref<200x128xi32, #tpu.memory_space<hbm>>
      %dma_start3A_577 = arith.constant 0 : i32
      %dma_start3A_578 = tpu.memref_slice %arg2[%dma_start3A_577, %mul3A_2] : memref<200x4096xi32, #tpu.memory_space<hbm>> -> memref<200x128xi32, #tpu.memory_space<hbm>>
      tpu.enqueue_dma source(%dma_start3A_578 : memref<200x128xi32, #tpu.memory_space<hbm>>) target(%arg6 : memref<200x128xi32, #tpu.memory_space<vmem>>) target_semaphore(%run_scoped3A : memref<!tpu.dma_semaphore, #tpu.memory_space<semaphore_mem>>)
      %dma_wait3A_579 = arith.constant 0 : i32
      %dma_wait3A_580 = tpu.memref_slice %arg2[%dma_wait3A_579, %mul3A_2] : memref<200x4096xi32, #tpu.memory_space<hbm>> -> memref<200x128xi32, #tpu.memory_space<hbm>>
      %dma_wait3A_581 = arith.constant 0 : i32
      %dma_wait3A_582 = tpu.memref_slice %arg2[%dma_wait3A_581, %mul3A_2] : memref<200x4096xi32, #tpu.memory_space<hbm>> -> memref<200x128xi32, #tpu.memory_space<hbm>>
      tpu.wait_dma2 semaphore(%run_scoped3A : memref<!tpu.dma_semaphore, #tpu.memory_space<semaphore_mem>>) src(%dma_wait3A_582 : memref<200x128xi32, #tpu.memory_space<hbm>>) dst(%arg6 : memref<200x128xi32, #tpu.memory_space<vmem>>)
      tpu.yield
    }) : () -> ()
    %iota3A = tpu.iota {dimensions = array<i32: 0>} : vector<16xi32>
    %add3A_3 = arith.constant 0 : i32
    %add3A_4 = vector.broadcast %add3A_3 : i32 to vector<16xi32>
    %add3A_5 = arith.addi %iota3A, %add3A_4 : vector<16xi32>
    %add3A_6 = arith.constant 16 : i32
    %add3A_7 = vector.broadcast %add3A_6 : i32 to vector<16xi32>
    %add3A_8 = arith.addi %iota3A, %add3A_7 : vector<16xi32>
    %add3A_9 = arith.constant 32 : i32
    %add3A_10 = vector.broadcast %add3A_9 : i32 to vector<16xi32>
    %add3A_11 = arith.addi %iota3A, %add3A_10 : vector<16xi32>
    %add3A_12 = arith.constant 48 : i32
    %add3A_13 = vector.broadcast %add3A_12 : i32 to vector<16xi32>
    %add3A_14 = arith.addi %iota3A, %add3A_13 : vector<16xi32>
    %dma_start3A = arith.constant 0 : i32
    %dma_start3A_15 = arith.constant 0 : i32
    %dma_start3A_16 = tpu.memref_slice %arg6[%dma_start3A, %dma_start3A_15] : memref<200x128xi32, #tpu.memory_space<vmem>> -> memref<1x128xi32, #tpu.memory_space<vmem>>
    %dma_start3A_17 = tpu.memref_squeeze %dma_start3A_16 : memref<1x128xi32, #tpu.memory_space<vmem>> -> memref<128xi32, #tpu.memory_space<vmem>>
    %dma_start3A_18 = arith.constant 0 : i32
    %dma_start3A_19 = arith.constant 0 : i32
    %dma_start3A_20 = tpu.memref_slice %arg4[%dma_start3A_18, %dma_start3A_19] : memref<1000000x64xf32, #tpu.memory_space<hbm>> -> memref<1000000x64xf32, #tpu.memory_space<hbm>>
    tpu.enqueue_indirect_dma source(%dma_start3A_20 : memref<1000000x64xf32, #tpu.memory_space<hbm>>) target(%arg8 : memref<128x64xf32, #tpu.memory_space<vmem>>) offsets(%dma_start3A_17 : memref<128xi32, #tpu.memory_space<vmem>>) semaphore(%arg16 : memref<!tpu.dma_semaphore, #tpu.memory_space<semaphore_mem>>)
    %dma_start3A_21 = arith.constant 1 : i32
    %dma_start3A_22 = arith.constant 0 : i32
    %dma_start3A_23 = tpu.memref_slice %arg6[%dma_start3A_21, %dma_start3A_22] : memref<200x128xi32, #tpu.memory_space<vmem>> -> memref<1x128xi32, #tpu.memory_space<vmem>>
    %dma_start3A_24 = tpu.memref_squeeze %dma_start3A_23 : memref<1x128xi32, #tpu.memory_space<vmem>> -> memref<128xi32, #tpu.memory_space<vmem>>
    %dma_start3A_25 = arith.constant 0 : i32
    %dma_start3A_26 = arith.constant 0 : i32
    %dma_start3A_27 = tpu.memref_slice %arg4[%dma_start3A_25, %dma_start3A_26] : memref<1000000x64xf32, #tpu.memory_space<hbm>> -> memref<1000000x64xf32, #tpu.memory_space<hbm>>
    tpu.enqueue_indirect_dma source(%dma_start3A_27 : memref<1000000x64xf32, #tpu.memory_space<hbm>>) target(%arg9 : memref<128x64xf32, #tpu.memory_space<vmem>>) offsets(%dma_start3A_24 : memref<128xi32, #tpu.memory_space<vmem>>) semaphore(%arg17 : memref<!tpu.dma_semaphore, #tpu.memory_space<semaphore_mem>>)
    %scan3A = arith.constant 0 : i32
    %scan3A_28 = arith.constant 50 : i32
    %scan3A_29 = arith.addi %scan3A, %scan3A_28 : i32
    %scan3A_30 = arith.constant 1 : i32
    scf.for %scan3A_575 = %scan3A to %scan3A_29 step %scan3A_30  : i32 {
      %mul3A_576 = arith.constant 4 : i32
      %mul3A_577 = arith.muli %scan3A_575, %mul3A_576 : i32
      %add3A_578 = arith.constant 0 : i32
      %add3A_579 = arith.addi %add3A_578, %mul3A_577 : i32
      %add3A_580 = arith.constant 0 : i32
      %add3A_581 = arith.addi %add3A_579, %add3A_580 : i32
      %add3A_582 = arith.constant 2 : i32
      %add3A_583 = arith.addi %add3A_581, %add3A_582 : i32
      %lt3A = arith.constant 200 : i32
      %lt3A_584 = arith.cmpi slt, %add3A_583, %lt3A : i32
      %convert_element_type3A = arith.extui %lt3A_584 : i1 to i32
      %cond3A = arith.constant 0 : i32
      %cond3A_585 = arith.cmpi ne, %convert_element_type3A, %cond3A : i32
      scf.if %cond3A_585 {
        %ge3A = arith.constant 4 : i32
        %ge3A_1184 = arith.cmpi sge, %add3A_583, %ge3A : i32
        %convert_element_type3A_1185 = arith.extui %ge3A_1184 : i1 to i32
        %cond3A_1186 = arith.constant 0 : i32
        %cond3A_1187 = arith.cmpi ne, %convert_element_type3A_1185, %cond3A_1186 : i32
        scf.if %cond3A_1187 {
          %dma_wait3A_1194 = arith.constant 0 : i32
          %dma_wait3A_1195 = arith.constant 0 : i32
          %dma_wait3A_1196 = arith.constant 0 : i32
          %dma_wait3A_1197 = arith.constant 0 : i32
          %dma_wait3A_1198 = arith.constant 0 : i32
          %dma_wait3A_1199 = tpu.memref_slice %arg14[%dma_wait3A_1197, %dma_wait3A_1198] : memref<64x129xf32, #tpu.memory_space<vmem>> -> memref<8x128xf32, #tpu.memory_space<vmem>>
          %dma_wait3A_1200 = arith.constant 0 : i32
          %dma_wait3A_1201 = arith.constant 0 : i32
          %dma_wait3A_1202 = tpu.memref_slice %arg5[%dma_wait3A_1194, %dma_wait3A_1195, %dma_wait3A_1196, %dma_wait3A_1200, %dma_wait3A_1201] : memref<200x8x32x8x128xf32, #tpu.memory_space<hbm>> -> memref<1x1x1x8x128xf32, #tpu.memory_space<hbm>>
          %dma_wait3A_1203 = tpu.memref_squeeze %dma_wait3A_1202 : memref<1x1x1x8x128xf32, #tpu.memory_space<hbm>> -> memref<8x128xf32, #tpu.memory_space<hbm>>
          %dma_wait3A_1204 = arith.constant 0 : i32
          %dma_wait3A_1205 = arith.constant 0 : i32
          %dma_wait3A_1206 = tpu.memref_slice %arg14[%dma_wait3A_1204, %dma_wait3A_1205] : memref<64x129xf32, #tpu.memory_space<vmem>> -> memref<8x128xf32, #tpu.memory_space<vmem>>
          %dma_wait3A_1207 = arith.constant 0 : i32
          %dma_wait3A_1208 = arith.constant 0 : i32
          %dma_wait3A_1209 = tpu.memref_slice %arg5[%dma_wait3A_1194, %dma_wait3A_1195, %dma_wait3A_1196, %dma_wait3A_1207, %dma_wait3A_1208] : memref<200x8x32x8x128xf32, #tpu.memory_space<hbm>> -> memref<1x1x1x8x128xf32, #tpu.memory_space<hbm>>
          %dma_wait3A_1210 = tpu.memref_squeeze %dma_wait3A_1209 : memref<1x1x1x8x128xf32, #tpu.memory_space<hbm>> -> memref<8x128xf32, #tpu.memory_space<hbm>>
          tpu.wait_dma2 semaphore(%arg22 : memref<!tpu.dma_semaphore, #tpu.memory_space<semaphore_mem>>) src(%dma_wait3A_1210 : memref<8x128xf32, #tpu.memory_space<hbm>>) dst(%dma_wait3A_1206 : memref<8x128xf32, #tpu.memory_space<vmem>>)
          %dma_wait3A_1211 = arith.constant 0 : i32
          %dma_wait3A_1212 = arith.constant 0 : i32
          %dma_wait3A_1213 = arith.constant 0 : i32
          %dma_wait3A_1214 = arith.constant 8 : i32
          %dma_wait3A_1215 = arith.constant 0 : i32
          %dma_wait3A_1216 = tpu.memref_slice %arg14[%dma_wait3A_1214, %dma_wait3A_1215] : memref<64x129xf32, #tpu.memory_space<vmem>> -> memref<8x128xf32, #tpu.memory_space<vmem>>
          %dma_wait3A_1217 = arith.constant 0 : i32
          %dma_wait3A_1218 = arith.constant 0 : i32
          %dma_wait3A_1219 = tpu.memref_slice %arg5[%dma_wait3A_1211, %dma_wait3A_1212, %dma_wait3A_1213, %dma_wait3A_1217, %dma_wait3A_1218] : memref<200x8x32x8x128xf32, #tpu.memory_space<hbm>> -> memref<1x1x1x8x128xf32, #tpu.memory_space<hbm>>
          %dma_wait3A_1220 = tpu.memref_squeeze %dma_wait3A_1219 : memref<1x1x1x8x128xf32, #tpu.memory_space<hbm>> -> memref<8x128xf32, #tpu.memory_space<hbm>>
          %dma_wait3A_1221 = arith.constant 8 : i32
          %dma_wait3A_1222 = arith.constant 0 : i32
          %dma_wait3A_1223 = tpu.memref_slice %arg14[%dma_wait3A_1221, %dma_wait3A_1222] : memref<64x129xf32, #tpu.memory_space<vmem>> -> memref<8x128xf32, #tpu.memory_space<vmem>>
          %dma_wait3A_1224 = arith.constant 0 : i32
          %dma_wait3A_1225 = arith.constant 0 : i32
          %dma_wait3A_1226 = tpu.memref_slice %arg5[%dma_wait3A_1211, %dma_wait3A_1212, %dma_wait3A_1213, %dma_wait3A_1224, %dma_wait3A_1225] : memref<200x8x32x8x128xf32, #tpu.memory_space<hbm>> -> memref<1x1x1x8x128xf32, #tpu.memory_space<hbm>>
          %dma_wait3A_1227 = tpu.memref_squeeze %dma_wait3A_1226 : memref<1x1x1x8x128xf32, #tpu.memory_space<hbm>> -> memref<8x128xf32, #tpu.memory_space<hbm>>
          tpu.wait_dma2 semaphore(%arg22 : memref<!tpu.dma_semaphore, #tpu.memory_space<semaphore_mem>>) src(%dma_wait3A_1227 : memref<8x128xf32, #tpu.memory_space<hbm>>) dst(%dma_wait3A_1223 : memref<8x128xf32, #tpu.memory_space<vmem>>)
          %dma_wait3A_1228 = arith.constant 0 : i32
          %dma_wait3A_1229 = arith.constant 0 : i32
          %dma_wait3A_1230 = arith.constant 0 : i32
          %dma_wait3A_1231 = arith.constant 16 : i32
          %dma_wait3A_1232 = arith.constant 0 : i32
          %dma_wait3A_1233 = tpu.memref_slice %arg14[%dma_wait3A_1231, %dma_wait3A_1232] : memref<64x129xf32, #tpu.memory_space<vmem>> -> memref<8x128xf32, #tpu.memory_space<vmem>>
          %dma_wait3A_1234 = arith.constant 0 : i32
          %dma_wait3A_1235 = arith.constant 0 : i32
          %dma_wait3A_1236 = tpu.memref_slice %arg5[%dma_wait3A_1228, %dma_wait3A_1229, %dma_wait3A_1230, %dma_wait3A_1234, %dma_wait3A_1235] : memref<200x8x32x8x128xf32, #tpu.memory_space<hbm>> -> memref<1x1x1x8x128xf32, #tpu.memory_space<hbm>>
          %dma_wait3A_1237 = tpu.memref_squeeze %dma_wait3A_1236 : memref<1x1x1x8x128xf32, #tpu.memory_space<hbm>> -> memref<8x128xf32, #tpu.memory_space<hbm>>
          %dma_wait3A_1238 = arith.constant 16 : i32
          %dma_wait3A_1239 = arith.constant 0 : i32
          %dma_wait3A_1240 = tpu.memref_slice %arg14[%dma_wait3A_1238, %dma_wait3A_1239] : memref<64x129xf32, #tpu.memory_space<vmem>> -> memref<8x128xf32, #tpu.memory_space<vmem>>
          %dma_wait3A_1241 = arith.constant 0 : i32
          %dma_wait3A_1242 = arith.constant 0 : i32
          %dma_wait3A_1243 = tpu.memref_slice %arg5[%dma_wait3A_1228, %dma_wait3A_1229, %dma_wait3A_1230, %dma_wait3A_1241, %dma_wait3A_1242] : memref<200x8x32x8x128xf32, #tpu.memory_space<hbm>> -> memref<1x1x1x8x128xf32, #tpu.memory_space<hbm>>
          %dma_wait3A_1244 = tpu.memref_squeeze %dma_wait3A_1243 : memref<1x1x1x8x128xf32, #tpu.memory_space<hbm>> -> memref<8x128xf32, #tpu.memory_space<hbm>>
          tpu.wait_dma2 semaphore(%arg22 : memref<!tpu.dma_semaphore, #tpu.memory_space<semaphore_mem>>) src(%dma_wait3A_1244 : memref<8x128xf32, #tpu.memory_space<hbm>>) dst(%dma_wait3A_1240 : memref<8x128xf32, #tpu.memory_space<vmem>>)
          %dma_wait3A_1245 = arith.constant 0 : i32
          %dma_wait3A_1246 = arith.constant 0 : i32
          %dma_wait3A_1247 = arith.constant 0 : i32
          %dma_wait3A_1248 = arith.constant 24 : i32
          %dma_wait3A_1249 = arith.constant 0 : i32
          %dma_wait3A_1250 = tpu.memref_slice %arg14[%dma_wait3A_1248, %dma_wait3A_1249] : memref<64x129xf32, #tpu.memory_space<vmem>> -> memref<8x128xf32, #tpu.memory_space<vmem>>
          %dma_wait3A_1251 = arith.constant 0 : i32
          %dma_wait3A_1252 = arith.constant 0 : i32
          %dma_wait3A_1253 = tpu.memref_slice %arg5[%dma_wait3A_1245, %dma_wait3A_1246, %dma_wait3A_1247, %dma_wait3A_1251, %dma_wait3A_1252] : memref<200x8x32x8x128xf32, #tpu.memory_space<hbm>> -> memref<1x1x1x8x128xf32, #tpu.memory_space<hbm>>
          %dma_wait3A_1254 = tpu.memref_squeeze %dma_wait3A_1253 : memref<1x1x1x8x128xf32, #tpu.memory_space<hbm>> -> memref<8x128xf32, #tpu.memory_space<hbm>>
          %dma_wait3A_1255 = arith.constant 24 : i32
          %dma_wait3A_1256 = arith.constant 0 : i32
          %dma_wait3A_1257 = tpu.memref_slice %arg14[%dma_wait3A_1255, %dma_wait3A_1256] : memref<64x129xf32, #tpu.memory_space<vmem>> -> memref<8x128xf32, #tpu.memory_space<vmem>>
          %dma_wait3A_1258 = arith.constant 0 : i32
          %dma_wait3A_1259 = arith.constant 0 : i32
          %dma_wait3A_1260 = tpu.memref_slice %arg5[%dma_wait3A_1245, %dma_wait3A_1246, %dma_wait3A_1247, %dma_wait3A_1258, %dma_wait3A_1259] : memref<200x8x32x8x128xf32, #tpu.memory_space<hbm>> -> memref<1x1x1x8x128xf32, #tpu.memory_space<hbm>>
          %dma_wait3A_1261 = tpu.memref_squeeze %dma_wait3A_1260 : memref<1x1x1x8x128xf32, #tpu.memory_space<hbm>> -> memref<8x128xf32, #tpu.memory_space<hbm>>
          tpu.wait_dma2 semaphore(%arg22 : memref<!tpu.dma_semaphore, #tpu.memory_space<semaphore_mem>>) src(%dma_wait3A_1261 : memref<8x128xf32, #tpu.memory_space<hbm>>) dst(%dma_wait3A_1257 : memref<8x128xf32, #tpu.memory_space<vmem>>)
          %dma_wait3A_1262 = arith.constant 0 : i32
          %dma_wait3A_1263 = arith.constant 0 : i32
          %dma_wait3A_1264 = arith.constant 0 : i32
          %dma_wait3A_1265 = arith.constant 32 : i32
          %dma_wait3A_1266 = arith.constant 0 : i32
          %dma_wait3A_1267 = tpu.memref_slice %arg14[%dma_wait3A_1265, %dma_wait3A_1266] : memref<64x129xf32, #tpu.memory_space<vmem>> -> memref<8x128xf32, #tpu.memory_space<vmem>>
          %dma_wait3A_1268 = arith.constant 0 : i32
          %dma_wait3A_1269 = arith.constant 0 : i32
          %dma_wait3A_1270 = tpu.memref_slice %arg5[%dma_wait3A_1262, %dma_wait3A_1263, %dma_wait3A_1264, %dma_wait3A_1268, %dma_wait3A_1269] : memref<200x8x32x8x128xf32, #tpu.memory_space<hbm>> -> memref<1x1x1x8x128xf32, #tpu.memory_space<hbm>>
          %dma_wait3A_1271 = tpu.memref_squeeze %dma_wait3A_1270 : memref<1x1x1x8x128xf32, #tpu.memory_space<hbm>> -> memref<8x128xf32, #tpu.memory_space<hbm>>
          %dma_wait3A_1272 = arith.constant 32 : i32
          %dma_wait3A_1273 = arith.constant 0 : i32
          %dma_wait3A_1274 = tpu.memref_slice %arg14[%dma_wait3A_1272, %dma_wait3A_1273] : memref<64x129xf32, #tpu.memory_space<vmem>> -> memref<8x128xf32, #tpu.memory_space<vmem>>
          %dma_wait3A_1275 = arith.constant 0 : i32
          %dma_wait3A_1276 = arith.constant 0 : i32
          %dma_wait3A_1277 = tpu.memref_slice %arg5[%dma_wait3A_1262, %dma_wait3A_1263, %dma_wait3A_1264, %dma_wait3A_1275, %dma_wait3A_1276] : memref<200x8x32x8x128xf32, #tpu.memory_space<hbm>> -> memref<1x1x1x8x128xf32, #tpu.memory_space<hbm>>
          %dma_wait3A_1278 = tpu.memref_squeeze %dma_wait3A_1277 : memref<1x1x1x8x128xf32, #tpu.memory_space<hbm>> -> memref<8x128xf32, #tpu.memory_space<hbm>>
          tpu.wait_dma2 semaphore(%arg22 : memref<!tpu.dma_semaphore, #tpu.memory_space<semaphore_mem>>) src(%dma_wait3A_1278 : memref<8x128xf32, #tpu.memory_space<hbm>>) dst(%dma_wait3A_1274 : memref<8x128xf32, #tpu.memory_space<vmem>>)
          %dma_wait3A_1279 = arith.constant 0 : i32
          %dma_wait3A_1280 = arith.constant 0 : i32
          %dma_wait3A_1281 = arith.constant 0 : i32
          %dma_wait3A_1282 = arith.constant 40 : i32
          %dma_wait3A_1283 = arith.constant 0 : i32
          %dma_wait3A_1284 = tpu.memref_slice %arg14[%dma_wait3A_1282, %dma_wait3A_1283] : memref<64x129xf32, #tpu.memory_space<vmem>> -> memref<8x128xf32, #tpu.memory_space<vmem>>
          %dma_wait3A_1285 = arith.constant 0 : i32
          %dma_wait3A_1286 = arith.constant 0 : i32
          %dma_wait3A_1287 = tpu.memref_slice %arg5[%dma_wait3A_1279, %dma_wait3A_1280, %dma_wait3A_1281, %dma_wait3A_1285, %dma_wait3A_1286] : memref<200x8x32x8x128xf32, #tpu.memory_space<hbm>> -> memref<1x1x1x8x128xf32, #tpu.memory_space<hbm>>
          %dma_wait3A_1288 = tpu.memref_squeeze %dma_wait3A_1287 : memref<1x1x1x8x128xf32, #tpu.memory_space<hbm>> -> memref<8x128xf32, #tpu.memory_space<hbm>>
          %dma_wait3A_1289 = arith.constant 40 : i32
          %dma_wait3A_1290 = arith.constant 0 : i32
          %dma_wait3A_1291 = tpu.memref_slice %arg14[%dma_wait3A_1289, %dma_wait3A_1290] : memref<64x129xf32, #tpu.memory_space<vmem>> -> memref<8x128xf32, #tpu.memory_space<vmem>>
          %dma_wait3A_1292 = arith.constant 0 : i32
          %dma_wait3A_1293 = arith.constant 0 : i32
          %dma_wait3A_1294 = tpu.memref_slice %arg5[%dma_wait3A_1279, %dma_wait3A_1280, %dma_wait3A_1281, %dma_wait3A_1292, %dma_wait3A_1293] : memref<200x8x32x8x128xf32, #tpu.memory_space<hbm>> -> memref<1x1x1x8x128xf32, #tpu.memory_space<hbm>>
          %dma_wait3A_1295 = tpu.memref_squeeze %dma_wait3A_1294 : memref<1x1x1x8x128xf32, #tpu.memory_space<hbm>> -> memref<8x128xf32, #tpu.memory_space<hbm>>
          tpu.wait_dma2 semaphore(%arg22 : memref<!tpu.dma_semaphore, #tpu.memory_space<semaphore_mem>>) src(%dma_wait3A_1295 : memref<8x128xf32, #tpu.memory_space<hbm>>) dst(%dma_wait3A_1291 : memref<8x128xf32, #tpu.memory_space<vmem>>)
          %dma_wait3A_1296 = arith.constant 0 : i32
          %dma_wait3A_1297 = arith.constant 0 : i32
          %dma_wait3A_1298 = arith.constant 0 : i32
          %dma_wait3A_1299 = arith.constant 48 : i32
          %dma_wait3A_1300 = arith.constant 0 : i32
          %dma_wait3A_1301 = tpu.memref_slice %arg14[%dma_wait3A_1299, %dma_wait3A_1300] : memref<64x129xf32, #tpu.memory_space<vmem>> -> memref<8x128xf32, #tpu.memory_space<vmem>>
          %dma_wait3A_1302 = arith.constant 0 : i32
          %dma_wait3A_1303 = arith.constant 0 : i32
          %dma_wait3A_1304 = tpu.memref_slice %arg5[%dma_wait3A_1296, %dma_wait3A_1297, %dma_wait3A_1298, %dma_wait3A_1302, %dma_wait3A_1303] : memref<200x8x32x8x128xf32, #tpu.memory_space<hbm>> -> memref<1x1x1x8x128xf32, #tpu.memory_space<hbm>>
          %dma_wait3A_1305 = tpu.memref_squeeze %dma_wait3A_1304 : memref<1x1x1x8x128xf32, #tpu.memory_space<hbm>> -> memref<8x128xf32, #tpu.memory_space<hbm>>
          %dma_wait3A_1306 = arith.constant 48 : i32
          %dma_wait3A_1307 = arith.constant 0 : i32
          %dma_wait3A_1308 = tpu.memref_slice %arg14[%dma_wait3A_1306, %dma_wait3A_1307] : memref<64x129xf32, #tpu.memory_space<vmem>> -> memref<8x128xf32, #tpu.memory_space<vmem>>
          %dma_wait3A_1309 = arith.constant 0 : i32
          %dma_wait3A_1310 = arith.constant 0 : i32
          %dma_wait3A_1311 = tpu.memref_slice %arg5[%dma_wait3A_1296, %dma_wait3A_1297, %dma_wait3A_1298, %dma_wait3A_1309, %dma_wait3A_1310] : memref<200x8x32x8x128xf32, #tpu.memory_space<hbm>> -> memref<1x1x1x8x128xf32, #tpu.memory_space<hbm>>
          %dma_wait3A_1312 = tpu.memref_squeeze %dma_wait3A_1311 : memref<1x1x1x8x128xf32, #tpu.memory_space<hbm>> -> memref<8x128xf32, #tpu.memory_space<hbm>>
          tpu.wait_dma2 semaphore(%arg22 : memref<!tpu.dma_semaphore, #tpu.memory_space<semaphore_mem>>) src(%dma_wait3A_1312 : memref<8x128xf32, #tpu.memory_space<hbm>>) dst(%dma_wait3A_1308 : memref<8x128xf32, #tpu.memory_space<vmem>>)
          %dma_wait3A_1313 = arith.constant 0 : i32
          %dma_wait3A_1314 = arith.constant 0 : i32
          %dma_wait3A_1315 = arith.constant 0 : i32
          %dma_wait3A_1316 = arith.constant 56 : i32
          %dma_wait3A_1317 = arith.constant 0 : i32
          %dma_wait3A_1318 = tpu.memref_slice %arg14[%dma_wait3A_1316, %dma_wait3A_1317] : memref<64x129xf32, #tpu.memory_space<vmem>> -> memref<8x128xf32, #tpu.memory_space<vmem>>
          %dma_wait3A_1319 = arith.constant 0 : i32
          %dma_wait3A_1320 = arith.constant 0 : i32
          %dma_wait3A_1321 = tpu.memref_slice %arg5[%dma_wait3A_1313, %dma_wait3A_1314, %dma_wait3A_1315, %dma_wait3A_1319, %dma_wait3A_1320] : memref<200x8x32x8x128xf32, #tpu.memory_space<hbm>> -> memref<1x1x1x8x128xf32, #tpu.memory_space<hbm>>
          %dma_wait3A_1322 = tpu.memref_squeeze %dma_wait3A_1321 : memref<1x1x1x8x128xf32, #tpu.memory_space<hbm>> -> memref<8x128xf32, #tpu.memory_space<hbm>>
          %dma_wait3A_1323 = arith.constant 56 : i32
          %dma_wait3A_1324 = arith.constant 0 : i32
          %dma_wait3A_1325 = tpu.memref_slice %arg14[%dma_wait3A_1323, %dma_wait3A_1324] : memref<64x129xf32, #tpu.memory_space<vmem>> -> memref<8x128xf32, #tpu.memory_space<vmem>>
          %dma_wait3A_1326 = arith.constant 0 : i32
          %dma_wait3A_1327 = arith.constant 0 : i32
          %dma_wait3A_1328 = tpu.memref_slice %arg5[%dma_wait3A_1313, %dma_wait3A_1314, %dma_wait3A_1315, %dma_wait3A_1326, %dma_wait3A_1327] : memref<200x8x32x8x128xf32, #tpu.memory_space<hbm>> -> memref<1x1x1x8x128xf32, #tpu.memory_space<hbm>>
          %dma_wait3A_1329 = tpu.memref_squeeze %dma_wait3A_1328 : memref<1x1x1x8x128xf32, #tpu.memory_space<hbm>> -> memref<8x128xf32, #tpu.memory_space<hbm>>
          tpu.wait_dma2 semaphore(%arg22 : memref<!tpu.dma_semaphore, #tpu.memory_space<semaphore_mem>>) src(%dma_wait3A_1329 : memref<8x128xf32, #tpu.memory_space<hbm>>) dst(%dma_wait3A_1325 : memref<8x128xf32, #tpu.memory_space<vmem>>)
        } else {
        }
        %dma_start3A_1188 = arith.constant 0 : i32
        %dma_start3A_1189 = tpu.memref_slice %arg6[%add3A_583, %dma_start3A_1188] : memref<200x128xi32, #tpu.memory_space<vmem>> -> memref<1x128xi32, #tpu.memory_space<vmem>>
        %dma_start3A_1190 = tpu.memref_squeeze %dma_start3A_1189 : memref<1x128xi32, #tpu.memory_space<vmem>> -> memref<128xi32, #tpu.memory_space<vmem>>
        %dma_start3A_1191 = arith.constant 0 : i32
        %dma_start3A_1192 = arith.constant 0 : i32
        %dma_start3A_1193 = tpu.memref_slice %arg4[%dma_start3A_1191, %dma_start3A_1192] : memref<1000000x64xf32, #tpu.memory_space<hbm>> -> memref<1000000x64xf32, #tpu.memory_space<hbm>>
        tpu.enqueue_indirect_dma source(%dma_start3A_1193 : memref<1000000x64xf32, #tpu.memory_space<hbm>>) target(%arg10 : memref<128x64xf32, #tpu.memory_space<vmem>>) offsets(%dma_start3A_1190 : memref<128xi32, #tpu.memory_space<vmem>>) semaphore(%arg18 : memref<!tpu.dma_semaphore, #tpu.memory_space<semaphore_mem>>)
      } else {
      }
      %dma_wait3A_586 = arith.constant 0 : i32
      %dma_wait3A_587 = arith.constant 0 : i32
      %dma_wait3A_588 = tpu.memref_slice %arg4[%dma_wait3A_586, %dma_wait3A_587] : memref<1000000x64xf32, #tpu.memory_space<hbm>> -> memref<128x64xf32, #tpu.memory_space<hbm>>
      %dma_wait3A_589 = arith.constant 0 : i32
      %dma_wait3A_590 = arith.constant 0 : i32
      %dma_wait3A_591 = tpu.memref_slice %arg4[%dma_wait3A_589, %dma_wait3A_590] : memref<1000000x64xf32, #tpu.memory_space<hbm>> -> memref<128x64xf32, #tpu.memory_space<hbm>>
      tpu.wait_dma2 semaphore(%arg16 : memref<!tpu.dma_semaphore, #tpu.memory_space<semaphore_mem>>) src(%dma_wait3A_591 : memref<128x64xf32, #tpu.memory_space<hbm>>) dst(%arg8 : memref<128x64xf32, #tpu.memory_space<vmem>>)
      %get3A = arith.index_cast %add3A_581 : i32 to index
      %get3A_592 = arith.constant 0 : index
      %get3A_593 = tpu.vector_load %arg7[%get3A, %get3A_592] {strides = array<i32>} : memref<200x64xf32, #tpu.memory_space<vmem>>, vector<16xf32>,
      %get3A_594 = arith.index_cast %add3A_581 : i32 to index
      %get3A_595 = arith.constant 16 : index
      %get3A_596 = tpu.vector_load %arg7[%get3A_594, %get3A_595] {strides = array<i32>} : memref<200x64xf32, #tpu.memory_space<vmem>>, vector<16xf32>,
      %get3A_597 = arith.index_cast %add3A_581 : i32 to index
      %get3A_598 = arith.constant 32 : index
      %get3A_599 = tpu.vector_load %arg7[%get3A_597, %get3A_598] {strides = array<i32>} : memref<200x64xf32, #tpu.memory_space<vmem>>, vector<16xf32>,
      %get3A_600 = arith.index_cast %add3A_581 : i32 to index
      %get3A_601 = arith.constant 48 : index
      %get3A_602 = tpu.vector_load %arg7[%get3A_600, %get3A_601] {strides = array<i32>} : memref<200x64xf32, #tpu.memory_space<vmem>>, vector<16xf32>,
      %scan3A_603 = arith.constant 0 : i32
      %scan3A_604 = arith.constant 128 : i32
      %scan3A_605 = arith.addi %scan3A_603, %scan3A_604 : i32
      %scan3A_606 = arith.constant 8 : i32
      scf.for %scan3A_1184 = %scan3A_603 to %scan3A_605 step %scan3A_606  : i32 {
        %mul3A_1185 = arith.constant 1 : i32
        %mul3A_1186 = arith.muli %scan3A_1184, %mul3A_1185 : i32
        %add3A_1187 = arith.constant 0 : i32
        %add3A_1188 = arith.addi %add3A_1187, %mul3A_1186 : i32
        %broadcast_in_dim3A = vector.broadcast %add3A_1188 : i32 to vector<16xi32>
        %get3A_1189 = arith.index_cast %add3A_1188 : i32 to index
        %get3A_1190 = arith.constant 0 : index
        %get3A_1191 = tpu.vector_load %arg8[%get3A_1189, %get3A_1190] {strides = array<i32>} : memref<128x64xf32, #tpu.memory_space<vmem>>, vector<16xf32>,
        %add3A_1192 = arith.addf %get3A_1191, %get3A_593 : vector<16xf32>
        tpu.vector_store_idx %arg12[%add3A_5, %broadcast_in_dim3A], %add3A_1192 : memref<64x129xf32, #tpu.memory_space<vmem>>[vector<16xi32>, vector<16xi32>], vector<16xf32>,
        %get3A_1193 = arith.index_cast %add3A_1188 : i32 to index
        %get3A_1194 = arith.constant 16 : index
        %get3A_1195 = tpu.vector_load %arg8[%get3A_1193, %get3A_1194] {strides = array<i32>} : memref<128x64xf32, #tpu.memory_space<vmem>>, vector<16xf32>,
        %add3A_1196 = arith.addf %get3A_1195, %get3A_596 : vector<16xf32>
        tpu.vector_store_idx %arg12[%add3A_8, %broadcast_in_dim3A], %add3A_1196 : memref<64x129xf32, #tpu.memory_space<vmem>>[vector<16xi32>, vector<16xi32>], vector<16xf32>,
        %get3A_1197 = arith.index_cast %add3A_1188 : i32 to index
        %get3A_1198 = arith.constant 32 : index
        %get3A_1199 = tpu.vector_load %arg8[%get3A_1197, %get3A_1198] {strides = array<i32>} : memref<128x64xf32, #tpu.memory_space<vmem>>, vector<16xf32>,
        %add3A_1200 = arith.addf %get3A_1199, %get3A_599 : vector<16xf32>
        tpu.vector_store_idx %arg12[%add3A_11, %broadcast_in_dim3A], %add3A_1200 : memref<64x129xf32, #tpu.memory_space<vmem>>[vector<16xi32>, vector<16xi32>], vector<16xf32>,
        %get3A_1201 = arith.index_cast %add3A_1188 : i32 to index
        %get3A_1202 = arith.constant 48 : index
        %get3A_1203 = tpu.vector_load %arg8[%get3A_1201, %get3A_1202] {strides = array<i32>} : memref<128x64xf32, #tpu.memory_space<vmem>>, vector<16xf32>,
        %add3A_1204 = arith.addf %get3A_1203, %get3A_602 : vector<16xf32>
        tpu.vector_store_idx %arg12[%add3A_14, %broadcast_in_dim3A], %add3A_1204 : memref<64x129xf32, #tpu.memory_space<vmem>>[vector<16xi32>, vector<16xi32>], vector<16xf32>,
        %scan3A_1205 = arith.constant 1 : i32
        %scan3A_1206 = arith.addi %scan3A_1184, %scan3A_1205 : i32
        %mul3A_1207 = arith.constant 1 : i32
        %mul3A_1208 = arith.muli %scan3A_1206, %mul3A_1207 : i32
        %add3A_1209 = arith.constant 0 : i32
        %add3A_1210 = arith.addi %add3A_1209, %mul3A_1208 : i32
        %broadcast_in_dim3A_1211 = vector.broadcast %add3A_1210 : i32 to vector<16xi32>
        %get3A_1212 = arith.index_cast %add3A_1210 : i32 to index
        %get3A_1213 = arith.constant 0 : index
        %get3A_1214 = tpu.vector_load %arg8[%get3A_1212, %get3A_1213] {strides = array<i32>} : memref<128x64xf32, #tpu.memory_space<vmem>>, vector<16xf32>,
        %add3A_1215 = arith.addf %get3A_1214, %get3A_593 : vector<16xf32>
        tpu.vector_store_idx %arg12[%add3A_5, %broadcast_in_dim3A_1211], %add3A_1215 : memref<64x129xf32, #tpu.memory_space<vmem>>[vector<16xi32>, vector<16xi32>], vector<16xf32>,
        %get3A_1216 = arith.index_cast %add3A_1210 : i32 to index
        %get3A_1217 = arith.constant 16 : index
        %get3A_1218 = tpu.vector_load %arg8[%get3A_1216, %get3A_1217] {strides = array<i32>} : memref<128x64xf32, #tpu.memory_space<vmem>>, vector<16xf32>,
        %add3A_1219 = arith.addf %get3A_1218, %get3A_596 : vector<16xf32>
        tpu.vector_store_idx %arg12[%add3A_8, %broadcast_in_dim3A_1211], %add3A_1219 : memref<64x129xf32, #tpu.memory_space<vmem>>[vector<16xi32>, vector<16xi32>], vector<16xf32>,
        %get3A_1220 = arith.index_cast %add3A_1210 : i32 to index
        %get3A_1221 = arith.constant 32 : index
        %get3A_1222 = tpu.vector_load %arg8[%get3A_1220, %get3A_1221] {strides = array<i32>} : memref<128x64xf32, #tpu.memory_space<vmem>>, vector<16xf32>,
        %add3A_1223 = arith.addf %get3A_1222, %get3A_599 : vector<16xf32>
        tpu.vector_store_idx %arg12[%add3A_11, %broadcast_in_dim3A_1211], %add3A_1223 : memref<64x129xf32, #tpu.memory_space<vmem>>[vector<16xi32>, vector<16xi32>], vector<16xf32>,
        %get3A_1224 = arith.index_cast %add3A_1210 : i32 to index
        %get3A_1225 = arith.constant 48 : index
        %get3A_1226 = tpu.vector_load %arg8[%get3A_1224, %get3A_1225] {strides = array<i32>} : memref<128x64xf32, #tpu.memory_space<vmem>>, vector<16xf32>,
        %add3A_1227 = arith.addf %get3A_1226, %get3A_602 : vector<16xf32>
        tpu.vector_store_idx %arg12[%add3A_14, %broadcast_in_dim3A_1211], %add3A_1227 : memref<64x129xf32, #tpu.memory_space<vmem>>[vector<16xi32>, vector<16xi32>], vector<16xf32>,
        %scan3A_1228 = arith.constant 2 : i32
        %scan3A_1229 = arith.addi %scan3A_1184, %scan3A_1228 : i32
        %mul3A_1230 = arith.constant 1 : i32
        %mul3A_1231 = arith.muli %scan3A_1229, %mul3A_1230 : i32
        %add3A_1232 = arith.constant 0 : i32
        %add3A_1233 = arith.addi %add3A_1232, %mul3A_1231 : i32
        %broadcast_in_dim3A_1234 = vector.broadcast %add3A_1233 : i32 to vector<16xi32>
        %get3A_1235 = arith.index_cast %add3A_1233 : i32 to index
        %get3A_1236 = arith.constant 0 : index
        %get3A_1237 = tpu.vector_load %arg8[%get3A_1235, %get3A_1236] {strides = array<i32>} : memref<128x64xf32, #tpu.memory_space<vmem>>, vector<16xf32>,
        %add3A_1238 = arith.addf %get3A_1237, %get3A_593 : vector<16xf32>
        tpu.vector_store_idx %arg12[%add3A_5, %broadcast_in_dim3A_1234], %add3A_1238 : memref<64x129xf32, #tpu.memory_space<vmem>>[vector<16xi32>, vector<16xi32>], vector<16xf32>,
        %get3A_1239 = arith.index_cast %add3A_1233 : i32 to index
        %get3A_1240 = arith.constant 16 : index
        %get3A_1241 = tpu.vector_load %arg8[%get3A_1239, %get3A_1240] {strides = array<i32>} : memref<128x64xf32, #tpu.memory_space<vmem>>, vector<16xf32>,
        %add3A_1242 = arith.addf %get3A_1241, %get3A_596 : vector<16xf32>
        tpu.vector_store_idx %arg12[%add3A_8, %broadcast_in_dim3A_1234], %add3A_1242 : memref<64x129xf32, #tpu.memory_space<vmem>>[vector<16xi32>, vector<16xi32>], vector<16xf32>,
        %get3A_1243 = arith.index_cast %add3A_1233 : i32 to index
        %get3A_1244 = arith.constant 32 : index
        %get3A_1245 = tpu.vector_load %arg8[%get3A_1243, %get3A_1244] {strides = array<i32>} : memref<128x64xf32, #tpu.memory_space<vmem>>, vector<16xf32>,
        %add3A_1246 = arith.addf %get3A_1245, %get3A_599 : vector<16xf32>
        tpu.vector_store_idx %arg12[%add3A_11, %broadcast_in_dim3A_1234], %add3A_1246 : memref<64x129xf32, #tpu.memory_space<vmem>>[vector<16xi32>, vector<16xi32>], vector<16xf32>,
        %get3A_1247 = arith.index_cast %add3A_1233 : i32 to index
        %get3A_1248 = arith.constant 48 : index
        %get3A_1249 = tpu.vector_load %arg8[%get3A_1247, %get3A_1248] {strides = array<i32>} : memref<128x64xf32, #tpu.memory_space<vmem>>, vector<16xf32>,
        %add3A_1250 = arith.addf %get3A_1249, %get3A_602 : vector<16xf32>
        tpu.vector_store_idx %arg12[%add3A_14, %broadcast_in_dim3A_1234], %add3A_1250 : memref<64x129xf32, #tpu.memory_space<vmem>>[vector<16xi32>, vector<16xi32>], vector<16xf32>,
        %scan3A_1251 = arith.constant 3 : i32
        %scan3A_1252 = arith.addi %scan3A_1184, %scan3A_1251 : i32
        %mul3A_1253 = arith.constant 1 : i32
        %mul3A_1254 = arith.muli %scan3A_1252, %mul3A_1253 : i32
        %add3A_1255 = arith.constant 0 : i32
        %add3A_1256 = arith.addi %add3A_1255, %mul3A_1254 : i32
        %broadcast_in_dim3A_1257 = vector.broadcast %add3A_1256 : i32 to vector<16xi32>
        %get3A_1258 = arith.index_cast %add3A_1256 : i32 to index
        %get3A_1259 = arith.constant 0 : index
        %get3A_1260 = tpu.vector_load %arg8[%get3A_1258, %get3A_1259] {strides = array<i32>} : memref<128x64xf32, #tpu.memory_space<vmem>>, vector<16xf32>,
        %add3A_1261 = arith.addf %get3A_1260, %get3A_593 : vector<16xf32>
        tpu.vector_store_idx %arg12[%add3A_5, %broadcast_in_dim3A_1257], %add3A_1261 : memref<64x129xf32, #tpu.memory_space<vmem>>[vector<16xi32>, vector<16xi32>], vector<16xf32>,
        %get3A_1262 = arith.index_cast %add3A_1256 : i32 to index
        %get3A_1263 = arith.constant 16 : index
        %get3A_1264 = tpu.vector_load %arg8[%get3A_1262, %get3A_1263] {strides = array<i32>} : memref<128x64xf32, #tpu.memory_space<vmem>>, vector<16xf32>,
        %add3A_1265 = arith.addf %get3A_1264, %get3A_596 : vector<16xf32>
        tpu.vector_store_idx %arg12[%add3A_8, %broadcast_in_dim3A_1257], %add3A_1265 : memref<64x129xf32, #tpu.memory_space<vmem>>[vector<16xi32>, vector<16xi32>], vector<16xf32>,
        %get3A_1266 = arith.index_cast %add3A_1256 : i32 to index
        %get3A_1267 = arith.constant 32 : index
        %get3A_1268 = tpu.vector_load %arg8[%get3A_1266, %get3A_1267] {strides = array<i32>} : memref<128x64xf32, #tpu.memory_space<vmem>>, vector<16xf32>,
        %add3A_1269 = arith.addf %get3A_1268, %get3A_599 : vector<16xf32>
        tpu.vector_store_idx %arg12[%add3A_11, %broadcast_in_dim3A_1257], %add3A_1269 : memref<64x129xf32, #tpu.memory_space<vmem>>[vector<16xi32>, vector<16xi32>], vector<16xf32>,
        %get3A_1270 = arith.index_cast %add3A_1256 : i32 to index
        %get3A_1271 = arith.constant 48 : index
        %get3A_1272 = tpu.vector_load %arg8[%get3A_1270, %get3A_1271] {strides = array<i32>} : memref<128x64xf32, #tpu.memory_space<vmem>>, vector<16xf32>,
        %add3A_1273 = arith.addf %get3A_1272, %get3A_602 : vector<16xf32>
        tpu.vector_store_idx %arg12[%add3A_14, %broadcast_in_dim3A_1257], %add3A_1273 : memref<64x129xf32, #tpu.memory_space<vmem>>[vector<16xi32>, vector<16xi32>], vector<16xf32>,
        %scan3A_1274 = arith.constant 4 : i32
        %scan3A_1275 = arith.addi %scan3A_1184, %scan3A_1274 : i32
        %mul3A_1276 = arith.constant 1 : i32
        %mul3A_1277 = arith.muli %scan3A_1275, %mul3A_1276 : i32
        %add3A_1278 = arith.constant 0 : i32
        %add3A_1279 = arith.addi %add3A_1278, %mul3A_1277 : i32
        %broadcast_in_dim3A_1280 = vector.broadcast %add3A_1279 : i32 to vector<16xi32>
        %get3A_1281 = arith.index_cast %add3A_1279 : i32 to index
        %get3A_1282 = arith.constant 0 : index
        %get3A_1283 = tpu.vector_load %arg8[%get3A_1281, %get3A_1282] {strides = array<i32>} : memref<128x64xf32, #tpu.memory_space<vmem>>, vector<16xf32>,
        %add3A_1284 = arith.addf %get3A_1283, %get3A_593 : vector<16xf32>
        tpu.vector_store_idx %arg12[%add3A_5, %broadcast_in_dim3A_1280], %add3A_1284 : memref<64x129xf32, #tpu.memory_space<vmem>>[vector<16xi32>, vector<16xi32>], vector<16xf32>,
        %get3A_1285 = arith.index_cast %add3A_1279 : i32 to index
        %get3A_1286 = arith.constant 16 : index
        %get3A_1287 = tpu.vector_load %arg8[%get3A_1285, %get3A_1286] {strides = array<i32>} : memref<128x64xf32, #tpu.memory_space<vmem>>, vector<16xf32>,
        %add3A_1288 = arith.addf %get3A_1287, %get3A_596 : vector<16xf32>
        tpu.vector_store_idx %arg12[%add3A_8, %broadcast_in_dim3A_1280], %add3A_1288 : memref<64x129xf32, #tpu.memory_space<vmem>>[vector<16xi32>, vector<16xi32>], vector<16xf32>,
        %get3A_1289 = arith.index_cast %add3A_1279 : i32 to index
        %get3A_1290 = arith.constant 32 : index
        %get3A_1291 = tpu.vector_load %arg8[%get3A_1289, %get3A_1290] {strides = array<i32>} : memref<128x64xf32, #tpu.memory_space<vmem>>, vector<16xf32>,
        %add3A_1292 = arith.addf %get3A_1291, %get3A_599 : vector<16xf32>
        tpu.vector_store_idx %arg12[%add3A_11, %broadcast_in_dim3A_1280], %add3A_1292 : memref<64x129xf32, #tpu.memory_space<vmem>>[vector<16xi32>, vector<16xi32>], vector<16xf32>,
        %get3A_1293 = arith.index_cast %add3A_1279 : i32 to index
        %get3A_1294 = arith.constant 48 : index
        %get3A_1295 = tpu.vector_load %arg8[%get3A_1293, %get3A_1294] {strides = array<i32>} : memref<128x64xf32, #tpu.memory_space<vmem>>, vector<16xf32>,
        %add3A_1296 = arith.addf %get3A_1295, %get3A_602 : vector<16xf32>
        tpu.vector_store_idx %arg12[%add3A_14, %broadcast_in_dim3A_1280], %add3A_1296 : memref<64x129xf32, #tpu.memory_space<vmem>>[vector<16xi32>, vector<16xi32>], vector<16xf32>,
        %scan3A_1297 = arith.constant 5 : i32
        %scan3A_1298 = arith.addi %scan3A_1184, %scan3A_1297 : i32
        %mul3A_1299 = arith.constant 1 : i32
        %mul3A_1300 = arith.muli %scan3A_1298, %mul3A_1299 : i32
        %add3A_1301 = arith.constant 0 : i32
        %add3A_1302 = arith.addi %add3A_1301, %mul3A_1300 : i32
        %broadcast_in_dim3A_1303 = vector.broadcast %add3A_1302 : i32 to vector<16xi32>
        %get3A_1304 = arith.index_cast %add3A_1302 : i32 to index
        %get3A_1305 = arith.constant 0 : index
        %get3A_1306 = tpu.vector_load %arg8[%get3A_1304, %get3A_1305] {strides = array<i32>} : memref<128x64xf32, #tpu.memory_space<vmem>>, vector<16xf32>,
        %add3A_1307 = arith.addf %get3A_1306, %get3A_593 : vector<16xf32>
        tpu.vector_store_idx %arg12[%add3A_5, %broadcast_in_dim3A_1303], %add3A_1307 : memref<64x129xf32, #tpu.memory_space<vmem>>[vector<16xi32>, vector<16xi32>], vector<16xf32>,
        %get3A_1308 = arith.index_cast %add3A_1302 : i32 to index
        %get3A_1309 = arith.constant 16 : index
        %get3A_1310 = tpu.vector_load %arg8[%get3A_1308, %get3A_1309] {strides = array<i32>} : memref<128x64xf32, #tpu.memory_space<vmem>>, vector<16xf32>,
        %add3A_1311 = arith.addf %get3A_1310, %get3A_596 : vector<16xf32>
        tpu.vector_store_idx %arg12[%add3A_8, %broadcast_in_dim3A_1303], %add3A_1311 : memref<64x129xf32, #tpu.memory_space<vmem>>[vector<16xi32>, vector<16xi32>], vector<16xf32>,
        %get3A_1312 = arith.index_cast %add3A_1302 : i32 to index
        %get3A_1313 = arith.constant 32 : index
        %get3A_1314 = tpu.vector_load %arg8[%get3A_1312, %get3A_1313] {strides = array<i32>} : memref<128x64xf32, #tpu.memory_space<vmem>>, vector<16xf32>,
        %add3A_1315 = arith.addf %get3A_1314, %get3A_599 : vector<16xf32>
        tpu.vector_store_idx %arg12[%add3A_11, %broadcast_in_dim3A_1303], %add3A_1315 : memref<64x129xf32, #tpu.memory_space<vmem>>[vector<16xi32>, vector<16xi32>], vector<16xf32>,
        %get3A_1316 = arith.index_cast %add3A_1302 : i32 to index
        %get3A_1317 = arith.constant 48 : index
        %get3A_1318 = tpu.vector_load %arg8[%get3A_1316, %get3A_1317] {strides = array<i32>} : memref<128x64xf32, #tpu.memory_space<vmem>>, vector<16xf32>,
        %add3A_1319 = arith.addf %get3A_1318, %get3A_602 : vector<16xf32>
        tpu.vector_store_idx %arg12[%add3A_14, %broadcast_in_dim3A_1303], %add3A_1319 : memref<64x129xf32, #tpu.memory_space<vmem>>[vector<16xi32>, vector<16xi32>], vector<16xf32>,
        %scan3A_1320 = arith.constant 6 : i32
        %scan3A_1321 = arith.addi %scan3A_1184, %scan3A_1320 : i32
        %mul3A_1322 = arith.constant 1 : i32
        %mul3A_1323 = arith.muli %scan3A_1321, %mul3A_1322 : i32
        %add3A_1324 = arith.constant 0 : i32
        %add3A_1325 = arith.addi %add3A_1324, %mul3A_1323 : i32
        %broadcast_in_dim3A_1326 = vector.broadcast %add3A_1325 : i32 to vector<16xi32>
        %get3A_1327 = arith.index_cast %add3A_1325 : i32 to index
        %get3A_1328 = arith.constant 0 : index
        %get3A_1329 = tpu.vector_load %arg8[%get3A_1327, %get3A_1328] {strides = array<i32>} : memref<128x64xf32, #tpu.memory_space<vmem>>, vector<16xf32>,
        %add3A_1330 = arith.addf %get3A_1329, %get3A_593 : vector<16xf32>
        tpu.vector_store_idx %arg12[%add3A_5, %broadcast_in_dim3A_1326], %add3A_1330 : memref<64x129xf32, #tpu.memory_space<vmem>>[vector<16xi32>, vector<16xi32>], vector<16xf32>,
        %get3A_1331 = arith.index_cast %add3A_1325 : i32 to index
        %get3A_1332 = arith.constant 16 : index
        %get3A_1333 = tpu.vector_load %arg8[%get3A_1331, %get3A_1332] {strides = array<i32>} : memref<128x64xf32, #tpu.memory_space<vmem>>, vector<16xf32>,
        %add3A_1334 = arith.addf %get3A_1333, %get3A_596 : vector<16xf32>
        tpu.vector_store_idx %arg12[%add3A_8, %broadcast_in_dim3A_1326], %add3A_1334 : memref<64x129xf32, #tpu.memory_space<vmem>>[vector<16xi32>, vector<16xi32>], vector<16xf32>,
        %get3A_1335 = arith.index_cast %add3A_1325 : i32 to index
        %get3A_1336 = arith.constant 32 : index
        %get3A_1337 = tpu.vector_load %arg8[%get3A_1335, %get3A_1336] {strides = array<i32>} : memref<128x64xf32, #tpu.memory_space<vmem>>, vector<16xf32>,
        %add3A_1338 = arith.addf %get3A_1337, %get3A_599 : vector<16xf32>
        tpu.vector_store_idx %arg12[%add3A_11, %broadcast_in_dim3A_1326], %add3A_1338 : memref<64x129xf32, #tpu.memory_space<vmem>>[vector<16xi32>, vector<16xi32>], vector<16xf32>,
        %get3A_1339 = arith.index_cast %add3A_1325 : i32 to index
        %get3A_1340 = arith.constant 48 : index
        %get3A_1341 = tpu.vector_load %arg8[%get3A_1339, %get3A_1340] {strides = array<i32>} : memref<128x64xf32, #tpu.memory_space<vmem>>, vector<16xf32>,
        %add3A_1342 = arith.addf %get3A_1341, %get3A_602 : vector<16xf32>
        tpu.vector_store_idx %arg12[%add3A_14, %broadcast_in_dim3A_1326], %add3A_1342 : memref<64x129xf32, #tpu.memory_space<vmem>>[vector<16xi32>, vector<16xi32>], vector<16xf32>,
        %scan3A_1343 = arith.constant 7 : i32
        %scan3A_1344 = arith.addi %scan3A_1184, %scan3A_1343 : i32
        %mul3A_1345 = arith.constant 1 : i32
        %mul3A_1346 = arith.muli %scan3A_1344, %mul3A_1345 : i32
        %add3A_1347 = arith.constant 0 : i32
        %add3A_1348 = arith.addi %add3A_1347, %mul3A_1346 : i32
        %broadcast_in_dim3A_1349 = vector.broadcast %add3A_1348 : i32 to vector<16xi32>
        %get3A_1350 = arith.index_cast %add3A_1348 : i32 to index
        %get3A_1351 = arith.constant 0 : index
        %get3A_1352 = tpu.vector_load %arg8[%get3A_1350, %get3A_1351] {strides = array<i32>} : memref<128x64xf32, #tpu.memory_space<vmem>>, vector<16xf32>,
        %add3A_1353 = arith.addf %get3A_1352, %get3A_593 : vector<16xf32>
        tpu.vector_store_idx %arg12[%add3A_5, %broadcast_in_dim3A_1349], %add3A_1353 : memref<64x129xf32, #tpu.memory_space<vmem>>[vector<16xi32>, vector<16xi32>], vector<16xf32>,
        %get3A_1354 = arith.index_cast %add3A_1348 : i32 to index
        %get3A_1355 = arith.constant 16 : index
        %get3A_1356 = tpu.vector_load %arg8[%get3A_1354, %get3A_1355] {strides = array<i32>} : memref<128x64xf32, #tpu.memory_space<vmem>>, vector<16xf32>,
        %add3A_1357 = arith.addf %get3A_1356, %get3A_596 : vector<16xf32>
        tpu.vector_store_idx %arg12[%add3A_8, %broadcast_in_dim3A_1349], %add3A_1357 : memref<64x129xf32, #tpu.memory_space<vmem>>[vector<16xi32>, vector<16xi32>], vector<16xf32>,
        %get3A_1358 = arith.index_cast %add3A_1348 : i32 to index
        %get3A_1359 = arith.constant 32 : index
        %get3A_1360 = tpu.vector_load %arg8[%get3A_1358, %get3A_1359] {strides = array<i32>} : memref<128x64xf32, #tpu.memory_space<vmem>>, vector<16xf32>,
        %add3A_1361 = arith.addf %get3A_1360, %get3A_599 : vector<16xf32>
        tpu.vector_store_idx %arg12[%add3A_11, %broadcast_in_dim3A_1349], %add3A_1361 : memref<64x129xf32, #tpu.memory_space<vmem>>[vector<16xi32>, vector<16xi32>], vector<16xf32>,
        %get3A_1362 = arith.index_cast %add3A_1348 : i32 to index
        %get3A_1363 = arith.constant 48 : index
        %get3A_1364 = tpu.vector_load %arg8[%get3A_1362, %get3A_1363] {strides = array<i32>} : memref<128x64xf32, #tpu.memory_space<vmem>>, vector<16xf32>,
        %add3A_1365 = arith.addf %get3A_1364, %get3A_602 : vector<16xf32>
        tpu.vector_store_idx %arg12[%add3A_14, %broadcast_in_dim3A_1349], %add3A_1365 : memref<64x129xf32, #tpu.memory_space<vmem>>[vector<16xi32>, vector<16xi32>], vector<16xf32>,
      }
      %scan3A_607 = arith.constant 128 : i32
      %dma_start3A_608 = arith.constant 0 : i32
      %dma_start3A_609 = arith.constant 0 : i32
      %dma_start3A_610 = arith.constant 0 : i32
      %dma_start3A_611 = tpu.memref_slice %arg12[%dma_start3A_609, %dma_start3A_610] : memref<64x129xf32, #tpu.memory_space<vmem>> -> memref<8x128xf32, #tpu.memory_space<vmem>>
      %dma_start3A_612 = arith.constant 0 : i32
      %dma_start3A_613 = arith.constant 0 : i32
      %dma_start3A_614 = tpu.memref_slice %arg5[%add3A_581, %dma_start3A_608, %add3A, %dma_start3A_612, %dma_start3A_613] : memref<200x8x32x8x128xf32, #tpu.memory_space<hbm>> -> memref<1x1x1x8x128xf32, #tpu.memory_space<hbm>>
      %dma_start3A_615 = tpu.memref_squeeze %dma_start3A_614 : memref<1x1x1x8x128xf32, #tpu.memory_space<hbm>> -> memref<8x128xf32, #tpu.memory_space<hbm>>
      %dma_start3A_616 = arith.constant 0 : i32
      %dma_start3A_617 = arith.constant 0 : i32
      %dma_start3A_618 = tpu.memref_slice %arg5[%add3A_581, %dma_start3A_608, %add3A, %dma_start3A_616, %dma_start3A_617] : memref<200x8x32x8x128xf32, #tpu.memory_space<hbm>> -> memref<1x1x1x8x128xf32, #tpu.memory_space<hbm>>
      %dma_start3A_619 = tpu.memref_squeeze %dma_start3A_618 : memref<1x1x1x8x128xf32, #tpu.memory_space<hbm>> -> memref<8x128xf32, #tpu.memory_space<hbm>>
      %dma_start3A_620 = arith.constant 0 : i32
      %dma_start3A_621 = arith.constant 0 : i32
      %dma_start3A_622 = tpu.memref_slice %arg12[%dma_start3A_620, %dma_start3A_621] : memref<64x129xf32, #tpu.memory_space<vmem>> -> memref<8x128xf32, #tpu.memory_space<vmem>>
      tpu.enqueue_dma source(%dma_start3A_622 : memref<8x128xf32, #tpu.memory_space<vmem>>) target(%dma_start3A_619 : memref<8x128xf32, #tpu.memory_space<hbm>>) target_semaphore(%arg20 : memref<!tpu.dma_semaphore, #tpu.memory_space<semaphore_mem>>)
      %dma_start3A_623 = arith.constant 1 : i32
      %dma_start3A_624 = arith.constant 8 : i32
      %dma_start3A_625 = arith.constant 0 : i32
      %dma_start3A_626 = tpu.memref_slice %arg12[%dma_start3A_624, %dma_start3A_625] : memref<64x129xf32, #tpu.memory_space<vmem>> -> memref<8x128xf32, #tpu.memory_space<vmem>>
      %dma_start3A_627 = arith.constant 0 : i32
      %dma_start3A_628 = arith.constant 0 : i32
      %dma_start3A_629 = tpu.memref_slice %arg5[%add3A_581, %dma_start3A_623, %add3A, %dma_start3A_627, %dma_start3A_628] : memref<200x8x32x8x128xf32, #tpu.memory_space<hbm>> -> memref<1x1x1x8x128xf32, #tpu.memory_space<hbm>>
      %dma_start3A_630 = tpu.memref_squeeze %dma_start3A_629 : memref<1x1x1x8x128xf32, #tpu.memory_space<hbm>> -> memref<8x128xf32, #tpu.memory_space<hbm>>
      %dma_start3A_631 = arith.constant 0 : i32
      %dma_start3A_632 = arith.constant 0 : i32
      %dma_start3A_633 = tpu.memref_slice %arg5[%add3A_581, %dma_start3A_623, %add3A, %dma_start3A_631, %dma_start3A_632] : memref<200x8x32x8x128xf32, #tpu.memory_space<hbm>> -> memref<1x1x1x8x128xf32, #tpu.memory_space<hbm>>
      %dma_start3A_634 = tpu.memref_squeeze %dma_start3A_633 : memref<1x1x1x8x128xf32, #tpu.memory_space<hbm>> -> memref<8x128xf32, #tpu.memory_space<hbm>>
      %dma_start3A_635 = arith.constant 8 : i32
      %dma_start3A_636 = arith.constant 0 : i32
      %dma_start3A_637 = tpu.memref_slice %arg12[%dma_start3A_635, %dma_start3A_636] : memref<64x129xf32, #tpu.memory_space<vmem>> -> memref<8x128xf32, #tpu.memory_space<vmem>>
      tpu.enqueue_dma source(%dma_start3A_637 : memref<8x128xf32, #tpu.memory_space<vmem>>) target(%dma_start3A_634 : memref<8x128xf32, #tpu.memory_space<hbm>>) target_semaphore(%arg20 : memref<!tpu.dma_semaphore, #tpu.memory_space<semaphore_mem>>)
      %dma_start3A_638 = arith.constant 2 : i32
      %dma_start3A_639 = arith.constant 16 : i32
      %dma_start3A_640 = arith.constant 0 : i32
      %dma_start3A_641 = tpu.memref_slice %arg12[%dma_start3A_639, %dma_start3A_640] : memref<64x129xf32, #tpu.memory_space<vmem>> -> memref<8x128xf32, #tpu.memory_space<vmem>>
      %dma_start3A_642 = arith.constant 0 : i32
      %dma_start3A_643 = arith.constant 0 : i32
      %dma_start3A_644 = tpu.memref_slice %arg5[%add3A_581, %dma_start3A_638, %add3A, %dma_start3A_642, %dma_start3A_643] : memref<200x8x32x8x128xf32, #tpu.memory_space<hbm>> -> memref<1x1x1x8x128xf32, #tpu.memory_space<hbm>>
      %dma_start3A_645 = tpu.memref_squeeze %dma_start3A_644 : memref<1x1x1x8x128xf32, #tpu.memory_space<hbm>> -> memref<8x128xf32, #tpu.memory_space<hbm>>
      %dma_start3A_646 = arith.constant 0 : i32
      %dma_start3A_647 = arith.constant 0 : i32
      %dma_start3A_648 = tpu.memref_slice %arg5[%add3A_581, %dma_start3A_638, %add3A, %dma_start3A_646, %dma_start3A_647] : memref<200x8x32x8x128xf32, #tpu.memory_space<hbm>> -> memref<1x1x1x8x128xf32, #tpu.memory_space<hbm>>
      %dma_start3A_649 = tpu.memref_squeeze %dma_start3A_648 : memref<1x1x1x8x128xf32, #tpu.memory_space<hbm>> -> memref<8x128xf32, #tpu.memory_space<hbm>>
      %dma_start3A_650 = arith.constant 16 : i32
      %dma_start3A_651 = arith.constant 0 : i32
      %dma_start3A_652 = tpu.memref_slice %arg12[%dma_start3A_650, %dma_start3A_651] : memref<64x129xf32, #tpu.memory_space<vmem>> -> memref<8x128xf32, #tpu.memory_space<vmem>>
      tpu.enqueue_dma source(%dma_start3A_652 : memref<8x128xf32, #tpu.memory_space<vmem>>) target(%dma_start3A_649 : memref<8x128xf32, #tpu.memory_space<hbm>>) target_semaphore(%arg20 : memref<!tpu.dma_semaphore, #tpu.memory_space<semaphore_mem>>)
      %dma_start3A_653 = arith.constant 3 : i32
      %dma_start3A_654 = arith.constant 24 : i32
      %dma_start3A_655 = arith.constant 0 : i32
      %dma_start3A_656 = tpu.memref_slice %arg12[%dma_start3A_654, %dma_start3A_655] : memref<64x129xf32, #tpu.memory_space<vmem>> -> memref<8x128xf32, #tpu.memory_space<vmem>>
      %dma_start3A_657 = arith.constant 0 : i32
      %dma_start3A_658 = arith.constant 0 : i32
      %dma_start3A_659 = tpu.memref_slice %arg5[%add3A_581, %dma_start3A_653, %add3A, %dma_start3A_657, %dma_start3A_658] : memref<200x8x32x8x128xf32, #tpu.memory_space<hbm>> -> memref<1x1x1x8x128xf32, #tpu.memory_space<hbm>>
      %dma_start3A_660 = tpu.memref_squeeze %dma_start3A_659 : memref<1x1x1x8x128xf32, #tpu.memory_space<hbm>> -> memref<8x128xf32, #tpu.memory_space<hbm>>
      %dma_start3A_661 = arith.constant 0 : i32
      %dma_start3A_662 = arith.constant 0 : i32
      %dma_start3A_663 = tpu.memref_slice %arg5[%add3A_581, %dma_start3A_653, %add3A, %dma_start3A_661, %dma_start3A_662] : memref<200x8x32x8x128xf32, #tpu.memory_space<hbm>> -> memref<1x1x1x8x128xf32, #tpu.memory_space<hbm>>
      %dma_start3A_664 = tpu.memref_squeeze %dma_start3A_663 : memref<1x1x1x8x128xf32, #tpu.memory_space<hbm>> -> memref<8x128xf32, #tpu.memory_space<hbm>>
      %dma_start3A_665 = arith.constant 24 : i32
      %dma_start3A_666 = arith.constant 0 : i32
      %dma_start3A_667 = tpu.memref_slice %arg12[%dma_start3A_665, %dma_start3A_666] : memref<64x129xf32, #tpu.memory_space<vmem>> -> memref<8x128xf32, #tpu.memory_space<vmem>>
      tpu.enqueue_dma source(%dma_start3A_667 : memref<8x128xf32, #tpu.memory_space<vmem>>) target(%dma_start3A_664 : memref<8x128xf32, #tpu.memory_space<hbm>>) target_semaphore(%arg20 : memref<!tpu.dma_semaphore, #tpu.memory_space<semaphore_mem>>)
      %dma_start3A_668 = arith.constant 4 : i32
      %dma_start3A_669 = arith.constant 32 : i32
      %dma_start3A_670 = arith.constant 0 : i32
      %dma_start3A_671 = tpu.memref_slice %arg12[%dma_start3A_669, %dma_start3A_670] : memref<64x129xf32, #tpu.memory_space<vmem>> -> memref<8x128xf32, #tpu.memory_space<vmem>>
      %dma_start3A_672 = arith.constant 0 : i32
      %dma_start3A_673 = arith.constant 0 : i32
      %dma_start3A_674 = tpu.memref_slice %arg5[%add3A_581, %dma_start3A_668, %add3A, %dma_start3A_672, %dma_start3A_673] : memref<200x8x32x8x128xf32, #tpu.memory_space<hbm>> -> memref<1x1x1x8x128xf32, #tpu.memory_space<hbm>>
      %dma_start3A_675 = tpu.memref_squeeze %dma_start3A_674 : memref<1x1x1x8x128xf32, #tpu.memory_space<hbm>> -> memref<8x128xf32, #tpu.memory_space<hbm>>
      %dma_start3A_676 = arith.constant 0 : i32
      %dma_start3A_677 = arith.constant 0 : i32
      %dma_start3A_678 = tpu.memref_slice %arg5[%add3A_581, %dma_start3A_668, %add3A, %dma_start3A_676, %dma_start3A_677] : memref<200x8x32x8x128xf32, #tpu.memory_space<hbm>> -> memref<1x1x1x8x128xf32, #tpu.memory_space<hbm>>
      %dma_start3A_679 = tpu.memref_squeeze %dma_start3A_678 : memref<1x1x1x8x128xf32, #tpu.memory_space<hbm>> -> memref<8x128xf32, #tpu.memory_space<hbm>>
      %dma_start3A_680 = arith.constant 32 : i32
      %dma_start3A_681 = arith.constant 0 : i32
      %dma_start3A_682 = tpu.memref_slice %arg12[%dma_start3A_680, %dma_start3A_681] : memref<64x129xf32, #tpu.memory_space<vmem>> -> memref<8x128xf32, #tpu.memory_space<vmem>>
      tpu.enqueue_dma source(%dma_start3A_682 : memref<8x128xf32, #tpu.memory_space<vmem>>) target(%dma_start3A_679 : memref<8x128xf32, #tpu.memory_space<hbm>>) target_semaphore(%arg20 : memref<!tpu.dma_semaphore, #tpu.memory_space<semaphore_mem>>)
      %dma_start3A_683 = arith.constant 5 : i32
      %dma_start3A_684 = arith.constant 40 : i32
      %dma_start3A_685 = arith.constant 0 : i32
      %dma_start3A_686 = tpu.memref_slice %arg12[%dma_start3A_684, %dma_start3A_685] : memref<64x129xf32, #tpu.memory_space<vmem>> -> memref<8x128xf32, #tpu.memory_space<vmem>>
      %dma_start3A_687 = arith.constant 0 : i32
      %dma_start3A_688 = arith.constant 0 : i32
      %dma_start3A_689 = tpu.memref_slice %arg5[%add3A_581, %dma_start3A_683, %add3A, %dma_start3A_687, %dma_start3A_688] : memref<200x8x32x8x128xf32, #tpu.memory_space<hbm>> -> memref<1x1x1x8x128xf32, #tpu.memory_space<hbm>>
      %dma_start3A_690 = tpu.memref_squeeze %dma_start3A_689 : memref<1x1x1x8x128xf32, #tpu.memory_space<hbm>> -> memref<8x128xf32, #tpu.memory_space<hbm>>
      %dma_start3A_691 = arith.constant 0 : i32
      %dma_start3A_692 = arith.constant 0 : i32
      %dma_start3A_693 = tpu.memref_slice %arg5[%add3A_581, %dma_start3A_683, %add3A, %dma_start3A_691, %dma_start3A_692] : memref<200x8x32x8x128xf32, #tpu.memory_space<hbm>> -> memref<1x1x1x8x128xf32, #tpu.memory_space<hbm>>
      %dma_start3A_694 = tpu.memref_squeeze %dma_start3A_693 : memref<1x1x1x8x128xf32, #tpu.memory_space<hbm>> -> memref<8x128xf32, #tpu.memory_space<hbm>>
      %dma_start3A_695 = arith.constant 40 : i32
      %dma_start3A_696 = arith.constant 0 : i32
      %dma_start3A_697 = tpu.memref_slice %arg12[%dma_start3A_695, %dma_start3A_696] : memref<64x129xf32, #tpu.memory_space<vmem>> -> memref<8x128xf32, #tpu.memory_space<vmem>>
      tpu.enqueue_dma source(%dma_start3A_697 : memref<8x128xf32, #tpu.memory_space<vmem>>) target(%dma_start3A_694 : memref<8x128xf32, #tpu.memory_space<hbm>>) target_semaphore(%arg20 : memref<!tpu.dma_semaphore, #tpu.memory_space<semaphore_mem>>)
      %dma_start3A_698 = arith.constant 6 : i32
      %dma_start3A_699 = arith.constant 48 : i32
      %dma_start3A_700 = arith.constant 0 : i32
      %dma_start3A_701 = tpu.memref_slice %arg12[%dma_start3A_699, %dma_start3A_700] : memref<64x129xf32, #tpu.memory_space<vmem>> -> memref<8x128xf32, #tpu.memory_space<vmem>>
      %dma_start3A_702 = arith.constant 0 : i32
      %dma_start3A_703 = arith.constant 0 : i32
      %dma_start3A_704 = tpu.memref_slice %arg5[%add3A_581, %dma_start3A_698, %add3A, %dma_start3A_702, %dma_start3A_703] : memref<200x8x32x8x128xf32, #tpu.memory_space<hbm>> -> memref<1x1x1x8x128xf32, #tpu.memory_space<hbm>>
      %dma_start3A_705 = tpu.memref_squeeze %dma_start3A_704 : memref<1x1x1x8x128xf32, #tpu.memory_space<hbm>> -> memref<8x128xf32, #tpu.memory_space<hbm>>
      %dma_start3A_706 = arith.constant 0 : i32
      %dma_start3A_707 = arith.constant 0 : i32
      %dma_start3A_708 = tpu.memref_slice %arg5[%add3A_581, %dma_start3A_698, %add3A, %dma_start3A_706, %dma_start3A_707] : memref<200x8x32x8x128xf32, #tpu.memory_space<hbm>> -> memref<1x1x1x8x128xf32, #tpu.memory_space<hbm>>
      %dma_start3A_709 = tpu.memref_squeeze %dma_start3A_708 : memref<1x1x1x8x128xf32, #tpu.memory_space<hbm>> -> memref<8x128xf32, #tpu.memory_space<hbm>>
      %dma_start3A_710 = arith.constant 48 : i32
      %dma_start3A_711 = arith.constant 0 : i32
      %dma_start3A_712 = tpu.memref_slice %arg12[%dma_start3A_710, %dma_start3A_711] : memref<64x129xf32, #tpu.memory_space<vmem>> -> memref<8x128xf32, #tpu.memory_space<vmem>>
      tpu.enqueue_dma source(%dma_start3A_712 : memref<8x128xf32, #tpu.memory_space<vmem>>) target(%dma_start3A_709 : memref<8x128xf32, #tpu.memory_space<hbm>>) target_semaphore(%arg20 : memref<!tpu.dma_semaphore, #tpu.memory_space<semaphore_mem>>)
      %dma_start3A_713 = arith.constant 7 : i32
      %dma_start3A_714 = arith.constant 56 : i32
      %dma_start3A_715 = arith.constant 0 : i32
      %dma_start3A_716 = tpu.memref_slice %arg12[%dma_start3A_714, %dma_start3A_715] : memref<64x129xf32, #tpu.memory_space<vmem>> -> memref<8x128xf32, #tpu.memory_space<vmem>>
      %dma_start3A_717 = arith.constant 0 : i32
      %dma_start3A_718 = arith.constant 0 : i32
      %dma_start3A_719 = tpu.memref_slice %arg5[%add3A_581, %dma_start3A_713, %add3A, %dma_start3A_717, %dma_start3A_718] : memref<200x8x32x8x128xf32, #tpu.memory_space<hbm>> -> memref<1x1x1x8x128xf32, #tpu.memory_space<hbm>>
      %dma_start3A_720 = tpu.memref_squeeze %dma_start3A_719 : memref<1x1x1x8x128xf32, #tpu.memory_space<hbm>> -> memref<8x128xf32, #tpu.memory_space<hbm>>
      %dma_start3A_721 = arith.constant 0 : i32
      %dma_start3A_722 = arith.constant 0 : i32
      %dma_start3A_723 = tpu.memref_slice %arg5[%add3A_581, %dma_start3A_713, %add3A, %dma_start3A_721, %dma_start3A_722] : memref<200x8x32x8x128xf32, #tpu.memory_space<hbm>> -> memref<1x1x1x8x128xf32, #tpu.memory_space<hbm>>
      %dma_start3A_724 = tpu.memref_squeeze %dma_start3A_723 : memref<1x1x1x8x128xf32, #tpu.memory_space<hbm>> -> memref<8x128xf32, #tpu.memory_space<hbm>>
      %dma_start3A_725 = arith.constant 56 : i32
      %dma_start3A_726 = arith.constant 0 : i32
      %dma_start3A_727 = tpu.memref_slice %arg12[%dma_start3A_725, %dma_start3A_726] : memref<64x129xf32, #tpu.memory_space<vmem>> -> memref<8x128xf32, #tpu.memory_space<vmem>>
      tpu.enqueue_dma source(%dma_start3A_727 : memref<8x128xf32, #tpu.memory_space<vmem>>) target(%dma_start3A_724 : memref<8x128xf32, #tpu.memory_space<hbm>>) target_semaphore(%arg20 : memref<!tpu.dma_semaphore, #tpu.memory_space<semaphore_mem>>)
      %add3A_728 = arith.constant 1 : i32
      %add3A_729 = arith.addi %add3A_579, %add3A_728 : i32
      %add3A_730 = arith.constant 2 : i32
      %add3A_731 = arith.addi %add3A_729, %add3A_730 : i32
      %lt3A_732 = arith.constant 200 : i32
      %lt3A_733 = arith.cmpi slt, %add3A_731, %lt3A_732 : i32
      %convert_element_type3A_734 = arith.extui %lt3A_733 : i1 to i32
      %cond3A_735 = arith.constant 0 : i32
      %cond3A_736 = arith.cmpi ne, %convert_element_type3A_734, %cond3A_735 : i32
      scf.if %cond3A_736 {
        %ge3A = arith.constant 4 : i32
        %ge3A_1184 = arith.cmpi sge, %add3A_731, %ge3A : i32
        %convert_element_type3A_1185 = arith.extui %ge3A_1184 : i1 to i32
        %cond3A_1186 = arith.constant 0 : i32
        %cond3A_1187 = arith.cmpi ne, %convert_element_type3A_1185, %cond3A_1186 : i32
        scf.if %cond3A_1187 {
          %dma_wait3A_1194 = arith.constant 0 : i32
          %dma_wait3A_1195 = arith.constant 0 : i32
          %dma_wait3A_1196 = arith.constant 0 : i32
          %dma_wait3A_1197 = arith.constant 0 : i32
          %dma_wait3A_1198 = arith.constant 0 : i32
          %dma_wait3A_1199 = tpu.memref_slice %arg15[%dma_wait3A_1197, %dma_wait3A_1198] : memref<64x129xf32, #tpu.memory_space<vmem>> -> memref<8x128xf32, #tpu.memory_space<vmem>>
          %dma_wait3A_1200 = arith.constant 0 : i32
          %dma_wait3A_1201 = arith.constant 0 : i32
          %dma_wait3A_1202 = tpu.memref_slice %arg5[%dma_wait3A_1194, %dma_wait3A_1195, %dma_wait3A_1196, %dma_wait3A_1200, %dma_wait3A_1201] : memref<200x8x32x8x128xf32, #tpu.memory_space<hbm>> -> memref<1x1x1x8x128xf32, #tpu.memory_space<hbm>>
          %dma_wait3A_1203 = tpu.memref_squeeze %dma_wait3A_1202 : memref<1x1x1x8x128xf32, #tpu.memory_space<hbm>> -> memref<8x128xf32, #tpu.memory_space<hbm>>
          %dma_wait3A_1204 = arith.constant 0 : i32
          %dma_wait3A_1205 = arith.constant 0 : i32
          %dma_wait3A_1206 = tpu.memref_slice %arg15[%dma_wait3A_1204, %dma_wait3A_1205] : memref<64x129xf32, #tpu.memory_space<vmem>> -> memref<8x128xf32, #tpu.memory_space<vmem>>
          %dma_wait3A_1207 = arith.constant 0 : i32
          %dma_wait3A_1208 = arith.constant 0 : i32
          %dma_wait3A_1209 = tpu.memref_slice %arg5[%dma_wait3A_1194, %dma_wait3A_1195, %dma_wait3A_1196, %dma_wait3A_1207, %dma_wait3A_1208] : memref<200x8x32x8x128xf32, #tpu.memory_space<hbm>> -> memref<1x1x1x8x128xf32, #tpu.memory_space<hbm>>
          %dma_wait3A_1210 = tpu.memref_squeeze %dma_wait3A_1209 : memref<1x1x1x8x128xf32, #tpu.memory_space<hbm>> -> memref<8x128xf32, #tpu.memory_space<hbm>>
          tpu.wait_dma2 semaphore(%arg23 : memref<!tpu.dma_semaphore, #tpu.memory_space<semaphore_mem>>) src(%dma_wait3A_1210 : memref<8x128xf32, #tpu.memory_space<hbm>>) dst(%dma_wait3A_1206 : memref<8x128xf32, #tpu.memory_space<vmem>>)
          %dma_wait3A_1211 = arith.constant 0 : i32
          %dma_wait3A_1212 = arith.constant 0 : i32
          %dma_wait3A_1213 = arith.constant 0 : i32
          %dma_wait3A_1214 = arith.constant 8 : i32
          %dma_wait3A_1215 = arith.constant 0 : i32
          %dma_wait3A_1216 = tpu.memref_slice %arg15[%dma_wait3A_1214, %dma_wait3A_1215] : memref<64x129xf32, #tpu.memory_space<vmem>> -> memref<8x128xf32, #tpu.memory_space<vmem>>
          %dma_wait3A_1217 = arith.constant 0 : i32
          %dma_wait3A_1218 = arith.constant 0 : i32
          %dma_wait3A_1219 = tpu.memref_slice %arg5[%dma_wait3A_1211, %dma_wait3A_1212, %dma_wait3A_1213, %dma_wait3A_1217, %dma_wait3A_1218] : memref<200x8x32x8x128xf32, #tpu.memory_space<hbm>> -> memref<1x1x1x8x128xf32, #tpu.memory_space<hbm>>
          %dma_wait3A_1220 = tpu.memref_squeeze %dma_wait3A_1219 : memref<1x1x1x8x128xf32, #tpu.memory_space<hbm>> -> memref<8x128xf32, #tpu.memory_space<hbm>>
          %dma_wait3A_1221 = arith.constant 8 : i32
          %dma_wait3A_1222 = arith.constant 0 : i32
          %dma_wait3A_1223 = tpu.memref_slice %arg15[%dma_wait3A_1221, %dma_wait3A_1222] : memref<64x129xf32, #tpu.memory_space<vmem>> -> memref<8x128xf32, #tpu.memory_space<vmem>>
          %dma_wait3A_1224 = arith.constant 0 : i32
          %dma_wait3A_1225 = arith.constant 0 : i32
          %dma_wait3A_1226 = tpu.memref_slice %arg5[%dma_wait3A_1211, %dma_wait3A_1212, %dma_wait3A_1213, %dma_wait3A_1224, %dma_wait3A_1225] : memref<200x8x32x8x128xf32, #tpu.memory_space<hbm>> -> memref<1x1x1x8x128xf32, #tpu.memory_space<hbm>>
          %dma_wait3A_1227 = tpu.memref_squeeze %dma_wait3A_1226 : memref<1x1x1x8x128xf32, #tpu.memory_space<hbm>> -> memref<8x128xf32, #tpu.memory_space<hbm>>
          tpu.wait_dma2 semaphore(%arg23 : memref<!tpu.dma_semaphore, #tpu.memory_space<semaphore_mem>>) src(%dma_wait3A_1227 : memref<8x128xf32, #tpu.memory_space<hbm>>) dst(%dma_wait3A_1223 : memref<8x128xf32, #tpu.memory_space<vmem>>)
          %dma_wait3A_1228 = arith.constant 0 : i32
          %dma_wait3A_1229 = arith.constant 0 : i32
          %dma_wait3A_1230 = arith.constant 0 : i32
          %dma_wait3A_1231 = arith.constant 16 : i32
          %dma_wait3A_1232 = arith.constant 0 : i32
          %dma_wait3A_1233 = tpu.memref_slice %arg15[%dma_wait3A_1231, %dma_wait3A_1232] : memref<64x129xf32, #tpu.memory_space<vmem>> -> memref<8x128xf32, #tpu.memory_space<vmem>>
          %dma_wait3A_1234 = arith.constant 0 : i32
          %dma_wait3A_1235 = arith.constant 0 : i32
          %dma_wait3A_1236 = tpu.memref_slice %arg5[%dma_wait3A_1228, %dma_wait3A_1229, %dma_wait3A_1230, %dma_wait3A_1234, %dma_wait3A_1235] : memref<200x8x32x8x128xf32, #tpu.memory_space<hbm>> -> memref<1x1x1x8x128xf32, #tpu.memory_space<hbm>>
          %dma_wait3A_1237 = tpu.memref_squeeze %dma_wait3A_1236 : memref<1x1x1x8x128xf32, #tpu.memory_space<hbm>> -> memref<8x128xf32, #tpu.memory_space<hbm>>
          %dma_wait3A_1238 = arith.constant 16 : i32
          %dma_wait3A_1239 = arith.constant 0 : i32
          %dma_wait3A_1240 = tpu.memref_slice %arg15[%dma_wait3A_1238, %dma_wait3A_1239] : memref<64x129xf32, #tpu.memory_space<vmem>> -> memref<8x128xf32, #tpu.memory_space<vmem>>
          %dma_wait3A_1241 = arith.constant 0 : i32
          %dma_wait3A_1242 = arith.constant 0 : i32
          %dma_wait3A_1243 = tpu.memref_slice %arg5[%dma_wait3A_1228, %dma_wait3A_1229, %dma_wait3A_1230, %dma_wait3A_1241, %dma_wait3A_1242] : memref<200x8x32x8x128xf32, #tpu.memory_space<hbm>> -> memref<1x1x1x8x128xf32, #tpu.memory_space<hbm>>
          %dma_wait3A_1244 = tpu.memref_squeeze %dma_wait3A_1243 : memref<1x1x1x8x128xf32, #tpu.memory_space<hbm>> -> memref<8x128xf32, #tpu.memory_space<hbm>>
          tpu.wait_dma2 semaphore(%arg23 : memref<!tpu.dma_semaphore, #tpu.memory_space<semaphore_mem>>) src(%dma_wait3A_1244 : memref<8x128xf32, #tpu.memory_space<hbm>>) dst(%dma_wait3A_1240 : memref<8x128xf32, #tpu.memory_space<vmem>>)
          %dma_wait3A_1245 = arith.constant 0 : i32
          %dma_wait3A_1246 = arith.constant 0 : i32
          %dma_wait3A_1247 = arith.constant 0 : i32
          %dma_wait3A_1248 = arith.constant 24 : i32
          %dma_wait3A_1249 = arith.constant 0 : i32
          %dma_wait3A_1250 = tpu.memref_slice %arg15[%dma_wait3A_1248, %dma_wait3A_1249] : memref<64x129xf32, #tpu.memory_space<vmem>> -> memref<8x128xf32, #tpu.memory_space<vmem>>
          %dma_wait3A_1251 = arith.constant 0 : i32
          %dma_wait3A_1252 = arith.constant 0 : i32
          %dma_wait3A_1253 = tpu.memref_slice %arg5[%dma_wait3A_1245, %dma_wait3A_1246, %dma_wait3A_1247, %dma_wait3A_1251, %dma_wait3A_1252] : memref<200x8x32x8x128xf32, #tpu.memory_space<hbm>> -> memref<1x1x1x8x128xf32, #tpu.memory_space<hbm>>
          %dma_wait3A_1254 = tpu.memref_squeeze %dma_wait3A_1253 : memref<1x1x1x8x128xf32, #tpu.memory_space<hbm>> -> memref<8x128xf32, #tpu.memory_space<hbm>>
          %dma_wait3A_1255 = arith.constant 24 : i32
          %dma_wait3A_1256 = arith.constant 0 : i32
          %dma_wait3A_1257 = tpu.memref_slice %arg15[%dma_wait3A_1255, %dma_wait3A_1256] : memref<64x129xf32, #tpu.memory_space<vmem>> -> memref<8x128xf32, #tpu.memory_space<vmem>>
          %dma_wait3A_1258 = arith.constant 0 : i32
          %dma_wait3A_1259 = arith.constant 0 : i32
          %dma_wait3A_1260 = tpu.memref_slice %arg5[%dma_wait3A_1245, %dma_wait3A_1246, %dma_wait3A_1247, %dma_wait3A_1258, %dma_wait3A_1259] : memref<200x8x32x8x128xf32, #tpu.memory_space<hbm>> -> memref<1x1x1x8x128xf32, #tpu.memory_space<hbm>>
          %dma_wait3A_1261 = tpu.memref_squeeze %dma_wait3A_1260 : memref<1x1x1x8x128xf32, #tpu.memory_space<hbm>> -> memref<8x128xf32, #tpu.memory_space<hbm>>
          tpu.wait_dma2 semaphore(%arg23 : memref<!tpu.dma_semaphore, #tpu.memory_space<semaphore_mem>>) src(%dma_wait3A_1261 : memref<8x128xf32, #tpu.memory_space<hbm>>) dst(%dma_wait3A_1257 : memref<8x128xf32, #tpu.memory_space<vmem>>)
          %dma_wait3A_1262 = arith.constant 0 : i32
          %dma_wait3A_1263 = arith.constant 0 : i32
          %dma_wait3A_1264 = arith.constant 0 : i32
          %dma_wait3A_1265 = arith.constant 32 : i32
          %dma_wait3A_1266 = arith.constant 0 : i32
          %dma_wait3A_1267 = tpu.memref_slice %arg15[%dma_wait3A_1265, %dma_wait3A_1266] : memref<64x129xf32, #tpu.memory_space<vmem>> -> memref<8x128xf32, #tpu.memory_space<vmem>>
          %dma_wait3A_1268 = arith.constant 0 : i32
          %dma_wait3A_1269 = arith.constant 0 : i32
          %dma_wait3A_1270 = tpu.memref_slice %arg5[%dma_wait3A_1262, %dma_wait3A_1263, %dma_wait3A_1264, %dma_wait3A_1268, %dma_wait3A_1269] : memref<200x8x32x8x128xf32, #tpu.memory_space<hbm>> -> memref<1x1x1x8x128xf32, #tpu.memory_space<hbm>>
          %dma_wait3A_1271 = tpu.memref_squeeze %dma_wait3A_1270 : memref<1x1x1x8x128xf32, #tpu.memory_space<hbm>> -> memref<8x128xf32, #tpu.memory_space<hbm>>
          %dma_wait3A_1272 = arith.constant 32 : i32
          %dma_wait3A_1273 = arith.constant 0 : i32
          %dma_wait3A_1274 = tpu.memref_slice %arg15[%dma_wait3A_1272, %dma_wait3A_1273] : memref<64x129xf32, #tpu.memory_space<vmem>> -> memref<8x128xf32, #tpu.memory_space<vmem>>
          %dma_wait3A_1275 = arith.constant 0 : i32
          %dma_wait3A_1276 = arith.constant 0 : i32
          %dma_wait3A_1277 = tpu.memref_slice %arg5[%dma_wait3A_1262, %dma_wait3A_1263, %dma_wait3A_1264, %dma_wait3A_1275, %dma_wait3A_1276] : memref<200x8x32x8x128xf32, #tpu.memory_space<hbm>> -> memref<1x1x1x8x128xf32, #tpu.memory_space<hbm>>
          %dma_wait3A_1278 = tpu.memref_squeeze %dma_wait3A_1277 : memref<1x1x1x8x128xf32, #tpu.memory_space<hbm>> -> memref<8x128xf32, #tpu.memory_space<hbm>>
          tpu.wait_dma2 semaphore(%arg23 : memref<!tpu.dma_semaphore, #tpu.memory_space<semaphore_mem>>) src(%dma_wait3A_1278 : memref<8x128xf32, #tpu.memory_space<hbm>>) dst(%dma_wait3A_1274 : memref<8x128xf32, #tpu.memory_space<vmem>>)
          %dma_wait3A_1279 = arith.constant 0 : i32
          %dma_wait3A_1280 = arith.constant 0 : i32
          %dma_wait3A_1281 = arith.constant 0 : i32
          %dma_wait3A_1282 = arith.constant 40 : i32
          %dma_wait3A_1283 = arith.constant 0 : i32
          %dma_wait3A_1284 = tpu.memref_slice %arg15[%dma_wait3A_1282, %dma_wait3A_1283] : memref<64x129xf32, #tpu.memory_space<vmem>> -> memref<8x128xf32, #tpu.memory_space<vmem>>
          %dma_wait3A_1285 = arith.constant 0 : i32
          %dma_wait3A_1286 = arith.constant 0 : i32
          %dma_wait3A_1287 = tpu.memref_slice %arg5[%dma_wait3A_1279, %dma_wait3A_1280, %dma_wait3A_1281, %dma_wait3A_1285, %dma_wait3A_1286] : memref<200x8x32x8x128xf32, #tpu.memory_space<hbm>> -> memref<1x1x1x8x128xf32, #tpu.memory_space<hbm>>
          %dma_wait3A_1288 = tpu.memref_squeeze %dma_wait3A_1287 : memref<1x1x1x8x128xf32, #tpu.memory_space<hbm>> -> memref<8x128xf32, #tpu.memory_space<hbm>>
          %dma_wait3A_1289 = arith.constant 40 : i32
          %dma_wait3A_1290 = arith.constant 0 : i32
          %dma_wait3A_1291 = tpu.memref_slice %arg15[%dma_wait3A_1289, %dma_wait3A_1290] : memref<64x129xf32, #tpu.memory_space<vmem>> -> memref<8x128xf32, #tpu.memory_space<vmem>>
          %dma_wait3A_1292 = arith.constant 0 : i32
          %dma_wait3A_1293 = arith.constant 0 : i32
          %dma_wait3A_1294 = tpu.memref_slice %arg5[%dma_wait3A_1279, %dma_wait3A_1280, %dma_wait3A_1281, %dma_wait3A_1292, %dma_wait3A_1293] : memref<200x8x32x8x128xf32, #tpu.memory_space<hbm>> -> memref<1x1x1x8x128xf32, #tpu.memory_space<hbm>>
          %dma_wait3A_1295 = tpu.memref_squeeze %dma_wait3A_1294 : memref<1x1x1x8x128xf32, #tpu.memory_space<hbm>> -> memref<8x128xf32, #tpu.memory_space<hbm>>
          tpu.wait_dma2 semaphore(%arg23 : memref<!tpu.dma_semaphore, #tpu.memory_space<semaphore_mem>>) src(%dma_wait3A_1295 : memref<8x128xf32, #tpu.memory_space<hbm>>) dst(%dma_wait3A_1291 : memref<8x128xf32, #tpu.memory_space<vmem>>)
          %dma_wait3A_1296 = arith.constant 0 : i32
          %dma_wait3A_1297 = arith.constant 0 : i32
          %dma_wait3A_1298 = arith.constant 0 : i32
          %dma_wait3A_1299 = arith.constant 48 : i32
          %dma_wait3A_1300 = arith.constant 0 : i32
          %dma_wait3A_1301 = tpu.memref_slice %arg15[%dma_wait3A_1299, %dma_wait3A_1300] : memref<64x129xf32, #tpu.memory_space<vmem>> -> memref<8x128xf32, #tpu.memory_space<vmem>>
          %dma_wait3A_1302 = arith.constant 0 : i32
          %dma_wait3A_1303 = arith.constant 0 : i32
          %dma_wait3A_1304 = tpu.memref_slice %arg5[%dma_wait3A_1296, %dma_wait3A_1297, %dma_wait3A_1298, %dma_wait3A_1302, %dma_wait3A_1303] : memref<200x8x32x8x128xf32, #tpu.memory_space<hbm>> -> memref<1x1x1x8x128xf32, #tpu.memory_space<hbm>>
          %dma_wait3A_1305 = tpu.memref_squeeze %dma_wait3A_1304 : memref<1x1x1x8x128xf32, #tpu.memory_space<hbm>> -> memref<8x128xf32, #tpu.memory_space<hbm>>
          %dma_wait3A_1306 = arith.constant 48 : i32
          %dma_wait3A_1307 = arith.constant 0 : i32
          %dma_wait3A_1308 = tpu.memref_slice %arg15[%dma_wait3A_1306, %dma_wait3A_1307] : memref<64x129xf32, #tpu.memory_space<vmem>> -> memref<8x128xf32, #tpu.memory_space<vmem>>
          %dma_wait3A_1309 = arith.constant 0 : i32
          %dma_wait3A_1310 = arith.constant 0 : i32
          %dma_wait3A_1311 = tpu.memref_slice %arg5[%dma_wait3A_1296, %dma_wait3A_1297, %dma_wait3A_1298, %dma_wait3A_1309, %dma_wait3A_1310] : memref<200x8x32x8x128xf32, #tpu.memory_space<hbm>> -> memref<1x1x1x8x128xf32, #tpu.memory_space<hbm>>
          %dma_wait3A_1312 = tpu.memref_squeeze %dma_wait3A_1311 : memref<1x1x1x8x128xf32, #tpu.memory_space<hbm>> -> memref<8x128xf32, #tpu.memory_space<hbm>>
          tpu.wait_dma2 semaphore(%arg23 : memref<!tpu.dma_semaphore, #tpu.memory_space<semaphore_mem>>) src(%dma_wait3A_1312 : memref<8x128xf32, #tpu.memory_space<hbm>>) dst(%dma_wait3A_1308 : memref<8x128xf32, #tpu.memory_space<vmem>>)
          %dma_wait3A_1313 = arith.constant 0 : i32
          %dma_wait3A_1314 = arith.constant 0 : i32
          %dma_wait3A_1315 = arith.constant 0 : i32
          %dma_wait3A_1316 = arith.constant 56 : i32
          %dma_wait3A_1317 = arith.constant 0 : i32
          %dma_wait3A_1318 = tpu.memref_slice %arg15[%dma_wait3A_1316, %dma_wait3A_1317] : memref<64x129xf32, #tpu.memory_space<vmem>> -> memref<8x128xf32, #tpu.memory_space<vmem>>
          %dma_wait3A_1319 = arith.constant 0 : i32
          %dma_wait3A_1320 = arith.constant 0 : i32
          %dma_wait3A_1321 = tpu.memref_slice %arg5[%dma_wait3A_1313, %dma_wait3A_1314, %dma_wait3A_1315, %dma_wait3A_1319, %dma_wait3A_1320] : memref<200x8x32x8x128xf32, #tpu.memory_space<hbm>> -> memref<1x1x1x8x128xf32, #tpu.memory_space<hbm>>
          %dma_wait3A_1322 = tpu.memref_squeeze %dma_wait3A_1321 : memref<1x1x1x8x128xf32, #tpu.memory_space<hbm>> -> memref<8x128xf32, #tpu.memory_space<hbm>>
          %dma_wait3A_1323 = arith.constant 56 : i32
          %dma_wait3A_1324 = arith.constant 0 : i32
          %dma_wait3A_1325 = tpu.memref_slice %arg15[%dma_wait3A_1323, %dma_wait3A_1324] : memref<64x129xf32, #tpu.memory_space<vmem>> -> memref<8x128xf32, #tpu.memory_space<vmem>>
          %dma_wait3A_1326 = arith.constant 0 : i32
          %dma_wait3A_1327 = arith.constant 0 : i32
          %dma_wait3A_1328 = tpu.memref_slice %arg5[%dma_wait3A_1313, %dma_wait3A_1314, %dma_wait3A_1315, %dma_wait3A_1326, %dma_wait3A_1327] : memref<200x8x32x8x128xf32, #tpu.memory_space<hbm>> -> memref<1x1x1x8x128xf32, #tpu.memory_space<hbm>>
          %dma_wait3A_1329 = tpu.memref_squeeze %dma_wait3A_1328 : memref<1x1x1x8x128xf32, #tpu.memory_space<hbm>> -> memref<8x128xf32, #tpu.memory_space<hbm>>
          tpu.wait_dma2 semaphore(%arg23 : memref<!tpu.dma_semaphore, #tpu.memory_space<semaphore_mem>>) src(%dma_wait3A_1329 : memref<8x128xf32, #tpu.memory_space<hbm>>) dst(%dma_wait3A_1325 : memref<8x128xf32, #tpu.memory_space<vmem>>)
        } else {
        }
        %dma_start3A_1188 = arith.constant 0 : i32
        %dma_start3A_1189 = tpu.memref_slice %arg6[%add3A_731, %dma_start3A_1188] : memref<200x128xi32, #tpu.memory_space<vmem>> -> memref<1x128xi32, #tpu.memory_space<vmem>>
        %dma_start3A_1190 = tpu.memref_squeeze %dma_start3A_1189 : memref<1x128xi32, #tpu.memory_space<vmem>> -> memref<128xi32, #tpu.memory_space<vmem>>
        %dma_start3A_1191 = arith.constant 0 : i32
        %dma_start3A_1192 = arith.constant 0 : i32
        %dma_start3A_1193 = tpu.memref_slice %arg4[%dma_start3A_1191, %dma_start3A_1192] : memref<1000000x64xf32, #tpu.memory_space<hbm>> -> memref<1000000x64xf32, #tpu.memory_space<hbm>>
        tpu.enqueue_indirect_dma source(%dma_start3A_1193 : memref<1000000x64xf32, #tpu.memory_space<hbm>>) target(%arg11 : memref<128x64xf32, #tpu.memory_space<vmem>>) offsets(%dma_start3A_1190 : memref<128xi32, #tpu.memory_space<vmem>>) semaphore(%arg19 : memref<!tpu.dma_semaphore, #tpu.memory_space<semaphore_mem>>)
      } else {
      }
      %dma_wait3A_737 = arith.constant 0 : i32
      %dma_wait3A_738 = arith.constant 0 : i32
      %dma_wait3A_739 = tpu.memref_slice %arg4[%dma_wait3A_737, %dma_wait3A_738] : memref<1000000x64xf32, #tpu.memory_space<hbm>> -> memref<128x64xf32, #tpu.memory_space<hbm>>
      %dma_wait3A_740 = arith.constant 0 : i32
      %dma_wait3A_741 = arith.constant 0 : i32
      %dma_wait3A_742 = tpu.memref_slice %arg4[%dma_wait3A_740, %dma_wait3A_741] : memref<1000000x64xf32, #tpu.memory_space<hbm>> -> memref<128x64xf32, #tpu.memory_space<hbm>>
      tpu.wait_dma2 semaphore(%arg17 : memref<!tpu.dma_semaphore, #tpu.memory_space<semaphore_mem>>) src(%dma_wait3A_742 : memref<128x64xf32, #tpu.memory_space<hbm>>) dst(%arg9 : memref<128x64xf32, #tpu.memory_space<vmem>>)
      %get3A_743 = arith.index_cast %add3A_729 : i32 to index
      %get3A_744 = arith.constant 0 : index
      %get3A_745 = tpu.vector_load %arg7[%get3A_743, %get3A_744] {strides = array<i32>} : memref<200x64xf32, #tpu.memory_space<vmem>>, vector<16xf32>,
      %get3A_746 = arith.index_cast %add3A_729 : i32 to index
      %get3A_747 = arith.constant 16 : index
      %get3A_748 = tpu.vector_load %arg7[%get3A_746, %get3A_747] {strides = array<i32>} : memref<200x64xf32, #tpu.memory_space<vmem>>, vector<16xf32>,
      %get3A_749 = arith.index_cast %add3A_729 : i32 to index
      %get3A_750 = arith.constant 32 : index
      %get3A_751 = tpu.vector_load %arg7[%get3A_749, %get3A_750] {strides = array<i32>} : memref<200x64xf32, #tpu.memory_space<vmem>>, vector<16xf32>,
      %get3A_752 = arith.index_cast %add3A_729 : i32 to index
      %get3A_753 = arith.constant 48 : index
      %get3A_754 = tpu.vector_load %arg7[%get3A_752, %get3A_753] {strides = array<i32>} : memref<200x64xf32, #tpu.memory_space<vmem>>, vector<16xf32>,
      %scan3A_755 = arith.constant 0 : i32
      %scan3A_756 = arith.constant 128 : i32
      %scan3A_757 = arith.addi %scan3A_755, %scan3A_756 : i32
      %scan3A_758 = arith.constant 8 : i32
      scf.for %scan3A_1184 = %scan3A_755 to %scan3A_757 step %scan3A_758  : i32 {
        %mul3A_1185 = arith.constant 1 : i32
        %mul3A_1186 = arith.muli %scan3A_1184, %mul3A_1185 : i32
        %add3A_1187 = arith.constant 0 : i32
        %add3A_1188 = arith.addi %add3A_1187, %mul3A_1186 : i32
        %broadcast_in_dim3A = vector.broadcast %add3A_1188 : i32 to vector<16xi32>
        %get3A_1189 = arith.index_cast %add3A_1188 : i32 to index
        %get3A_1190 = arith.constant 0 : index
        %get3A_1191 = tpu.vector_load %arg9[%get3A_1189, %get3A_1190] {strides = array<i32>} : memref<128x64xf32, #tpu.memory_space<vmem>>, vector<16xf32>,
        %add3A_1192 = arith.addf %get3A_1191, %get3A_745 : vector<16xf32>
        tpu.vector_store_idx %arg13[%add3A_5, %broadcast_in_dim3A], %add3A_1192 : memref<64x129xf32, #tpu.memory_space<vmem>>[vector<16xi32>, vector<16xi32>], vector<16xf32>,
        %get3A_1193 = arith.index_cast %add3A_1188 : i32 to index
        %get3A_1194 = arith.constant 16 : index
        %get3A_1195 = tpu.vector_load %arg9[%get3A_1193, %get3A_1194] {strides = array<i32>} : memref<128x64xf32, #tpu.memory_space<vmem>>, vector<16xf32>,
        %add3A_1196 = arith.addf %get3A_1195, %get3A_748 : vector<16xf32>
        tpu.vector_store_idx %arg13[%add3A_8, %broadcast_in_dim3A], %add3A_1196 : memref<64x129xf32, #tpu.memory_space<vmem>>[vector<16xi32>, vector<16xi32>], vector<16xf32>,
        %get3A_1197 = arith.index_cast %add3A_1188 : i32 to index
        %get3A_1198 = arith.constant 32 : index
        %get3A_1199 = tpu.vector_load %arg9[%get3A_1197, %get3A_1198] {strides = array<i32>} : memref<128x64xf32, #tpu.memory_space<vmem>>, vector<16xf32>,
        %add3A_1200 = arith.addf %get3A_1199, %get3A_751 : vector<16xf32>
        tpu.vector_store_idx %arg13[%add3A_11, %broadcast_in_dim3A], %add3A_1200 : memref<64x129xf32, #tpu.memory_space<vmem>>[vector<16xi32>, vector<16xi32>], vector<16xf32>,
        %get3A_1201 = arith.index_cast %add3A_1188 : i32 to index
        %get3A_1202 = arith.constant 48 : index
        %get3A_1203 = tpu.vector_load %arg9[%get3A_1201, %get3A_1202] {strides = array<i32>} : memref<128x64xf32, #tpu.memory_space<vmem>>, vector<16xf32>,
        %add3A_1204 = arith.addf %get3A_1203, %get3A_754 : vector<16xf32>
        tpu.vector_store_idx %arg13[%add3A_14, %broadcast_in_dim3A], %add3A_1204 : memref<64x129xf32, #tpu.memory_space<vmem>>[vector<16xi32>, vector<16xi32>], vector<16xf32>,
        %scan3A_1205 = arith.constant 1 : i32
        %scan3A_1206 = arith.addi %scan3A_1184, %scan3A_1205 : i32
        %mul3A_1207 = arith.constant 1 : i32
        %mul3A_1208 = arith.muli %scan3A_1206, %mul3A_1207 : i32
        %add3A_1209 = arith.constant 0 : i32
        %add3A_1210 = arith.addi %add3A_1209, %mul3A_1208 : i32
        %broadcast_in_dim3A_1211 = vector.broadcast %add3A_1210 : i32 to vector<16xi32>
        %get3A_1212 = arith.index_cast %add3A_1210 : i32 to index
        %get3A_1213 = arith.constant 0 : index
        %get3A_1214 = tpu.vector_load %arg9[%get3A_1212, %get3A_1213] {strides = array<i32>} : memref<128x64xf32, #tpu.memory_space<vmem>>, vector<16xf32>,
        %add3A_1215 = arith.addf %get3A_1214, %get3A_745 : vector<16xf32>
        tpu.vector_store_idx %arg13[%add3A_5, %broadcast_in_dim3A_1211], %add3A_1215 : memref<64x129xf32, #tpu.memory_space<vmem>>[vector<16xi32>, vector<16xi32>], vector<16xf32>,
        %get3A_1216 = arith.index_cast %add3A_1210 : i32 to index
        %get3A_1217 = arith.constant 16 : index
        %get3A_1218 = tpu.vector_load %arg9[%get3A_1216, %get3A_1217] {strides = array<i32>} : memref<128x64xf32, #tpu.memory_space<vmem>>, vector<16xf32>,
        %add3A_1219 = arith.addf %get3A_1218, %get3A_748 : vector<16xf32>
        tpu.vector_store_idx %arg13[%add3A_8, %broadcast_in_dim3A_1211], %add3A_1219 : memref<64x129xf32, #tpu.memory_space<vmem>>[vector<16xi32>, vector<16xi32>], vector<16xf32>,
        %get3A_1220 = arith.index_cast %add3A_1210 : i32 to index
        %get3A_1221 = arith.constant 32 : index
        %get3A_1222 = tpu.vector_load %arg9[%get3A_1220, %get3A_1221] {strides = array<i32>} : memref<128x64xf32, #tpu.memory_space<vmem>>, vector<16xf32>,
        %add3A_1223 = arith.addf %get3A_1222, %get3A_751 : vector<16xf32>
        tpu.vector_store_idx %arg13[%add3A_11, %broadcast_in_dim3A_1211], %add3A_1223 : memref<64x129xf32, #tpu.memory_space<vmem>>[vector<16xi32>, vector<16xi32>], vector<16xf32>,
        %get3A_1224 = arith.index_cast %add3A_1210 : i32 to index
        %get3A_1225 = arith.constant 48 : index
        %get3A_1226 = tpu.vector_load %arg9[%get3A_1224, %get3A_1225] {strides = array<i32>} : memref<128x64xf32, #tpu.memory_space<vmem>>, vector<16xf32>,
        %add3A_1227 = arith.addf %get3A_1226, %get3A_754 : vector<16xf32>
        tpu.vector_store_idx %arg13[%add3A_14, %broadcast_in_dim3A_1211], %add3A_1227 : memref<64x129xf32, #tpu.memory_space<vmem>>[vector<16xi32>, vector<16xi32>], vector<16xf32>,
        %scan3A_1228 = arith.constant 2 : i32
        %scan3A_1229 = arith.addi %scan3A_1184, %scan3A_1228 : i32
        %mul3A_1230 = arith.constant 1 : i32
        %mul3A_1231 = arith.muli %scan3A_1229, %mul3A_1230 : i32
        %add3A_1232 = arith.constant 0 : i32
        %add3A_1233 = arith.addi %add3A_1232, %mul3A_1231 : i32
        %broadcast_in_dim3A_1234 = vector.broadcast %add3A_1233 : i32 to vector<16xi32>
        %get3A_1235 = arith.index_cast %add3A_1233 : i32 to index
        %get3A_1236 = arith.constant 0 : index
        %get3A_1237 = tpu.vector_load %arg9[%get3A_1235, %get3A_1236] {strides = array<i32>} : memref<128x64xf32, #tpu.memory_space<vmem>>, vector<16xf32>,
        %add3A_1238 = arith.addf %get3A_1237, %get3A_745 : vector<16xf32>
        tpu.vector_store_idx %arg13[%add3A_5, %broadcast_in_dim3A_1234], %add3A_1238 : memref<64x129xf32, #tpu.memory_space<vmem>>[vector<16xi32>, vector<16xi32>], vector<16xf32>,
        %get3A_1239 = arith.index_cast %add3A_1233 : i32 to index
        %get3A_1240 = arith.constant 16 : index
        %get3A_1241 = tpu.vector_load %arg9[%get3A_1239, %get3A_1240] {strides = array<i32>} : memref<128x64xf32, #tpu.memory_space<vmem>>, vector<16xf32>,
        %add3A_1242 = arith.addf %get3A_1241, %get3A_748 : vector<16xf32>
        tpu.vector_store_idx %arg13[%add3A_8, %broadcast_in_dim3A_1234], %add3A_1242 : memref<64x129xf32, #tpu.memory_space<vmem>>[vector<16xi32>, vector<16xi32>], vector<16xf32>,
        %get3A_1243 = arith.index_cast %add3A_1233 : i32 to index
        %get3A_1244 = arith.constant 32 : index
        %get3A_1245 = tpu.vector_load %arg9[%get3A_1243, %get3A_1244] {strides = array<i32>} : memref<128x64xf32, #tpu.memory_space<vmem>>, vector<16xf32>,
        %add3A_1246 = arith.addf %get3A_1245, %get3A_751 : vector<16xf32>
        tpu.vector_store_idx %arg13[%add3A_11, %broadcast_in_dim3A_1234], %add3A_1246 : memref<64x129xf32, #tpu.memory_space<vmem>>[vector<16xi32>, vector<16xi32>], vector<16xf32>,
        %get3A_1247 = arith.index_cast %add3A_1233 : i32 to index
        %get3A_1248 = arith.constant 48 : index
        %get3A_1249 = tpu.vector_load %arg9[%get3A_1247, %get3A_1248] {strides = array<i32>} : memref<128x64xf32, #tpu.memory_space<vmem>>, vector<16xf32>,
        %add3A_1250 = arith.addf %get3A_1249, %get3A_754 : vector<16xf32>
        tpu.vector_store_idx %arg13[%add3A_14, %broadcast_in_dim3A_1234], %add3A_1250 : memref<64x129xf32, #tpu.memory_space<vmem>>[vector<16xi32>, vector<16xi32>], vector<16xf32>,
        %scan3A_1251 = arith.constant 3 : i32
        %scan3A_1252 = arith.addi %scan3A_1184, %scan3A_1251 : i32
        %mul3A_1253 = arith.constant 1 : i32
        %mul3A_1254 = arith.muli %scan3A_1252, %mul3A_1253 : i32
        %add3A_1255 = arith.constant 0 : i32
        %add3A_1256 = arith.addi %add3A_1255, %mul3A_1254 : i32
        %broadcast_in_dim3A_1257 = vector.broadcast %add3A_1256 : i32 to vector<16xi32>
        %get3A_1258 = arith.index_cast %add3A_1256 : i32 to index
        %get3A_1259 = arith.constant 0 : index
        %get3A_1260 = tpu.vector_load %arg9[%get3A_1258, %get3A_1259] {strides = array<i32>} : memref<128x64xf32, #tpu.memory_space<vmem>>, vector<16xf32>,
        %add3A_1261 = arith.addf %get3A_1260, %get3A_745 : vector<16xf32>
        tpu.vector_store_idx %arg13[%add3A_5, %broadcast_in_dim3A_1257], %add3A_1261 : memref<64x129xf32, #tpu.memory_space<vmem>>[vector<16xi32>, vector<16xi32>], vector<16xf32>,
        %get3A_1262 = arith.index_cast %add3A_1256 : i32 to index
        %get3A_1263 = arith.constant 16 : index
        %get3A_1264 = tpu.vector_load %arg9[%get3A_1262, %get3A_1263] {strides = array<i32>} : memref<128x64xf32, #tpu.memory_space<vmem>>, vector<16xf32>,
        %add3A_1265 = arith.addf %get3A_1264, %get3A_748 : vector<16xf32>
        tpu.vector_store_idx %arg13[%add3A_8, %broadcast_in_dim3A_1257], %add3A_1265 : memref<64x129xf32, #tpu.memory_space<vmem>>[vector<16xi32>, vector<16xi32>], vector<16xf32>,
        %get3A_1266 = arith.index_cast %add3A_1256 : i32 to index
        %get3A_1267 = arith.constant 32 : index
        %get3A_1268 = tpu.vector_load %arg9[%get3A_1266, %get3A_1267] {strides = array<i32>} : memref<128x64xf32, #tpu.memory_space<vmem>>, vector<16xf32>,
        %add3A_1269 = arith.addf %get3A_1268, %get3A_751 : vector<16xf32>
        tpu.vector_store_idx %arg13[%add3A_11, %broadcast_in_dim3A_1257], %add3A_1269 : memref<64x129xf32, #tpu.memory_space<vmem>>[vector<16xi32>, vector<16xi32>], vector<16xf32>,
        %get3A_1270 = arith.index_cast %add3A_1256 : i32 to index
        %get3A_1271 = arith.constant 48 : index
        %get3A_1272 = tpu.vector_load %arg9[%get3A_1270, %get3A_1271] {strides = array<i32>} : memref<128x64xf32, #tpu.memory_space<vmem>>, vector<16xf32>,
        %add3A_1273 = arith.addf %get3A_1272, %get3A_754 : vector<16xf32>
        tpu.vector_store_idx %arg13[%add3A_14, %broadcast_in_dim3A_1257], %add3A_1273 : memref<64x129xf32, #tpu.memory_space<vmem>>[vector<16xi32>, vector<16xi32>], vector<16xf32>,
        %scan3A_1274 = arith.constant 4 : i32
        %scan3A_1275 = arith.addi %scan3A_1184, %scan3A_1274 : i32
        %mul3A_1276 = arith.constant 1 : i32
        %mul3A_1277 = arith.muli %scan3A_1275, %mul3A_1276 : i32
        %add3A_1278 = arith.constant 0 : i32
        %add3A_1279 = arith.addi %add3A_1278, %mul3A_1277 : i32
        %broadcast_in_dim3A_1280 = vector.broadcast %add3A_1279 : i32 to vector<16xi32>
        %get3A_1281 = arith.index_cast %add3A_1279 : i32 to index
        %get3A_1282 = arith.constant 0 : index
        %get3A_1283 = tpu.vector_load %arg9[%get3A_1281, %get3A_1282] {strides = array<i32>} : memref<128x64xf32, #tpu.memory_space<vmem>>, vector<16xf32>,
        %add3A_1284 = arith.addf %get3A_1283, %get3A_745 : vector<16xf32>
        tpu.vector_store_idx %arg13[%add3A_5, %broadcast_in_dim3A_1280], %add3A_1284 : memref<64x129xf32, #tpu.memory_space<vmem>>[vector<16xi32>, vector<16xi32>], vector<16xf32>,
        %get3A_1285 = arith.index_cast %add3A_1279 : i32 to index
        %get3A_1286 = arith.constant 16 : index
        %get3A_1287 = tpu.vector_load %arg9[%get3A_1285, %get3A_1286] {strides = array<i32>} : memref<128x64xf32, #tpu.memory_space<vmem>>, vector<16xf32>,
        %add3A_1288 = arith.addf %get3A_1287, %get3A_748 : vector<16xf32>
        tpu.vector_store_idx %arg13[%add3A_8, %broadcast_in_dim3A_1280], %add3A_1288 : memref<64x129xf32, #tpu.memory_space<vmem>>[vector<16xi32>, vector<16xi32>], vector<16xf32>,
        %get3A_1289 = arith.index_cast %add3A_1279 : i32 to index
        %get3A_1290 = arith.constant 32 : index
        %get3A_1291 = tpu.vector_load %arg9[%get3A_1289, %get3A_1290] {strides = array<i32>} : memref<128x64xf32, #tpu.memory_space<vmem>>, vector<16xf32>,
        %add3A_1292 = arith.addf %get3A_1291, %get3A_751 : vector<16xf32>
        tpu.vector_store_idx %arg13[%add3A_11, %broadcast_in_dim3A_1280], %add3A_1292 : memref<64x129xf32, #tpu.memory_space<vmem>>[vector<16xi32>, vector<16xi32>], vector<16xf32>,
        %get3A_1293 = arith.index_cast %add3A_1279 : i32 to index
        %get3A_1294 = arith.constant 48 : index
        %get3A_1295 = tpu.vector_load %arg9[%get3A_1293, %get3A_1294] {strides = array<i32>} : memref<128x64xf32, #tpu.memory_space<vmem>>, vector<16xf32>,
        %add3A_1296 = arith.addf %get3A_1295, %get3A_754 : vector<16xf32>
        tpu.vector_store_idx %arg13[%add3A_14, %broadcast_in_dim3A_1280], %add3A_1296 : memref<64x129xf32, #tpu.memory_space<vmem>>[vector<16xi32>, vector<16xi32>], vector<16xf32>,
        %scan3A_1297 = arith.constant 5 : i32
        %scan3A_1298 = arith.addi %scan3A_1184, %scan3A_1297 : i32
        %mul3A_1299 = arith.constant 1 : i32
        %mul3A_1300 = arith.muli %scan3A_1298, %mul3A_1299 : i32
        %add3A_1301 = arith.constant 0 : i32
        %add3A_1302 = arith.addi %add3A_1301, %mul3A_1300 : i32
        %broadcast_in_dim3A_1303 = vector.broadcast %add3A_1302 : i32 to vector<16xi32>
        %get3A_1304 = arith.index_cast %add3A_1302 : i32 to index
        %get3A_1305 = arith.constant 0 : index
        %get3A_1306 = tpu.vector_load %arg9[%get3A_1304, %get3A_1305] {strides = array<i32>} : memref<128x64xf32, #tpu.memory_space<vmem>>, vector<16xf32>,
        %add3A_1307 = arith.addf %get3A_1306, %get3A_745 : vector<16xf32>
        tpu.vector_store_idx %arg13[%add3A_5, %broadcast_in_dim3A_1303], %add3A_1307 : memref<64x129xf32, #tpu.memory_space<vmem>>[vector<16xi32>, vector<16xi32>], vector<16xf32>,
        %get3A_1308 = arith.index_cast %add3A_1302 : i32 to index
        %get3A_1309 = arith.constant 16 : index
        %get3A_1310 = tpu.vector_load %arg9[%get3A_1308, %get3A_1309] {strides = array<i32>} : memref<128x64xf32, #tpu.memory_space<vmem>>, vector<16xf32>,
        %add3A_1311 = arith.addf %get3A_1310, %get3A_748 : vector<16xf32>
        tpu.vector_store_idx %arg13[%add3A_8, %broadcast_in_dim3A_1303], %add3A_1311 : memref<64x129xf32, #tpu.memory_space<vmem>>[vector<16xi32>, vector<16xi32>], vector<16xf32>,
        %get3A_1312 = arith.index_cast %add3A_1302 : i32 to index
        %get3A_1313 = arith.constant 32 : index
        %get3A_1314 = tpu.vector_load %arg9[%get3A_1312, %get3A_1313] {strides = array<i32>} : memref<128x64xf32, #tpu.memory_space<vmem>>, vector<16xf32>,
        %add3A_1315 = arith.addf %get3A_1314, %get3A_751 : vector<16xf32>
        tpu.vector_store_idx %arg13[%add3A_11, %broadcast_in_dim3A_1303], %add3A_1315 : memref<64x129xf32, #tpu.memory_space<vmem>>[vector<16xi32>, vector<16xi32>], vector<16xf32>,
        %get3A_1316 = arith.index_cast %add3A_1302 : i32 to index
        %get3A_1317 = arith.constant 48 : index
        %get3A_1318 = tpu.vector_load %arg9[%get3A_1316, %get3A_1317] {strides = array<i32>} : memref<128x64xf32, #tpu.memory_space<vmem>>, vector<16xf32>,
        %add3A_1319 = arith.addf %get3A_1318, %get3A_754 : vector<16xf32>
        tpu.vector_store_idx %arg13[%add3A_14, %broadcast_in_dim3A_1303], %add3A_1319 : memref<64x129xf32, #tpu.memory_space<vmem>>[vector<16xi32>, vector<16xi32>], vector<16xf32>,
        %scan3A_1320 = arith.constant 6 : i32
        %scan3A_1321 = arith.addi %scan3A_1184, %scan3A_1320 : i32
        %mul3A_1322 = arith.constant 1 : i32
        %mul3A_1323 = arith.muli %scan3A_1321, %mul3A_1322 : i32
        %add3A_1324 = arith.constant 0 : i32
        %add3A_1325 = arith.addi %add3A_1324, %mul3A_1323 : i32
        %broadcast_in_dim3A_1326 = vector.broadcast %add3A_1325 : i32 to vector<16xi32>
        %get3A_1327 = arith.index_cast %add3A_1325 : i32 to index
        %get3A_1328 = arith.constant 0 : index
        %get3A_1329 = tpu.vector_load %arg9[%get3A_1327, %get3A_1328] {strides = array<i32>} : memref<128x64xf32, #tpu.memory_space<vmem>>, vector<16xf32>,
        %add3A_1330 = arith.addf %get3A_1329, %get3A_745 : vector<16xf32>
        tpu.vector_store_idx %arg13[%add3A_5, %broadcast_in_dim3A_1326], %add3A_1330 : memref<64x129xf32, #tpu.memory_space<vmem>>[vector<16xi32>, vector<16xi32>], vector<16xf32>,
        %get3A_1331 = arith.index_cast %add3A_1325 : i32 to index
        %get3A_1332 = arith.constant 16 : index
        %get3A_1333 = tpu.vector_load %arg9[%get3A_1331, %get3A_1332] {strides = array<i32>} : memref<128x64xf32, #tpu.memory_space<vmem>>, vector<16xf32>,
        %add3A_1334 = arith.addf %get3A_1333, %get3A_748 : vector<16xf32>
        tpu.vector_store_idx %arg13[%add3A_8, %broadcast_in_dim3A_1326], %add3A_1334 : memref<64x129xf32, #tpu.memory_space<vmem>>[vector<16xi32>, vector<16xi32>], vector<16xf32>,
        %get3A_1335 = arith.index_cast %add3A_1325 : i32 to index
        %get3A_1336 = arith.constant 32 : index
        %get3A_1337 = tpu.vector_load %arg9[%get3A_1335, %get3A_1336] {strides = array<i32>} : memref<128x64xf32, #tpu.memory_space<vmem>>, vector<16xf32>,
        %add3A_1338 = arith.addf %get3A_1337, %get3A_751 : vector<16xf32>
        tpu.vector_store_idx %arg13[%add3A_11, %broadcast_in_dim3A_1326], %add3A_1338 : memref<64x129xf32, #tpu.memory_space<vmem>>[vector<16xi32>, vector<16xi32>], vector<16xf32>,
        %get3A_1339 = arith.index_cast %add3A_1325 : i32 to index
        %get3A_1340 = arith.constant 48 : index
        %get3A_1341 = tpu.vector_load %arg9[%get3A_1339, %get3A_1340] {strides = array<i32>} : memref<128x64xf32, #tpu.memory_space<vmem>>, vector<16xf32>,
        %add3A_1342 = arith.addf %get3A_1341, %get3A_754 : vector<16xf32>
        tpu.vector_store_idx %arg13[%add3A_14, %broadcast_in_dim3A_1326], %add3A_1342 : memref<64x129xf32, #tpu.memory_space<vmem>>[vector<16xi32>, vector<16xi32>], vector<16xf32>,
        %scan3A_1343 = arith.constant 7 : i32
        %scan3A_1344 = arith.addi %scan3A_1184, %scan3A_1343 : i32
        %mul3A_1345 = arith.constant 1 : i32
        %mul3A_1346 = arith.muli %scan3A_1344, %mul3A_1345 : i32
        %add3A_1347 = arith.constant 0 : i32
        %add3A_1348 = arith.addi %add3A_1347, %mul3A_1346 : i32
        %broadcast_in_dim3A_1349 = vector.broadcast %add3A_1348 : i32 to vector<16xi32>
        %get3A_1350 = arith.index_cast %add3A_1348 : i32 to index
        %get3A_1351 = arith.constant 0 : index
        %get3A_1352 = tpu.vector_load %arg9[%get3A_1350, %get3A_1351] {strides = array<i32>} : memref<128x64xf32, #tpu.memory_space<vmem>>, vector<16xf32>,
        %add3A_1353 = arith.addf %get3A_1352, %get3A_745 : vector<16xf32>
        tpu.vector_store_idx %arg13[%add3A_5, %broadcast_in_dim3A_1349], %add3A_1353 : memref<64x129xf32, #tpu.memory_space<vmem>>[vector<16xi32>, vector<16xi32>], vector<16xf32>,
        %get3A_1354 = arith.index_cast %add3A_1348 : i32 to index
        %get3A_1355 = arith.constant 16 : index
        %get3A_1356 = tpu.vector_load %arg9[%get3A_1354, %get3A_1355] {strides = array<i32>} : memref<128x64xf32, #tpu.memory_space<vmem>>, vector<16xf32>,
        %add3A_1357 = arith.addf %get3A_1356, %get3A_748 : vector<16xf32>
        tpu.vector_store_idx %arg13[%add3A_8, %broadcast_in_dim3A_1349], %add3A_1357 : memref<64x129xf32, #tpu.memory_space<vmem>>[vector<16xi32>, vector<16xi32>], vector<16xf32>,
        %get3A_1358 = arith.index_cast %add3A_1348 : i32 to index
        %get3A_1359 = arith.constant 32 : index
        %get3A_1360 = tpu.vector_load %arg9[%get3A_1358, %get3A_1359] {strides = array<i32>} : memref<128x64xf32, #tpu.memory_space<vmem>>, vector<16xf32>,
        %add3A_1361 = arith.addf %get3A_1360, %get3A_751 : vector<16xf32>
        tpu.vector_store_idx %arg13[%add3A_11, %broadcast_in_dim3A_1349], %add3A_1361 : memref<64x129xf32, #tpu.memory_space<vmem>>[vector<16xi32>, vector<16xi32>], vector<16xf32>,
        %get3A_1362 = arith.index_cast %add3A_1348 : i32 to index
        %get3A_1363 = arith.constant 48 : index
        %get3A_1364 = tpu.vector_load %arg9[%get3A_1362, %get3A_1363] {strides = array<i32>} : memref<128x64xf32, #tpu.memory_space<vmem>>, vector<16xf32>,
        %add3A_1365 = arith.addf %get3A_1364, %get3A_754 : vector<16xf32>
        tpu.vector_store_idx %arg13[%add3A_14, %broadcast_in_dim3A_1349], %add3A_1365 : memref<64x129xf32, #tpu.memory_space<vmem>>[vector<16xi32>, vector<16xi32>], vector<16xf32>,
      }
      %scan3A_759 = arith.constant 128 : i32
      %dma_start3A_760 = arith.constant 0 : i32
      %dma_start3A_761 = arith.constant 0 : i32
      %dma_start3A_762 = arith.constant 0 : i32
      %dma_start3A_763 = tpu.memref_slice %arg13[%dma_start3A_761, %dma_start3A_762] : memref<64x129xf32, #tpu.memory_space<vmem>> -> memref<8x128xf32, #tpu.memory_space<vmem>>
      %dma_start3A_764 = arith.constant 0 : i32
      %dma_start3A_765 = arith.constant 0 : i32
      %dma_start3A_766 = tpu.memref_slice %arg5[%add3A_729, %dma_start3A_760, %add3A, %dma_start3A_764, %dma_start3A_765] : memref<200x8x32x8x128xf32, #tpu.memory_space<hbm>> -> memref<1x1x1x8x128xf32, #tpu.memory_space<hbm>>
      %dma_start3A_767 = tpu.memref_squeeze %dma_start3A_766 : memref<1x1x1x8x128xf32, #tpu.memory_space<hbm>> -> memref<8x128xf32, #tpu.memory_space<hbm>>
      %dma_start3A_768 = arith.constant 0 : i32
      %dma_start3A_769 = arith.constant 0 : i32
      %dma_start3A_770 = tpu.memref_slice %arg5[%add3A_729, %dma_start3A_760, %add3A, %dma_start3A_768, %dma_start3A_769] : memref<200x8x32x8x128xf32, #tpu.memory_space<hbm>> -> memref<1x1x1x8x128xf32, #tpu.memory_space<hbm>>
      %dma_start3A_771 = tpu.memref_squeeze %dma_start3A_770 : memref<1x1x1x8x128xf32, #tpu.memory_space<hbm>> -> memref<8x128xf32, #tpu.memory_space<hbm>>
      %dma_start3A_772 = arith.constant 0 : i32
      %dma_start3A_773 = arith.constant 0 : i32
      %dma_start3A_774 = tpu.memref_slice %arg13[%dma_start3A_772, %dma_start3A_773] : memref<64x129xf32, #tpu.memory_space<vmem>> -> memref<8x128xf32, #tpu.memory_space<vmem>>
      tpu.enqueue_dma source(%dma_start3A_774 : memref<8x128xf32, #tpu.memory_space<vmem>>) target(%dma_start3A_771 : memref<8x128xf32, #tpu.memory_space<hbm>>) target_semaphore(%arg21 : memref<!tpu.dma_semaphore, #tpu.memory_space<semaphore_mem>>)
      %dma_start3A_775 = arith.constant 1 : i32
      %dma_start3A_776 = arith.constant 8 : i32
      %dma_start3A_777 = arith.constant 0 : i32
      %dma_start3A_778 = tpu.memref_slice %arg13[%dma_start3A_776, %dma_start3A_777] : memref<64x129xf32, #tpu.memory_space<vmem>> -> memref<8x128xf32, #tpu.memory_space<vmem>>
      %dma_start3A_779 = arith.constant 0 : i32
      %dma_start3A_780 = arith.constant 0 : i32
      %dma_start3A_781 = tpu.memref_slice %arg5[%add3A_729, %dma_start3A_775, %add3A, %dma_start3A_779, %dma_start3A_780] : memref<200x8x32x8x128xf32, #tpu.memory_space<hbm>> -> memref<1x1x1x8x128xf32, #tpu.memory_space<hbm>>
      %dma_start3A_782 = tpu.memref_squeeze %dma_start3A_781 : memref<1x1x1x8x128xf32, #tpu.memory_space<hbm>> -> memref<8x128xf32, #tpu.memory_space<hbm>>
      %dma_start3A_783 = arith.constant 0 : i32
      %dma_start3A_784 = arith.constant 0 : i32
      %dma_start3A_785 = tpu.memref_slice %arg5[%add3A_729, %dma_start3A_775, %add3A, %dma_start3A_783, %dma_start3A_784] : memref<200x8x32x8x128xf32, #tpu.memory_space<hbm>> -> memref<1x1x1x8x128xf32, #tpu.memory_space<hbm>>
      %dma_start3A_786 = tpu.memref_squeeze %dma_start3A_785 : memref<1x1x1x8x128xf32, #tpu.memory_space<hbm>> -> memref<8x128xf32, #tpu.memory_space<hbm>>
      %dma_start3A_787 = arith.constant 8 : i32
      %dma_start3A_788 = arith.constant 0 : i32
      %dma_start3A_789 = tpu.memref_slice %arg13[%dma_start3A_787, %dma_start3A_788] : memref<64x129xf32, #tpu.memory_space<vmem>> -> memref<8x128xf32, #tpu.memory_space<vmem>>
      tpu.enqueue_dma source(%dma_start3A_789 : memref<8x128xf32, #tpu.memory_space<vmem>>) target(%dma_start3A_786 : memref<8x128xf32, #tpu.memory_space<hbm>>) target_semaphore(%arg21 : memref<!tpu.dma_semaphore, #tpu.memory_space<semaphore_mem>>)
      %dma_start3A_790 = arith.constant 2 : i32
      %dma_start3A_791 = arith.constant 16 : i32
      %dma_start3A_792 = arith.constant 0 : i32
      %dma_start3A_793 = tpu.memref_slice %arg13[%dma_start3A_791, %dma_start3A_792] : memref<64x129xf32, #tpu.memory_space<vmem>> -> memref<8x128xf32, #tpu.memory_space<vmem>>
      %dma_start3A_794 = arith.constant 0 : i32
      %dma_start3A_795 = arith.constant 0 : i32
      %dma_start3A_796 = tpu.memref_slice %arg5[%add3A_729, %dma_start3A_790, %add3A, %dma_start3A_794, %dma_start3A_795] : memref<200x8x32x8x128xf32, #tpu.memory_space<hbm>> -> memref<1x1x1x8x128xf32, #tpu.memory_space<hbm>>
      %dma_start3A_797 = tpu.memref_squeeze %dma_start3A_796 : memref<1x1x1x8x128xf32, #tpu.memory_space<hbm>> -> memref<8x128xf32, #tpu.memory_space<hbm>>
      %dma_start3A_798 = arith.constant 0 : i32
      %dma_start3A_799 = arith.constant 0 : i32
      %dma_start3A_800 = tpu.memref_slice %arg5[%add3A_729, %dma_start3A_790, %add3A, %dma_start3A_798, %dma_start3A_799] : memref<200x8x32x8x128xf32, #tpu.memory_space<hbm>> -> memref<1x1x1x8x128xf32, #tpu.memory_space<hbm>>
      %dma_start3A_801 = tpu.memref_squeeze %dma_start3A_800 : memref<1x1x1x8x128xf32, #tpu.memory_space<hbm>> -> memref<8x128xf32, #tpu.memory_space<hbm>>
      %dma_start3A_802 = arith.constant 16 : i32
      %dma_start3A_803 = arith.constant 0 : i32
      %dma_start3A_804 = tpu.memref_slice %arg13[%dma_start3A_802, %dma_start3A_803] : memref<64x129xf32, #tpu.memory_space<vmem>> -> memref<8x128xf32, #tpu.memory_space<vmem>>
      tpu.enqueue_dma source(%dma_start3A_804 : memref<8x128xf32, #tpu.memory_space<vmem>>) target(%dma_start3A_801 : memref<8x128xf32, #tpu.memory_space<hbm>>) target_semaphore(%arg21 : memref<!tpu.dma_semaphore, #tpu.memory_space<semaphore_mem>>)
      %dma_start3A_805 = arith.constant 3 : i32
      %dma_start3A_806 = arith.constant 24 : i32
      %dma_start3A_807 = arith.constant 0 : i32
      %dma_start3A_808 = tpu.memref_slice %arg13[%dma_start3A_806, %dma_start3A_807] : memref<64x129xf32, #tpu.memory_space<vmem>> -> memref<8x128xf32, #tpu.memory_space<vmem>>
      %dma_start3A_809 = arith.constant 0 : i32
      %dma_start3A_810 = arith.constant 0 : i32
      %dma_start3A_811 = tpu.memref_slice %arg5[%add3A_729, %dma_start3A_805, %add3A, %dma_start3A_809, %dma_start3A_810] : memref<200x8x32x8x128xf32, #tpu.memory_space<hbm>> -> memref<1x1x1x8x128xf32, #tpu.memory_space<hbm>>
      %dma_start3A_812 = tpu.memref_squeeze %dma_start3A_811 : memref<1x1x1x8x128xf32, #tpu.memory_space<hbm>> -> memref<8x128xf32, #tpu.memory_space<hbm>>
      %dma_start3A_813 = arith.constant 0 : i32
      %dma_start3A_814 = arith.constant 0 : i32
      %dma_start3A_815 = tpu.memref_slice %arg5[%add3A_729, %dma_start3A_805, %add3A, %dma_start3A_813, %dma_start3A_814] : memref<200x8x32x8x128xf32, #tpu.memory_space<hbm>> -> memref<1x1x1x8x128xf32, #tpu.memory_space<hbm>>
      %dma_start3A_816 = tpu.memref_squeeze %dma_start3A_815 : memref<1x1x1x8x128xf32, #tpu.memory_space<hbm>> -> memref<8x128xf32, #tpu.memory_space<hbm>>
      %dma_start3A_817 = arith.constant 24 : i32
      %dma_start3A_818 = arith.constant 0 : i32
      %dma_start3A_819 = tpu.memref_slice %arg13[%dma_start3A_817, %dma_start3A_818] : memref<64x129xf32, #tpu.memory_space<vmem>> -> memref<8x128xf32, #tpu.memory_space<vmem>>
      tpu.enqueue_dma source(%dma_start3A_819 : memref<8x128xf32, #tpu.memory_space<vmem>>) target(%dma_start3A_816 : memref<8x128xf32, #tpu.memory_space<hbm>>) target_semaphore(%arg21 : memref<!tpu.dma_semaphore, #tpu.memory_space<semaphore_mem>>)
      %dma_start3A_820 = arith.constant 4 : i32
      %dma_start3A_821 = arith.constant 32 : i32
      %dma_start3A_822 = arith.constant 0 : i32
      %dma_start3A_823 = tpu.memref_slice %arg13[%dma_start3A_821, %dma_start3A_822] : memref<64x129xf32, #tpu.memory_space<vmem>> -> memref<8x128xf32, #tpu.memory_space<vmem>>
      %dma_start3A_824 = arith.constant 0 : i32
      %dma_start3A_825 = arith.constant 0 : i32
      %dma_start3A_826 = tpu.memref_slice %arg5[%add3A_729, %dma_start3A_820, %add3A, %dma_start3A_824, %dma_start3A_825] : memref<200x8x32x8x128xf32, #tpu.memory_space<hbm>> -> memref<1x1x1x8x128xf32, #tpu.memory_space<hbm>>
      %dma_start3A_827 = tpu.memref_squeeze %dma_start3A_826 : memref<1x1x1x8x128xf32, #tpu.memory_space<hbm>> -> memref<8x128xf32, #tpu.memory_space<hbm>>
      %dma_start3A_828 = arith.constant 0 : i32
      %dma_start3A_829 = arith.constant 0 : i32
      %dma_start3A_830 = tpu.memref_slice %arg5[%add3A_729, %dma_start3A_820, %add3A, %dma_start3A_828, %dma_start3A_829] : memref<200x8x32x8x128xf32, #tpu.memory_space<hbm>> -> memref<1x1x1x8x128xf32, #tpu.memory_space<hbm>>
      %dma_start3A_831 = tpu.memref_squeeze %dma_start3A_830 : memref<1x1x1x8x128xf32, #tpu.memory_space<hbm>> -> memref<8x128xf32, #tpu.memory_space<hbm>>
      %dma_start3A_832 = arith.constant 32 : i32
      %dma_start3A_833 = arith.constant 0 : i32
      %dma_start3A_834 = tpu.memref_slice %arg13[%dma_start3A_832, %dma_start3A_833] : memref<64x129xf32, #tpu.memory_space<vmem>> -> memref<8x128xf32, #tpu.memory_space<vmem>>
      tpu.enqueue_dma source(%dma_start3A_834 : memref<8x128xf32, #tpu.memory_space<vmem>>) target(%dma_start3A_831 : memref<8x128xf32, #tpu.memory_space<hbm>>) target_semaphore(%arg21 : memref<!tpu.dma_semaphore, #tpu.memory_space<semaphore_mem>>)
      %dma_start3A_835 = arith.constant 5 : i32
      %dma_start3A_836 = arith.constant 40 : i32
      %dma_start3A_837 = arith.constant 0 : i32
      %dma_start3A_838 = tpu.memref_slice %arg13[%dma_start3A_836, %dma_start3A_837] : memref<64x129xf32, #tpu.memory_space<vmem>> -> memref<8x128xf32, #tpu.memory_space<vmem>>
      %dma_start3A_839 = arith.constant 0 : i32
      %dma_start3A_840 = arith.constant 0 : i32
      %dma_start3A_841 = tpu.memref_slice %arg5[%add3A_729, %dma_start3A_835, %add3A, %dma_start3A_839, %dma_start3A_840] : memref<200x8x32x8x128xf32, #tpu.memory_space<hbm>> -> memref<1x1x1x8x128xf32, #tpu.memory_space<hbm>>
      %dma_start3A_842 = tpu.memref_squeeze %dma_start3A_841 : memref<1x1x1x8x128xf32, #tpu.memory_space<hbm>> -> memref<8x128xf32, #tpu.memory_space<hbm>>
      %dma_start3A_843 = arith.constant 0 : i32
      %dma_start3A_844 = arith.constant 0 : i32
      %dma_start3A_845 = tpu.memref_slice %arg5[%add3A_729, %dma_start3A_835, %add3A, %dma_start3A_843, %dma_start3A_844] : memref<200x8x32x8x128xf32, #tpu.memory_space<hbm>> -> memref<1x1x1x8x128xf32, #tpu.memory_space<hbm>>
      %dma_start3A_846 = tpu.memref_squeeze %dma_start3A_845 : memref<1x1x1x8x128xf32, #tpu.memory_space<hbm>> -> memref<8x128xf32, #tpu.memory_space<hbm>>
      %dma_start3A_847 = arith.constant 40 : i32
      %dma_start3A_848 = arith.constant 0 : i32
      %dma_start3A_849 = tpu.memref_slice %arg13[%dma_start3A_847, %dma_start3A_848] : memref<64x129xf32, #tpu.memory_space<vmem>> -> memref<8x128xf32, #tpu.memory_space<vmem>>
      tpu.enqueue_dma source(%dma_start3A_849 : memref<8x128xf32, #tpu.memory_space<vmem>>) target(%dma_start3A_846 : memref<8x128xf32, #tpu.memory_space<hbm>>) target_semaphore(%arg21 : memref<!tpu.dma_semaphore, #tpu.memory_space<semaphore_mem>>)
      %dma_start3A_850 = arith.constant 6 : i32
      %dma_start3A_851 = arith.constant 48 : i32
      %dma_start3A_852 = arith.constant 0 : i32
      %dma_start3A_853 = tpu.memref_slice %arg13[%dma_start3A_851, %dma_start3A_852] : memref<64x129xf32, #tpu.memory_space<vmem>> -> memref<8x128xf32, #tpu.memory_space<vmem>>
      %dma_start3A_854 = arith.constant 0 : i32
      %dma_start3A_855 = arith.constant 0 : i32
      %dma_start3A_856 = tpu.memref_slice %arg5[%add3A_729, %dma_start3A_850, %add3A, %dma_start3A_854, %dma_start3A_855] : memref<200x8x32x8x128xf32, #tpu.memory_space<hbm>> -> memref<1x1x1x8x128xf32, #tpu.memory_space<hbm>>
      %dma_start3A_857 = tpu.memref_squeeze %dma_start3A_856 : memref<1x1x1x8x128xf32, #tpu.memory_space<hbm>> -> memref<8x128xf32, #tpu.memory_space<hbm>>
      %dma_start3A_858 = arith.constant 0 : i32
      %dma_start3A_859 = arith.constant 0 : i32
      %dma_start3A_860 = tpu.memref_slice %arg5[%add3A_729, %dma_start3A_850, %add3A, %dma_start3A_858, %dma_start3A_859] : memref<200x8x32x8x128xf32, #tpu.memory_space<hbm>> -> memref<1x1x1x8x128xf32, #tpu.memory_space<hbm>>
      %dma_start3A_861 = tpu.memref_squeeze %dma_start3A_860 : memref<1x1x1x8x128xf32, #tpu.memory_space<hbm>> -> memref<8x128xf32, #tpu.memory_space<hbm>>
      %dma_start3A_862 = arith.constant 48 : i32
      %dma_start3A_863 = arith.constant 0 : i32
      %dma_start3A_864 = tpu.memref_slice %arg13[%dma_start3A_862, %dma_start3A_863] : memref<64x129xf32, #tpu.memory_space<vmem>> -> memref<8x128xf32, #tpu.memory_space<vmem>>
      tpu.enqueue_dma source(%dma_start3A_864 : memref<8x128xf32, #tpu.memory_space<vmem>>) target(%dma_start3A_861 : memref<8x128xf32, #tpu.memory_space<hbm>>) target_semaphore(%arg21 : memref<!tpu.dma_semaphore, #tpu.memory_space<semaphore_mem>>)
      %dma_start3A_865 = arith.constant 7 : i32
      %dma_start3A_866 = arith.constant 56 : i32
      %dma_start3A_867 = arith.constant 0 : i32
      %dma_start3A_868 = tpu.memref_slice %arg13[%dma_start3A_866, %dma_start3A_867] : memref<64x129xf32, #tpu.memory_space<vmem>> -> memref<8x128xf32, #tpu.memory_space<vmem>>
      %dma_start3A_869 = arith.constant 0 : i32
      %dma_start3A_870 = arith.constant 0 : i32
      %dma_start3A_871 = tpu.memref_slice %arg5[%add3A_729, %dma_start3A_865, %add3A, %dma_start3A_869, %dma_start3A_870] : memref<200x8x32x8x128xf32, #tpu.memory_space<hbm>> -> memref<1x1x1x8x128xf32, #tpu.memory_space<hbm>>
      %dma_start3A_872 = tpu.memref_squeeze %dma_start3A_871 : memref<1x1x1x8x128xf32, #tpu.memory_space<hbm>> -> memref<8x128xf32, #tpu.memory_space<hbm>>
      %dma_start3A_873 = arith.constant 0 : i32
      %dma_start3A_874 = arith.constant 0 : i32
      %dma_start3A_875 = tpu.memref_slice %arg5[%add3A_729, %dma_start3A_865, %add3A, %dma_start3A_873, %dma_start3A_874] : memref<200x8x32x8x128xf32, #tpu.memory_space<hbm>> -> memref<1x1x1x8x128xf32, #tpu.memory_space<hbm>>
      %dma_start3A_876 = tpu.memref_squeeze %dma_start3A_875 : memref<1x1x1x8x128xf32, #tpu.memory_space<hbm>> -> memref<8x128xf32, #tpu.memory_space<hbm>>
      %dma_start3A_877 = arith.constant 56 : i32
      %dma_start3A_878 = arith.constant 0 : i32
      %dma_start3A_879 = tpu.memref_slice %arg13[%dma_start3A_877, %dma_start3A_878] : memref<64x129xf32, #tpu.memory_space<vmem>> -> memref<8x128xf32, #tpu.memory_space<vmem>>
      tpu.enqueue_dma source(%dma_start3A_879 : memref<8x128xf32, #tpu.memory_space<vmem>>) target(%dma_start3A_876 : memref<8x128xf32, #tpu.memory_space<hbm>>) target_semaphore(%arg21 : memref<!tpu.dma_semaphore, #tpu.memory_space<semaphore_mem>>)
      %add3A_880 = arith.constant 2 : i32
      %add3A_881 = arith.addi %add3A_579, %add3A_880 : i32
      %add3A_882 = arith.constant 2 : i32
      %add3A_883 = arith.addi %add3A_881, %add3A_882 : i32
      %lt3A_884 = arith.constant 200 : i32
      %lt3A_885 = arith.cmpi slt, %add3A_883, %lt3A_884 : i32
      %convert_element_type3A_886 = arith.extui %lt3A_885 : i1 to i32
      %cond3A_887 = arith.constant 0 : i32
      %cond3A_888 = arith.cmpi ne, %convert_element_type3A_886, %cond3A_887 : i32
      scf.if %cond3A_888 {
        %ge3A = arith.constant 4 : i32
        %ge3A_1184 = arith.cmpi sge, %add3A_883, %ge3A : i32
        %convert_element_type3A_1185 = arith.extui %ge3A_1184 : i1 to i32
        %cond3A_1186 = arith.constant 0 : i32
        %cond3A_1187 = arith.cmpi ne, %convert_element_type3A_1185, %cond3A_1186 : i32
        scf.if %cond3A_1187 {
          %dma_wait3A_1194 = arith.constant 0 : i32
          %dma_wait3A_1195 = arith.constant 0 : i32
          %dma_wait3A_1196 = arith.constant 0 : i32
          %dma_wait3A_1197 = arith.constant 0 : i32
          %dma_wait3A_1198 = arith.constant 0 : i32
          %dma_wait3A_1199 = tpu.memref_slice %arg12[%dma_wait3A_1197, %dma_wait3A_1198] : memref<64x129xf32, #tpu.memory_space<vmem>> -> memref<8x128xf32, #tpu.memory_space<vmem>>
          %dma_wait3A_1200 = arith.constant 0 : i32
          %dma_wait3A_1201 = arith.constant 0 : i32
          %dma_wait3A_1202 = tpu.memref_slice %arg5[%dma_wait3A_1194, %dma_wait3A_1195, %dma_wait3A_1196, %dma_wait3A_1200, %dma_wait3A_1201] : memref<200x8x32x8x128xf32, #tpu.memory_space<hbm>> -> memref<1x1x1x8x128xf32, #tpu.memory_space<hbm>>
          %dma_wait3A_1203 = tpu.memref_squeeze %dma_wait3A_1202 : memref<1x1x1x8x128xf32, #tpu.memory_space<hbm>> -> memref<8x128xf32, #tpu.memory_space<hbm>>
          %dma_wait3A_1204 = arith.constant 0 : i32
          %dma_wait3A_1205 = arith.constant 0 : i32
          %dma_wait3A_1206 = tpu.memref_slice %arg12[%dma_wait3A_1204, %dma_wait3A_1205] : memref<64x129xf32, #tpu.memory_space<vmem>> -> memref<8x128xf32, #tpu.memory_space<vmem>>
          %dma_wait3A_1207 = arith.constant 0 : i32
          %dma_wait3A_1208 = arith.constant 0 : i32
          %dma_wait3A_1209 = tpu.memref_slice %arg5[%dma_wait3A_1194, %dma_wait3A_1195, %dma_wait3A_1196, %dma_wait3A_1207, %dma_wait3A_1208] : memref<200x8x32x8x128xf32, #tpu.memory_space<hbm>> -> memref<1x1x1x8x128xf32, #tpu.memory_space<hbm>>
          %dma_wait3A_1210 = tpu.memref_squeeze %dma_wait3A_1209 : memref<1x1x1x8x128xf32, #tpu.memory_space<hbm>> -> memref<8x128xf32, #tpu.memory_space<hbm>>
          tpu.wait_dma2 semaphore(%arg20 : memref<!tpu.dma_semaphore, #tpu.memory_space<semaphore_mem>>) src(%dma_wait3A_1210 : memref<8x128xf32, #tpu.memory_space<hbm>>) dst(%dma_wait3A_1206 : memref<8x128xf32, #tpu.memory_space<vmem>>)
          %dma_wait3A_1211 = arith.constant 0 : i32
          %dma_wait3A_1212 = arith.constant 0 : i32
          %dma_wait3A_1213 = arith.constant 0 : i32
          %dma_wait3A_1214 = arith.constant 8 : i32
          %dma_wait3A_1215 = arith.constant 0 : i32
          %dma_wait3A_1216 = tpu.memref_slice %arg12[%dma_wait3A_1214, %dma_wait3A_1215] : memref<64x129xf32, #tpu.memory_space<vmem>> -> memref<8x128xf32, #tpu.memory_space<vmem>>
          %dma_wait3A_1217 = arith.constant 0 : i32
          %dma_wait3A_1218 = arith.constant 0 : i32
          %dma_wait3A_1219 = tpu.memref_slice %arg5[%dma_wait3A_1211, %dma_wait3A_1212, %dma_wait3A_1213, %dma_wait3A_1217, %dma_wait3A_1218] : memref<200x8x32x8x128xf32, #tpu.memory_space<hbm>> -> memref<1x1x1x8x128xf32, #tpu.memory_space<hbm>>
          %dma_wait3A_1220 = tpu.memref_squeeze %dma_wait3A_1219 : memref<1x1x1x8x128xf32, #tpu.memory_space<hbm>> -> memref<8x128xf32, #tpu.memory_space<hbm>>
          %dma_wait3A_1221 = arith.constant 8 : i32
          %dma_wait3A_1222 = arith.constant 0 : i32
          %dma_wait3A_1223 = tpu.memref_slice %arg12[%dma_wait3A_1221, %dma_wait3A_1222] : memref<64x129xf32, #tpu.memory_space<vmem>> -> memref<8x128xf32, #tpu.memory_space<vmem>>
          %dma_wait3A_1224 = arith.constant 0 : i32
          %dma_wait3A_1225 = arith.constant 0 : i32
          %dma_wait3A_1226 = tpu.memref_slice %arg5[%dma_wait3A_1211, %dma_wait3A_1212, %dma_wait3A_1213, %dma_wait3A_1224, %dma_wait3A_1225] : memref<200x8x32x8x128xf32, #tpu.memory_space<hbm>> -> memref<1x1x1x8x128xf32, #tpu.memory_space<hbm>>
          %dma_wait3A_1227 = tpu.memref_squeeze %dma_wait3A_1226 : memref<1x1x1x8x128xf32, #tpu.memory_space<hbm>> -> memref<8x128xf32, #tpu.memory_space<hbm>>
          tpu.wait_dma2 semaphore(%arg20 : memref<!tpu.dma_semaphore, #tpu.memory_space<semaphore_mem>>) src(%dma_wait3A_1227 : memref<8x128xf32, #tpu.memory_space<hbm>>) dst(%dma_wait3A_1223 : memref<8x128xf32, #tpu.memory_space<vmem>>)
          %dma_wait3A_1228 = arith.constant 0 : i32
          %dma_wait3A_1229 = arith.constant 0 : i32
          %dma_wait3A_1230 = arith.constant 0 : i32
          %dma_wait3A_1231 = arith.constant 16 : i32
          %dma_wait3A_1232 = arith.constant 0 : i32
          %dma_wait3A_1233 = tpu.memref_slice %arg12[%dma_wait3A_1231, %dma_wait3A_1232] : memref<64x129xf32, #tpu.memory_space<vmem>> -> memref<8x128xf32, #tpu.memory_space<vmem>>
          %dma_wait3A_1234 = arith.constant 0 : i32
          %dma_wait3A_1235 = arith.constant 0 : i32
          %dma_wait3A_1236 = tpu.memref_slice %arg5[%dma_wait3A_1228, %dma_wait3A_1229, %dma_wait3A_1230, %dma_wait3A_1234, %dma_wait3A_1235] : memref<200x8x32x8x128xf32, #tpu.memory_space<hbm>> -> memref<1x1x1x8x128xf32, #tpu.memory_space<hbm>>
          %dma_wait3A_1237 = tpu.memref_squeeze %dma_wait3A_1236 : memref<1x1x1x8x128xf32, #tpu.memory_space<hbm>> -> memref<8x128xf32, #tpu.memory_space<hbm>>
          %dma_wait3A_1238 = arith.constant 16 : i32
          %dma_wait3A_1239 = arith.constant 0 : i32
          %dma_wait3A_1240 = tpu.memref_slice %arg12[%dma_wait3A_1238, %dma_wait3A_1239] : memref<64x129xf32, #tpu.memory_space<vmem>> -> memref<8x128xf32, #tpu.memory_space<vmem>>
          %dma_wait3A_1241 = arith.constant 0 : i32
          %dma_wait3A_1242 = arith.constant 0 : i32
          %dma_wait3A_1243 = tpu.memref_slice %arg5[%dma_wait3A_1228, %dma_wait3A_1229, %dma_wait3A_1230, %dma_wait3A_1241, %dma_wait3A_1242] : memref<200x8x32x8x128xf32, #tpu.memory_space<hbm>> -> memref<1x1x1x8x128xf32, #tpu.memory_space<hbm>>
          %dma_wait3A_1244 = tpu.memref_squeeze %dma_wait3A_1243 : memref<1x1x1x8x128xf32, #tpu.memory_space<hbm>> -> memref<8x128xf32, #tpu.memory_space<hbm>>
          tpu.wait_dma2 semaphore(%arg20 : memref<!tpu.dma_semaphore, #tpu.memory_space<semaphore_mem>>) src(%dma_wait3A_1244 : memref<8x128xf32, #tpu.memory_space<hbm>>) dst(%dma_wait3A_1240 : memref<8x128xf32, #tpu.memory_space<vmem>>)
          %dma_wait3A_1245 = arith.constant 0 : i32
          %dma_wait3A_1246 = arith.constant 0 : i32
          %dma_wait3A_1247 = arith.constant 0 : i32
          %dma_wait3A_1248 = arith.constant 24 : i32
          %dma_wait3A_1249 = arith.constant 0 : i32
          %dma_wait3A_1250 = tpu.memref_slice %arg12[%dma_wait3A_1248, %dma_wait3A_1249] : memref<64x129xf32, #tpu.memory_space<vmem>> -> memref<8x128xf32, #tpu.memory_space<vmem>>
          %dma_wait3A_1251 = arith.constant 0 : i32
          %dma_wait3A_1252 = arith.constant 0 : i32
          %dma_wait3A_1253 = tpu.memref_slice %arg5[%dma_wait3A_1245, %dma_wait3A_1246, %dma_wait3A_1247, %dma_wait3A_1251, %dma_wait3A_1252] : memref<200x8x32x8x128xf32, #tpu.memory_space<hbm>> -> memref<1x1x1x8x128xf32, #tpu.memory_space<hbm>>
          %dma_wait3A_1254 = tpu.memref_squeeze %dma_wait3A_1253 : memref<1x1x1x8x128xf32, #tpu.memory_space<hbm>> -> memref<8x128xf32, #tpu.memory_space<hbm>>
          %dma_wait3A_1255 = arith.constant 24 : i32
          %dma_wait3A_1256 = arith.constant 0 : i32
          %dma_wait3A_1257 = tpu.memref_slice %arg12[%dma_wait3A_1255, %dma_wait3A_1256] : memref<64x129xf32, #tpu.memory_space<vmem>> -> memref<8x128xf32, #tpu.memory_space<vmem>>
          %dma_wait3A_1258 = arith.constant 0 : i32
          %dma_wait3A_1259 = arith.constant 0 : i32
          %dma_wait3A_1260 = tpu.memref_slice %arg5[%dma_wait3A_1245, %dma_wait3A_1246, %dma_wait3A_1247, %dma_wait3A_1258, %dma_wait3A_1259] : memref<200x8x32x8x128xf32, #tpu.memory_space<hbm>> -> memref<1x1x1x8x128xf32, #tpu.memory_space<hbm>>
          %dma_wait3A_1261 = tpu.memref_squeeze %dma_wait3A_1260 : memref<1x1x1x8x128xf32, #tpu.memory_space<hbm>> -> memref<8x128xf32, #tpu.memory_space<hbm>>
          tpu.wait_dma2 semaphore(%arg20 : memref<!tpu.dma_semaphore, #tpu.memory_space<semaphore_mem>>) src(%dma_wait3A_1261 : memref<8x128xf32, #tpu.memory_space<hbm>>) dst(%dma_wait3A_1257 : memref<8x128xf32, #tpu.memory_space<vmem>>)
          %dma_wait3A_1262 = arith.constant 0 : i32
          %dma_wait3A_1263 = arith.constant 0 : i32
          %dma_wait3A_1264 = arith.constant 0 : i32
          %dma_wait3A_1265 = arith.constant 32 : i32
          %dma_wait3A_1266 = arith.constant 0 : i32
          %dma_wait3A_1267 = tpu.memref_slice %arg12[%dma_wait3A_1265, %dma_wait3A_1266] : memref<64x129xf32, #tpu.memory_space<vmem>> -> memref<8x128xf32, #tpu.memory_space<vmem>>
          %dma_wait3A_1268 = arith.constant 0 : i32
          %dma_wait3A_1269 = arith.constant 0 : i32
          %dma_wait3A_1270 = tpu.memref_slice %arg5[%dma_wait3A_1262, %dma_wait3A_1263, %dma_wait3A_1264, %dma_wait3A_1268, %dma_wait3A_1269] : memref<200x8x32x8x128xf32, #tpu.memory_space<hbm>> -> memref<1x1x1x8x128xf32, #tpu.memory_space<hbm>>
          %dma_wait3A_1271 = tpu.memref_squeeze %dma_wait3A_1270 : memref<1x1x1x8x128xf32, #tpu.memory_space<hbm>> -> memref<8x128xf32, #tpu.memory_space<hbm>>
          %dma_wait3A_1272 = arith.constant 32 : i32
          %dma_wait3A_1273 = arith.constant 0 : i32
          %dma_wait3A_1274 = tpu.memref_slice %arg12[%dma_wait3A_1272, %dma_wait3A_1273] : memref<64x129xf32, #tpu.memory_space<vmem>> -> memref<8x128xf32, #tpu.memory_space<vmem>>
          %dma_wait3A_1275 = arith.constant 0 : i32
          %dma_wait3A_1276 = arith.constant 0 : i32
          %dma_wait3A_1277 = tpu.memref_slice %arg5[%dma_wait3A_1262, %dma_wait3A_1263, %dma_wait3A_1264, %dma_wait3A_1275, %dma_wait3A_1276] : memref<200x8x32x8x128xf32, #tpu.memory_space<hbm>> -> memref<1x1x1x8x128xf32, #tpu.memory_space<hbm>>
          %dma_wait3A_1278 = tpu.memref_squeeze %dma_wait3A_1277 : memref<1x1x1x8x128xf32, #tpu.memory_space<hbm>> -> memref<8x128xf32, #tpu.memory_space<hbm>>
          tpu.wait_dma2 semaphore(%arg20 : memref<!tpu.dma_semaphore, #tpu.memory_space<semaphore_mem>>) src(%dma_wait3A_1278 : memref<8x128xf32, #tpu.memory_space<hbm>>) dst(%dma_wait3A_1274 : memref<8x128xf32, #tpu.memory_space<vmem>>)
          %dma_wait3A_1279 = arith.constant 0 : i32
          %dma_wait3A_1280 = arith.constant 0 : i32
          %dma_wait3A_1281 = arith.constant 0 : i32
          %dma_wait3A_1282 = arith.constant 40 : i32
          %dma_wait3A_1283 = arith.constant 0 : i32
          %dma_wait3A_1284 = tpu.memref_slice %arg12[%dma_wait3A_1282, %dma_wait3A_1283] : memref<64x129xf32, #tpu.memory_space<vmem>> -> memref<8x128xf32, #tpu.memory_space<vmem>>
          %dma_wait3A_1285 = arith.constant 0 : i32
          %dma_wait3A_1286 = arith.constant 0 : i32
          %dma_wait3A_1287 = tpu.memref_slice %arg5[%dma_wait3A_1279, %dma_wait3A_1280, %dma_wait3A_1281, %dma_wait3A_1285, %dma_wait3A_1286] : memref<200x8x32x8x128xf32, #tpu.memory_space<hbm>> -> memref<1x1x1x8x128xf32, #tpu.memory_space<hbm>>
          %dma_wait3A_1288 = tpu.memref_squeeze %dma_wait3A_1287 : memref<1x1x1x8x128xf32, #tpu.memory_space<hbm>> -> memref<8x128xf32, #tpu.memory_space<hbm>>
          %dma_wait3A_1289 = arith.constant 40 : i32
          %dma_wait3A_1290 = arith.constant 0 : i32
          %dma_wait3A_1291 = tpu.memref_slice %arg12[%dma_wait3A_1289, %dma_wait3A_1290] : memref<64x129xf32, #tpu.memory_space<vmem>> -> memref<8x128xf32, #tpu.memory_space<vmem>>
          %dma_wait3A_1292 = arith.constant 0 : i32
          %dma_wait3A_1293 = arith.constant 0 : i32
          %dma_wait3A_1294 = tpu.memref_slice %arg5[%dma_wait3A_1279, %dma_wait3A_1280, %dma_wait3A_1281, %dma_wait3A_1292, %dma_wait3A_1293] : memref<200x8x32x8x128xf32, #tpu.memory_space<hbm>> -> memref<1x1x1x8x128xf32, #tpu.memory_space<hbm>>
          %dma_wait3A_1295 = tpu.memref_squeeze %dma_wait3A_1294 : memref<1x1x1x8x128xf32, #tpu.memory_space<hbm>> -> memref<8x128xf32, #tpu.memory_space<hbm>>
          tpu.wait_dma2 semaphore(%arg20 : memref<!tpu.dma_semaphore, #tpu.memory_space<semaphore_mem>>) src(%dma_wait3A_1295 : memref<8x128xf32, #tpu.memory_space<hbm>>) dst(%dma_wait3A_1291 : memref<8x128xf32, #tpu.memory_space<vmem>>)
          %dma_wait3A_1296 = arith.constant 0 : i32
          %dma_wait3A_1297 = arith.constant 0 : i32
          %dma_wait3A_1298 = arith.constant 0 : i32
          %dma_wait3A_1299 = arith.constant 48 : i32
          %dma_wait3A_1300 = arith.constant 0 : i32
          %dma_wait3A_1301 = tpu.memref_slice %arg12[%dma_wait3A_1299, %dma_wait3A_1300] : memref<64x129xf32, #tpu.memory_space<vmem>> -> memref<8x128xf32, #tpu.memory_space<vmem>>
          %dma_wait3A_1302 = arith.constant 0 : i32
          %dma_wait3A_1303 = arith.constant 0 : i32
          %dma_wait3A_1304 = tpu.memref_slice %arg5[%dma_wait3A_1296, %dma_wait3A_1297, %dma_wait3A_1298, %dma_wait3A_1302, %dma_wait3A_1303] : memref<200x8x32x8x128xf32, #tpu.memory_space<hbm>> -> memref<1x1x1x8x128xf32, #tpu.memory_space<hbm>>
          %dma_wait3A_1305 = tpu.memref_squeeze %dma_wait3A_1304 : memref<1x1x1x8x128xf32, #tpu.memory_space<hbm>> -> memref<8x128xf32, #tpu.memory_space<hbm>>
          %dma_wait3A_1306 = arith.constant 48 : i32
          %dma_wait3A_1307 = arith.constant 0 : i32
          %dma_wait3A_1308 = tpu.memref_slice %arg12[%dma_wait3A_1306, %dma_wait3A_1307] : memref<64x129xf32, #tpu.memory_space<vmem>> -> memref<8x128xf32, #tpu.memory_space<vmem>>
          %dma_wait3A_1309 = arith.constant 0 : i32
          %dma_wait3A_1310 = arith.constant 0 : i32
          %dma_wait3A_1311 = tpu.memref_slice %arg5[%dma_wait3A_1296, %dma_wait3A_1297, %dma_wait3A_1298, %dma_wait3A_1309, %dma_wait3A_1310] : memref<200x8x32x8x128xf32, #tpu.memory_space<hbm>> -> memref<1x1x1x8x128xf32, #tpu.memory_space<hbm>>
          %dma_wait3A_1312 = tpu.memref_squeeze %dma_wait3A_1311 : memref<1x1x1x8x128xf32, #tpu.memory_space<hbm>> -> memref<8x128xf32, #tpu.memory_space<hbm>>
          tpu.wait_dma2 semaphore(%arg20 : memref<!tpu.dma_semaphore, #tpu.memory_space<semaphore_mem>>) src(%dma_wait3A_1312 : memref<8x128xf32, #tpu.memory_space<hbm>>) dst(%dma_wait3A_1308 : memref<8x128xf32, #tpu.memory_space<vmem>>)
          %dma_wait3A_1313 = arith.constant 0 : i32
          %dma_wait3A_1314 = arith.constant 0 : i32
          %dma_wait3A_1315 = arith.constant 0 : i32
          %dma_wait3A_1316 = arith.constant 56 : i32
          %dma_wait3A_1317 = arith.constant 0 : i32
          %dma_wait3A_1318 = tpu.memref_slice %arg12[%dma_wait3A_1316, %dma_wait3A_1317] : memref<64x129xf32, #tpu.memory_space<vmem>> -> memref<8x128xf32, #tpu.memory_space<vmem>>
          %dma_wait3A_1319 = arith.constant 0 : i32
          %dma_wait3A_1320 = arith.constant 0 : i32
          %dma_wait3A_1321 = tpu.memref_slice %arg5[%dma_wait3A_1313, %dma_wait3A_1314, %dma_wait3A_1315, %dma_wait3A_1319, %dma_wait3A_1320] : memref<200x8x32x8x128xf32, #tpu.memory_space<hbm>> -> memref<1x1x1x8x128xf32, #tpu.memory_space<hbm>>
          %dma_wait3A_1322 = tpu.memref_squeeze %dma_wait3A_1321 : memref<1x1x1x8x128xf32, #tpu.memory_space<hbm>> -> memref<8x128xf32, #tpu.memory_space<hbm>>
          %dma_wait3A_1323 = arith.constant 56 : i32
          %dma_wait3A_1324 = arith.constant 0 : i32
          %dma_wait3A_1325 = tpu.memref_slice %arg12[%dma_wait3A_1323, %dma_wait3A_1324] : memref<64x129xf32, #tpu.memory_space<vmem>> -> memref<8x128xf32, #tpu.memory_space<vmem>>
          %dma_wait3A_1326 = arith.constant 0 : i32
          %dma_wait3A_1327 = arith.constant 0 : i32
          %dma_wait3A_1328 = tpu.memref_slice %arg5[%dma_wait3A_1313, %dma_wait3A_1314, %dma_wait3A_1315, %dma_wait3A_1326, %dma_wait3A_1327] : memref<200x8x32x8x128xf32, #tpu.memory_space<hbm>> -> memref<1x1x1x8x128xf32, #tpu.memory_space<hbm>>
          %dma_wait3A_1329 = tpu.memref_squeeze %dma_wait3A_1328 : memref<1x1x1x8x128xf32, #tpu.memory_space<hbm>> -> memref<8x128xf32, #tpu.memory_space<hbm>>
          tpu.wait_dma2 semaphore(%arg20 : memref<!tpu.dma_semaphore, #tpu.memory_space<semaphore_mem>>) src(%dma_wait3A_1329 : memref<8x128xf32, #tpu.memory_space<hbm>>) dst(%dma_wait3A_1325 : memref<8x128xf32, #tpu.memory_space<vmem>>)
        } else {
        }
        %dma_start3A_1188 = arith.constant 0 : i32
        %dma_start3A_1189 = tpu.memref_slice %arg6[%add3A_883, %dma_start3A_1188] : memref<200x128xi32, #tpu.memory_space<vmem>> -> memref<1x128xi32, #tpu.memory_space<vmem>>
        %dma_start3A_1190 = tpu.memref_squeeze %dma_start3A_1189 : memref<1x128xi32, #tpu.memory_space<vmem>> -> memref<128xi32, #tpu.memory_space<vmem>>
        %dma_start3A_1191 = arith.constant 0 : i32
        %dma_start3A_1192 = arith.constant 0 : i32
        %dma_start3A_1193 = tpu.memref_slice %arg4[%dma_start3A_1191, %dma_start3A_1192] : memref<1000000x64xf32, #tpu.memory_space<hbm>> -> memref<1000000x64xf32, #tpu.memory_space<hbm>>
        tpu.enqueue_indirect_dma source(%dma_start3A_1193 : memref<1000000x64xf32, #tpu.memory_space<hbm>>) target(%arg8 : memref<128x64xf32, #tpu.memory_space<vmem>>) offsets(%dma_start3A_1190 : memref<128xi32, #tpu.memory_space<vmem>>) semaphore(%arg16 : memref<!tpu.dma_semaphore, #tpu.memory_space<semaphore_mem>>)
      } else {
      }
      %dma_wait3A_889 = arith.constant 0 : i32
      %dma_wait3A_890 = arith.constant 0 : i32
      %dma_wait3A_891 = tpu.memref_slice %arg4[%dma_wait3A_889, %dma_wait3A_890] : memref<1000000x64xf32, #tpu.memory_space<hbm>> -> memref<128x64xf32, #tpu.memory_space<hbm>>
      %dma_wait3A_892 = arith.constant 0 : i32
      %dma_wait3A_893 = arith.constant 0 : i32
      %dma_wait3A_894 = tpu.memref_slice %arg4[%dma_wait3A_892, %dma_wait3A_893] : memref<1000000x64xf32, #tpu.memory_space<hbm>> -> memref<128x64xf32, #tpu.memory_space<hbm>>
      tpu.wait_dma2 semaphore(%arg18 : memref<!tpu.dma_semaphore, #tpu.memory_space<semaphore_mem>>) src(%dma_wait3A_894 : memref<128x64xf32, #tpu.memory_space<hbm>>) dst(%arg10 : memref<128x64xf32, #tpu.memory_space<vmem>>)
      %get3A_895 = arith.index_cast %add3A_881 : i32 to index
      %get3A_896 = arith.constant 0 : index
      %get3A_897 = tpu.vector_load %arg7[%get3A_895, %get3A_896] {strides = array<i32>} : memref<200x64xf32, #tpu.memory_space<vmem>>, vector<16xf32>,
      %get3A_898 = arith.index_cast %add3A_881 : i32 to index
      %get3A_899 = arith.constant 16 : index
      %get3A_900 = tpu.vector_load %arg7[%get3A_898, %get3A_899] {strides = array<i32>} : memref<200x64xf32, #tpu.memory_space<vmem>>, vector<16xf32>,
      %get3A_901 = arith.index_cast %add3A_881 : i32 to index
      %get3A_902 = arith.constant 32 : index
      %get3A_903 = tpu.vector_load %arg7[%get3A_901, %get3A_902] {strides = array<i32>} : memref<200x64xf32, #tpu.memory_space<vmem>>, vector<16xf32>,
      %get3A_904 = arith.index_cast %add3A_881 : i32 to index
      %get3A_905 = arith.constant 48 : index
      %get3A_906 = tpu.vector_load %arg7[%get3A_904, %get3A_905] {strides = array<i32>} : memref<200x64xf32, #tpu.memory_space<vmem>>, vector<16xf32>,
      %scan3A_907 = arith.constant 0 : i32
      %scan3A_908 = arith.constant 128 : i32
      %scan3A_909 = arith.addi %scan3A_907, %scan3A_908 : i32
      %scan3A_910 = arith.constant 8 : i32
      scf.for %scan3A_1184 = %scan3A_907 to %scan3A_909 step %scan3A_910  : i32 {
        %mul3A_1185 = arith.constant 1 : i32
        %mul3A_1186 = arith.muli %scan3A_1184, %mul3A_1185 : i32
        %add3A_1187 = arith.constant 0 : i32
        %add3A_1188 = arith.addi %add3A_1187, %mul3A_1186 : i32
        %broadcast_in_dim3A = vector.broadcast %add3A_1188 : i32 to vector<16xi32>
        %get3A_1189 = arith.index_cast %add3A_1188 : i32 to index
        %get3A_1190 = arith.constant 0 : index
        %get3A_1191 = tpu.vector_load %arg10[%get3A_1189, %get3A_1190] {strides = array<i32>} : memref<128x64xf32, #tpu.memory_space<vmem>>, vector<16xf32>,
        %add3A_1192 = arith.addf %get3A_1191, %get3A_897 : vector<16xf32>
        tpu.vector_store_idx %arg14[%add3A_5, %broadcast_in_dim3A], %add3A_1192 : memref<64x129xf32, #tpu.memory_space<vmem>>[vector<16xi32>, vector<16xi32>], vector<16xf32>,
        %get3A_1193 = arith.index_cast %add3A_1188 : i32 to index
        %get3A_1194 = arith.constant 16 : index
        %get3A_1195 = tpu.vector_load %arg10[%get3A_1193, %get3A_1194] {strides = array<i32>} : memref<128x64xf32, #tpu.memory_space<vmem>>, vector<16xf32>,
        %add3A_1196 = arith.addf %get3A_1195, %get3A_900 : vector<16xf32>
        tpu.vector_store_idx %arg14[%add3A_8, %broadcast_in_dim3A], %add3A_1196 : memref<64x129xf32, #tpu.memory_space<vmem>>[vector<16xi32>, vector<16xi32>], vector<16xf32>,
        %get3A_1197 = arith.index_cast %add3A_1188 : i32 to index
        %get3A_1198 = arith.constant 32 : index
        %get3A_1199 = tpu.vector_load %arg10[%get3A_1197, %get3A_1198] {strides = array<i32>} : memref<128x64xf32, #tpu.memory_space<vmem>>, vector<16xf32>,
        %add3A_1200 = arith.addf %get3A_1199, %get3A_903 : vector<16xf32>
        tpu.vector_store_idx %arg14[%add3A_11, %broadcast_in_dim3A], %add3A_1200 : memref<64x129xf32, #tpu.memory_space<vmem>>[vector<16xi32>, vector<16xi32>], vector<16xf32>,
        %get3A_1201 = arith.index_cast %add3A_1188 : i32 to index
        %get3A_1202 = arith.constant 48 : index
        %get3A_1203 = tpu.vector_load %arg10[%get3A_1201, %get3A_1202] {strides = array<i32>} : memref<128x64xf32, #tpu.memory_space<vmem>>, vector<16xf32>,
        %add3A_1204 = arith.addf %get3A_1203, %get3A_906 : vector<16xf32>
        tpu.vector_store_idx %arg14[%add3A_14, %broadcast_in_dim3A], %add3A_1204 : memref<64x129xf32, #tpu.memory_space<vmem>>[vector<16xi32>, vector<16xi32>], vector<16xf32>,
        %scan3A_1205 = arith.constant 1 : i32
        %scan3A_1206 = arith.addi %scan3A_1184, %scan3A_1205 : i32
        %mul3A_1207 = arith.constant 1 : i32
        %mul3A_1208 = arith.muli %scan3A_1206, %mul3A_1207 : i32
        %add3A_1209 = arith.constant 0 : i32
        %add3A_1210 = arith.addi %add3A_1209, %mul3A_1208 : i32
        %broadcast_in_dim3A_1211 = vector.broadcast %add3A_1210 : i32 to vector<16xi32>
        %get3A_1212 = arith.index_cast %add3A_1210 : i32 to index
        %get3A_1213 = arith.constant 0 : index
        %get3A_1214 = tpu.vector_load %arg10[%get3A_1212, %get3A_1213] {strides = array<i32>} : memref<128x64xf32, #tpu.memory_space<vmem>>, vector<16xf32>,
        %add3A_1215 = arith.addf %get3A_1214, %get3A_897 : vector<16xf32>
        tpu.vector_store_idx %arg14[%add3A_5, %broadcast_in_dim3A_1211], %add3A_1215 : memref<64x129xf32, #tpu.memory_space<vmem>>[vector<16xi32>, vector<16xi32>], vector<16xf32>,
        %get3A_1216 = arith.index_cast %add3A_1210 : i32 to index
        %get3A_1217 = arith.constant 16 : index
        %get3A_1218 = tpu.vector_load %arg10[%get3A_1216, %get3A_1217] {strides = array<i32>} : memref<128x64xf32, #tpu.memory_space<vmem>>, vector<16xf32>,
        %add3A_1219 = arith.addf %get3A_1218, %get3A_900 : vector<16xf32>
        tpu.vector_store_idx %arg14[%add3A_8, %broadcast_in_dim3A_1211], %add3A_1219 : memref<64x129xf32, #tpu.memory_space<vmem>>[vector<16xi32>, vector<16xi32>], vector<16xf32>,
        %get3A_1220 = arith.index_cast %add3A_1210 : i32 to index
        %get3A_1221 = arith.constant 32 : index
        %get3A_1222 = tpu.vector_load %arg10[%get3A_1220, %get3A_1221] {strides = array<i32>} : memref<128x64xf32, #tpu.memory_space<vmem>>, vector<16xf32>,
        %add3A_1223 = arith.addf %get3A_1222, %get3A_903 : vector<16xf32>
        tpu.vector_store_idx %arg14[%add3A_11, %broadcast_in_dim3A_1211], %add3A_1223 : memref<64x129xf32, #tpu.memory_space<vmem>>[vector<16xi32>, vector<16xi32>], vector<16xf32>,
        %get3A_1224 = arith.index_cast %add3A_1210 : i32 to index
        %get3A_1225 = arith.constant 48 : index
        %get3A_1226 = tpu.vector_load %arg10[%get3A_1224, %get3A_1225] {strides = array<i32>} : memref<128x64xf32, #tpu.memory_space<vmem>>, vector<16xf32>,
        %add3A_1227 = arith.addf %get3A_1226, %get3A_906 : vector<16xf32>
        tpu.vector_store_idx %arg14[%add3A_14, %broadcast_in_dim3A_1211], %add3A_1227 : memref<64x129xf32, #tpu.memory_space<vmem>>[vector<16xi32>, vector<16xi32>], vector<16xf32>,
        %scan3A_1228 = arith.constant 2 : i32
        %scan3A_1229 = arith.addi %scan3A_1184, %scan3A_1228 : i32
        %mul3A_1230 = arith.constant 1 : i32
        %mul3A_1231 = arith.muli %scan3A_1229, %mul3A_1230 : i32
        %add3A_1232 = arith.constant 0 : i32
        %add3A_1233 = arith.addi %add3A_1232, %mul3A_1231 : i32
        %broadcast_in_dim3A_1234 = vector.broadcast %add3A_1233 : i32 to vector<16xi32>
        %get3A_1235 = arith.index_cast %add3A_1233 : i32 to index
        %get3A_1236 = arith.constant 0 : index
        %get3A_1237 = tpu.vector_load %arg10[%get3A_1235, %get3A_1236] {strides = array<i32>} : memref<128x64xf32, #tpu.memory_space<vmem>>, vector<16xf32>,
        %add3A_1238 = arith.addf %get3A_1237, %get3A_897 : vector<16xf32>
        tpu.vector_store_idx %arg14[%add3A_5, %broadcast_in_dim3A_1234], %add3A_1238 : memref<64x129xf32, #tpu.memory_space<vmem>>[vector<16xi32>, vector<16xi32>], vector<16xf32>,
        %get3A_1239 = arith.index_cast %add3A_1233 : i32 to index
        %get3A_1240 = arith.constant 16 : index
        %get3A_1241 = tpu.vector_load %arg10[%get3A_1239, %get3A_1240] {strides = array<i32>} : memref<128x64xf32, #tpu.memory_space<vmem>>, vector<16xf32>,
        %add3A_1242 = arith.addf %get3A_1241, %get3A_900 : vector<16xf32>
        tpu.vector_store_idx %arg14[%add3A_8, %broadcast_in_dim3A_1234], %add3A_1242 : memref<64x129xf32, #tpu.memory_space<vmem>>[vector<16xi32>, vector<16xi32>], vector<16xf32>,
        %get3A_1243 = arith.index_cast %add3A_1233 : i32 to index
        %get3A_1244 = arith.constant 32 : index
        %get3A_1245 = tpu.vector_load %arg10[%get3A_1243, %get3A_1244] {strides = array<i32>} : memref<128x64xf32, #tpu.memory_space<vmem>>, vector<16xf32>,
        %add3A_1246 = arith.addf %get3A_1245, %get3A_903 : vector<16xf32>
        tpu.vector_store_idx %arg14[%add3A_11, %broadcast_in_dim3A_1234], %add3A_1246 : memref<64x129xf32, #tpu.memory_space<vmem>>[vector<16xi32>, vector<16xi32>], vector<16xf32>,
        %get3A_1247 = arith.index_cast %add3A_1233 : i32 to index
        %get3A_1248 = arith.constant 48 : index
        %get3A_1249 = tpu.vector_load %arg10[%get3A_1247, %get3A_1248] {strides = array<i32>} : memref<128x64xf32, #tpu.memory_space<vmem>>, vector<16xf32>,
        %add3A_1250 = arith.addf %get3A_1249, %get3A_906 : vector<16xf32>
        tpu.vector_store_idx %arg14[%add3A_14, %broadcast_in_dim3A_1234], %add3A_1250 : memref<64x129xf32, #tpu.memory_space<vmem>>[vector<16xi32>, vector<16xi32>], vector<16xf32>,
        %scan3A_1251 = arith.constant 3 : i32
        %scan3A_1252 = arith.addi %scan3A_1184, %scan3A_1251 : i32
        %mul3A_1253 = arith.constant 1 : i32
        %mul3A_1254 = arith.muli %scan3A_1252, %mul3A_1253 : i32
        %add3A_1255 = arith.constant 0 : i32
        %add3A_1256 = arith.addi %add3A_1255, %mul3A_1254 : i32
        %broadcast_in_dim3A_1257 = vector.broadcast %add3A_1256 : i32 to vector<16xi32>
        %get3A_1258 = arith.index_cast %add3A_1256 : i32 to index
        %get3A_1259 = arith.constant 0 : index
        %get3A_1260 = tpu.vector_load %arg10[%get3A_1258, %get3A_1259] {strides = array<i32>} : memref<128x64xf32, #tpu.memory_space<vmem>>, vector<16xf32>,
        %add3A_1261 = arith.addf %get3A_1260, %get3A_897 : vector<16xf32>
        tpu.vector_store_idx %arg14[%add3A_5, %broadcast_in_dim3A_1257], %add3A_1261 : memref<64x129xf32, #tpu.memory_space<vmem>>[vector<16xi32>, vector<16xi32>], vector<16xf32>,
        %get3A_1262 = arith.index_cast %add3A_1256 : i32 to index
        %get3A_1263 = arith.constant 16 : index
        %get3A_1264 = tpu.vector_load %arg10[%get3A_1262, %get3A_1263] {strides = array<i32>} : memref<128x64xf32, #tpu.memory_space<vmem>>, vector<16xf32>,
        %add3A_1265 = arith.addf %get3A_1264, %get3A_900 : vector<16xf32>
        tpu.vector_store_idx %arg14[%add3A_8, %broadcast_in_dim3A_1257], %add3A_1265 : memref<64x129xf32, #tpu.memory_space<vmem>>[vector<16xi32>, vector<16xi32>], vector<16xf32>,
        %get3A_1266 = arith.index_cast %add3A_1256 : i32 to index
        %get3A_1267 = arith.constant 32 : index
        %get3A_1268 = tpu.vector_load %arg10[%get3A_1266, %get3A_1267] {strides = array<i32>} : memref<128x64xf32, #tpu.memory_space<vmem>>, vector<16xf32>,
        %add3A_1269 = arith.addf %get3A_1268, %get3A_903 : vector<16xf32>
        tpu.vector_store_idx %arg14[%add3A_11, %broadcast_in_dim3A_1257], %add3A_1269 : memref<64x129xf32, #tpu.memory_space<vmem>>[vector<16xi32>, vector<16xi32>], vector<16xf32>,
        %get3A_1270 = arith.index_cast %add3A_1256 : i32 to index
        %get3A_1271 = arith.constant 48 : index
        %get3A_1272 = tpu.vector_load %arg10[%get3A_1270, %get3A_1271] {strides = array<i32>} : memref<128x64xf32, #tpu.memory_space<vmem>>, vector<16xf32>,
        %add3A_1273 = arith.addf %get3A_1272, %get3A_906 : vector<16xf32>
        tpu.vector_store_idx %arg14[%add3A_14, %broadcast_in_dim3A_1257], %add3A_1273 : memref<64x129xf32, #tpu.memory_space<vmem>>[vector<16xi32>, vector<16xi32>], vector<16xf32>,
        %scan3A_1274 = arith.constant 4 : i32
        %scan3A_1275 = arith.addi %scan3A_1184, %scan3A_1274 : i32
        %mul3A_1276 = arith.constant 1 : i32
        %mul3A_1277 = arith.muli %scan3A_1275, %mul3A_1276 : i32
        %add3A_1278 = arith.constant 0 : i32
        %add3A_1279 = arith.addi %add3A_1278, %mul3A_1277 : i32
        %broadcast_in_dim3A_1280 = vector.broadcast %add3A_1279 : i32 to vector<16xi32>
        %get3A_1281 = arith.index_cast %add3A_1279 : i32 to index
        %get3A_1282 = arith.constant 0 : index
        %get3A_1283 = tpu.vector_load %arg10[%get3A_1281, %get3A_1282] {strides = array<i32>} : memref<128x64xf32, #tpu.memory_space<vmem>>, vector<16xf32>,
        %add3A_1284 = arith.addf %get3A_1283, %get3A_897 : vector<16xf32>
        tpu.vector_store_idx %arg14[%add3A_5, %broadcast_in_dim3A_1280], %add3A_1284 : memref<64x129xf32, #tpu.memory_space<vmem>>[vector<16xi32>, vector<16xi32>], vector<16xf32>,
        %get3A_1285 = arith.index_cast %add3A_1279 : i32 to index
        %get3A_1286 = arith.constant 16 : index
        %get3A_1287 = tpu.vector_load %arg10[%get3A_1285, %get3A_1286] {strides = array<i32>} : memref<128x64xf32, #tpu.memory_space<vmem>>, vector<16xf32>,
        %add3A_1288 = arith.addf %get3A_1287, %get3A_900 : vector<16xf32>
        tpu.vector_store_idx %arg14[%add3A_8, %broadcast_in_dim3A_1280], %add3A_1288 : memref<64x129xf32, #tpu.memory_space<vmem>>[vector<16xi32>, vector<16xi32>], vector<16xf32>,
        %get3A_1289 = arith.index_cast %add3A_1279 : i32 to index
        %get3A_1290 = arith.constant 32 : index
        %get3A_1291 = tpu.vector_load %arg10[%get3A_1289, %get3A_1290] {strides = array<i32>} : memref<128x64xf32, #tpu.memory_space<vmem>>, vector<16xf32>,
        %add3A_1292 = arith.addf %get3A_1291, %get3A_903 : vector<16xf32>
        tpu.vector_store_idx %arg14[%add3A_11, %broadcast_in_dim3A_1280], %add3A_1292 : memref<64x129xf32, #tpu.memory_space<vmem>>[vector<16xi32>, vector<16xi32>], vector<16xf32>,
        %get3A_1293 = arith.index_cast %add3A_1279 : i32 to index
        %get3A_1294 = arith.constant 48 : index
        %get3A_1295 = tpu.vector_load %arg10[%get3A_1293, %get3A_1294] {strides = array<i32>} : memref<128x64xf32, #tpu.memory_space<vmem>>, vector<16xf32>,
        %add3A_1296 = arith.addf %get3A_1295, %get3A_906 : vector<16xf32>
        tpu.vector_store_idx %arg14[%add3A_14, %broadcast_in_dim3A_1280], %add3A_1296 : memref<64x129xf32, #tpu.memory_space<vmem>>[vector<16xi32>, vector<16xi32>], vector<16xf32>,
        %scan3A_1297 = arith.constant 5 : i32
        %scan3A_1298 = arith.addi %scan3A_1184, %scan3A_1297 : i32
        %mul3A_1299 = arith.constant 1 : i32
        %mul3A_1300 = arith.muli %scan3A_1298, %mul3A_1299 : i32
        %add3A_1301 = arith.constant 0 : i32
        %add3A_1302 = arith.addi %add3A_1301, %mul3A_1300 : i32
        %broadcast_in_dim3A_1303 = vector.broadcast %add3A_1302 : i32 to vector<16xi32>
        %get3A_1304 = arith.index_cast %add3A_1302 : i32 to index
        %get3A_1305 = arith.constant 0 : index
        %get3A_1306 = tpu.vector_load %arg10[%get3A_1304, %get3A_1305] {strides = array<i32>} : memref<128x64xf32, #tpu.memory_space<vmem>>, vector<16xf32>,
        %add3A_1307 = arith.addf %get3A_1306, %get3A_897 : vector<16xf32>
        tpu.vector_store_idx %arg14[%add3A_5, %broadcast_in_dim3A_1303], %add3A_1307 : memref<64x129xf32, #tpu.memory_space<vmem>>[vector<16xi32>, vector<16xi32>], vector<16xf32>,
        %get3A_1308 = arith.index_cast %add3A_1302 : i32 to index
        %get3A_1309 = arith.constant 16 : index
        %get3A_1310 = tpu.vector_load %arg10[%get3A_1308, %get3A_1309] {strides = array<i32>} : memref<128x64xf32, #tpu.memory_space<vmem>>, vector<16xf32>,
        %add3A_1311 = arith.addf %get3A_1310, %get3A_900 : vector<16xf32>
        tpu.vector_store_idx %arg14[%add3A_8, %broadcast_in_dim3A_1303], %add3A_1311 : memref<64x129xf32, #tpu.memory_space<vmem>>[vector<16xi32>, vector<16xi32>], vector<16xf32>,
        %get3A_1312 = arith.index_cast %add3A_1302 : i32 to index
        %get3A_1313 = arith.constant 32 : index
        %get3A_1314 = tpu.vector_load %arg10[%get3A_1312, %get3A_1313] {strides = array<i32>} : memref<128x64xf32, #tpu.memory_space<vmem>>, vector<16xf32>,
        %add3A_1315 = arith.addf %get3A_1314, %get3A_903 : vector<16xf32>
        tpu.vector_store_idx %arg14[%add3A_11, %broadcast_in_dim3A_1303], %add3A_1315 : memref<64x129xf32, #tpu.memory_space<vmem>>[vector<16xi32>, vector<16xi32>], vector<16xf32>,
        %get3A_1316 = arith.index_cast %add3A_1302 : i32 to index
        %get3A_1317 = arith.constant 48 : index
        %get3A_1318 = tpu.vector_load %arg10[%get3A_1316, %get3A_1317] {strides = array<i32>} : memref<128x64xf32, #tpu.memory_space<vmem>>, vector<16xf32>,
        %add3A_1319 = arith.addf %get3A_1318, %get3A_906 : vector<16xf32>
        tpu.vector_store_idx %arg14[%add3A_14, %broadcast_in_dim3A_1303], %add3A_1319 : memref<64x129xf32, #tpu.memory_space<vmem>>[vector<16xi32>, vector<16xi32>], vector<16xf32>,
        %scan3A_1320 = arith.constant 6 : i32
        %scan3A_1321 = arith.addi %scan3A_1184, %scan3A_1320 : i32
        %mul3A_1322 = arith.constant 1 : i32
        %mul3A_1323 = arith.muli %scan3A_1321, %mul3A_1322 : i32
        %add3A_1324 = arith.constant 0 : i32
        %add3A_1325 = arith.addi %add3A_1324, %mul3A_1323 : i32
        %broadcast_in_dim3A_1326 = vector.broadcast %add3A_1325 : i32 to vector<16xi32>
        %get3A_1327 = arith.index_cast %add3A_1325 : i32 to index
        %get3A_1328 = arith.constant 0 : index
        %get3A_1329 = tpu.vector_load %arg10[%get3A_1327, %get3A_1328] {strides = array<i32>} : memref<128x64xf32, #tpu.memory_space<vmem>>, vector<16xf32>,
        %add3A_1330 = arith.addf %get3A_1329, %get3A_897 : vector<16xf32>
        tpu.vector_store_idx %arg14[%add3A_5, %broadcast_in_dim3A_1326], %add3A_1330 : memref<64x129xf32, #tpu.memory_space<vmem>>[vector<16xi32>, vector<16xi32>], vector<16xf32>,
        %get3A_1331 = arith.index_cast %add3A_1325 : i32 to index
        %get3A_1332 = arith.constant 16 : index
        %get3A_1333 = tpu.vector_load %arg10[%get3A_1331, %get3A_1332] {strides = array<i32>} : memref<128x64xf32, #tpu.memory_space<vmem>>, vector<16xf32>,
        %add3A_1334 = arith.addf %get3A_1333, %get3A_900 : vector<16xf32>
        tpu.vector_store_idx %arg14[%add3A_8, %broadcast_in_dim3A_1326], %add3A_1334 : memref<64x129xf32, #tpu.memory_space<vmem>>[vector<16xi32>, vector<16xi32>], vector<16xf32>,
        %get3A_1335 = arith.index_cast %add3A_1325 : i32 to index
        %get3A_1336 = arith.constant 32 : index
        %get3A_1337 = tpu.vector_load %arg10[%get3A_1335, %get3A_1336] {strides = array<i32>} : memref<128x64xf32, #tpu.memory_space<vmem>>, vector<16xf32>,
        %add3A_1338 = arith.addf %get3A_1337, %get3A_903 : vector<16xf32>
        tpu.vector_store_idx %arg14[%add3A_11, %broadcast_in_dim3A_1326], %add3A_1338 : memref<64x129xf32, #tpu.memory_space<vmem>>[vector<16xi32>, vector<16xi32>], vector<16xf32>,
        %get3A_1339 = arith.index_cast %add3A_1325 : i32 to index
        %get3A_1340 = arith.constant 48 : index
        %get3A_1341 = tpu.vector_load %arg10[%get3A_1339, %get3A_1340] {strides = array<i32>} : memref<128x64xf32, #tpu.memory_space<vmem>>, vector<16xf32>,
        %add3A_1342 = arith.addf %get3A_1341, %get3A_906 : vector<16xf32>
        tpu.vector_store_idx %arg14[%add3A_14, %broadcast_in_dim3A_1326], %add3A_1342 : memref<64x129xf32, #tpu.memory_space<vmem>>[vector<16xi32>, vector<16xi32>], vector<16xf32>,
        %scan3A_1343 = arith.constant 7 : i32
        %scan3A_1344 = arith.addi %scan3A_1184, %scan3A_1343 : i32
        %mul3A_1345 = arith.constant 1 : i32
        %mul3A_1346 = arith.muli %scan3A_1344, %mul3A_1345 : i32
        %add3A_1347 = arith.constant 0 : i32
        %add3A_1348 = arith.addi %add3A_1347, %mul3A_1346 : i32
        %broadcast_in_dim3A_1349 = vector.broadcast %add3A_1348 : i32 to vector<16xi32>
        %get3A_1350 = arith.index_cast %add3A_1348 : i32 to index
        %get3A_1351 = arith.constant 0 : index
        %get3A_1352 = tpu.vector_load %arg10[%get3A_1350, %get3A_1351] {strides = array<i32>} : memref<128x64xf32, #tpu.memory_space<vmem>>, vector<16xf32>,
        %add3A_1353 = arith.addf %get3A_1352, %get3A_897 : vector<16xf32>
        tpu.vector_store_idx %arg14[%add3A_5, %broadcast_in_dim3A_1349], %add3A_1353 : memref<64x129xf32, #tpu.memory_space<vmem>>[vector<16xi32>, vector<16xi32>], vector<16xf32>,
        %get3A_1354 = arith.index_cast %add3A_1348 : i32 to index
        %get3A_1355 = arith.constant 16 : index
        %get3A_1356 = tpu.vector_load %arg10[%get3A_1354, %get3A_1355] {strides = array<i32>} : memref<128x64xf32, #tpu.memory_space<vmem>>, vector<16xf32>,
        %add3A_1357 = arith.addf %get3A_1356, %get3A_900 : vector<16xf32>
        tpu.vector_store_idx %arg14[%add3A_8, %broadcast_in_dim3A_1349], %add3A_1357 : memref<64x129xf32, #tpu.memory_space<vmem>>[vector<16xi32>, vector<16xi32>], vector<16xf32>,
        %get3A_1358 = arith.index_cast %add3A_1348 : i32 to index
        %get3A_1359 = arith.constant 32 : index
        %get3A_1360 = tpu.vector_load %arg10[%get3A_1358, %get3A_1359] {strides = array<i32>} : memref<128x64xf32, #tpu.memory_space<vmem>>, vector<16xf32>,
        %add3A_1361 = arith.addf %get3A_1360, %get3A_903 : vector<16xf32>
        tpu.vector_store_idx %arg14[%add3A_11, %broadcast_in_dim3A_1349], %add3A_1361 : memref<64x129xf32, #tpu.memory_space<vmem>>[vector<16xi32>, vector<16xi32>], vector<16xf32>,
        %get3A_1362 = arith.index_cast %add3A_1348 : i32 to index
        %get3A_1363 = arith.constant 48 : index
        %get3A_1364 = tpu.vector_load %arg10[%get3A_1362, %get3A_1363] {strides = array<i32>} : memref<128x64xf32, #tpu.memory_space<vmem>>, vector<16xf32>,
        %add3A_1365 = arith.addf %get3A_1364, %get3A_906 : vector<16xf32>
        tpu.vector_store_idx %arg14[%add3A_14, %broadcast_in_dim3A_1349], %add3A_1365 : memref<64x129xf32, #tpu.memory_space<vmem>>[vector<16xi32>, vector<16xi32>], vector<16xf32>,
      }
      %scan3A_911 = arith.constant 128 : i32
      %dma_start3A_912 = arith.constant 0 : i32
      %dma_start3A_913 = arith.constant 0 : i32
      %dma_start3A_914 = arith.constant 0 : i32
      %dma_start3A_915 = tpu.memref_slice %arg14[%dma_start3A_913, %dma_start3A_914] : memref<64x129xf32, #tpu.memory_space<vmem>> -> memref<8x128xf32, #tpu.memory_space<vmem>>
      %dma_start3A_916 = arith.constant 0 : i32
      %dma_start3A_917 = arith.constant 0 : i32
      %dma_start3A_918 = tpu.memref_slice %arg5[%add3A_881, %dma_start3A_912, %add3A, %dma_start3A_916, %dma_start3A_917] : memref<200x8x32x8x128xf32, #tpu.memory_space<hbm>> -> memref<1x1x1x8x128xf32, #tpu.memory_space<hbm>>
      %dma_start3A_919 = tpu.memref_squeeze %dma_start3A_918 : memref<1x1x1x8x128xf32, #tpu.memory_space<hbm>> -> memref<8x128xf32, #tpu.memory_space<hbm>>
      %dma_start3A_920 = arith.constant 0 : i32
      %dma_start3A_921 = arith.constant 0 : i32
      %dma_start3A_922 = tpu.memref_slice %arg5[%add3A_881, %dma_start3A_912, %add3A, %dma_start3A_920, %dma_start3A_921] : memref<200x8x32x8x128xf32, #tpu.memory_space<hbm>> -> memref<1x1x1x8x128xf32, #tpu.memory_space<hbm>>
      %dma_start3A_923 = tpu.memref_squeeze %dma_start3A_922 : memref<1x1x1x8x128xf32, #tpu.memory_space<hbm>> -> memref<8x128xf32, #tpu.memory_space<hbm>>
      %dma_start3A_924 = arith.constant 0 : i32
      %dma_start3A_925 = arith.constant 0 : i32
      %dma_start3A_926 = tpu.memref_slice %arg14[%dma_start3A_924, %dma_start3A_925] : memref<64x129xf32, #tpu.memory_space<vmem>> -> memref<8x128xf32, #tpu.memory_space<vmem>>
      tpu.enqueue_dma source(%dma_start3A_926 : memref<8x128xf32, #tpu.memory_space<vmem>>) target(%dma_start3A_923 : memref<8x128xf32, #tpu.memory_space<hbm>>) target_semaphore(%arg22 : memref<!tpu.dma_semaphore, #tpu.memory_space<semaphore_mem>>)
      %dma_start3A_927 = arith.constant 1 : i32
      %dma_start3A_928 = arith.constant 8 : i32
      %dma_start3A_929 = arith.constant 0 : i32
      %dma_start3A_930 = tpu.memref_slice %arg14[%dma_start3A_928, %dma_start3A_929] : memref<64x129xf32, #tpu.memory_space<vmem>> -> memref<8x128xf32, #tpu.memory_space<vmem>>
      %dma_start3A_931 = arith.constant 0 : i32
      %dma_start3A_932 = arith.constant 0 : i32
      %dma_start3A_933 = tpu.memref_slice %arg5[%add3A_881, %dma_start3A_927, %add3A, %dma_start3A_931, %dma_start3A_932] : memref<200x8x32x8x128xf32, #tpu.memory_space<hbm>> -> memref<1x1x1x8x128xf32, #tpu.memory_space<hbm>>
      %dma_start3A_934 = tpu.memref_squeeze %dma_start3A_933 : memref<1x1x1x8x128xf32, #tpu.memory_space<hbm>> -> memref<8x128xf32, #tpu.memory_space<hbm>>
      %dma_start3A_935 = arith.constant 0 : i32
      %dma_start3A_936 = arith.constant 0 : i32
      %dma_start3A_937 = tpu.memref_slice %arg5[%add3A_881, %dma_start3A_927, %add3A, %dma_start3A_935, %dma_start3A_936] : memref<200x8x32x8x128xf32, #tpu.memory_space<hbm>> -> memref<1x1x1x8x128xf32, #tpu.memory_space<hbm>>
      %dma_start3A_938 = tpu.memref_squeeze %dma_start3A_937 : memref<1x1x1x8x128xf32, #tpu.memory_space<hbm>> -> memref<8x128xf32, #tpu.memory_space<hbm>>
      %dma_start3A_939 = arith.constant 8 : i32
      %dma_start3A_940 = arith.constant 0 : i32
      %dma_start3A_941 = tpu.memref_slice %arg14[%dma_start3A_939, %dma_start3A_940] : memref<64x129xf32, #tpu.memory_space<vmem>> -> memref<8x128xf32, #tpu.memory_space<vmem>>
      tpu.enqueue_dma source(%dma_start3A_941 : memref<8x128xf32, #tpu.memory_space<vmem>>) target(%dma_start3A_938 : memref<8x128xf32, #tpu.memory_space<hbm>>) target_semaphore(%arg22 : memref<!tpu.dma_semaphore, #tpu.memory_space<semaphore_mem>>)
      %dma_start3A_942 = arith.constant 2 : i32
      %dma_start3A_943 = arith.constant 16 : i32
      %dma_start3A_944 = arith.constant 0 : i32
      %dma_start3A_945 = tpu.memref_slice %arg14[%dma_start3A_943, %dma_start3A_944] : memref<64x129xf32, #tpu.memory_space<vmem>> -> memref<8x128xf32, #tpu.memory_space<vmem>>
      %dma_start3A_946 = arith.constant 0 : i32
      %dma_start3A_947 = arith.constant 0 : i32
      %dma_start3A_948 = tpu.memref_slice %arg5[%add3A_881, %dma_start3A_942, %add3A, %dma_start3A_946, %dma_start3A_947] : memref<200x8x32x8x128xf32, #tpu.memory_space<hbm>> -> memref<1x1x1x8x128xf32, #tpu.memory_space<hbm>>
      %dma_start3A_949 = tpu.memref_squeeze %dma_start3A_948 : memref<1x1x1x8x128xf32, #tpu.memory_space<hbm>> -> memref<8x128xf32, #tpu.memory_space<hbm>>
      %dma_start3A_950 = arith.constant 0 : i32
      %dma_start3A_951 = arith.constant 0 : i32
      %dma_start3A_952 = tpu.memref_slice %arg5[%add3A_881, %dma_start3A_942, %add3A, %dma_start3A_950, %dma_start3A_951] : memref<200x8x32x8x128xf32, #tpu.memory_space<hbm>> -> memref<1x1x1x8x128xf32, #tpu.memory_space<hbm>>
      %dma_start3A_953 = tpu.memref_squeeze %dma_start3A_952 : memref<1x1x1x8x128xf32, #tpu.memory_space<hbm>> -> memref<8x128xf32, #tpu.memory_space<hbm>>
      %dma_start3A_954 = arith.constant 16 : i32
      %dma_start3A_955 = arith.constant 0 : i32
      %dma_start3A_956 = tpu.memref_slice %arg14[%dma_start3A_954, %dma_start3A_955] : memref<64x129xf32, #tpu.memory_space<vmem>> -> memref<8x128xf32, #tpu.memory_space<vmem>>
      tpu.enqueue_dma source(%dma_start3A_956 : memref<8x128xf32, #tpu.memory_space<vmem>>) target(%dma_start3A_953 : memref<8x128xf32, #tpu.memory_space<hbm>>) target_semaphore(%arg22 : memref<!tpu.dma_semaphore, #tpu.memory_space<semaphore_mem>>)
      %dma_start3A_957 = arith.constant 3 : i32
      %dma_start3A_958 = arith.constant 24 : i32
      %dma_start3A_959 = arith.constant 0 : i32
      %dma_start3A_960 = tpu.memref_slice %arg14[%dma_start3A_958, %dma_start3A_959] : memref<64x129xf32, #tpu.memory_space<vmem>> -> memref<8x128xf32, #tpu.memory_space<vmem>>
      %dma_start3A_961 = arith.constant 0 : i32
      %dma_start3A_962 = arith.constant 0 : i32
      %dma_start3A_963 = tpu.memref_slice %arg5[%add3A_881, %dma_start3A_957, %add3A, %dma_start3A_961, %dma_start3A_962] : memref<200x8x32x8x128xf32, #tpu.memory_space<hbm>> -> memref<1x1x1x8x128xf32, #tpu.memory_space<hbm>>
      %dma_start3A_964 = tpu.memref_squeeze %dma_start3A_963 : memref<1x1x1x8x128xf32, #tpu.memory_space<hbm>> -> memref<8x128xf32, #tpu.memory_space<hbm>>
      %dma_start3A_965 = arith.constant 0 : i32
      %dma_start3A_966 = arith.constant 0 : i32
      %dma_start3A_967 = tpu.memref_slice %arg5[%add3A_881, %dma_start3A_957, %add3A, %dma_start3A_965, %dma_start3A_966] : memref<200x8x32x8x128xf32, #tpu.memory_space<hbm>> -> memref<1x1x1x8x128xf32, #tpu.memory_space<hbm>>
      %dma_start3A_968 = tpu.memref_squeeze %dma_start3A_967 : memref<1x1x1x8x128xf32, #tpu.memory_space<hbm>> -> memref<8x128xf32, #tpu.memory_space<hbm>>
      %dma_start3A_969 = arith.constant 24 : i32
      %dma_start3A_970 = arith.constant 0 : i32
      %dma_start3A_971 = tpu.memref_slice %arg14[%dma_start3A_969, %dma_start3A_970] : memref<64x129xf32, #tpu.memory_space<vmem>> -> memref<8x128xf32, #tpu.memory_space<vmem>>
      tpu.enqueue_dma source(%dma_start3A_971 : memref<8x128xf32, #tpu.memory_space<vmem>>) target(%dma_start3A_968 : memref<8x128xf32, #tpu.memory_space<hbm>>) target_semaphore(%arg22 : memref<!tpu.dma_semaphore, #tpu.memory_space<semaphore_mem>>)
      %dma_start3A_972 = arith.constant 4 : i32
      %dma_start3A_973 = arith.constant 32 : i32
      %dma_start3A_974 = arith.constant 0 : i32
      %dma_start3A_975 = tpu.memref_slice %arg14[%dma_start3A_973, %dma_start3A_974] : memref<64x129xf32, #tpu.memory_space<vmem>> -> memref<8x128xf32, #tpu.memory_space<vmem>>
      %dma_start3A_976 = arith.constant 0 : i32
      %dma_start3A_977 = arith.constant 0 : i32
      %dma_start3A_978 = tpu.memref_slice %arg5[%add3A_881, %dma_start3A_972, %add3A, %dma_start3A_976, %dma_start3A_977] : memref<200x8x32x8x128xf32, #tpu.memory_space<hbm>> -> memref<1x1x1x8x128xf32, #tpu.memory_space<hbm>>
      %dma_start3A_979 = tpu.memref_squeeze %dma_start3A_978 : memref<1x1x1x8x128xf32, #tpu.memory_space<hbm>> -> memref<8x128xf32, #tpu.memory_space<hbm>>
      %dma_start3A_980 = arith.constant 0 : i32
      %dma_start3A_981 = arith.constant 0 : i32
      %dma_start3A_982 = tpu.memref_slice %arg5[%add3A_881, %dma_start3A_972, %add3A, %dma_start3A_980, %dma_start3A_981] : memref<200x8x32x8x128xf32, #tpu.memory_space<hbm>> -> memref<1x1x1x8x128xf32, #tpu.memory_space<hbm>>
      %dma_start3A_983 = tpu.memref_squeeze %dma_start3A_982 : memref<1x1x1x8x128xf32, #tpu.memory_space<hbm>> -> memref<8x128xf32, #tpu.memory_space<hbm>>
      %dma_start3A_984 = arith.constant 32 : i32
      %dma_start3A_985 = arith.constant 0 : i32
      %dma_start3A_986 = tpu.memref_slice %arg14[%dma_start3A_984, %dma_start3A_985] : memref<64x129xf32, #tpu.memory_space<vmem>> -> memref<8x128xf32, #tpu.memory_space<vmem>>
      tpu.enqueue_dma source(%dma_start3A_986 : memref<8x128xf32, #tpu.memory_space<vmem>>) target(%dma_start3A_983 : memref<8x128xf32, #tpu.memory_space<hbm>>) target_semaphore(%arg22 : memref<!tpu.dma_semaphore, #tpu.memory_space<semaphore_mem>>)
      %dma_start3A_987 = arith.constant 5 : i32
      %dma_start3A_988 = arith.constant 40 : i32
      %dma_start3A_989 = arith.constant 0 : i32
      %dma_start3A_990 = tpu.memref_slice %arg14[%dma_start3A_988, %dma_start3A_989] : memref<64x129xf32, #tpu.memory_space<vmem>> -> memref<8x128xf32, #tpu.memory_space<vmem>>
      %dma_start3A_991 = arith.constant 0 : i32
      %dma_start3A_992 = arith.constant 0 : i32
      %dma_start3A_993 = tpu.memref_slice %arg5[%add3A_881, %dma_start3A_987, %add3A, %dma_start3A_991, %dma_start3A_992] : memref<200x8x32x8x128xf32, #tpu.memory_space<hbm>> -> memref<1x1x1x8x128xf32, #tpu.memory_space<hbm>>
      %dma_start3A_994 = tpu.memref_squeeze %dma_start3A_993 : memref<1x1x1x8x128xf32, #tpu.memory_space<hbm>> -> memref<8x128xf32, #tpu.memory_space<hbm>>
      %dma_start3A_995 = arith.constant 0 : i32
      %dma_start3A_996 = arith.constant 0 : i32
      %dma_start3A_997 = tpu.memref_slice %arg5[%add3A_881, %dma_start3A_987, %add3A, %dma_start3A_995, %dma_start3A_996] : memref<200x8x32x8x128xf32, #tpu.memory_space<hbm>> -> memref<1x1x1x8x128xf32, #tpu.memory_space<hbm>>
      %dma_start3A_998 = tpu.memref_squeeze %dma_start3A_997 : memref<1x1x1x8x128xf32, #tpu.memory_space<hbm>> -> memref<8x128xf32, #tpu.memory_space<hbm>>
      %dma_start3A_999 = arith.constant 40 : i32
      %dma_start3A_1000 = arith.constant 0 : i32
      %dma_start3A_1001 = tpu.memref_slice %arg14[%dma_start3A_999, %dma_start3A_1000] : memref<64x129xf32, #tpu.memory_space<vmem>> -> memref<8x128xf32, #tpu.memory_space<vmem>>
      tpu.enqueue_dma source(%dma_start3A_1001 : memref<8x128xf32, #tpu.memory_space<vmem>>) target(%dma_start3A_998 : memref<8x128xf32, #tpu.memory_space<hbm>>) target_semaphore(%arg22 : memref<!tpu.dma_semaphore, #tpu.memory_space<semaphore_mem>>)
      %dma_start3A_1002 = arith.constant 6 : i32
      %dma_start3A_1003 = arith.constant 48 : i32
      %dma_start3A_1004 = arith.constant 0 : i32
      %dma_start3A_1005 = tpu.memref_slice %arg14[%dma_start3A_1003, %dma_start3A_1004] : memref<64x129xf32, #tpu.memory_space<vmem>> -> memref<8x128xf32, #tpu.memory_space<vmem>>
      %dma_start3A_1006 = arith.constant 0 : i32
      %dma_start3A_1007 = arith.constant 0 : i32
      %dma_start3A_1008 = tpu.memref_slice %arg5[%add3A_881, %dma_start3A_1002, %add3A, %dma_start3A_1006, %dma_start3A_1007] : memref<200x8x32x8x128xf32, #tpu.memory_space<hbm>> -> memref<1x1x1x8x128xf32, #tpu.memory_space<hbm>>
      %dma_start3A_1009 = tpu.memref_squeeze %dma_start3A_1008 : memref<1x1x1x8x128xf32, #tpu.memory_space<hbm>> -> memref<8x128xf32, #tpu.memory_space<hbm>>
      %dma_start3A_1010 = arith.constant 0 : i32
      %dma_start3A_1011 = arith.constant 0 : i32
      %dma_start3A_1012 = tpu.memref_slice %arg5[%add3A_881, %dma_start3A_1002, %add3A, %dma_start3A_1010, %dma_start3A_1011] : memref<200x8x32x8x128xf32, #tpu.memory_space<hbm>> -> memref<1x1x1x8x128xf32, #tpu.memory_space<hbm>>
      %dma_start3A_1013 = tpu.memref_squeeze %dma_start3A_1012 : memref<1x1x1x8x128xf32, #tpu.memory_space<hbm>> -> memref<8x128xf32, #tpu.memory_space<hbm>>
      %dma_start3A_1014 = arith.constant 48 : i32
      %dma_start3A_1015 = arith.constant 0 : i32
      %dma_start3A_1016 = tpu.memref_slice %arg14[%dma_start3A_1014, %dma_start3A_1015] : memref<64x129xf32, #tpu.memory_space<vmem>> -> memref<8x128xf32, #tpu.memory_space<vmem>>
      tpu.enqueue_dma source(%dma_start3A_1016 : memref<8x128xf32, #tpu.memory_space<vmem>>) target(%dma_start3A_1013 : memref<8x128xf32, #tpu.memory_space<hbm>>) target_semaphore(%arg22 : memref<!tpu.dma_semaphore, #tpu.memory_space<semaphore_mem>>)
      %dma_start3A_1017 = arith.constant 7 : i32
      %dma_start3A_1018 = arith.constant 56 : i32
      %dma_start3A_1019 = arith.constant 0 : i32
      %dma_start3A_1020 = tpu.memref_slice %arg14[%dma_start3A_1018, %dma_start3A_1019] : memref<64x129xf32, #tpu.memory_space<vmem>> -> memref<8x128xf32, #tpu.memory_space<vmem>>
      %dma_start3A_1021 = arith.constant 0 : i32
      %dma_start3A_1022 = arith.constant 0 : i32
      %dma_start3A_1023 = tpu.memref_slice %arg5[%add3A_881, %dma_start3A_1017, %add3A, %dma_start3A_1021, %dma_start3A_1022] : memref<200x8x32x8x128xf32, #tpu.memory_space<hbm>> -> memref<1x1x1x8x128xf32, #tpu.memory_space<hbm>>
      %dma_start3A_1024 = tpu.memref_squeeze %dma_start3A_1023 : memref<1x1x1x8x128xf32, #tpu.memory_space<hbm>> -> memref<8x128xf32, #tpu.memory_space<hbm>>
      %dma_start3A_1025 = arith.constant 0 : i32
      %dma_start3A_1026 = arith.constant 0 : i32
      %dma_start3A_1027 = tpu.memref_slice %arg5[%add3A_881, %dma_start3A_1017, %add3A, %dma_start3A_1025, %dma_start3A_1026] : memref<200x8x32x8x128xf32, #tpu.memory_space<hbm>> -> memref<1x1x1x8x128xf32, #tpu.memory_space<hbm>>
      %dma_start3A_1028 = tpu.memref_squeeze %dma_start3A_1027 : memref<1x1x1x8x128xf32, #tpu.memory_space<hbm>> -> memref<8x128xf32, #tpu.memory_space<hbm>>
      %dma_start3A_1029 = arith.constant 56 : i32
      %dma_start3A_1030 = arith.constant 0 : i32
      %dma_start3A_1031 = tpu.memref_slice %arg14[%dma_start3A_1029, %dma_start3A_1030] : memref<64x129xf32, #tpu.memory_space<vmem>> -> memref<8x128xf32, #tpu.memory_space<vmem>>
      tpu.enqueue_dma source(%dma_start3A_1031 : memref<8x128xf32, #tpu.memory_space<vmem>>) target(%dma_start3A_1028 : memref<8x128xf32, #tpu.memory_space<hbm>>) target_semaphore(%arg22 : memref<!tpu.dma_semaphore, #tpu.memory_space<semaphore_mem>>)
      %add3A_1032 = arith.constant 3 : i32
      %add3A_1033 = arith.addi %add3A_579, %add3A_1032 : i32
      %add3A_1034 = arith.constant 2 : i32
      %add3A_1035 = arith.addi %add3A_1033, %add3A_1034 : i32
      %lt3A_1036 = arith.constant 200 : i32
      %lt3A_1037 = arith.cmpi slt, %add3A_1035, %lt3A_1036 : i32
      %convert_element_type3A_1038 = arith.extui %lt3A_1037 : i1 to i32
      %cond3A_1039 = arith.constant 0 : i32
      %cond3A_1040 = arith.cmpi ne, %convert_element_type3A_1038, %cond3A_1039 : i32
      scf.if %cond3A_1040 {
        %ge3A = arith.constant 4 : i32
        %ge3A_1184 = arith.cmpi sge, %add3A_1035, %ge3A : i32
        %convert_element_type3A_1185 = arith.extui %ge3A_1184 : i1 to i32
        %cond3A_1186 = arith.constant 0 : i32
        %cond3A_1187 = arith.cmpi ne, %convert_element_type3A_1185, %cond3A_1186 : i32
        scf.if %cond3A_1187 {
          %dma_wait3A_1194 = arith.constant 0 : i32
          %dma_wait3A_1195 = arith.constant 0 : i32
          %dma_wait3A_1196 = arith.constant 0 : i32
          %dma_wait3A_1197 = arith.constant 0 : i32
          %dma_wait3A_1198 = arith.constant 0 : i32
          %dma_wait3A_1199 = tpu.memref_slice %arg13[%dma_wait3A_1197, %dma_wait3A_1198] : memref<64x129xf32, #tpu.memory_space<vmem>> -> memref<8x128xf32, #tpu.memory_space<vmem>>
          %dma_wait3A_1200 = arith.constant 0 : i32
          %dma_wait3A_1201 = arith.constant 0 : i32
          %dma_wait3A_1202 = tpu.memref_slice %arg5[%dma_wait3A_1194, %dma_wait3A_1195, %dma_wait3A_1196, %dma_wait3A_1200, %dma_wait3A_1201] : memref<200x8x32x8x128xf32, #tpu.memory_space<hbm>> -> memref<1x1x1x8x128xf32, #tpu.memory_space<hbm>>
          %dma_wait3A_1203 = tpu.memref_squeeze %dma_wait3A_1202 : memref<1x1x1x8x128xf32, #tpu.memory_space<hbm>> -> memref<8x128xf32, #tpu.memory_space<hbm>>
          %dma_wait3A_1204 = arith.constant 0 : i32
          %dma_wait3A_1205 = arith.constant 0 : i32
          %dma_wait3A_1206 = tpu.memref_slice %arg13[%dma_wait3A_1204, %dma_wait3A_1205] : memref<64x129xf32, #tpu.memory_space<vmem>> -> memref<8x128xf32, #tpu.memory_space<vmem>>
          %dma_wait3A_1207 = arith.constant 0 : i32
          %dma_wait3A_1208 = arith.constant 0 : i32
          %dma_wait3A_1209 = tpu.memref_slice %arg5[%dma_wait3A_1194, %dma_wait3A_1195, %dma_wait3A_1196, %dma_wait3A_1207, %dma_wait3A_1208] : memref<200x8x32x8x128xf32, #tpu.memory_space<hbm>> -> memref<1x1x1x8x128xf32, #tpu.memory_space<hbm>>
          %dma_wait3A_1210 = tpu.memref_squeeze %dma_wait3A_1209 : memref<1x1x1x8x128xf32, #tpu.memory_space<hbm>> -> memref<8x128xf32, #tpu.memory_space<hbm>>
          tpu.wait_dma2 semaphore(%arg21 : memref<!tpu.dma_semaphore, #tpu.memory_space<semaphore_mem>>) src(%dma_wait3A_1210 : memref<8x128xf32, #tpu.memory_space<hbm>>) dst(%dma_wait3A_1206 : memref<8x128xf32, #tpu.memory_space<vmem>>)
          %dma_wait3A_1211 = arith.constant 0 : i32
          %dma_wait3A_1212 = arith.constant 0 : i32
          %dma_wait3A_1213 = arith.constant 0 : i32
          %dma_wait3A_1214 = arith.constant 8 : i32
          %dma_wait3A_1215 = arith.constant 0 : i32
          %dma_wait3A_1216 = tpu.memref_slice %arg13[%dma_wait3A_1214, %dma_wait3A_1215] : memref<64x129xf32, #tpu.memory_space<vmem>> -> memref<8x128xf32, #tpu.memory_space<vmem>>
          %dma_wait3A_1217 = arith.constant 0 : i32
          %dma_wait3A_1218 = arith.constant 0 : i32
          %dma_wait3A_1219 = tpu.memref_slice %arg5[%dma_wait3A_1211, %dma_wait3A_1212, %dma_wait3A_1213, %dma_wait3A_1217, %dma_wait3A_1218] : memref<200x8x32x8x128xf32, #tpu.memory_space<hbm>> -> memref<1x1x1x8x128xf32, #tpu.memory_space<hbm>>
          %dma_wait3A_1220 = tpu.memref_squeeze %dma_wait3A_1219 : memref<1x1x1x8x128xf32, #tpu.memory_space<hbm>> -> memref<8x128xf32, #tpu.memory_space<hbm>>
          %dma_wait3A_1221 = arith.constant 8 : i32
          %dma_wait3A_1222 = arith.constant 0 : i32
          %dma_wait3A_1223 = tpu.memref_slice %arg13[%dma_wait3A_1221, %dma_wait3A_1222] : memref<64x129xf32, #tpu.memory_space<vmem>> -> memref<8x128xf32, #tpu.memory_space<vmem>>
          %dma_wait3A_1224 = arith.constant 0 : i32
          %dma_wait3A_1225 = arith.constant 0 : i32
          %dma_wait3A_1226 = tpu.memref_slice %arg5[%dma_wait3A_1211, %dma_wait3A_1212, %dma_wait3A_1213, %dma_wait3A_1224, %dma_wait3A_1225] : memref<200x8x32x8x128xf32, #tpu.memory_space<hbm>> -> memref<1x1x1x8x128xf32, #tpu.memory_space<hbm>>
          %dma_wait3A_1227 = tpu.memref_squeeze %dma_wait3A_1226 : memref<1x1x1x8x128xf32, #tpu.memory_space<hbm>> -> memref<8x128xf32, #tpu.memory_space<hbm>>
          tpu.wait_dma2 semaphore(%arg21 : memref<!tpu.dma_semaphore, #tpu.memory_space<semaphore_mem>>) src(%dma_wait3A_1227 : memref<8x128xf32, #tpu.memory_space<hbm>>) dst(%dma_wait3A_1223 : memref<8x128xf32, #tpu.memory_space<vmem>>)
          %dma_wait3A_1228 = arith.constant 0 : i32
          %dma_wait3A_1229 = arith.constant 0 : i32
          %dma_wait3A_1230 = arith.constant 0 : i32
          %dma_wait3A_1231 = arith.constant 16 : i32
          %dma_wait3A_1232 = arith.constant 0 : i32
          %dma_wait3A_1233 = tpu.memref_slice %arg13[%dma_wait3A_1231, %dma_wait3A_1232] : memref<64x129xf32, #tpu.memory_space<vmem>> -> memref<8x128xf32, #tpu.memory_space<vmem>>
          %dma_wait3A_1234 = arith.constant 0 : i32
          %dma_wait3A_1235 = arith.constant 0 : i32
          %dma_wait3A_1236 = tpu.memref_slice %arg5[%dma_wait3A_1228, %dma_wait3A_1229, %dma_wait3A_1230, %dma_wait3A_1234, %dma_wait3A_1235] : memref<200x8x32x8x128xf32, #tpu.memory_space<hbm>> -> memref<1x1x1x8x128xf32, #tpu.memory_space<hbm>>
          %dma_wait3A_1237 = tpu.memref_squeeze %dma_wait3A_1236 : memref<1x1x1x8x128xf32, #tpu.memory_space<hbm>> -> memref<8x128xf32, #tpu.memory_space<hbm>>
          %dma_wait3A_1238 = arith.constant 16 : i32
          %dma_wait3A_1239 = arith.constant 0 : i32
          %dma_wait3A_1240 = tpu.memref_slice %arg13[%dma_wait3A_1238, %dma_wait3A_1239] : memref<64x129xf32, #tpu.memory_space<vmem>> -> memref<8x128xf32, #tpu.memory_space<vmem>>
          %dma_wait3A_1241 = arith.constant 0 : i32
          %dma_wait3A_1242 = arith.constant 0 : i32
          %dma_wait3A_1243 = tpu.memref_slice %arg5[%dma_wait3A_1228, %dma_wait3A_1229, %dma_wait3A_1230, %dma_wait3A_1241, %dma_wait3A_1242] : memref<200x8x32x8x128xf32, #tpu.memory_space<hbm>> -> memref<1x1x1x8x128xf32, #tpu.memory_space<hbm>>
          %dma_wait3A_1244 = tpu.memref_squeeze %dma_wait3A_1243 : memref<1x1x1x8x128xf32, #tpu.memory_space<hbm>> -> memref<8x128xf32, #tpu.memory_space<hbm>>
          tpu.wait_dma2 semaphore(%arg21 : memref<!tpu.dma_semaphore, #tpu.memory_space<semaphore_mem>>) src(%dma_wait3A_1244 : memref<8x128xf32, #tpu.memory_space<hbm>>) dst(%dma_wait3A_1240 : memref<8x128xf32, #tpu.memory_space<vmem>>)
          %dma_wait3A_1245 = arith.constant 0 : i32
          %dma_wait3A_1246 = arith.constant 0 : i32
          %dma_wait3A_1247 = arith.constant 0 : i32
          %dma_wait3A_1248 = arith.constant 24 : i32
          %dma_wait3A_1249 = arith.constant 0 : i32
          %dma_wait3A_1250 = tpu.memref_slice %arg13[%dma_wait3A_1248, %dma_wait3A_1249] : memref<64x129xf32, #tpu.memory_space<vmem>> -> memref<8x128xf32, #tpu.memory_space<vmem>>
          %dma_wait3A_1251 = arith.constant 0 : i32
          %dma_wait3A_1252 = arith.constant 0 : i32
          %dma_wait3A_1253 = tpu.memref_slice %arg5[%dma_wait3A_1245, %dma_wait3A_1246, %dma_wait3A_1247, %dma_wait3A_1251, %dma_wait3A_1252] : memref<200x8x32x8x128xf32, #tpu.memory_space<hbm>> -> memref<1x1x1x8x128xf32, #tpu.memory_space<hbm>>
          %dma_wait3A_1254 = tpu.memref_squeeze %dma_wait3A_1253 : memref<1x1x1x8x128xf32, #tpu.memory_space<hbm>> -> memref<8x128xf32, #tpu.memory_space<hbm>>
          %dma_wait3A_1255 = arith.constant 24 : i32
          %dma_wait3A_1256 = arith.constant 0 : i32
          %dma_wait3A_1257 = tpu.memref_slice %arg13[%dma_wait3A_1255, %dma_wait3A_1256] : memref<64x129xf32, #tpu.memory_space<vmem>> -> memref<8x128xf32, #tpu.memory_space<vmem>>
          %dma_wait3A_1258 = arith.constant 0 : i32
          %dma_wait3A_1259 = arith.constant 0 : i32
          %dma_wait3A_1260 = tpu.memref_slice %arg5[%dma_wait3A_1245, %dma_wait3A_1246, %dma_wait3A_1247, %dma_wait3A_1258, %dma_wait3A_1259] : memref<200x8x32x8x128xf32, #tpu.memory_space<hbm>> -> memref<1x1x1x8x128xf32, #tpu.memory_space<hbm>>
          %dma_wait3A_1261 = tpu.memref_squeeze %dma_wait3A_1260 : memref<1x1x1x8x128xf32, #tpu.memory_space<hbm>> -> memref<8x128xf32, #tpu.memory_space<hbm>>
          tpu.wait_dma2 semaphore(%arg21 : memref<!tpu.dma_semaphore, #tpu.memory_space<semaphore_mem>>) src(%dma_wait3A_1261 : memref<8x128xf32, #tpu.memory_space<hbm>>) dst(%dma_wait3A_1257 : memref<8x128xf32, #tpu.memory_space<vmem>>)
          %dma_wait3A_1262 = arith.constant 0 : i32
          %dma_wait3A_1263 = arith.constant 0 : i32
          %dma_wait3A_1264 = arith.constant 0 : i32
          %dma_wait3A_1265 = arith.constant 32 : i32
          %dma_wait3A_1266 = arith.constant 0 : i32
          %dma_wait3A_1267 = tpu.memref_slice %arg13[%dma_wait3A_1265, %dma_wait3A_1266] : memref<64x129xf32, #tpu.memory_space<vmem>> -> memref<8x128xf32, #tpu.memory_space<vmem>>
          %dma_wait3A_1268 = arith.constant 0 : i32
          %dma_wait3A_1269 = arith.constant 0 : i32
          %dma_wait3A_1270 = tpu.memref_slice %arg5[%dma_wait3A_1262, %dma_wait3A_1263, %dma_wait3A_1264, %dma_wait3A_1268, %dma_wait3A_1269] : memref<200x8x32x8x128xf32, #tpu.memory_space<hbm>> -> memref<1x1x1x8x128xf32, #tpu.memory_space<hbm>>
          %dma_wait3A_1271 = tpu.memref_squeeze %dma_wait3A_1270 : memref<1x1x1x8x128xf32, #tpu.memory_space<hbm>> -> memref<8x128xf32, #tpu.memory_space<hbm>>
          %dma_wait3A_1272 = arith.constant 32 : i32
          %dma_wait3A_1273 = arith.constant 0 : i32
          %dma_wait3A_1274 = tpu.memref_slice %arg13[%dma_wait3A_1272, %dma_wait3A_1273] : memref<64x129xf32, #tpu.memory_space<vmem>> -> memref<8x128xf32, #tpu.memory_space<vmem>>
          %dma_wait3A_1275 = arith.constant 0 : i32
          %dma_wait3A_1276 = arith.constant 0 : i32
          %dma_wait3A_1277 = tpu.memref_slice %arg5[%dma_wait3A_1262, %dma_wait3A_1263, %dma_wait3A_1264, %dma_wait3A_1275, %dma_wait3A_1276] : memref<200x8x32x8x128xf32, #tpu.memory_space<hbm>> -> memref<1x1x1x8x128xf32, #tpu.memory_space<hbm>>
          %dma_wait3A_1278 = tpu.memref_squeeze %dma_wait3A_1277 : memref<1x1x1x8x128xf32, #tpu.memory_space<hbm>> -> memref<8x128xf32, #tpu.memory_space<hbm>>
          tpu.wait_dma2 semaphore(%arg21 : memref<!tpu.dma_semaphore, #tpu.memory_space<semaphore_mem>>) src(%dma_wait3A_1278 : memref<8x128xf32, #tpu.memory_space<hbm>>) dst(%dma_wait3A_1274 : memref<8x128xf32, #tpu.memory_space<vmem>>)
          %dma_wait3A_1279 = arith.constant 0 : i32
          %dma_wait3A_1280 = arith.constant 0 : i32
          %dma_wait3A_1281 = arith.constant 0 : i32
          %dma_wait3A_1282 = arith.constant 40 : i32
          %dma_wait3A_1283 = arith.constant 0 : i32
          %dma_wait3A_1284 = tpu.memref_slice %arg13[%dma_wait3A_1282, %dma_wait3A_1283] : memref<64x129xf32, #tpu.memory_space<vmem>> -> memref<8x128xf32, #tpu.memory_space<vmem>>
          %dma_wait3A_1285 = arith.constant 0 : i32
          %dma_wait3A_1286 = arith.constant 0 : i32
          %dma_wait3A_1287 = tpu.memref_slice %arg5[%dma_wait3A_1279, %dma_wait3A_1280, %dma_wait3A_1281, %dma_wait3A_1285, %dma_wait3A_1286] : memref<200x8x32x8x128xf32, #tpu.memory_space<hbm>> -> memref<1x1x1x8x128xf32, #tpu.memory_space<hbm>>
          %dma_wait3A_1288 = tpu.memref_squeeze %dma_wait3A_1287 : memref<1x1x1x8x128xf32, #tpu.memory_space<hbm>> -> memref<8x128xf32, #tpu.memory_space<hbm>>
          %dma_wait3A_1289 = arith.constant 40 : i32
          %dma_wait3A_1290 = arith.constant 0 : i32
          %dma_wait3A_1291 = tpu.memref_slice %arg13[%dma_wait3A_1289, %dma_wait3A_1290] : memref<64x129xf32, #tpu.memory_space<vmem>> -> memref<8x128xf32, #tpu.memory_space<vmem>>
          %dma_wait3A_1292 = arith.constant 0 : i32
          %dma_wait3A_1293 = arith.constant 0 : i32
          %dma_wait3A_1294 = tpu.memref_slice %arg5[%dma_wait3A_1279, %dma_wait3A_1280, %dma_wait3A_1281, %dma_wait3A_1292, %dma_wait3A_1293] : memref<200x8x32x8x128xf32, #tpu.memory_space<hbm>> -> memref<1x1x1x8x128xf32, #tpu.memory_space<hbm>>
          %dma_wait3A_1295 = tpu.memref_squeeze %dma_wait3A_1294 : memref<1x1x1x8x128xf32, #tpu.memory_space<hbm>> -> memref<8x128xf32, #tpu.memory_space<hbm>>
          tpu.wait_dma2 semaphore(%arg21 : memref<!tpu.dma_semaphore, #tpu.memory_space<semaphore_mem>>) src(%dma_wait3A_1295 : memref<8x128xf32, #tpu.memory_space<hbm>>) dst(%dma_wait3A_1291 : memref<8x128xf32, #tpu.memory_space<vmem>>)
          %dma_wait3A_1296 = arith.constant 0 : i32
          %dma_wait3A_1297 = arith.constant 0 : i32
          %dma_wait3A_1298 = arith.constant 0 : i32
          %dma_wait3A_1299 = arith.constant 48 : i32
          %dma_wait3A_1300 = arith.constant 0 : i32
          %dma_wait3A_1301 = tpu.memref_slice %arg13[%dma_wait3A_1299, %dma_wait3A_1300] : memref<64x129xf32, #tpu.memory_space<vmem>> -> memref<8x128xf32, #tpu.memory_space<vmem>>
          %dma_wait3A_1302 = arith.constant 0 : i32
          %dma_wait3A_1303 = arith.constant 0 : i32
          %dma_wait3A_1304 = tpu.memref_slice %arg5[%dma_wait3A_1296, %dma_wait3A_1297, %dma_wait3A_1298, %dma_wait3A_1302, %dma_wait3A_1303] : memref<200x8x32x8x128xf32, #tpu.memory_space<hbm>> -> memref<1x1x1x8x128xf32, #tpu.memory_space<hbm>>
          %dma_wait3A_1305 = tpu.memref_squeeze %dma_wait3A_1304 : memref<1x1x1x8x128xf32, #tpu.memory_space<hbm>> -> memref<8x128xf32, #tpu.memory_space<hbm>>
          %dma_wait3A_1306 = arith.constant 48 : i32
          %dma_wait3A_1307 = arith.constant 0 : i32
          %dma_wait3A_1308 = tpu.memref_slice %arg13[%dma_wait3A_1306, %dma_wait3A_1307] : memref<64x129xf32, #tpu.memory_space<vmem>> -> memref<8x128xf32, #tpu.memory_space<vmem>>
          %dma_wait3A_1309 = arith.constant 0 : i32
          %dma_wait3A_1310 = arith.constant 0 : i32
          %dma_wait3A_1311 = tpu.memref_slice %arg5[%dma_wait3A_1296, %dma_wait3A_1297, %dma_wait3A_1298, %dma_wait3A_1309, %dma_wait3A_1310] : memref<200x8x32x8x128xf32, #tpu.memory_space<hbm>> -> memref<1x1x1x8x128xf32, #tpu.memory_space<hbm>>
          %dma_wait3A_1312 = tpu.memref_squeeze %dma_wait3A_1311 : memref<1x1x1x8x128xf32, #tpu.memory_space<hbm>> -> memref<8x128xf32, #tpu.memory_space<hbm>>
          tpu.wait_dma2 semaphore(%arg21 : memref<!tpu.dma_semaphore, #tpu.memory_space<semaphore_mem>>) src(%dma_wait3A_1312 : memref<8x128xf32, #tpu.memory_space<hbm>>) dst(%dma_wait3A_1308 : memref<8x128xf32, #tpu.memory_space<vmem>>)
          %dma_wait3A_1313 = arith.constant 0 : i32
          %dma_wait3A_1314 = arith.constant 0 : i32
          %dma_wait3A_1315 = arith.constant 0 : i32
          %dma_wait3A_1316 = arith.constant 56 : i32
          %dma_wait3A_1317 = arith.constant 0 : i32
          %dma_wait3A_1318 = tpu.memref_slice %arg13[%dma_wait3A_1316, %dma_wait3A_1317] : memref<64x129xf32, #tpu.memory_space<vmem>> -> memref<8x128xf32, #tpu.memory_space<vmem>>
          %dma_wait3A_1319 = arith.constant 0 : i32
          %dma_wait3A_1320 = arith.constant 0 : i32
          %dma_wait3A_1321 = tpu.memref_slice %arg5[%dma_wait3A_1313, %dma_wait3A_1314, %dma_wait3A_1315, %dma_wait3A_1319, %dma_wait3A_1320] : memref<200x8x32x8x128xf32, #tpu.memory_space<hbm>> -> memref<1x1x1x8x128xf32, #tpu.memory_space<hbm>>
          %dma_wait3A_1322 = tpu.memref_squeeze %dma_wait3A_1321 : memref<1x1x1x8x128xf32, #tpu.memory_space<hbm>> -> memref<8x128xf32, #tpu.memory_space<hbm>>
          %dma_wait3A_1323 = arith.constant 56 : i32
          %dma_wait3A_1324 = arith.constant 0 : i32
          %dma_wait3A_1325 = tpu.memref_slice %arg13[%dma_wait3A_1323, %dma_wait3A_1324] : memref<64x129xf32, #tpu.memory_space<vmem>> -> memref<8x128xf32, #tpu.memory_space<vmem>>
          %dma_wait3A_1326 = arith.constant 0 : i32
          %dma_wait3A_1327 = arith.constant 0 : i32
          %dma_wait3A_1328 = tpu.memref_slice %arg5[%dma_wait3A_1313, %dma_wait3A_1314, %dma_wait3A_1315, %dma_wait3A_1326, %dma_wait3A_1327] : memref<200x8x32x8x128xf32, #tpu.memory_space<hbm>> -> memref<1x1x1x8x128xf32, #tpu.memory_space<hbm>>
          %dma_wait3A_1329 = tpu.memref_squeeze %dma_wait3A_1328 : memref<1x1x1x8x128xf32, #tpu.memory_space<hbm>> -> memref<8x128xf32, #tpu.memory_space<hbm>>
          tpu.wait_dma2 semaphore(%arg21 : memref<!tpu.dma_semaphore, #tpu.memory_space<semaphore_mem>>) src(%dma_wait3A_1329 : memref<8x128xf32, #tpu.memory_space<hbm>>) dst(%dma_wait3A_1325 : memref<8x128xf32, #tpu.memory_space<vmem>>)
        } else {
        }
        %dma_start3A_1188 = arith.constant 0 : i32
        %dma_start3A_1189 = tpu.memref_slice %arg6[%add3A_1035, %dma_start3A_1188] : memref<200x128xi32, #tpu.memory_space<vmem>> -> memref<1x128xi32, #tpu.memory_space<vmem>>
        %dma_start3A_1190 = tpu.memref_squeeze %dma_start3A_1189 : memref<1x128xi32, #tpu.memory_space<vmem>> -> memref<128xi32, #tpu.memory_space<vmem>>
        %dma_start3A_1191 = arith.constant 0 : i32
        %dma_start3A_1192 = arith.constant 0 : i32
        %dma_start3A_1193 = tpu.memref_slice %arg4[%dma_start3A_1191, %dma_start3A_1192] : memref<1000000x64xf32, #tpu.memory_space<hbm>> -> memref<1000000x64xf32, #tpu.memory_space<hbm>>
        tpu.enqueue_indirect_dma source(%dma_start3A_1193 : memref<1000000x64xf32, #tpu.memory_space<hbm>>) target(%arg9 : memref<128x64xf32, #tpu.memory_space<vmem>>) offsets(%dma_start3A_1190 : memref<128xi32, #tpu.memory_space<vmem>>) semaphore(%arg17 : memref<!tpu.dma_semaphore, #tpu.memory_space<semaphore_mem>>)
      } else {
      }
      %dma_wait3A_1041 = arith.constant 0 : i32
      %dma_wait3A_1042 = arith.constant 0 : i32
      %dma_wait3A_1043 = tpu.memref_slice %arg4[%dma_wait3A_1041, %dma_wait3A_1042] : memref<1000000x64xf32, #tpu.memory_space<hbm>> -> memref<128x64xf32, #tpu.memory_space<hbm>>
      %dma_wait3A_1044 = arith.constant 0 : i32
      %dma_wait3A_1045 = arith.constant 0 : i32
      %dma_wait3A_1046 = tpu.memref_slice %arg4[%dma_wait3A_1044, %dma_wait3A_1045] : memref<1000000x64xf32, #tpu.memory_space<hbm>> -> memref<128x64xf32, #tpu.memory_space<hbm>>
      tpu.wait_dma2 semaphore(%arg19 : memref<!tpu.dma_semaphore, #tpu.memory_space<semaphore_mem>>) src(%dma_wait3A_1046 : memref<128x64xf32, #tpu.memory_space<hbm>>) dst(%arg11 : memref<128x64xf32, #tpu.memory_space<vmem>>)
      %get3A_1047 = arith.index_cast %add3A_1033 : i32 to index
      %get3A_1048 = arith.constant 0 : index
      %get3A_1049 = tpu.vector_load %arg7[%get3A_1047, %get3A_1048] {strides = array<i32>} : memref<200x64xf32, #tpu.memory_space<vmem>>, vector<16xf32>,
      %get3A_1050 = arith.index_cast %add3A_1033 : i32 to index
      %get3A_1051 = arith.constant 16 : index
      %get3A_1052 = tpu.vector_load %arg7[%get3A_1050, %get3A_1051] {strides = array<i32>} : memref<200x64xf32, #tpu.memory_space<vmem>>, vector<16xf32>,
      %get3A_1053 = arith.index_cast %add3A_1033 : i32 to index
      %get3A_1054 = arith.constant 32 : index
      %get3A_1055 = tpu.vector_load %arg7[%get3A_1053, %get3A_1054] {strides = array<i32>} : memref<200x64xf32, #tpu.memory_space<vmem>>, vector<16xf32>,
      %get3A_1056 = arith.index_cast %add3A_1033 : i32 to index
      %get3A_1057 = arith.constant 48 : index
      %get3A_1058 = tpu.vector_load %arg7[%get3A_1056, %get3A_1057] {strides = array<i32>} : memref<200x64xf32, #tpu.memory_space<vmem>>, vector<16xf32>,
      %scan3A_1059 = arith.constant 0 : i32
      %scan3A_1060 = arith.constant 128 : i32
      %scan3A_1061 = arith.addi %scan3A_1059, %scan3A_1060 : i32
      %scan3A_1062 = arith.constant 8 : i32
      scf.for %scan3A_1184 = %scan3A_1059 to %scan3A_1061 step %scan3A_1062  : i32 {
        %mul3A_1185 = arith.constant 1 : i32
        %mul3A_1186 = arith.muli %scan3A_1184, %mul3A_1185 : i32
        %add3A_1187 = arith.constant 0 : i32
        %add3A_1188 = arith.addi %add3A_1187, %mul3A_1186 : i32
        %broadcast_in_dim3A = vector.broadcast %add3A_1188 : i32 to vector<16xi32>
        %get3A_1189 = arith.index_cast %add3A_1188 : i32 to index
        %get3A_1190 = arith.constant 0 : index
        %get3A_1191 = tpu.vector_load %arg11[%get3A_1189, %get3A_1190] {strides = array<i32>} : memref<128x64xf32, #tpu.memory_space<vmem>>, vector<16xf32>,
        %add3A_1192 = arith.addf %get3A_1191, %get3A_1049 : vector<16xf32>
        tpu.vector_store_idx %arg15[%add3A_5, %broadcast_in_dim3A], %add3A_1192 : memref<64x129xf32, #tpu.memory_space<vmem>>[vector<16xi32>, vector<16xi32>], vector<16xf32>,
        %get3A_1193 = arith.index_cast %add3A_1188 : i32 to index
        %get3A_1194 = arith.constant 16 : index
        %get3A_1195 = tpu.vector_load %arg11[%get3A_1193, %get3A_1194] {strides = array<i32>} : memref<128x64xf32, #tpu.memory_space<vmem>>, vector<16xf32>,
        %add3A_1196 = arith.addf %get3A_1195, %get3A_1052 : vector<16xf32>
        tpu.vector_store_idx %arg15[%add3A_8, %broadcast_in_dim3A], %add3A_1196 : memref<64x129xf32, #tpu.memory_space<vmem>>[vector<16xi32>, vector<16xi32>], vector<16xf32>,
        %get3A_1197 = arith.index_cast %add3A_1188 : i32 to index
        %get3A_1198 = arith.constant 32 : index
        %get3A_1199 = tpu.vector_load %arg11[%get3A_1197, %get3A_1198] {strides = array<i32>} : memref<128x64xf32, #tpu.memory_space<vmem>>, vector<16xf32>,
        %add3A_1200 = arith.addf %get3A_1199, %get3A_1055 : vector<16xf32>
        tpu.vector_store_idx %arg15[%add3A_11, %broadcast_in_dim3A], %add3A_1200 : memref<64x129xf32, #tpu.memory_space<vmem>>[vector<16xi32>, vector<16xi32>], vector<16xf32>,
        %get3A_1201 = arith.index_cast %add3A_1188 : i32 to index
        %get3A_1202 = arith.constant 48 : index
        %get3A_1203 = tpu.vector_load %arg11[%get3A_1201, %get3A_1202] {strides = array<i32>} : memref<128x64xf32, #tpu.memory_space<vmem>>, vector<16xf32>,
        %add3A_1204 = arith.addf %get3A_1203, %get3A_1058 : vector<16xf32>
        tpu.vector_store_idx %arg15[%add3A_14, %broadcast_in_dim3A], %add3A_1204 : memref<64x129xf32, #tpu.memory_space<vmem>>[vector<16xi32>, vector<16xi32>], vector<16xf32>,
        %scan3A_1205 = arith.constant 1 : i32
        %scan3A_1206 = arith.addi %scan3A_1184, %scan3A_1205 : i32
        %mul3A_1207 = arith.constant 1 : i32
        %mul3A_1208 = arith.muli %scan3A_1206, %mul3A_1207 : i32
        %add3A_1209 = arith.constant 0 : i32
        %add3A_1210 = arith.addi %add3A_1209, %mul3A_1208 : i32
        %broadcast_in_dim3A_1211 = vector.broadcast %add3A_1210 : i32 to vector<16xi32>
        %get3A_1212 = arith.index_cast %add3A_1210 : i32 to index
        %get3A_1213 = arith.constant 0 : index
        %get3A_1214 = tpu.vector_load %arg11[%get3A_1212, %get3A_1213] {strides = array<i32>} : memref<128x64xf32, #tpu.memory_space<vmem>>, vector<16xf32>,
        %add3A_1215 = arith.addf %get3A_1214, %get3A_1049 : vector<16xf32>
        tpu.vector_store_idx %arg15[%add3A_5, %broadcast_in_dim3A_1211], %add3A_1215 : memref<64x129xf32, #tpu.memory_space<vmem>>[vector<16xi32>, vector<16xi32>], vector<16xf32>,
        %get3A_1216 = arith.index_cast %add3A_1210 : i32 to index
        %get3A_1217 = arith.constant 16 : index
        %get3A_1218 = tpu.vector_load %arg11[%get3A_1216, %get3A_1217] {strides = array<i32>} : memref<128x64xf32, #tpu.memory_space<vmem>>, vector<16xf32>,
        %add3A_1219 = arith.addf %get3A_1218, %get3A_1052 : vector<16xf32>
        tpu.vector_store_idx %arg15[%add3A_8, %broadcast_in_dim3A_1211], %add3A_1219 : memref<64x129xf32, #tpu.memory_space<vmem>>[vector<16xi32>, vector<16xi32>], vector<16xf32>,
        %get3A_1220 = arith.index_cast %add3A_1210 : i32 to index
        %get3A_1221 = arith.constant 32 : index
        %get3A_1222 = tpu.vector_load %arg11[%get3A_1220, %get3A_1221] {strides = array<i32>} : memref<128x64xf32, #tpu.memory_space<vmem>>, vector<16xf32>,
        %add3A_1223 = arith.addf %get3A_1222, %get3A_1055 : vector<16xf32>
        tpu.vector_store_idx %arg15[%add3A_11, %broadcast_in_dim3A_1211], %add3A_1223 : memref<64x129xf32, #tpu.memory_space<vmem>>[vector<16xi32>, vector<16xi32>], vector<16xf32>,
        %get3A_1224 = arith.index_cast %add3A_1210 : i32 to index
        %get3A_1225 = arith.constant 48 : index
        %get3A_1226 = tpu.vector_load %arg11[%get3A_1224, %get3A_1225] {strides = array<i32>} : memref<128x64xf32, #tpu.memory_space<vmem>>, vector<16xf32>,
        %add3A_1227 = arith.addf %get3A_1226, %get3A_1058 : vector<16xf32>
        tpu.vector_store_idx %arg15[%add3A_14, %broadcast_in_dim3A_1211], %add3A_1227 : memref<64x129xf32, #tpu.memory_space<vmem>>[vector<16xi32>, vector<16xi32>], vector<16xf32>,
        %scan3A_1228 = arith.constant 2 : i32
        %scan3A_1229 = arith.addi %scan3A_1184, %scan3A_1228 : i32
        %mul3A_1230 = arith.constant 1 : i32
        %mul3A_1231 = arith.muli %scan3A_1229, %mul3A_1230 : i32
        %add3A_1232 = arith.constant 0 : i32
        %add3A_1233 = arith.addi %add3A_1232, %mul3A_1231 : i32
        %broadcast_in_dim3A_1234 = vector.broadcast %add3A_1233 : i32 to vector<16xi32>
        %get3A_1235 = arith.index_cast %add3A_1233 : i32 to index
        %get3A_1236 = arith.constant 0 : index
        %get3A_1237 = tpu.vector_load %arg11[%get3A_1235, %get3A_1236] {strides = array<i32>} : memref<128x64xf32, #tpu.memory_space<vmem>>, vector<16xf32>,
        %add3A_1238 = arith.addf %get3A_1237, %get3A_1049 : vector<16xf32>
        tpu.vector_store_idx %arg15[%add3A_5, %broadcast_in_dim3A_1234], %add3A_1238 : memref<64x129xf32, #tpu.memory_space<vmem>>[vector<16xi32>, vector<16xi32>], vector<16xf32>,
        %get3A_1239 = arith.index_cast %add3A_1233 : i32 to index
        %get3A_1240 = arith.constant 16 : index
        %get3A_1241 = tpu.vector_load %arg11[%get3A_1239, %get3A_1240] {strides = array<i32>} : memref<128x64xf32, #tpu.memory_space<vmem>>, vector<16xf32>,
        %add3A_1242 = arith.addf %get3A_1241, %get3A_1052 : vector<16xf32>
        tpu.vector_store_idx %arg15[%add3A_8, %broadcast_in_dim3A_1234], %add3A_1242 : memref<64x129xf32, #tpu.memory_space<vmem>>[vector<16xi32>, vector<16xi32>], vector<16xf32>,
        %get3A_1243 = arith.index_cast %add3A_1233 : i32 to index
        %get3A_1244 = arith.constant 32 : index
        %get3A_1245 = tpu.vector_load %arg11[%get3A_1243, %get3A_1244] {strides = array<i32>} : memref<128x64xf32, #tpu.memory_space<vmem>>, vector<16xf32>,
        %add3A_1246 = arith.addf %get3A_1245, %get3A_1055 : vector<16xf32>
        tpu.vector_store_idx %arg15[%add3A_11, %broadcast_in_dim3A_1234], %add3A_1246 : memref<64x129xf32, #tpu.memory_space<vmem>>[vector<16xi32>, vector<16xi32>], vector<16xf32>,
        %get3A_1247 = arith.index_cast %add3A_1233 : i32 to index
        %get3A_1248 = arith.constant 48 : index
        %get3A_1249 = tpu.vector_load %arg11[%get3A_1247, %get3A_1248] {strides = array<i32>} : memref<128x64xf32, #tpu.memory_space<vmem>>, vector<16xf32>,
        %add3A_1250 = arith.addf %get3A_1249, %get3A_1058 : vector<16xf32>
        tpu.vector_store_idx %arg15[%add3A_14, %broadcast_in_dim3A_1234], %add3A_1250 : memref<64x129xf32, #tpu.memory_space<vmem>>[vector<16xi32>, vector<16xi32>], vector<16xf32>,
        %scan3A_1251 = arith.constant 3 : i32
        %scan3A_1252 = arith.addi %scan3A_1184, %scan3A_1251 : i32
        %mul3A_1253 = arith.constant 1 : i32
        %mul3A_1254 = arith.muli %scan3A_1252, %mul3A_1253 : i32
        %add3A_1255 = arith.constant 0 : i32
        %add3A_1256 = arith.addi %add3A_1255, %mul3A_1254 : i32
        %broadcast_in_dim3A_1257 = vector.broadcast %add3A_1256 : i32 to vector<16xi32>
        %get3A_1258 = arith.index_cast %add3A_1256 : i32 to index
        %get3A_1259 = arith.constant 0 : index
        %get3A_1260 = tpu.vector_load %arg11[%get3A_1258, %get3A_1259] {strides = array<i32>} : memref<128x64xf32, #tpu.memory_space<vmem>>, vector<16xf32>,
        %add3A_1261 = arith.addf %get3A_1260, %get3A_1049 : vector<16xf32>
        tpu.vector_store_idx %arg15[%add3A_5, %broadcast_in_dim3A_1257], %add3A_1261 : memref<64x129xf32, #tpu.memory_space<vmem>>[vector<16xi32>, vector<16xi32>], vector<16xf32>,
        %get3A_1262 = arith.index_cast %add3A_1256 : i32 to index
        %get3A_1263 = arith.constant 16 : index
        %get3A_1264 = tpu.vector_load %arg11[%get3A_1262, %get3A_1263] {strides = array<i32>} : memref<128x64xf32, #tpu.memory_space<vmem>>, vector<16xf32>,
        %add3A_1265 = arith.addf %get3A_1264, %get3A_1052 : vector<16xf32>
        tpu.vector_store_idx %arg15[%add3A_8, %broadcast_in_dim3A_1257], %add3A_1265 : memref<64x129xf32, #tpu.memory_space<vmem>>[vector<16xi32>, vector<16xi32>], vector<16xf32>,
        %get3A_1266 = arith.index_cast %add3A_1256 : i32 to index
        %get3A_1267 = arith.constant 32 : index
        %get3A_1268 = tpu.vector_load %arg11[%get3A_1266, %get3A_1267] {strides = array<i32>} : memref<128x64xf32, #tpu.memory_space<vmem>>, vector<16xf32>,
        %add3A_1269 = arith.addf %get3A_1268, %get3A_1055 : vector<16xf32>
        tpu.vector_store_idx %arg15[%add3A_11, %broadcast_in_dim3A_1257], %add3A_1269 : memref<64x129xf32, #tpu.memory_space<vmem>>[vector<16xi32>, vector<16xi32>], vector<16xf32>,
        %get3A_1270 = arith.index_cast %add3A_1256 : i32 to index
        %get3A_1271 = arith.constant 48 : index
        %get3A_1272 = tpu.vector_load %arg11[%get3A_1270, %get3A_1271] {strides = array<i32>} : memref<128x64xf32, #tpu.memory_space<vmem>>, vector<16xf32>,
        %add3A_1273 = arith.addf %get3A_1272, %get3A_1058 : vector<16xf32>
        tpu.vector_store_idx %arg15[%add3A_14, %broadcast_in_dim3A_1257], %add3A_1273 : memref<64x129xf32, #tpu.memory_space<vmem>>[vector<16xi32>, vector<16xi32>], vector<16xf32>,
        %scan3A_1274 = arith.constant 4 : i32
        %scan3A_1275 = arith.addi %scan3A_1184, %scan3A_1274 : i32
        %mul3A_1276 = arith.constant 1 : i32
        %mul3A_1277 = arith.muli %scan3A_1275, %mul3A_1276 : i32
        %add3A_1278 = arith.constant 0 : i32
        %add3A_1279 = arith.addi %add3A_1278, %mul3A_1277 : i32
        %broadcast_in_dim3A_1280 = vector.broadcast %add3A_1279 : i32 to vector<16xi32>
        %get3A_1281 = arith.index_cast %add3A_1279 : i32 to index
        %get3A_1282 = arith.constant 0 : index
        %get3A_1283 = tpu.vector_load %arg11[%get3A_1281, %get3A_1282] {strides = array<i32>} : memref<128x64xf32, #tpu.memory_space<vmem>>, vector<16xf32>,
        %add3A_1284 = arith.addf %get3A_1283, %get3A_1049 : vector<16xf32>
        tpu.vector_store_idx %arg15[%add3A_5, %broadcast_in_dim3A_1280], %add3A_1284 : memref<64x129xf32, #tpu.memory_space<vmem>>[vector<16xi32>, vector<16xi32>], vector<16xf32>,
        %get3A_1285 = arith.index_cast %add3A_1279 : i32 to index
        %get3A_1286 = arith.constant 16 : index
        %get3A_1287 = tpu.vector_load %arg11[%get3A_1285, %get3A_1286] {strides = array<i32>} : memref<128x64xf32, #tpu.memory_space<vmem>>, vector<16xf32>,
        %add3A_1288 = arith.addf %get3A_1287, %get3A_1052 : vector<16xf32>
        tpu.vector_store_idx %arg15[%add3A_8, %broadcast_in_dim3A_1280], %add3A_1288 : memref<64x129xf32, #tpu.memory_space<vmem>>[vector<16xi32>, vector<16xi32>], vector<16xf32>,
        %get3A_1289 = arith.index_cast %add3A_1279 : i32 to index
        %get3A_1290 = arith.constant 32 : index
        %get3A_1291 = tpu.vector_load %arg11[%get3A_1289, %get3A_1290] {strides = array<i32>} : memref<128x64xf32, #tpu.memory_space<vmem>>, vector<16xf32>,
        %add3A_1292 = arith.addf %get3A_1291, %get3A_1055 : vector<16xf32>
        tpu.vector_store_idx %arg15[%add3A_11, %broadcast_in_dim3A_1280], %add3A_1292 : memref<64x129xf32, #tpu.memory_space<vmem>>[vector<16xi32>, vector<16xi32>], vector<16xf32>,
        %get3A_1293 = arith.index_cast %add3A_1279 : i32 to index
        %get3A_1294 = arith.constant 48 : index
        %get3A_1295 = tpu.vector_load %arg11[%get3A_1293, %get3A_1294] {strides = array<i32>} : memref<128x64xf32, #tpu.memory_space<vmem>>, vector<16xf32>,
        %add3A_1296 = arith.addf %get3A_1295, %get3A_1058 : vector<16xf32>
        tpu.vector_store_idx %arg15[%add3A_14, %broadcast_in_dim3A_1280], %add3A_1296 : memref<64x129xf32, #tpu.memory_space<vmem>>[vector<16xi32>, vector<16xi32>], vector<16xf32>,
        %scan3A_1297 = arith.constant 5 : i32
        %scan3A_1298 = arith.addi %scan3A_1184, %scan3A_1297 : i32
        %mul3A_1299 = arith.constant 1 : i32
        %mul3A_1300 = arith.muli %scan3A_1298, %mul3A_1299 : i32
        %add3A_1301 = arith.constant 0 : i32
        %add3A_1302 = arith.addi %add3A_1301, %mul3A_1300 : i32
        %broadcast_in_dim3A_1303 = vector.broadcast %add3A_1302 : i32 to vector<16xi32>
        %get3A_1304 = arith.index_cast %add3A_1302 : i32 to index
        %get3A_1305 = arith.constant 0 : index
        %get3A_1306 = tpu.vector_load %arg11[%get3A_1304, %get3A_1305] {strides = array<i32>} : memref<128x64xf32, #tpu.memory_space<vmem>>, vector<16xf32>,
        %add3A_1307 = arith.addf %get3A_1306, %get3A_1049 : vector<16xf32>
        tpu.vector_store_idx %arg15[%add3A_5, %broadcast_in_dim3A_1303], %add3A_1307 : memref<64x129xf32, #tpu.memory_space<vmem>>[vector<16xi32>, vector<16xi32>], vector<16xf32>,
        %get3A_1308 = arith.index_cast %add3A_1302 : i32 to index
        %get3A_1309 = arith.constant 16 : index
        %get3A_1310 = tpu.vector_load %arg11[%get3A_1308, %get3A_1309] {strides = array<i32>} : memref<128x64xf32, #tpu.memory_space<vmem>>, vector<16xf32>,
        %add3A_1311 = arith.addf %get3A_1310, %get3A_1052 : vector<16xf32>
        tpu.vector_store_idx %arg15[%add3A_8, %broadcast_in_dim3A_1303], %add3A_1311 : memref<64x129xf32, #tpu.memory_space<vmem>>[vector<16xi32>, vector<16xi32>], vector<16xf32>,
        %get3A_1312 = arith.index_cast %add3A_1302 : i32 to index
        %get3A_1313 = arith.constant 32 : index
        %get3A_1314 = tpu.vector_load %arg11[%get3A_1312, %get3A_1313] {strides = array<i32>} : memref<128x64xf32, #tpu.memory_space<vmem>>, vector<16xf32>,
        %add3A_1315 = arith.addf %get3A_1314, %get3A_1055 : vector<16xf32>
        tpu.vector_store_idx %arg15[%add3A_11, %broadcast_in_dim3A_1303], %add3A_1315 : memref<64x129xf32, #tpu.memory_space<vmem>>[vector<16xi32>, vector<16xi32>], vector<16xf32>,
        %get3A_1316 = arith.index_cast %add3A_1302 : i32 to index
        %get3A_1317 = arith.constant 48 : index
        %get3A_1318 = tpu.vector_load %arg11[%get3A_1316, %get3A_1317] {strides = array<i32>} : memref<128x64xf32, #tpu.memory_space<vmem>>, vector<16xf32>,
        %add3A_1319 = arith.addf %get3A_1318, %get3A_1058 : vector<16xf32>
        tpu.vector_store_idx %arg15[%add3A_14, %broadcast_in_dim3A_1303], %add3A_1319 : memref<64x129xf32, #tpu.memory_space<vmem>>[vector<16xi32>, vector<16xi32>], vector<16xf32>,
        %scan3A_1320 = arith.constant 6 : i32
        %scan3A_1321 = arith.addi %scan3A_1184, %scan3A_1320 : i32
        %mul3A_1322 = arith.constant 1 : i32
        %mul3A_1323 = arith.muli %scan3A_1321, %mul3A_1322 : i32
        %add3A_1324 = arith.constant 0 : i32
        %add3A_1325 = arith.addi %add3A_1324, %mul3A_1323 : i32
        %broadcast_in_dim3A_1326 = vector.broadcast %add3A_1325 : i32 to vector<16xi32>
        %get3A_1327 = arith.index_cast %add3A_1325 : i32 to index
        %get3A_1328 = arith.constant 0 : index
        %get3A_1329 = tpu.vector_load %arg11[%get3A_1327, %get3A_1328] {strides = array<i32>} : memref<128x64xf32, #tpu.memory_space<vmem>>, vector<16xf32>,
        %add3A_1330 = arith.addf %get3A_1329, %get3A_1049 : vector<16xf32>
        tpu.vector_store_idx %arg15[%add3A_5, %broadcast_in_dim3A_1326], %add3A_1330 : memref<64x129xf32, #tpu.memory_space<vmem>>[vector<16xi32>, vector<16xi32>], vector<16xf32>,
        %get3A_1331 = arith.index_cast %add3A_1325 : i32 to index
        %get3A_1332 = arith.constant 16 : index
        %get3A_1333 = tpu.vector_load %arg11[%get3A_1331, %get3A_1332] {strides = array<i32>} : memref<128x64xf32, #tpu.memory_space<vmem>>, vector<16xf32>,
        %add3A_1334 = arith.addf %get3A_1333, %get3A_1052 : vector<16xf32>
        tpu.vector_store_idx %arg15[%add3A_8, %broadcast_in_dim3A_1326], %add3A_1334 : memref<64x129xf32, #tpu.memory_space<vmem>>[vector<16xi32>, vector<16xi32>], vector<16xf32>,
        %get3A_1335 = arith.index_cast %add3A_1325 : i32 to index
        %get3A_1336 = arith.constant 32 : index
        %get3A_1337 = tpu.vector_load %arg11[%get3A_1335, %get3A_1336] {strides = array<i32>} : memref<128x64xf32, #tpu.memory_space<vmem>>, vector<16xf32>,
        %add3A_1338 = arith.addf %get3A_1337, %get3A_1055 : vector<16xf32>
        tpu.vector_store_idx %arg15[%add3A_11, %broadcast_in_dim3A_1326], %add3A_1338 : memref<64x129xf32, #tpu.memory_space<vmem>>[vector<16xi32>, vector<16xi32>], vector<16xf32>,
        %get3A_1339 = arith.index_cast %add3A_1325 : i32 to index
        %get3A_1340 = arith.constant 48 : index
        %get3A_1341 = tpu.vector_load %arg11[%get3A_1339, %get3A_1340] {strides = array<i32>} : memref<128x64xf32, #tpu.memory_space<vmem>>, vector<16xf32>,
        %add3A_1342 = arith.addf %get3A_1341, %get3A_1058 : vector<16xf32>
        tpu.vector_store_idx %arg15[%add3A_14, %broadcast_in_dim3A_1326], %add3A_1342 : memref<64x129xf32, #tpu.memory_space<vmem>>[vector<16xi32>, vector<16xi32>], vector<16xf32>,
        %scan3A_1343 = arith.constant 7 : i32
        %scan3A_1344 = arith.addi %scan3A_1184, %scan3A_1343 : i32
        %mul3A_1345 = arith.constant 1 : i32
        %mul3A_1346 = arith.muli %scan3A_1344, %mul3A_1345 : i32
        %add3A_1347 = arith.constant 0 : i32
        %add3A_1348 = arith.addi %add3A_1347, %mul3A_1346 : i32
        %broadcast_in_dim3A_1349 = vector.broadcast %add3A_1348 : i32 to vector<16xi32>
        %get3A_1350 = arith.index_cast %add3A_1348 : i32 to index
        %get3A_1351 = arith.constant 0 : index
        %get3A_1352 = tpu.vector_load %arg11[%get3A_1350, %get3A_1351] {strides = array<i32>} : memref<128x64xf32, #tpu.memory_space<vmem>>, vector<16xf32>,
        %add3A_1353 = arith.addf %get3A_1352, %get3A_1049 : vector<16xf32>
        tpu.vector_store_idx %arg15[%add3A_5, %broadcast_in_dim3A_1349], %add3A_1353 : memref<64x129xf32, #tpu.memory_space<vmem>>[vector<16xi32>, vector<16xi32>], vector<16xf32>,
        %get3A_1354 = arith.index_cast %add3A_1348 : i32 to index
        %get3A_1355 = arith.constant 16 : index
        %get3A_1356 = tpu.vector_load %arg11[%get3A_1354, %get3A_1355] {strides = array<i32>} : memref<128x64xf32, #tpu.memory_space<vmem>>, vector<16xf32>,
        %add3A_1357 = arith.addf %get3A_1356, %get3A_1052 : vector<16xf32>
        tpu.vector_store_idx %arg15[%add3A_8, %broadcast_in_dim3A_1349], %add3A_1357 : memref<64x129xf32, #tpu.memory_space<vmem>>[vector<16xi32>, vector<16xi32>], vector<16xf32>,
        %get3A_1358 = arith.index_cast %add3A_1348 : i32 to index
        %get3A_1359 = arith.constant 32 : index
        %get3A_1360 = tpu.vector_load %arg11[%get3A_1358, %get3A_1359] {strides = array<i32>} : memref<128x64xf32, #tpu.memory_space<vmem>>, vector<16xf32>,
        %add3A_1361 = arith.addf %get3A_1360, %get3A_1055 : vector<16xf32>
        tpu.vector_store_idx %arg15[%add3A_11, %broadcast_in_dim3A_1349], %add3A_1361 : memref<64x129xf32, #tpu.memory_space<vmem>>[vector<16xi32>, vector<16xi32>], vector<16xf32>,
        %get3A_1362 = arith.index_cast %add3A_1348 : i32 to index
        %get3A_1363 = arith.constant 48 : index
        %get3A_1364 = tpu.vector_load %arg11[%get3A_1362, %get3A_1363] {strides = array<i32>} : memref<128x64xf32, #tpu.memory_space<vmem>>, vector<16xf32>,
        %add3A_1365 = arith.addf %get3A_1364, %get3A_1058 : vector<16xf32>
        tpu.vector_store_idx %arg15[%add3A_14, %broadcast_in_dim3A_1349], %add3A_1365 : memref<64x129xf32, #tpu.memory_space<vmem>>[vector<16xi32>, vector<16xi32>], vector<16xf32>,
      }
      %scan3A_1063 = arith.constant 128 : i32
      %dma_start3A_1064 = arith.constant 0 : i32
      %dma_start3A_1065 = arith.constant 0 : i32
      %dma_start3A_1066 = arith.constant 0 : i32
      %dma_start3A_1067 = tpu.memref_slice %arg15[%dma_start3A_1065, %dma_start3A_1066] : memref<64x129xf32, #tpu.memory_space<vmem>> -> memref<8x128xf32, #tpu.memory_space<vmem>>
      %dma_start3A_1068 = arith.constant 0 : i32
      %dma_start3A_1069 = arith.constant 0 : i32
      %dma_start3A_1070 = tpu.memref_slice %arg5[%add3A_1033, %dma_start3A_1064, %add3A, %dma_start3A_1068, %dma_start3A_1069] : memref<200x8x32x8x128xf32, #tpu.memory_space<hbm>> -> memref<1x1x1x8x128xf32, #tpu.memory_space<hbm>>
      %dma_start3A_1071 = tpu.memref_squeeze %dma_start3A_1070 : memref<1x1x1x8x128xf32, #tpu.memory_space<hbm>> -> memref<8x128xf32, #tpu.memory_space<hbm>>
      %dma_start3A_1072 = arith.constant 0 : i32
      %dma_start3A_1073 = arith.constant 0 : i32
      %dma_start3A_1074 = tpu.memref_slice %arg5[%add3A_1033, %dma_start3A_1064, %add3A, %dma_start3A_1072, %dma_start3A_1073] : memref<200x8x32x8x128xf32, #tpu.memory_space<hbm>> -> memref<1x1x1x8x128xf32, #tpu.memory_space<hbm>>
      %dma_start3A_1075 = tpu.memref_squeeze %dma_start3A_1074 : memref<1x1x1x8x128xf32, #tpu.memory_space<hbm>> -> memref<8x128xf32, #tpu.memory_space<hbm>>
      %dma_start3A_1076 = arith.constant 0 : i32
      %dma_start3A_1077 = arith.constant 0 : i32
      %dma_start3A_1078 = tpu.memref_slice %arg15[%dma_start3A_1076, %dma_start3A_1077] : memref<64x129xf32, #tpu.memory_space<vmem>> -> memref<8x128xf32, #tpu.memory_space<vmem>>
      tpu.enqueue_dma source(%dma_start3A_1078 : memref<8x128xf32, #tpu.memory_space<vmem>>) target(%dma_start3A_1075 : memref<8x128xf32, #tpu.memory_space<hbm>>) target_semaphore(%arg23 : memref<!tpu.dma_semaphore, #tpu.memory_space<semaphore_mem>>)
      %dma_start3A_1079 = arith.constant 1 : i32
      %dma_start3A_1080 = arith.constant 8 : i32
      %dma_start3A_1081 = arith.constant 0 : i32
      %dma_start3A_1082 = tpu.memref_slice %arg15[%dma_start3A_1080, %dma_start3A_1081] : memref<64x129xf32, #tpu.memory_space<vmem>> -> memref<8x128xf32, #tpu.memory_space<vmem>>
      %dma_start3A_1083 = arith.constant 0 : i32
      %dma_start3A_1084 = arith.constant 0 : i32
      %dma_start3A_1085 = tpu.memref_slice %arg5[%add3A_1033, %dma_start3A_1079, %add3A, %dma_start3A_1083, %dma_start3A_1084] : memref<200x8x32x8x128xf32, #tpu.memory_space<hbm>> -> memref<1x1x1x8x128xf32, #tpu.memory_space<hbm>>
      %dma_start3A_1086 = tpu.memref_squeeze %dma_start3A_1085 : memref<1x1x1x8x128xf32, #tpu.memory_space<hbm>> -> memref<8x128xf32, #tpu.memory_space<hbm>>
      %dma_start3A_1087 = arith.constant 0 : i32
      %dma_start3A_1088 = arith.constant 0 : i32
      %dma_start3A_1089 = tpu.memref_slice %arg5[%add3A_1033, %dma_start3A_1079, %add3A, %dma_start3A_1087, %dma_start3A_1088] : memref<200x8x32x8x128xf32, #tpu.memory_space<hbm>> -> memref<1x1x1x8x128xf32, #tpu.memory_space<hbm>>
      %dma_start3A_1090 = tpu.memref_squeeze %dma_start3A_1089 : memref<1x1x1x8x128xf32, #tpu.memory_space<hbm>> -> memref<8x128xf32, #tpu.memory_space<hbm>>
      %dma_start3A_1091 = arith.constant 8 : i32
      %dma_start3A_1092 = arith.constant 0 : i32
      %dma_start3A_1093 = tpu.memref_slice %arg15[%dma_start3A_1091, %dma_start3A_1092] : memref<64x129xf32, #tpu.memory_space<vmem>> -> memref<8x128xf32, #tpu.memory_space<vmem>>
      tpu.enqueue_dma source(%dma_start3A_1093 : memref<8x128xf32, #tpu.memory_space<vmem>>) target(%dma_start3A_1090 : memref<8x128xf32, #tpu.memory_space<hbm>>) target_semaphore(%arg23 : memref<!tpu.dma_semaphore, #tpu.memory_space<semaphore_mem>>)
      %dma_start3A_1094 = arith.constant 2 : i32
      %dma_start3A_1095 = arith.constant 16 : i32
      %dma_start3A_1096 = arith.constant 0 : i32
      %dma_start3A_1097 = tpu.memref_slice %arg15[%dma_start3A_1095, %dma_start3A_1096] : memref<64x129xf32, #tpu.memory_space<vmem>> -> memref<8x128xf32, #tpu.memory_space<vmem>>
      %dma_start3A_1098 = arith.constant 0 : i32
      %dma_start3A_1099 = arith.constant 0 : i32
      %dma_start3A_1100 = tpu.memref_slice %arg5[%add3A_1033, %dma_start3A_1094, %add3A, %dma_start3A_1098, %dma_start3A_1099] : memref<200x8x32x8x128xf32, #tpu.memory_space<hbm>> -> memref<1x1x1x8x128xf32, #tpu.memory_space<hbm>>
      %dma_start3A_1101 = tpu.memref_squeeze %dma_start3A_1100 : memref<1x1x1x8x128xf32, #tpu.memory_space<hbm>> -> memref<8x128xf32, #tpu.memory_space<hbm>>
      %dma_start3A_1102 = arith.constant 0 : i32
      %dma_start3A_1103 = arith.constant 0 : i32
      %dma_start3A_1104 = tpu.memref_slice %arg5[%add3A_1033, %dma_start3A_1094, %add3A, %dma_start3A_1102, %dma_start3A_1103] : memref<200x8x32x8x128xf32, #tpu.memory_space<hbm>> -> memref<1x1x1x8x128xf32, #tpu.memory_space<hbm>>
      %dma_start3A_1105 = tpu.memref_squeeze %dma_start3A_1104 : memref<1x1x1x8x128xf32, #tpu.memory_space<hbm>> -> memref<8x128xf32, #tpu.memory_space<hbm>>
      %dma_start3A_1106 = arith.constant 16 : i32
      %dma_start3A_1107 = arith.constant 0 : i32
      %dma_start3A_1108 = tpu.memref_slice %arg15[%dma_start3A_1106, %dma_start3A_1107] : memref<64x129xf32, #tpu.memory_space<vmem>> -> memref<8x128xf32, #tpu.memory_space<vmem>>
      tpu.enqueue_dma source(%dma_start3A_1108 : memref<8x128xf32, #tpu.memory_space<vmem>>) target(%dma_start3A_1105 : memref<8x128xf32, #tpu.memory_space<hbm>>) target_semaphore(%arg23 : memref<!tpu.dma_semaphore, #tpu.memory_space<semaphore_mem>>)
      %dma_start3A_1109 = arith.constant 3 : i32
      %dma_start3A_1110 = arith.constant 24 : i32
      %dma_start3A_1111 = arith.constant 0 : i32
      %dma_start3A_1112 = tpu.memref_slice %arg15[%dma_start3A_1110, %dma_start3A_1111] : memref<64x129xf32, #tpu.memory_space<vmem>> -> memref<8x128xf32, #tpu.memory_space<vmem>>
      %dma_start3A_1113 = arith.constant 0 : i32
      %dma_start3A_1114 = arith.constant 0 : i32
      %dma_start3A_1115 = tpu.memref_slice %arg5[%add3A_1033, %dma_start3A_1109, %add3A, %dma_start3A_1113, %dma_start3A_1114] : memref<200x8x32x8x128xf32, #tpu.memory_space<hbm>> -> memref<1x1x1x8x128xf32, #tpu.memory_space<hbm>>
      %dma_start3A_1116 = tpu.memref_squeeze %dma_start3A_1115 : memref<1x1x1x8x128xf32, #tpu.memory_space<hbm>> -> memref<8x128xf32, #tpu.memory_space<hbm>>
      %dma_start3A_1117 = arith.constant 0 : i32
      %dma_start3A_1118 = arith.constant 0 : i32
      %dma_start3A_1119 = tpu.memref_slice %arg5[%add3A_1033, %dma_start3A_1109, %add3A, %dma_start3A_1117, %dma_start3A_1118] : memref<200x8x32x8x128xf32, #tpu.memory_space<hbm>> -> memref<1x1x1x8x128xf32, #tpu.memory_space<hbm>>
      %dma_start3A_1120 = tpu.memref_squeeze %dma_start3A_1119 : memref<1x1x1x8x128xf32, #tpu.memory_space<hbm>> -> memref<8x128xf32, #tpu.memory_space<hbm>>
      %dma_start3A_1121 = arith.constant 24 : i32
      %dma_start3A_1122 = arith.constant 0 : i32
      %dma_start3A_1123 = tpu.memref_slice %arg15[%dma_start3A_1121, %dma_start3A_1122] : memref<64x129xf32, #tpu.memory_space<vmem>> -> memref<8x128xf32, #tpu.memory_space<vmem>>
      tpu.enqueue_dma source(%dma_start3A_1123 : memref<8x128xf32, #tpu.memory_space<vmem>>) target(%dma_start3A_1120 : memref<8x128xf32, #tpu.memory_space<hbm>>) target_semaphore(%arg23 : memref<!tpu.dma_semaphore, #tpu.memory_space<semaphore_mem>>)
      %dma_start3A_1124 = arith.constant 4 : i32
      %dma_start3A_1125 = arith.constant 32 : i32
      %dma_start3A_1126 = arith.constant 0 : i32
      %dma_start3A_1127 = tpu.memref_slice %arg15[%dma_start3A_1125, %dma_start3A_1126] : memref<64x129xf32, #tpu.memory_space<vmem>> -> memref<8x128xf32, #tpu.memory_space<vmem>>
      %dma_start3A_1128 = arith.constant 0 : i32
      %dma_start3A_1129 = arith.constant 0 : i32
      %dma_start3A_1130 = tpu.memref_slice %arg5[%add3A_1033, %dma_start3A_1124, %add3A, %dma_start3A_1128, %dma_start3A_1129] : memref<200x8x32x8x128xf32, #tpu.memory_space<hbm>> -> memref<1x1x1x8x128xf32, #tpu.memory_space<hbm>>
      %dma_start3A_1131 = tpu.memref_squeeze %dma_start3A_1130 : memref<1x1x1x8x128xf32, #tpu.memory_space<hbm>> -> memref<8x128xf32, #tpu.memory_space<hbm>>
      %dma_start3A_1132 = arith.constant 0 : i32
      %dma_start3A_1133 = arith.constant 0 : i32
      %dma_start3A_1134 = tpu.memref_slice %arg5[%add3A_1033, %dma_start3A_1124, %add3A, %dma_start3A_1132, %dma_start3A_1133] : memref<200x8x32x8x128xf32, #tpu.memory_space<hbm>> -> memref<1x1x1x8x128xf32, #tpu.memory_space<hbm>>
      %dma_start3A_1135 = tpu.memref_squeeze %dma_start3A_1134 : memref<1x1x1x8x128xf32, #tpu.memory_space<hbm>> -> memref<8x128xf32, #tpu.memory_space<hbm>>
      %dma_start3A_1136 = arith.constant 32 : i32
      %dma_start3A_1137 = arith.constant 0 : i32
      %dma_start3A_1138 = tpu.memref_slice %arg15[%dma_start3A_1136, %dma_start3A_1137] : memref<64x129xf32, #tpu.memory_space<vmem>> -> memref<8x128xf32, #tpu.memory_space<vmem>>
      tpu.enqueue_dma source(%dma_start3A_1138 : memref<8x128xf32, #tpu.memory_space<vmem>>) target(%dma_start3A_1135 : memref<8x128xf32, #tpu.memory_space<hbm>>) target_semaphore(%arg23 : memref<!tpu.dma_semaphore, #tpu.memory_space<semaphore_mem>>)
      %dma_start3A_1139 = arith.constant 5 : i32
      %dma_start3A_1140 = arith.constant 40 : i32
      %dma_start3A_1141 = arith.constant 0 : i32
      %dma_start3A_1142 = tpu.memref_slice %arg15[%dma_start3A_1140, %dma_start3A_1141] : memref<64x129xf32, #tpu.memory_space<vmem>> -> memref<8x128xf32, #tpu.memory_space<vmem>>
      %dma_start3A_1143 = arith.constant 0 : i32
      %dma_start3A_1144 = arith.constant 0 : i32
      %dma_start3A_1145 = tpu.memref_slice %arg5[%add3A_1033, %dma_start3A_1139, %add3A, %dma_start3A_1143, %dma_start3A_1144] : memref<200x8x32x8x128xf32, #tpu.memory_space<hbm>> -> memref<1x1x1x8x128xf32, #tpu.memory_space<hbm>>
      %dma_start3A_1146 = tpu.memref_squeeze %dma_start3A_1145 : memref<1x1x1x8x128xf32, #tpu.memory_space<hbm>> -> memref<8x128xf32, #tpu.memory_space<hbm>>
      %dma_start3A_1147 = arith.constant 0 : i32
      %dma_start3A_1148 = arith.constant 0 : i32
      %dma_start3A_1149 = tpu.memref_slice %arg5[%add3A_1033, %dma_start3A_1139, %add3A, %dma_start3A_1147, %dma_start3A_1148] : memref<200x8x32x8x128xf32, #tpu.memory_space<hbm>> -> memref<1x1x1x8x128xf32, #tpu.memory_space<hbm>>
      %dma_start3A_1150 = tpu.memref_squeeze %dma_start3A_1149 : memref<1x1x1x8x128xf32, #tpu.memory_space<hbm>> -> memref<8x128xf32, #tpu.memory_space<hbm>>
      %dma_start3A_1151 = arith.constant 40 : i32
      %dma_start3A_1152 = arith.constant 0 : i32
      %dma_start3A_1153 = tpu.memref_slice %arg15[%dma_start3A_1151, %dma_start3A_1152] : memref<64x129xf32, #tpu.memory_space<vmem>> -> memref<8x128xf32, #tpu.memory_space<vmem>>
      tpu.enqueue_dma source(%dma_start3A_1153 : memref<8x128xf32, #tpu.memory_space<vmem>>) target(%dma_start3A_1150 : memref<8x128xf32, #tpu.memory_space<hbm>>) target_semaphore(%arg23 : memref<!tpu.dma_semaphore, #tpu.memory_space<semaphore_mem>>)
      %dma_start3A_1154 = arith.constant 6 : i32
      %dma_start3A_1155 = arith.constant 48 : i32
      %dma_start3A_1156 = arith.constant 0 : i32
      %dma_start3A_1157 = tpu.memref_slice %arg15[%dma_start3A_1155, %dma_start3A_1156] : memref<64x129xf32, #tpu.memory_space<vmem>> -> memref<8x128xf32, #tpu.memory_space<vmem>>
      %dma_start3A_1158 = arith.constant 0 : i32
      %dma_start3A_1159 = arith.constant 0 : i32
      %dma_start3A_1160 = tpu.memref_slice %arg5[%add3A_1033, %dma_start3A_1154, %add3A, %dma_start3A_1158, %dma_start3A_1159] : memref<200x8x32x8x128xf32, #tpu.memory_space<hbm>> -> memref<1x1x1x8x128xf32, #tpu.memory_space<hbm>>
      %dma_start3A_1161 = tpu.memref_squeeze %dma_start3A_1160 : memref<1x1x1x8x128xf32, #tpu.memory_space<hbm>> -> memref<8x128xf32, #tpu.memory_space<hbm>>
      %dma_start3A_1162 = arith.constant 0 : i32
      %dma_start3A_1163 = arith.constant 0 : i32
      %dma_start3A_1164 = tpu.memref_slice %arg5[%add3A_1033, %dma_start3A_1154, %add3A, %dma_start3A_1162, %dma_start3A_1163] : memref<200x8x32x8x128xf32, #tpu.memory_space<hbm>> -> memref<1x1x1x8x128xf32, #tpu.memory_space<hbm>>
      %dma_start3A_1165 = tpu.memref_squeeze %dma_start3A_1164 : memref<1x1x1x8x128xf32, #tpu.memory_space<hbm>> -> memref<8x128xf32, #tpu.memory_space<hbm>>
      %dma_start3A_1166 = arith.constant 48 : i32
      %dma_start3A_1167 = arith.constant 0 : i32
      %dma_start3A_1168 = tpu.memref_slice %arg15[%dma_start3A_1166, %dma_start3A_1167] : memref<64x129xf32, #tpu.memory_space<vmem>> -> memref<8x128xf32, #tpu.memory_space<vmem>>
      tpu.enqueue_dma source(%dma_start3A_1168 : memref<8x128xf32, #tpu.memory_space<vmem>>) target(%dma_start3A_1165 : memref<8x128xf32, #tpu.memory_space<hbm>>) target_semaphore(%arg23 : memref<!tpu.dma_semaphore, #tpu.memory_space<semaphore_mem>>)
      %dma_start3A_1169 = arith.constant 7 : i32
      %dma_start3A_1170 = arith.constant 56 : i32
      %dma_start3A_1171 = arith.constant 0 : i32
      %dma_start3A_1172 = tpu.memref_slice %arg15[%dma_start3A_1170, %dma_start3A_1171] : memref<64x129xf32, #tpu.memory_space<vmem>> -> memref<8x128xf32, #tpu.memory_space<vmem>>
      %dma_start3A_1173 = arith.constant 0 : i32
      %dma_start3A_1174 = arith.constant 0 : i32
      %dma_start3A_1175 = tpu.memref_slice %arg5[%add3A_1033, %dma_start3A_1169, %add3A, %dma_start3A_1173, %dma_start3A_1174] : memref<200x8x32x8x128xf32, #tpu.memory_space<hbm>> -> memref<1x1x1x8x128xf32, #tpu.memory_space<hbm>>
      %dma_start3A_1176 = tpu.memref_squeeze %dma_start3A_1175 : memref<1x1x1x8x128xf32, #tpu.memory_space<hbm>> -> memref<8x128xf32, #tpu.memory_space<hbm>>
      %dma_start3A_1177 = arith.constant 0 : i32
      %dma_start3A_1178 = arith.constant 0 : i32
      %dma_start3A_1179 = tpu.memref_slice %arg5[%add3A_1033, %dma_start3A_1169, %add3A, %dma_start3A_1177, %dma_start3A_1178] : memref<200x8x32x8x128xf32, #tpu.memory_space<hbm>> -> memref<1x1x1x8x128xf32, #tpu.memory_space<hbm>>
      %dma_start3A_1180 = tpu.memref_squeeze %dma_start3A_1179 : memref<1x1x1x8x128xf32, #tpu.memory_space<hbm>> -> memref<8x128xf32, #tpu.memory_space<hbm>>
      %dma_start3A_1181 = arith.constant 56 : i32
      %dma_start3A_1182 = arith.constant 0 : i32
      %dma_start3A_1183 = tpu.memref_slice %arg15[%dma_start3A_1181, %dma_start3A_1182] : memref<64x129xf32, #tpu.memory_space<vmem>> -> memref<8x128xf32, #tpu.memory_space<vmem>>
      tpu.enqueue_dma source(%dma_start3A_1183 : memref<8x128xf32, #tpu.memory_space<vmem>>) target(%dma_start3A_1180 : memref<8x128xf32, #tpu.memory_space<hbm>>) target_semaphore(%arg23 : memref<!tpu.dma_semaphore, #tpu.memory_space<semaphore_mem>>)
    }
    %scan3A_31 = arith.constant 50 : i32
    %dma_wait3A = arith.constant 0 : i32
    %dma_wait3A_32 = arith.constant 0 : i32
    %dma_wait3A_33 = arith.constant 0 : i32
    %dma_wait3A_34 = arith.constant 0 : i32
    %dma_wait3A_35 = arith.constant 0 : i32
    %dma_wait3A_36 = tpu.memref_slice %arg12[%dma_wait3A_34, %dma_wait3A_35] : memref<64x129xf32, #tpu.memory_space<vmem>> -> memref<8x128xf32, #tpu.memory_space<vmem>>
    %dma_wait3A_37 = arith.constant 0 : i32
    %dma_wait3A_38 = arith.constant 0 : i32
    %dma_wait3A_39 = tpu.memref_slice %arg5[%dma_wait3A, %dma_wait3A_32, %dma_wait3A_33, %dma_wait3A_37, %dma_wait3A_38] : memref<200x8x32x8x128xf32, #tpu.memory_space<hbm>> -> memref<1x1x1x8x128xf32, #tpu.memory_space<hbm>>
    %dma_wait3A_40 = tpu.memref_squeeze %dma_wait3A_39 : memref<1x1x1x8x128xf32, #tpu.memory_space<hbm>> -> memref<8x128xf32, #tpu.memory_space<hbm>>
    %dma_wait3A_41 = arith.constant 0 : i32
    %dma_wait3A_42 = arith.constant 0 : i32
    %dma_wait3A_43 = tpu.memref_slice %arg12[%dma_wait3A_41, %dma_wait3A_42] : memref<64x129xf32, #tpu.memory_space<vmem>> -> memref<8x128xf32, #tpu.memory_space<vmem>>
    %dma_wait3A_44 = arith.constant 0 : i32
    %dma_wait3A_45 = arith.constant 0 : i32
    %dma_wait3A_46 = tpu.memref_slice %arg5[%dma_wait3A, %dma_wait3A_32, %dma_wait3A_33, %dma_wait3A_44, %dma_wait3A_45] : memref<200x8x32x8x128xf32, #tpu.memory_space<hbm>> -> memref<1x1x1x8x128xf32, #tpu.memory_space<hbm>>
    %dma_wait3A_47 = tpu.memref_squeeze %dma_wait3A_46 : memref<1x1x1x8x128xf32, #tpu.memory_space<hbm>> -> memref<8x128xf32, #tpu.memory_space<hbm>>
    tpu.wait_dma2 semaphore(%arg20 : memref<!tpu.dma_semaphore, #tpu.memory_space<semaphore_mem>>) src(%dma_wait3A_47 : memref<8x128xf32, #tpu.memory_space<hbm>>) dst(%dma_wait3A_43 : memref<8x128xf32, #tpu.memory_space<vmem>>)
    %dma_wait3A_48 = arith.constant 0 : i32
    %dma_wait3A_49 = arith.constant 0 : i32
    %dma_wait3A_50 = arith.constant 0 : i32
    %dma_wait3A_51 = arith.constant 8 : i32
    %dma_wait3A_52 = arith.constant 0 : i32
    %dma_wait3A_53 = tpu.memref_slice %arg12[%dma_wait3A_51, %dma_wait3A_52] : memref<64x129xf32, #tpu.memory_space<vmem>> -> memref<8x128xf32, #tpu.memory_space<vmem>>
    %dma_wait3A_54 = arith.constant 0 : i32
    %dma_wait3A_55 = arith.constant 0 : i32
    %dma_wait3A_56 = tpu.memref_slice %arg5[%dma_wait3A_48, %dma_wait3A_49, %dma_wait3A_50, %dma_wait3A_54, %dma_wait3A_55] : memref<200x8x32x8x128xf32, #tpu.memory_space<hbm>> -> memref<1x1x1x8x128xf32, #tpu.memory_space<hbm>>
    %dma_wait3A_57 = tpu.memref_squeeze %dma_wait3A_56 : memref<1x1x1x8x128xf32, #tpu.memory_space<hbm>> -> memref<8x128xf32, #tpu.memory_space<hbm>>
    %dma_wait3A_58 = arith.constant 8 : i32
    %dma_wait3A_59 = arith.constant 0 : i32
    %dma_wait3A_60 = tpu.memref_slice %arg12[%dma_wait3A_58, %dma_wait3A_59] : memref<64x129xf32, #tpu.memory_space<vmem>> -> memref<8x128xf32, #tpu.memory_space<vmem>>
    %dma_wait3A_61 = arith.constant 0 : i32
    %dma_wait3A_62 = arith.constant 0 : i32
    %dma_wait3A_63 = tpu.memref_slice %arg5[%dma_wait3A_48, %dma_wait3A_49, %dma_wait3A_50, %dma_wait3A_61, %dma_wait3A_62] : memref<200x8x32x8x128xf32, #tpu.memory_space<hbm>> -> memref<1x1x1x8x128xf32, #tpu.memory_space<hbm>>
    %dma_wait3A_64 = tpu.memref_squeeze %dma_wait3A_63 : memref<1x1x1x8x128xf32, #tpu.memory_space<hbm>> -> memref<8x128xf32, #tpu.memory_space<hbm>>
    tpu.wait_dma2 semaphore(%arg20 : memref<!tpu.dma_semaphore, #tpu.memory_space<semaphore_mem>>) src(%dma_wait3A_64 : memref<8x128xf32, #tpu.memory_space<hbm>>) dst(%dma_wait3A_60 : memref<8x128xf32, #tpu.memory_space<vmem>>)
    %dma_wait3A_65 = arith.constant 0 : i32
    %dma_wait3A_66 = arith.constant 0 : i32
    %dma_wait3A_67 = arith.constant 0 : i32
    %dma_wait3A_68 = arith.constant 16 : i32
    %dma_wait3A_69 = arith.constant 0 : i32
    %dma_wait3A_70 = tpu.memref_slice %arg12[%dma_wait3A_68, %dma_wait3A_69] : memref<64x129xf32, #tpu.memory_space<vmem>> -> memref<8x128xf32, #tpu.memory_space<vmem>>
    %dma_wait3A_71 = arith.constant 0 : i32
    %dma_wait3A_72 = arith.constant 0 : i32
    %dma_wait3A_73 = tpu.memref_slice %arg5[%dma_wait3A_65, %dma_wait3A_66, %dma_wait3A_67, %dma_wait3A_71, %dma_wait3A_72] : memref<200x8x32x8x128xf32, #tpu.memory_space<hbm>> -> memref<1x1x1x8x128xf32, #tpu.memory_space<hbm>>
    %dma_wait3A_74 = tpu.memref_squeeze %dma_wait3A_73 : memref<1x1x1x8x128xf32, #tpu.memory_space<hbm>> -> memref<8x128xf32, #tpu.memory_space<hbm>>
    %dma_wait3A_75 = arith.constant 16 : i32
    %dma_wait3A_76 = arith.constant 0 : i32
    %dma_wait3A_77 = tpu.memref_slice %arg12[%dma_wait3A_75, %dma_wait3A_76] : memref<64x129xf32, #tpu.memory_space<vmem>> -> memref<8x128xf32, #tpu.memory_space<vmem>>
    %dma_wait3A_78 = arith.constant 0 : i32
    %dma_wait3A_79 = arith.constant 0 : i32
    %dma_wait3A_80 = tpu.memref_slice %arg5[%dma_wait3A_65, %dma_wait3A_66, %dma_wait3A_67, %dma_wait3A_78, %dma_wait3A_79] : memref<200x8x32x8x128xf32, #tpu.memory_space<hbm>> -> memref<1x1x1x8x128xf32, #tpu.memory_space<hbm>>
    %dma_wait3A_81 = tpu.memref_squeeze %dma_wait3A_80 : memref<1x1x1x8x128xf32, #tpu.memory_space<hbm>> -> memref<8x128xf32, #tpu.memory_space<hbm>>
    tpu.wait_dma2 semaphore(%arg20 : memref<!tpu.dma_semaphore, #tpu.memory_space<semaphore_mem>>) src(%dma_wait3A_81 : memref<8x128xf32, #tpu.memory_space<hbm>>) dst(%dma_wait3A_77 : memref<8x128xf32, #tpu.memory_space<vmem>>)
    %dma_wait3A_82 = arith.constant 0 : i32
    %dma_wait3A_83 = arith.constant 0 : i32
    %dma_wait3A_84 = arith.constant 0 : i32
    %dma_wait3A_85 = arith.constant 24 : i32
    %dma_wait3A_86 = arith.constant 0 : i32
    %dma_wait3A_87 = tpu.memref_slice %arg12[%dma_wait3A_85, %dma_wait3A_86] : memref<64x129xf32, #tpu.memory_space<vmem>> -> memref<8x128xf32, #tpu.memory_space<vmem>>
    %dma_wait3A_88 = arith.constant 0 : i32
    %dma_wait3A_89 = arith.constant 0 : i32
    %dma_wait3A_90 = tpu.memref_slice %arg5[%dma_wait3A_82, %dma_wait3A_83, %dma_wait3A_84, %dma_wait3A_88, %dma_wait3A_89] : memref<200x8x32x8x128xf32, #tpu.memory_space<hbm>> -> memref<1x1x1x8x128xf32, #tpu.memory_space<hbm>>
    %dma_wait3A_91 = tpu.memref_squeeze %dma_wait3A_90 : memref<1x1x1x8x128xf32, #tpu.memory_space<hbm>> -> memref<8x128xf32, #tpu.memory_space<hbm>>
    %dma_wait3A_92 = arith.constant 24 : i32
    %dma_wait3A_93 = arith.constant 0 : i32
    %dma_wait3A_94 = tpu.memref_slice %arg12[%dma_wait3A_92, %dma_wait3A_93] : memref<64x129xf32, #tpu.memory_space<vmem>> -> memref<8x128xf32, #tpu.memory_space<vmem>>
    %dma_wait3A_95 = arith.constant 0 : i32
    %dma_wait3A_96 = arith.constant 0 : i32
    %dma_wait3A_97 = tpu.memref_slice %arg5[%dma_wait3A_82, %dma_wait3A_83, %dma_wait3A_84, %dma_wait3A_95, %dma_wait3A_96] : memref<200x8x32x8x128xf32, #tpu.memory_space<hbm>> -> memref<1x1x1x8x128xf32, #tpu.memory_space<hbm>>
    %dma_wait3A_98 = tpu.memref_squeeze %dma_wait3A_97 : memref<1x1x1x8x128xf32, #tpu.memory_space<hbm>> -> memref<8x128xf32, #tpu.memory_space<hbm>>
    tpu.wait_dma2 semaphore(%arg20 : memref<!tpu.dma_semaphore, #tpu.memory_space<semaphore_mem>>) src(%dma_wait3A_98 : memref<8x128xf32, #tpu.memory_space<hbm>>) dst(%dma_wait3A_94 : memref<8x128xf32, #tpu.memory_space<vmem>>)
    %dma_wait3A_99 = arith.constant 0 : i32
    %dma_wait3A_100 = arith.constant 0 : i32
    %dma_wait3A_101 = arith.constant 0 : i32
    %dma_wait3A_102 = arith.constant 32 : i32
    %dma_wait3A_103 = arith.constant 0 : i32
    %dma_wait3A_104 = tpu.memref_slice %arg12[%dma_wait3A_102, %dma_wait3A_103] : memref<64x129xf32, #tpu.memory_space<vmem>> -> memref<8x128xf32, #tpu.memory_space<vmem>>
    %dma_wait3A_105 = arith.constant 0 : i32
    %dma_wait3A_106 = arith.constant 0 : i32
    %dma_wait3A_107 = tpu.memref_slice %arg5[%dma_wait3A_99, %dma_wait3A_100, %dma_wait3A_101, %dma_wait3A_105, %dma_wait3A_106] : memref<200x8x32x8x128xf32, #tpu.memory_space<hbm>> -> memref<1x1x1x8x128xf32, #tpu.memory_space<hbm>>
    %dma_wait3A_108 = tpu.memref_squeeze %dma_wait3A_107 : memref<1x1x1x8x128xf32, #tpu.memory_space<hbm>> -> memref<8x128xf32, #tpu.memory_space<hbm>>
    %dma_wait3A_109 = arith.constant 32 : i32
    %dma_wait3A_110 = arith.constant 0 : i32
    %dma_wait3A_111 = tpu.memref_slice %arg12[%dma_wait3A_109, %dma_wait3A_110] : memref<64x129xf32, #tpu.memory_space<vmem>> -> memref<8x128xf32, #tpu.memory_space<vmem>>
    %dma_wait3A_112 = arith.constant 0 : i32
    %dma_wait3A_113 = arith.constant 0 : i32
    %dma_wait3A_114 = tpu.memref_slice %arg5[%dma_wait3A_99, %dma_wait3A_100, %dma_wait3A_101, %dma_wait3A_112, %dma_wait3A_113] : memref<200x8x32x8x128xf32, #tpu.memory_space<hbm>> -> memref<1x1x1x8x128xf32, #tpu.memory_space<hbm>>
    %dma_wait3A_115 = tpu.memref_squeeze %dma_wait3A_114 : memref<1x1x1x8x128xf32, #tpu.memory_space<hbm>> -> memref<8x128xf32, #tpu.memory_space<hbm>>
    tpu.wait_dma2 semaphore(%arg20 : memref<!tpu.dma_semaphore, #tpu.memory_space<semaphore_mem>>) src(%dma_wait3A_115 : memref<8x128xf32, #tpu.memory_space<hbm>>) dst(%dma_wait3A_111 : memref<8x128xf32, #tpu.memory_space<vmem>>)
    %dma_wait3A_116 = arith.constant 0 : i32
    %dma_wait3A_117 = arith.constant 0 : i32
    %dma_wait3A_118 = arith.constant 0 : i32
    %dma_wait3A_119 = arith.constant 40 : i32
    %dma_wait3A_120 = arith.constant 0 : i32
    %dma_wait3A_121 = tpu.memref_slice %arg12[%dma_wait3A_119, %dma_wait3A_120] : memref<64x129xf32, #tpu.memory_space<vmem>> -> memref<8x128xf32, #tpu.memory_space<vmem>>
    %dma_wait3A_122 = arith.constant 0 : i32
    %dma_wait3A_123 = arith.constant 0 : i32
    %dma_wait3A_124 = tpu.memref_slice %arg5[%dma_wait3A_116, %dma_wait3A_117, %dma_wait3A_118, %dma_wait3A_122, %dma_wait3A_123] : memref<200x8x32x8x128xf32, #tpu.memory_space<hbm>> -> memref<1x1x1x8x128xf32, #tpu.memory_space<hbm>>
    %dma_wait3A_125 = tpu.memref_squeeze %dma_wait3A_124 : memref<1x1x1x8x128xf32, #tpu.memory_space<hbm>> -> memref<8x128xf32, #tpu.memory_space<hbm>>
    %dma_wait3A_126 = arith.constant 40 : i32
    %dma_wait3A_127 = arith.constant 0 : i32
    %dma_wait3A_128 = tpu.memref_slice %arg12[%dma_wait3A_126, %dma_wait3A_127] : memref<64x129xf32, #tpu.memory_space<vmem>> -> memref<8x128xf32, #tpu.memory_space<vmem>>
    %dma_wait3A_129 = arith.constant 0 : i32
    %dma_wait3A_130 = arith.constant 0 : i32
    %dma_wait3A_131 = tpu.memref_slice %arg5[%dma_wait3A_116, %dma_wait3A_117, %dma_wait3A_118, %dma_wait3A_129, %dma_wait3A_130] : memref<200x8x32x8x128xf32, #tpu.memory_space<hbm>> -> memref<1x1x1x8x128xf32, #tpu.memory_space<hbm>>
    %dma_wait3A_132 = tpu.memref_squeeze %dma_wait3A_131 : memref<1x1x1x8x128xf32, #tpu.memory_space<hbm>> -> memref<8x128xf32, #tpu.memory_space<hbm>>
    tpu.wait_dma2 semaphore(%arg20 : memref<!tpu.dma_semaphore, #tpu.memory_space<semaphore_mem>>) src(%dma_wait3A_132 : memref<8x128xf32, #tpu.memory_space<hbm>>) dst(%dma_wait3A_128 : memref<8x128xf32, #tpu.memory_space<vmem>>)
    %dma_wait3A_133 = arith.constant 0 : i32
    %dma_wait3A_134 = arith.constant 0 : i32
    %dma_wait3A_135 = arith.constant 0 : i32
    %dma_wait3A_136 = arith.constant 48 : i32
    %dma_wait3A_137 = arith.constant 0 : i32
    %dma_wait3A_138 = tpu.memref_slice %arg12[%dma_wait3A_136, %dma_wait3A_137] : memref<64x129xf32, #tpu.memory_space<vmem>> -> memref<8x128xf32, #tpu.memory_space<vmem>>
    %dma_wait3A_139 = arith.constant 0 : i32
    %dma_wait3A_140 = arith.constant 0 : i32
    %dma_wait3A_141 = tpu.memref_slice %arg5[%dma_wait3A_133, %dma_wait3A_134, %dma_wait3A_135, %dma_wait3A_139, %dma_wait3A_140] : memref<200x8x32x8x128xf32, #tpu.memory_space<hbm>> -> memref<1x1x1x8x128xf32, #tpu.memory_space<hbm>>
    %dma_wait3A_142 = tpu.memref_squeeze %dma_wait3A_141 : memref<1x1x1x8x128xf32, #tpu.memory_space<hbm>> -> memref<8x128xf32, #tpu.memory_space<hbm>>
    %dma_wait3A_143 = arith.constant 48 : i32
    %dma_wait3A_144 = arith.constant 0 : i32
    %dma_wait3A_145 = tpu.memref_slice %arg12[%dma_wait3A_143, %dma_wait3A_144] : memref<64x129xf32, #tpu.memory_space<vmem>> -> memref<8x128xf32, #tpu.memory_space<vmem>>
    %dma_wait3A_146 = arith.constant 0 : i32
    %dma_wait3A_147 = arith.constant 0 : i32
    %dma_wait3A_148 = tpu.memref_slice %arg5[%dma_wait3A_133, %dma_wait3A_134, %dma_wait3A_135, %dma_wait3A_146, %dma_wait3A_147] : memref<200x8x32x8x128xf32, #tpu.memory_space<hbm>> -> memref<1x1x1x8x128xf32, #tpu.memory_space<hbm>>
    %dma_wait3A_149 = tpu.memref_squeeze %dma_wait3A_148 : memref<1x1x1x8x128xf32, #tpu.memory_space<hbm>> -> memref<8x128xf32, #tpu.memory_space<hbm>>
    tpu.wait_dma2 semaphore(%arg20 : memref<!tpu.dma_semaphore, #tpu.memory_space<semaphore_mem>>) src(%dma_wait3A_149 : memref<8x128xf32, #tpu.memory_space<hbm>>) dst(%dma_wait3A_145 : memref<8x128xf32, #tpu.memory_space<vmem>>)
    %dma_wait3A_150 = arith.constant 0 : i32
    %dma_wait3A_151 = arith.constant 0 : i32
    %dma_wait3A_152 = arith.constant 0 : i32
    %dma_wait3A_153 = arith.constant 56 : i32
    %dma_wait3A_154 = arith.constant 0 : i32
    %dma_wait3A_155 = tpu.memref_slice %arg12[%dma_wait3A_153, %dma_wait3A_154] : memref<64x129xf32, #tpu.memory_space<vmem>> -> memref<8x128xf32, #tpu.memory_space<vmem>>
    %dma_wait3A_156 = arith.constant 0 : i32
    %dma_wait3A_157 = arith.constant 0 : i32
    %dma_wait3A_158 = tpu.memref_slice %arg5[%dma_wait3A_150, %dma_wait3A_151, %dma_wait3A_152, %dma_wait3A_156, %dma_wait3A_157] : memref<200x8x32x8x128xf32, #tpu.memory_space<hbm>> -> memref<1x1x1x8x128xf32, #tpu.memory_space<hbm>>
    %dma_wait3A_159 = tpu.memref_squeeze %dma_wait3A_158 : memref<1x1x1x8x128xf32, #tpu.memory_space<hbm>> -> memref<8x128xf32, #tpu.memory_space<hbm>>
    %dma_wait3A_160 = arith.constant 56 : i32
    %dma_wait3A_161 = arith.constant 0 : i32
    %dma_wait3A_162 = tpu.memref_slice %arg12[%dma_wait3A_160, %dma_wait3A_161] : memref<64x129xf32, #tpu.memory_space<vmem>> -> memref<8x128xf32, #tpu.memory_space<vmem>>
    %dma_wait3A_163 = arith.constant 0 : i32
    %dma_wait3A_164 = arith.constant 0 : i32
    %dma_wait3A_165 = tpu.memref_slice %arg5[%dma_wait3A_150, %dma_wait3A_151, %dma_wait3A_152, %dma_wait3A_163, %dma_wait3A_164] : memref<200x8x32x8x128xf32, #tpu.memory_space<hbm>> -> memref<1x1x1x8x128xf32, #tpu.memory_space<hbm>>
    %dma_wait3A_166 = tpu.memref_squeeze %dma_wait3A_165 : memref<1x1x1x8x128xf32, #tpu.memory_space<hbm>> -> memref<8x128xf32, #tpu.memory_space<hbm>>
    tpu.wait_dma2 semaphore(%arg20 : memref<!tpu.dma_semaphore, #tpu.memory_space<semaphore_mem>>) src(%dma_wait3A_166 : memref<8x128xf32, #tpu.memory_space<hbm>>) dst(%dma_wait3A_162 : memref<8x128xf32, #tpu.memory_space<vmem>>)
    %dma_wait3A_167 = arith.constant 0 : i32
    %dma_wait3A_168 = arith.constant 0 : i32
    %dma_wait3A_169 = arith.constant 0 : i32
    %dma_wait3A_170 = arith.constant 0 : i32
    %dma_wait3A_171 = arith.constant 0 : i32
    %dma_wait3A_172 = tpu.memref_slice %arg13[%dma_wait3A_170, %dma_wait3A_171] : memref<64x129xf32, #tpu.memory_space<vmem>> -> memref<8x128xf32, #tpu.memory_space<vmem>>
    %dma_wait3A_173 = arith.constant 0 : i32
    %dma_wait3A_174 = arith.constant 0 : i32
    %dma_wait3A_175 = tpu.memref_slice %arg5[%dma_wait3A_167, %dma_wait3A_168, %dma_wait3A_169, %dma_wait3A_173, %dma_wait3A_174] : memref<200x8x32x8x128xf32, #tpu.memory_space<hbm>> -> memref<1x1x1x8x128xf32, #tpu.memory_space<hbm>>
    %dma_wait3A_176 = tpu.memref_squeeze %dma_wait3A_175 : memref<1x1x1x8x128xf32, #tpu.memory_space<hbm>> -> memref<8x128xf32, #tpu.memory_space<hbm>>
    %dma_wait3A_177 = arith.constant 0 : i32
    %dma_wait3A_178 = arith.constant 0 : i32
    %dma_wait3A_179 = tpu.memref_slice %arg13[%dma_wait3A_177, %dma_wait3A_178] : memref<64x129xf32, #tpu.memory_space<vmem>> -> memref<8x128xf32, #tpu.memory_space<vmem>>
    %dma_wait3A_180 = arith.constant 0 : i32
    %dma_wait3A_181 = arith.constant 0 : i32
    %dma_wait3A_182 = tpu.memref_slice %arg5[%dma_wait3A_167, %dma_wait3A_168, %dma_wait3A_169, %dma_wait3A_180, %dma_wait3A_181] : memref<200x8x32x8x128xf32, #tpu.memory_space<hbm>> -> memref<1x1x1x8x128xf32, #tpu.memory_space<hbm>>
    %dma_wait3A_183 = tpu.memref_squeeze %dma_wait3A_182 : memref<1x1x1x8x128xf32, #tpu.memory_space<hbm>> -> memref<8x128xf32, #tpu.memory_space<hbm>>
    tpu.wait_dma2 semaphore(%arg21 : memref<!tpu.dma_semaphore, #tpu.memory_space<semaphore_mem>>) src(%dma_wait3A_183 : memref<8x128xf32, #tpu.memory_space<hbm>>) dst(%dma_wait3A_179 : memref<8x128xf32, #tpu.memory_space<vmem>>)
    %dma_wait3A_184 = arith.constant 0 : i32
    %dma_wait3A_185 = arith.constant 0 : i32
    %dma_wait3A_186 = arith.constant 0 : i32
    %dma_wait3A_187 = arith.constant 8 : i32
    %dma_wait3A_188 = arith.constant 0 : i32
    %dma_wait3A_189 = tpu.memref_slice %arg13[%dma_wait3A_187, %dma_wait3A_188] : memref<64x129xf32, #tpu.memory_space<vmem>> -> memref<8x128xf32, #tpu.memory_space<vmem>>
    %dma_wait3A_190 = arith.constant 0 : i32
    %dma_wait3A_191 = arith.constant 0 : i32
    %dma_wait3A_192 = tpu.memref_slice %arg5[%dma_wait3A_184, %dma_wait3A_185, %dma_wait3A_186, %dma_wait3A_190, %dma_wait3A_191] : memref<200x8x32x8x128xf32, #tpu.memory_space<hbm>> -> memref<1x1x1x8x128xf32, #tpu.memory_space<hbm>>
    %dma_wait3A_193 = tpu.memref_squeeze %dma_wait3A_192 : memref<1x1x1x8x128xf32, #tpu.memory_space<hbm>> -> memref<8x128xf32, #tpu.memory_space<hbm>>
    %dma_wait3A_194 = arith.constant 8 : i32
    %dma_wait3A_195 = arith.constant 0 : i32
    %dma_wait3A_196 = tpu.memref_slice %arg13[%dma_wait3A_194, %dma_wait3A_195] : memref<64x129xf32, #tpu.memory_space<vmem>> -> memref<8x128xf32, #tpu.memory_space<vmem>>
    %dma_wait3A_197 = arith.constant 0 : i32
    %dma_wait3A_198 = arith.constant 0 : i32
    %dma_wait3A_199 = tpu.memref_slice %arg5[%dma_wait3A_184, %dma_wait3A_185, %dma_wait3A_186, %dma_wait3A_197, %dma_wait3A_198] : memref<200x8x32x8x128xf32, #tpu.memory_space<hbm>> -> memref<1x1x1x8x128xf32, #tpu.memory_space<hbm>>
    %dma_wait3A_200 = tpu.memref_squeeze %dma_wait3A_199 : memref<1x1x1x8x128xf32, #tpu.memory_space<hbm>> -> memref<8x128xf32, #tpu.memory_space<hbm>>
    tpu.wait_dma2 semaphore(%arg21 : memref<!tpu.dma_semaphore, #tpu.memory_space<semaphore_mem>>) src(%dma_wait3A_200 : memref<8x128xf32, #tpu.memory_space<hbm>>) dst(%dma_wait3A_196 : memref<8x128xf32, #tpu.memory_space<vmem>>)
    %dma_wait3A_201 = arith.constant 0 : i32
    %dma_wait3A_202 = arith.constant 0 : i32
    %dma_wait3A_203 = arith.constant 0 : i32
    %dma_wait3A_204 = arith.constant 16 : i32
    %dma_wait3A_205 = arith.constant 0 : i32
    %dma_wait3A_206 = tpu.memref_slice %arg13[%dma_wait3A_204, %dma_wait3A_205] : memref<64x129xf32, #tpu.memory_space<vmem>> -> memref<8x128xf32, #tpu.memory_space<vmem>>
    %dma_wait3A_207 = arith.constant 0 : i32
    %dma_wait3A_208 = arith.constant 0 : i32
    %dma_wait3A_209 = tpu.memref_slice %arg5[%dma_wait3A_201, %dma_wait3A_202, %dma_wait3A_203, %dma_wait3A_207, %dma_wait3A_208] : memref<200x8x32x8x128xf32, #tpu.memory_space<hbm>> -> memref<1x1x1x8x128xf32, #tpu.memory_space<hbm>>
    %dma_wait3A_210 = tpu.memref_squeeze %dma_wait3A_209 : memref<1x1x1x8x128xf32, #tpu.memory_space<hbm>> -> memref<8x128xf32, #tpu.memory_space<hbm>>
    %dma_wait3A_211 = arith.constant 16 : i32
    %dma_wait3A_212 = arith.constant 0 : i32
    %dma_wait3A_213 = tpu.memref_slice %arg13[%dma_wait3A_211, %dma_wait3A_212] : memref<64x129xf32, #tpu.memory_space<vmem>> -> memref<8x128xf32, #tpu.memory_space<vmem>>
    %dma_wait3A_214 = arith.constant 0 : i32
    %dma_wait3A_215 = arith.constant 0 : i32
    %dma_wait3A_216 = tpu.memref_slice %arg5[%dma_wait3A_201, %dma_wait3A_202, %dma_wait3A_203, %dma_wait3A_214, %dma_wait3A_215] : memref<200x8x32x8x128xf32, #tpu.memory_space<hbm>> -> memref<1x1x1x8x128xf32, #tpu.memory_space<hbm>>
    %dma_wait3A_217 = tpu.memref_squeeze %dma_wait3A_216 : memref<1x1x1x8x128xf32, #tpu.memory_space<hbm>> -> memref<8x128xf32, #tpu.memory_space<hbm>>
    tpu.wait_dma2 semaphore(%arg21 : memref<!tpu.dma_semaphore, #tpu.memory_space<semaphore_mem>>) src(%dma_wait3A_217 : memref<8x128xf32, #tpu.memory_space<hbm>>) dst(%dma_wait3A_213 : memref<8x128xf32, #tpu.memory_space<vmem>>)
    %dma_wait3A_218 = arith.constant 0 : i32
    %dma_wait3A_219 = arith.constant 0 : i32
    %dma_wait3A_220 = arith.constant 0 : i32
    %dma_wait3A_221 = arith.constant 24 : i32
    %dma_wait3A_222 = arith.constant 0 : i32
    %dma_wait3A_223 = tpu.memref_slice %arg13[%dma_wait3A_221, %dma_wait3A_222] : memref<64x129xf32, #tpu.memory_space<vmem>> -> memref<8x128xf32, #tpu.memory_space<vmem>>
    %dma_wait3A_224 = arith.constant 0 : i32
    %dma_wait3A_225 = arith.constant 0 : i32
    %dma_wait3A_226 = tpu.memref_slice %arg5[%dma_wait3A_218, %dma_wait3A_219, %dma_wait3A_220, %dma_wait3A_224, %dma_wait3A_225] : memref<200x8x32x8x128xf32, #tpu.memory_space<hbm>> -> memref<1x1x1x8x128xf32, #tpu.memory_space<hbm>>
    %dma_wait3A_227 = tpu.memref_squeeze %dma_wait3A_226 : memref<1x1x1x8x128xf32, #tpu.memory_space<hbm>> -> memref<8x128xf32, #tpu.memory_space<hbm>>
    %dma_wait3A_228 = arith.constant 24 : i32
    %dma_wait3A_229 = arith.constant 0 : i32
    %dma_wait3A_230 = tpu.memref_slice %arg13[%dma_wait3A_228, %dma_wait3A_229] : memref<64x129xf32, #tpu.memory_space<vmem>> -> memref<8x128xf32, #tpu.memory_space<vmem>>
    %dma_wait3A_231 = arith.constant 0 : i32
    %dma_wait3A_232 = arith.constant 0 : i32
    %dma_wait3A_233 = tpu.memref_slice %arg5[%dma_wait3A_218, %dma_wait3A_219, %dma_wait3A_220, %dma_wait3A_231, %dma_wait3A_232] : memref<200x8x32x8x128xf32, #tpu.memory_space<hbm>> -> memref<1x1x1x8x128xf32, #tpu.memory_space<hbm>>
    %dma_wait3A_234 = tpu.memref_squeeze %dma_wait3A_233 : memref<1x1x1x8x128xf32, #tpu.memory_space<hbm>> -> memref<8x128xf32, #tpu.memory_space<hbm>>
    tpu.wait_dma2 semaphore(%arg21 : memref<!tpu.dma_semaphore, #tpu.memory_space<semaphore_mem>>) src(%dma_wait3A_234 : memref<8x128xf32, #tpu.memory_space<hbm>>) dst(%dma_wait3A_230 : memref<8x128xf32, #tpu.memory_space<vmem>>)
    %dma_wait3A_235 = arith.constant 0 : i32
    %dma_wait3A_236 = arith.constant 0 : i32
    %dma_wait3A_237 = arith.constant 0 : i32
    %dma_wait3A_238 = arith.constant 32 : i32
    %dma_wait3A_239 = arith.constant 0 : i32
    %dma_wait3A_240 = tpu.memref_slice %arg13[%dma_wait3A_238, %dma_wait3A_239] : memref<64x129xf32, #tpu.memory_space<vmem>> -> memref<8x128xf32, #tpu.memory_space<vmem>>
    %dma_wait3A_241 = arith.constant 0 : i32
    %dma_wait3A_242 = arith.constant 0 : i32
    %dma_wait3A_243 = tpu.memref_slice %arg5[%dma_wait3A_235, %dma_wait3A_236, %dma_wait3A_237, %dma_wait3A_241, %dma_wait3A_242] : memref<200x8x32x8x128xf32, #tpu.memory_space<hbm>> -> memref<1x1x1x8x128xf32, #tpu.memory_space<hbm>>
    %dma_wait3A_244 = tpu.memref_squeeze %dma_wait3A_243 : memref<1x1x1x8x128xf32, #tpu.memory_space<hbm>> -> memref<8x128xf32, #tpu.memory_space<hbm>>
    %dma_wait3A_245 = arith.constant 32 : i32
    %dma_wait3A_246 = arith.constant 0 : i32
    %dma_wait3A_247 = tpu.memref_slice %arg13[%dma_wait3A_245, %dma_wait3A_246] : memref<64x129xf32, #tpu.memory_space<vmem>> -> memref<8x128xf32, #tpu.memory_space<vmem>>
    %dma_wait3A_248 = arith.constant 0 : i32
    %dma_wait3A_249 = arith.constant 0 : i32
    %dma_wait3A_250 = tpu.memref_slice %arg5[%dma_wait3A_235, %dma_wait3A_236, %dma_wait3A_237, %dma_wait3A_248, %dma_wait3A_249] : memref<200x8x32x8x128xf32, #tpu.memory_space<hbm>> -> memref<1x1x1x8x128xf32, #tpu.memory_space<hbm>>
    %dma_wait3A_251 = tpu.memref_squeeze %dma_wait3A_250 : memref<1x1x1x8x128xf32, #tpu.memory_space<hbm>> -> memref<8x128xf32, #tpu.memory_space<hbm>>
    tpu.wait_dma2 semaphore(%arg21 : memref<!tpu.dma_semaphore, #tpu.memory_space<semaphore_mem>>) src(%dma_wait3A_251 : memref<8x128xf32, #tpu.memory_space<hbm>>) dst(%dma_wait3A_247 : memref<8x128xf32, #tpu.memory_space<vmem>>)
    %dma_wait3A_252 = arith.constant 0 : i32
    %dma_wait3A_253 = arith.constant 0 : i32
    %dma_wait3A_254 = arith.constant 0 : i32
    %dma_wait3A_255 = arith.constant 40 : i32
    %dma_wait3A_256 = arith.constant 0 : i32
    %dma_wait3A_257 = tpu.memref_slice %arg13[%dma_wait3A_255, %dma_wait3A_256] : memref<64x129xf32, #tpu.memory_space<vmem>> -> memref<8x128xf32, #tpu.memory_space<vmem>>
    %dma_wait3A_258 = arith.constant 0 : i32
    %dma_wait3A_259 = arith.constant 0 : i32
    %dma_wait3A_260 = tpu.memref_slice %arg5[%dma_wait3A_252, %dma_wait3A_253, %dma_wait3A_254, %dma_wait3A_258, %dma_wait3A_259] : memref<200x8x32x8x128xf32, #tpu.memory_space<hbm>> -> memref<1x1x1x8x128xf32, #tpu.memory_space<hbm>>
    %dma_wait3A_261 = tpu.memref_squeeze %dma_wait3A_260 : memref<1x1x1x8x128xf32, #tpu.memory_space<hbm>> -> memref<8x128xf32, #tpu.memory_space<hbm>>
    %dma_wait3A_262 = arith.constant 40 : i32
    %dma_wait3A_263 = arith.constant 0 : i32
    %dma_wait3A_264 = tpu.memref_slice %arg13[%dma_wait3A_262, %dma_wait3A_263] : memref<64x129xf32, #tpu.memory_space<vmem>> -> memref<8x128xf32, #tpu.memory_space<vmem>>
    %dma_wait3A_265 = arith.constant 0 : i32
    %dma_wait3A_266 = arith.constant 0 : i32
    %dma_wait3A_267 = tpu.memref_slice %arg5[%dma_wait3A_252, %dma_wait3A_253, %dma_wait3A_254, %dma_wait3A_265, %dma_wait3A_266] : memref<200x8x32x8x128xf32, #tpu.memory_space<hbm>> -> memref<1x1x1x8x128xf32, #tpu.memory_space<hbm>>
    %dma_wait3A_268 = tpu.memref_squeeze %dma_wait3A_267 : memref<1x1x1x8x128xf32, #tpu.memory_space<hbm>> -> memref<8x128xf32, #tpu.memory_space<hbm>>
    tpu.wait_dma2 semaphore(%arg21 : memref<!tpu.dma_semaphore, #tpu.memory_space<semaphore_mem>>) src(%dma_wait3A_268 : memref<8x128xf32, #tpu.memory_space<hbm>>) dst(%dma_wait3A_264 : memref<8x128xf32, #tpu.memory_space<vmem>>)
    %dma_wait3A_269 = arith.constant 0 : i32
    %dma_wait3A_270 = arith.constant 0 : i32
    %dma_wait3A_271 = arith.constant 0 : i32
    %dma_wait3A_272 = arith.constant 48 : i32
    %dma_wait3A_273 = arith.constant 0 : i32
    %dma_wait3A_274 = tpu.memref_slice %arg13[%dma_wait3A_272, %dma_wait3A_273] : memref<64x129xf32, #tpu.memory_space<vmem>> -> memref<8x128xf32, #tpu.memory_space<vmem>>
    %dma_wait3A_275 = arith.constant 0 : i32
    %dma_wait3A_276 = arith.constant 0 : i32
    %dma_wait3A_277 = tpu.memref_slice %arg5[%dma_wait3A_269, %dma_wait3A_270, %dma_wait3A_271, %dma_wait3A_275, %dma_wait3A_276] : memref<200x8x32x8x128xf32, #tpu.memory_space<hbm>> -> memref<1x1x1x8x128xf32, #tpu.memory_space<hbm>>
    %dma_wait3A_278 = tpu.memref_squeeze %dma_wait3A_277 : memref<1x1x1x8x128xf32, #tpu.memory_space<hbm>> -> memref<8x128xf32, #tpu.memory_space<hbm>>
    %dma_wait3A_279 = arith.constant 48 : i32
    %dma_wait3A_280 = arith.constant 0 : i32
    %dma_wait3A_281 = tpu.memref_slice %arg13[%dma_wait3A_279, %dma_wait3A_280] : memref<64x129xf32, #tpu.memory_space<vmem>> -> memref<8x128xf32, #tpu.memory_space<vmem>>
    %dma_wait3A_282 = arith.constant 0 : i32
    %dma_wait3A_283 = arith.constant 0 : i32
    %dma_wait3A_284 = tpu.memref_slice %arg5[%dma_wait3A_269, %dma_wait3A_270, %dma_wait3A_271, %dma_wait3A_282, %dma_wait3A_283] : memref<200x8x32x8x128xf32, #tpu.memory_space<hbm>> -> memref<1x1x1x8x128xf32, #tpu.memory_space<hbm>>
    %dma_wait3A_285 = tpu.memref_squeeze %dma_wait3A_284 : memref<1x1x1x8x128xf32, #tpu.memory_space<hbm>> -> memref<8x128xf32, #tpu.memory_space<hbm>>
    tpu.wait_dma2 semaphore(%arg21 : memref<!tpu.dma_semaphore, #tpu.memory_space<semaphore_mem>>) src(%dma_wait3A_285 : memref<8x128xf32, #tpu.memory_space<hbm>>) dst(%dma_wait3A_281 : memref<8x128xf32, #tpu.memory_space<vmem>>)
    %dma_wait3A_286 = arith.constant 0 : i32
    %dma_wait3A_287 = arith.constant 0 : i32
    %dma_wait3A_288 = arith.constant 0 : i32
    %dma_wait3A_289 = arith.constant 56 : i32
    %dma_wait3A_290 = arith.constant 0 : i32
    %dma_wait3A_291 = tpu.memref_slice %arg13[%dma_wait3A_289, %dma_wait3A_290] : memref<64x129xf32, #tpu.memory_space<vmem>> -> memref<8x128xf32, #tpu.memory_space<vmem>>
    %dma_wait3A_292 = arith.constant 0 : i32
    %dma_wait3A_293 = arith.constant 0 : i32
    %dma_wait3A_294 = tpu.memref_slice %arg5[%dma_wait3A_286, %dma_wait3A_287, %dma_wait3A_288, %dma_wait3A_292, %dma_wait3A_293] : memref<200x8x32x8x128xf32, #tpu.memory_space<hbm>> -> memref<1x1x1x8x128xf32, #tpu.memory_space<hbm>>
    %dma_wait3A_295 = tpu.memref_squeeze %dma_wait3A_294 : memref<1x1x1x8x128xf32, #tpu.memory_space<hbm>> -> memref<8x128xf32, #tpu.memory_space<hbm>>
    %dma_wait3A_296 = arith.constant 56 : i32
    %dma_wait3A_297 = arith.constant 0 : i32
    %dma_wait3A_298 = tpu.memref_slice %arg13[%dma_wait3A_296, %dma_wait3A_297] : memref<64x129xf32, #tpu.memory_space<vmem>> -> memref<8x128xf32, #tpu.memory_space<vmem>>
    %dma_wait3A_299 = arith.constant 0 : i32
    %dma_wait3A_300 = arith.constant 0 : i32
    %dma_wait3A_301 = tpu.memref_slice %arg5[%dma_wait3A_286, %dma_wait3A_287, %dma_wait3A_288, %dma_wait3A_299, %dma_wait3A_300] : memref<200x8x32x8x128xf32, #tpu.memory_space<hbm>> -> memref<1x1x1x8x128xf32, #tpu.memory_space<hbm>>
    %dma_wait3A_302 = tpu.memref_squeeze %dma_wait3A_301 : memref<1x1x1x8x128xf32, #tpu.memory_space<hbm>> -> memref<8x128xf32, #tpu.memory_space<hbm>>
    tpu.wait_dma2 semaphore(%arg21 : memref<!tpu.dma_semaphore, #tpu.memory_space<semaphore_mem>>) src(%dma_wait3A_302 : memref<8x128xf32, #tpu.memory_space<hbm>>) dst(%dma_wait3A_298 : memref<8x128xf32, #tpu.memory_space<vmem>>)
    %dma_wait3A_303 = arith.constant 0 : i32
    %dma_wait3A_304 = arith.constant 0 : i32
    %dma_wait3A_305 = arith.constant 0 : i32
    %dma_wait3A_306 = arith.constant 0 : i32
    %dma_wait3A_307 = arith.constant 0 : i32
    %dma_wait3A_308 = tpu.memref_slice %arg14[%dma_wait3A_306, %dma_wait3A_307] : memref<64x129xf32, #tpu.memory_space<vmem>> -> memref<8x128xf32, #tpu.memory_space<vmem>>
    %dma_wait3A_309 = arith.constant 0 : i32
    %dma_wait3A_310 = arith.constant 0 : i32
    %dma_wait3A_311 = tpu.memref_slice %arg5[%dma_wait3A_303, %dma_wait3A_304, %dma_wait3A_305, %dma_wait3A_309, %dma_wait3A_310] : memref<200x8x32x8x128xf32, #tpu.memory_space<hbm>> -> memref<1x1x1x8x128xf32, #tpu.memory_space<hbm>>
    %dma_wait3A_312 = tpu.memref_squeeze %dma_wait3A_311 : memref<1x1x1x8x128xf32, #tpu.memory_space<hbm>> -> memref<8x128xf32, #tpu.memory_space<hbm>>
    %dma_wait3A_313 = arith.constant 0 : i32
    %dma_wait3A_314 = arith.constant 0 : i32
    %dma_wait3A_315 = tpu.memref_slice %arg14[%dma_wait3A_313, %dma_wait3A_314] : memref<64x129xf32, #tpu.memory_space<vmem>> -> memref<8x128xf32, #tpu.memory_space<vmem>>
    %dma_wait3A_316 = arith.constant 0 : i32
    %dma_wait3A_317 = arith.constant 0 : i32
    %dma_wait3A_318 = tpu.memref_slice %arg5[%dma_wait3A_303, %dma_wait3A_304, %dma_wait3A_305, %dma_wait3A_316, %dma_wait3A_317] : memref<200x8x32x8x128xf32, #tpu.memory_space<hbm>> -> memref<1x1x1x8x128xf32, #tpu.memory_space<hbm>>
    %dma_wait3A_319 = tpu.memref_squeeze %dma_wait3A_318 : memref<1x1x1x8x128xf32, #tpu.memory_space<hbm>> -> memref<8x128xf32, #tpu.memory_space<hbm>>
    tpu.wait_dma2 semaphore(%arg22 : memref<!tpu.dma_semaphore, #tpu.memory_space<semaphore_mem>>) src(%dma_wait3A_319 : memref<8x128xf32, #tpu.memory_space<hbm>>) dst(%dma_wait3A_315 : memref<8x128xf32, #tpu.memory_space<vmem>>)
    %dma_wait3A_320 = arith.constant 0 : i32
    %dma_wait3A_321 = arith.constant 0 : i32
    %dma_wait3A_322 = arith.constant 0 : i32
    %dma_wait3A_323 = arith.constant 8 : i32
    %dma_wait3A_324 = arith.constant 0 : i32
    %dma_wait3A_325 = tpu.memref_slice %arg14[%dma_wait3A_323, %dma_wait3A_324] : memref<64x129xf32, #tpu.memory_space<vmem>> -> memref<8x128xf32, #tpu.memory_space<vmem>>
    %dma_wait3A_326 = arith.constant 0 : i32
    %dma_wait3A_327 = arith.constant 0 : i32
    %dma_wait3A_328 = tpu.memref_slice %arg5[%dma_wait3A_320, %dma_wait3A_321, %dma_wait3A_322, %dma_wait3A_326, %dma_wait3A_327] : memref<200x8x32x8x128xf32, #tpu.memory_space<hbm>> -> memref<1x1x1x8x128xf32, #tpu.memory_space<hbm>>
    %dma_wait3A_329 = tpu.memref_squeeze %dma_wait3A_328 : memref<1x1x1x8x128xf32, #tpu.memory_space<hbm>> -> memref<8x128xf32, #tpu.memory_space<hbm>>
    %dma_wait3A_330 = arith.constant 8 : i32
    %dma_wait3A_331 = arith.constant 0 : i32
    %dma_wait3A_332 = tpu.memref_slice %arg14[%dma_wait3A_330, %dma_wait3A_331] : memref<64x129xf32, #tpu.memory_space<vmem>> -> memref<8x128xf32, #tpu.memory_space<vmem>>
    %dma_wait3A_333 = arith.constant 0 : i32
    %dma_wait3A_334 = arith.constant 0 : i32
    %dma_wait3A_335 = tpu.memref_slice %arg5[%dma_wait3A_320, %dma_wait3A_321, %dma_wait3A_322, %dma_wait3A_333, %dma_wait3A_334] : memref<200x8x32x8x128xf32, #tpu.memory_space<hbm>> -> memref<1x1x1x8x128xf32, #tpu.memory_space<hbm>>
    %dma_wait3A_336 = tpu.memref_squeeze %dma_wait3A_335 : memref<1x1x1x8x128xf32, #tpu.memory_space<hbm>> -> memref<8x128xf32, #tpu.memory_space<hbm>>
    tpu.wait_dma2 semaphore(%arg22 : memref<!tpu.dma_semaphore, #tpu.memory_space<semaphore_mem>>) src(%dma_wait3A_336 : memref<8x128xf32, #tpu.memory_space<hbm>>) dst(%dma_wait3A_332 : memref<8x128xf32, #tpu.memory_space<vmem>>)
    %dma_wait3A_337 = arith.constant 0 : i32
    %dma_wait3A_338 = arith.constant 0 : i32
    %dma_wait3A_339 = arith.constant 0 : i32
    %dma_wait3A_340 = arith.constant 16 : i32
    %dma_wait3A_341 = arith.constant 0 : i32
    %dma_wait3A_342 = tpu.memref_slice %arg14[%dma_wait3A_340, %dma_wait3A_341] : memref<64x129xf32, #tpu.memory_space<vmem>> -> memref<8x128xf32, #tpu.memory_space<vmem>>
    %dma_wait3A_343 = arith.constant 0 : i32
    %dma_wait3A_344 = arith.constant 0 : i32
    %dma_wait3A_345 = tpu.memref_slice %arg5[%dma_wait3A_337, %dma_wait3A_338, %dma_wait3A_339, %dma_wait3A_343, %dma_wait3A_344] : memref<200x8x32x8x128xf32, #tpu.memory_space<hbm>> -> memref<1x1x1x8x128xf32, #tpu.memory_space<hbm>>
    %dma_wait3A_346 = tpu.memref_squeeze %dma_wait3A_345 : memref<1x1x1x8x128xf32, #tpu.memory_space<hbm>> -> memref<8x128xf32, #tpu.memory_space<hbm>>
    %dma_wait3A_347 = arith.constant 16 : i32
    %dma_wait3A_348 = arith.constant 0 : i32
    %dma_wait3A_349 = tpu.memref_slice %arg14[%dma_wait3A_347, %dma_wait3A_348] : memref<64x129xf32, #tpu.memory_space<vmem>> -> memref<8x128xf32, #tpu.memory_space<vmem>>
    %dma_wait3A_350 = arith.constant 0 : i32
    %dma_wait3A_351 = arith.constant 0 : i32
    %dma_wait3A_352 = tpu.memref_slice %arg5[%dma_wait3A_337, %dma_wait3A_338, %dma_wait3A_339, %dma_wait3A_350, %dma_wait3A_351] : memref<200x8x32x8x128xf32, #tpu.memory_space<hbm>> -> memref<1x1x1x8x128xf32, #tpu.memory_space<hbm>>
    %dma_wait3A_353 = tpu.memref_squeeze %dma_wait3A_352 : memref<1x1x1x8x128xf32, #tpu.memory_space<hbm>> -> memref<8x128xf32, #tpu.memory_space<hbm>>
    tpu.wait_dma2 semaphore(%arg22 : memref<!tpu.dma_semaphore, #tpu.memory_space<semaphore_mem>>) src(%dma_wait3A_353 : memref<8x128xf32, #tpu.memory_space<hbm>>) dst(%dma_wait3A_349 : memref<8x128xf32, #tpu.memory_space<vmem>>)
    %dma_wait3A_354 = arith.constant 0 : i32
    %dma_wait3A_355 = arith.constant 0 : i32
    %dma_wait3A_356 = arith.constant 0 : i32
    %dma_wait3A_357 = arith.constant 24 : i32
    %dma_wait3A_358 = arith.constant 0 : i32
    %dma_wait3A_359 = tpu.memref_slice %arg14[%dma_wait3A_357, %dma_wait3A_358] : memref<64x129xf32, #tpu.memory_space<vmem>> -> memref<8x128xf32, #tpu.memory_space<vmem>>
    %dma_wait3A_360 = arith.constant 0 : i32
    %dma_wait3A_361 = arith.constant 0 : i32
    %dma_wait3A_362 = tpu.memref_slice %arg5[%dma_wait3A_354, %dma_wait3A_355, %dma_wait3A_356, %dma_wait3A_360, %dma_wait3A_361] : memref<200x8x32x8x128xf32, #tpu.memory_space<hbm>> -> memref<1x1x1x8x128xf32, #tpu.memory_space<hbm>>
    %dma_wait3A_363 = tpu.memref_squeeze %dma_wait3A_362 : memref<1x1x1x8x128xf32, #tpu.memory_space<hbm>> -> memref<8x128xf32, #tpu.memory_space<hbm>>
    %dma_wait3A_364 = arith.constant 24 : i32
    %dma_wait3A_365 = arith.constant 0 : i32
    %dma_wait3A_366 = tpu.memref_slice %arg14[%dma_wait3A_364, %dma_wait3A_365] : memref<64x129xf32, #tpu.memory_space<vmem>> -> memref<8x128xf32, #tpu.memory_space<vmem>>
    %dma_wait3A_367 = arith.constant 0 : i32
    %dma_wait3A_368 = arith.constant 0 : i32
    %dma_wait3A_369 = tpu.memref_slice %arg5[%dma_wait3A_354, %dma_wait3A_355, %dma_wait3A_356, %dma_wait3A_367, %dma_wait3A_368] : memref<200x8x32x8x128xf32, #tpu.memory_space<hbm>> -> memref<1x1x1x8x128xf32, #tpu.memory_space<hbm>>
    %dma_wait3A_370 = tpu.memref_squeeze %dma_wait3A_369 : memref<1x1x1x8x128xf32, #tpu.memory_space<hbm>> -> memref<8x128xf32, #tpu.memory_space<hbm>>
    tpu.wait_dma2 semaphore(%arg22 : memref<!tpu.dma_semaphore, #tpu.memory_space<semaphore_mem>>) src(%dma_wait3A_370 : memref<8x128xf32, #tpu.memory_space<hbm>>) dst(%dma_wait3A_366 : memref<8x128xf32, #tpu.memory_space<vmem>>)
    %dma_wait3A_371 = arith.constant 0 : i32
    %dma_wait3A_372 = arith.constant 0 : i32
    %dma_wait3A_373 = arith.constant 0 : i32
    %dma_wait3A_374 = arith.constant 32 : i32
    %dma_wait3A_375 = arith.constant 0 : i32
    %dma_wait3A_376 = tpu.memref_slice %arg14[%dma_wait3A_374, %dma_wait3A_375] : memref<64x129xf32, #tpu.memory_space<vmem>> -> memref<8x128xf32, #tpu.memory_space<vmem>>
    %dma_wait3A_377 = arith.constant 0 : i32
    %dma_wait3A_378 = arith.constant 0 : i32
    %dma_wait3A_379 = tpu.memref_slice %arg5[%dma_wait3A_371, %dma_wait3A_372, %dma_wait3A_373, %dma_wait3A_377, %dma_wait3A_378] : memref<200x8x32x8x128xf32, #tpu.memory_space<hbm>> -> memref<1x1x1x8x128xf32, #tpu.memory_space<hbm>>
    %dma_wait3A_380 = tpu.memref_squeeze %dma_wait3A_379 : memref<1x1x1x8x128xf32, #tpu.memory_space<hbm>> -> memref<8x128xf32, #tpu.memory_space<hbm>>
    %dma_wait3A_381 = arith.constant 32 : i32
    %dma_wait3A_382 = arith.constant 0 : i32
    %dma_wait3A_383 = tpu.memref_slice %arg14[%dma_wait3A_381, %dma_wait3A_382] : memref<64x129xf32, #tpu.memory_space<vmem>> -> memref<8x128xf32, #tpu.memory_space<vmem>>
    %dma_wait3A_384 = arith.constant 0 : i32
    %dma_wait3A_385 = arith.constant 0 : i32
    %dma_wait3A_386 = tpu.memref_slice %arg5[%dma_wait3A_371, %dma_wait3A_372, %dma_wait3A_373, %dma_wait3A_384, %dma_wait3A_385] : memref<200x8x32x8x128xf32, #tpu.memory_space<hbm>> -> memref<1x1x1x8x128xf32, #tpu.memory_space<hbm>>
    %dma_wait3A_387 = tpu.memref_squeeze %dma_wait3A_386 : memref<1x1x1x8x128xf32, #tpu.memory_space<hbm>> -> memref<8x128xf32, #tpu.memory_space<hbm>>
    tpu.wait_dma2 semaphore(%arg22 : memref<!tpu.dma_semaphore, #tpu.memory_space<semaphore_mem>>) src(%dma_wait3A_387 : memref<8x128xf32, #tpu.memory_space<hbm>>) dst(%dma_wait3A_383 : memref<8x128xf32, #tpu.memory_space<vmem>>)
    %dma_wait3A_388 = arith.constant 0 : i32
    %dma_wait3A_389 = arith.constant 0 : i32
    %dma_wait3A_390 = arith.constant 0 : i32
    %dma_wait3A_391 = arith.constant 40 : i32
    %dma_wait3A_392 = arith.constant 0 : i32
    %dma_wait3A_393 = tpu.memref_slice %arg14[%dma_wait3A_391, %dma_wait3A_392] : memref<64x129xf32, #tpu.memory_space<vmem>> -> memref<8x128xf32, #tpu.memory_space<vmem>>
    %dma_wait3A_394 = arith.constant 0 : i32
    %dma_wait3A_395 = arith.constant 0 : i32
    %dma_wait3A_396 = tpu.memref_slice %arg5[%dma_wait3A_388, %dma_wait3A_389, %dma_wait3A_390, %dma_wait3A_394, %dma_wait3A_395] : memref<200x8x32x8x128xf32, #tpu.memory_space<hbm>> -> memref<1x1x1x8x128xf32, #tpu.memory_space<hbm>>
    %dma_wait3A_397 = tpu.memref_squeeze %dma_wait3A_396 : memref<1x1x1x8x128xf32, #tpu.memory_space<hbm>> -> memref<8x128xf32, #tpu.memory_space<hbm>>
    %dma_wait3A_398 = arith.constant 40 : i32
    %dma_wait3A_399 = arith.constant 0 : i32
    %dma_wait3A_400 = tpu.memref_slice %arg14[%dma_wait3A_398, %dma_wait3A_399] : memref<64x129xf32, #tpu.memory_space<vmem>> -> memref<8x128xf32, #tpu.memory_space<vmem>>
    %dma_wait3A_401 = arith.constant 0 : i32
    %dma_wait3A_402 = arith.constant 0 : i32
    %dma_wait3A_403 = tpu.memref_slice %arg5[%dma_wait3A_388, %dma_wait3A_389, %dma_wait3A_390, %dma_wait3A_401, %dma_wait3A_402] : memref<200x8x32x8x128xf32, #tpu.memory_space<hbm>> -> memref<1x1x1x8x128xf32, #tpu.memory_space<hbm>>
    %dma_wait3A_404 = tpu.memref_squeeze %dma_wait3A_403 : memref<1x1x1x8x128xf32, #tpu.memory_space<hbm>> -> memref<8x128xf32, #tpu.memory_space<hbm>>
    tpu.wait_dma2 semaphore(%arg22 : memref<!tpu.dma_semaphore, #tpu.memory_space<semaphore_mem>>) src(%dma_wait3A_404 : memref<8x128xf32, #tpu.memory_space<hbm>>) dst(%dma_wait3A_400 : memref<8x128xf32, #tpu.memory_space<vmem>>)
    %dma_wait3A_405 = arith.constant 0 : i32
    %dma_wait3A_406 = arith.constant 0 : i32
    %dma_wait3A_407 = arith.constant 0 : i32
    %dma_wait3A_408 = arith.constant 48 : i32
    %dma_wait3A_409 = arith.constant 0 : i32
    %dma_wait3A_410 = tpu.memref_slice %arg14[%dma_wait3A_408, %dma_wait3A_409] : memref<64x129xf32, #tpu.memory_space<vmem>> -> memref<8x128xf32, #tpu.memory_space<vmem>>
    %dma_wait3A_411 = arith.constant 0 : i32
    %dma_wait3A_412 = arith.constant 0 : i32
    %dma_wait3A_413 = tpu.memref_slice %arg5[%dma_wait3A_405, %dma_wait3A_406, %dma_wait3A_407, %dma_wait3A_411, %dma_wait3A_412] : memref<200x8x32x8x128xf32, #tpu.memory_space<hbm>> -> memref<1x1x1x8x128xf32, #tpu.memory_space<hbm>>
    %dma_wait3A_414 = tpu.memref_squeeze %dma_wait3A_413 : memref<1x1x1x8x128xf32, #tpu.memory_space<hbm>> -> memref<8x128xf32, #tpu.memory_space<hbm>>
    %dma_wait3A_415 = arith.constant 48 : i32
    %dma_wait3A_416 = arith.constant 0 : i32
    %dma_wait3A_417 = tpu.memref_slice %arg14[%dma_wait3A_415, %dma_wait3A_416] : memref<64x129xf32, #tpu.memory_space<vmem>> -> memref<8x128xf32, #tpu.memory_space<vmem>>
    %dma_wait3A_418 = arith.constant 0 : i32
    %dma_wait3A_419 = arith.constant 0 : i32
    %dma_wait3A_420 = tpu.memref_slice %arg5[%dma_wait3A_405, %dma_wait3A_406, %dma_wait3A_407, %dma_wait3A_418, %dma_wait3A_419] : memref<200x8x32x8x128xf32, #tpu.memory_space<hbm>> -> memref<1x1x1x8x128xf32, #tpu.memory_space<hbm>>
    %dma_wait3A_421 = tpu.memref_squeeze %dma_wait3A_420 : memref<1x1x1x8x128xf32, #tpu.memory_space<hbm>> -> memref<8x128xf32, #tpu.memory_space<hbm>>
    tpu.wait_dma2 semaphore(%arg22 : memref<!tpu.dma_semaphore, #tpu.memory_space<semaphore_mem>>) src(%dma_wait3A_421 : memref<8x128xf32, #tpu.memory_space<hbm>>) dst(%dma_wait3A_417 : memref<8x128xf32, #tpu.memory_space<vmem>>)
    %dma_wait3A_422 = arith.constant 0 : i32
    %dma_wait3A_423 = arith.constant 0 : i32
    %dma_wait3A_424 = arith.constant 0 : i32
    %dma_wait3A_425 = arith.constant 56 : i32
    %dma_wait3A_426 = arith.constant 0 : i32
    %dma_wait3A_427 = tpu.memref_slice %arg14[%dma_wait3A_425, %dma_wait3A_426] : memref<64x129xf32, #tpu.memory_space<vmem>> -> memref<8x128xf32, #tpu.memory_space<vmem>>
    %dma_wait3A_428 = arith.constant 0 : i32
    %dma_wait3A_429 = arith.constant 0 : i32
    %dma_wait3A_430 = tpu.memref_slice %arg5[%dma_wait3A_422, %dma_wait3A_423, %dma_wait3A_424, %dma_wait3A_428, %dma_wait3A_429] : memref<200x8x32x8x128xf32, #tpu.memory_space<hbm>> -> memref<1x1x1x8x128xf32, #tpu.memory_space<hbm>>
    %dma_wait3A_431 = tpu.memref_squeeze %dma_wait3A_430 : memref<1x1x1x8x128xf32, #tpu.memory_space<hbm>> -> memref<8x128xf32, #tpu.memory_space<hbm>>
    %dma_wait3A_432 = arith.constant 56 : i32
    %dma_wait3A_433 = arith.constant 0 : i32
    %dma_wait3A_434 = tpu.memref_slice %arg14[%dma_wait3A_432, %dma_wait3A_433] : memref<64x129xf32, #tpu.memory_space<vmem>> -> memref<8x128xf32, #tpu.memory_space<vmem>>
    %dma_wait3A_435 = arith.constant 0 : i32
    %dma_wait3A_436 = arith.constant 0 : i32
    %dma_wait3A_437 = tpu.memref_slice %arg5[%dma_wait3A_422, %dma_wait3A_423, %dma_wait3A_424, %dma_wait3A_435, %dma_wait3A_436] : memref<200x8x32x8x128xf32, #tpu.memory_space<hbm>> -> memref<1x1x1x8x128xf32, #tpu.memory_space<hbm>>
    %dma_wait3A_438 = tpu.memref_squeeze %dma_wait3A_437 : memref<1x1x1x8x128xf32, #tpu.memory_space<hbm>> -> memref<8x128xf32, #tpu.memory_space<hbm>>
    tpu.wait_dma2 semaphore(%arg22 : memref<!tpu.dma_semaphore, #tpu.memory_space<semaphore_mem>>) src(%dma_wait3A_438 : memref<8x128xf32, #tpu.memory_space<hbm>>) dst(%dma_wait3A_434 : memref<8x128xf32, #tpu.memory_space<vmem>>)
    %dma_wait3A_439 = arith.constant 0 : i32
    %dma_wait3A_440 = arith.constant 0 : i32
    %dma_wait3A_441 = arith.constant 0 : i32
    %dma_wait3A_442 = arith.constant 0 : i32
    %dma_wait3A_443 = arith.constant 0 : i32
    %dma_wait3A_444 = tpu.memref_slice %arg15[%dma_wait3A_442, %dma_wait3A_443] : memref<64x129xf32, #tpu.memory_space<vmem>> -> memref<8x128xf32, #tpu.memory_space<vmem>>
    %dma_wait3A_445 = arith.constant 0 : i32
    %dma_wait3A_446 = arith.constant 0 : i32
    %dma_wait3A_447 = tpu.memref_slice %arg5[%dma_wait3A_439, %dma_wait3A_440, %dma_wait3A_441, %dma_wait3A_445, %dma_wait3A_446] : memref<200x8x32x8x128xf32, #tpu.memory_space<hbm>> -> memref<1x1x1x8x128xf32, #tpu.memory_space<hbm>>
    %dma_wait3A_448 = tpu.memref_squeeze %dma_wait3A_447 : memref<1x1x1x8x128xf32, #tpu.memory_space<hbm>> -> memref<8x128xf32, #tpu.memory_space<hbm>>
    %dma_wait3A_449 = arith.constant 0 : i32
    %dma_wait3A_450 = arith.constant 0 : i32
    %dma_wait3A_451 = tpu.memref_slice %arg15[%dma_wait3A_449, %dma_wait3A_450] : memref<64x129xf32, #tpu.memory_space<vmem>> -> memref<8x128xf32, #tpu.memory_space<vmem>>
    %dma_wait3A_452 = arith.constant 0 : i32
    %dma_wait3A_453 = arith.constant 0 : i32
    %dma_wait3A_454 = tpu.memref_slice %arg5[%dma_wait3A_439, %dma_wait3A_440, %dma_wait3A_441, %dma_wait3A_452, %dma_wait3A_453] : memref<200x8x32x8x128xf32, #tpu.memory_space<hbm>> -> memref<1x1x1x8x128xf32, #tpu.memory_space<hbm>>
    %dma_wait3A_455 = tpu.memref_squeeze %dma_wait3A_454 : memref<1x1x1x8x128xf32, #tpu.memory_space<hbm>> -> memref<8x128xf32, #tpu.memory_space<hbm>>
    tpu.wait_dma2 semaphore(%arg23 : memref<!tpu.dma_semaphore, #tpu.memory_space<semaphore_mem>>) src(%dma_wait3A_455 : memref<8x128xf32, #tpu.memory_space<hbm>>) dst(%dma_wait3A_451 : memref<8x128xf32, #tpu.memory_space<vmem>>)
    %dma_wait3A_456 = arith.constant 0 : i32
    %dma_wait3A_457 = arith.constant 0 : i32
    %dma_wait3A_458 = arith.constant 0 : i32
    %dma_wait3A_459 = arith.constant 8 : i32
    %dma_wait3A_460 = arith.constant 0 : i32
    %dma_wait3A_461 = tpu.memref_slice %arg15[%dma_wait3A_459, %dma_wait3A_460] : memref<64x129xf32, #tpu.memory_space<vmem>> -> memref<8x128xf32, #tpu.memory_space<vmem>>
    %dma_wait3A_462 = arith.constant 0 : i32
    %dma_wait3A_463 = arith.constant 0 : i32
    %dma_wait3A_464 = tpu.memref_slice %arg5[%dma_wait3A_456, %dma_wait3A_457, %dma_wait3A_458, %dma_wait3A_462, %dma_wait3A_463] : memref<200x8x32x8x128xf32, #tpu.memory_space<hbm>> -> memref<1x1x1x8x128xf32, #tpu.memory_space<hbm>>
    %dma_wait3A_465 = tpu.memref_squeeze %dma_wait3A_464 : memref<1x1x1x8x128xf32, #tpu.memory_space<hbm>> -> memref<8x128xf32, #tpu.memory_space<hbm>>
    %dma_wait3A_466 = arith.constant 8 : i32
    %dma_wait3A_467 = arith.constant 0 : i32
    %dma_wait3A_468 = tpu.memref_slice %arg15[%dma_wait3A_466, %dma_wait3A_467] : memref<64x129xf32, #tpu.memory_space<vmem>> -> memref<8x128xf32, #tpu.memory_space<vmem>>
    %dma_wait3A_469 = arith.constant 0 : i32
    %dma_wait3A_470 = arith.constant 0 : i32
    %dma_wait3A_471 = tpu.memref_slice %arg5[%dma_wait3A_456, %dma_wait3A_457, %dma_wait3A_458, %dma_wait3A_469, %dma_wait3A_470] : memref<200x8x32x8x128xf32, #tpu.memory_space<hbm>> -> memref<1x1x1x8x128xf32, #tpu.memory_space<hbm>>
    %dma_wait3A_472 = tpu.memref_squeeze %dma_wait3A_471 : memref<1x1x1x8x128xf32, #tpu.memory_space<hbm>> -> memref<8x128xf32, #tpu.memory_space<hbm>>
    tpu.wait_dma2 semaphore(%arg23 : memref<!tpu.dma_semaphore, #tpu.memory_space<semaphore_mem>>) src(%dma_wait3A_472 : memref<8x128xf32, #tpu.memory_space<hbm>>) dst(%dma_wait3A_468 : memref<8x128xf32, #tpu.memory_space<vmem>>)
    %dma_wait3A_473 = arith.constant 0 : i32
    %dma_wait3A_474 = arith.constant 0 : i32
    %dma_wait3A_475 = arith.constant 0 : i32
    %dma_wait3A_476 = arith.constant 16 : i32
    %dma_wait3A_477 = arith.constant 0 : i32
    %dma_wait3A_478 = tpu.memref_slice %arg15[%dma_wait3A_476, %dma_wait3A_477] : memref<64x129xf32, #tpu.memory_space<vmem>> -> memref<8x128xf32, #tpu.memory_space<vmem>>
    %dma_wait3A_479 = arith.constant 0 : i32
    %dma_wait3A_480 = arith.constant 0 : i32
    %dma_wait3A_481 = tpu.memref_slice %arg5[%dma_wait3A_473, %dma_wait3A_474, %dma_wait3A_475, %dma_wait3A_479, %dma_wait3A_480] : memref<200x8x32x8x128xf32, #tpu.memory_space<hbm>> -> memref<1x1x1x8x128xf32, #tpu.memory_space<hbm>>
    %dma_wait3A_482 = tpu.memref_squeeze %dma_wait3A_481 : memref<1x1x1x8x128xf32, #tpu.memory_space<hbm>> -> memref<8x128xf32, #tpu.memory_space<hbm>>
    %dma_wait3A_483 = arith.constant 16 : i32
    %dma_wait3A_484 = arith.constant 0 : i32
    %dma_wait3A_485 = tpu.memref_slice %arg15[%dma_wait3A_483, %dma_wait3A_484] : memref<64x129xf32, #tpu.memory_space<vmem>> -> memref<8x128xf32, #tpu.memory_space<vmem>>
    %dma_wait3A_486 = arith.constant 0 : i32
    %dma_wait3A_487 = arith.constant 0 : i32
    %dma_wait3A_488 = tpu.memref_slice %arg5[%dma_wait3A_473, %dma_wait3A_474, %dma_wait3A_475, %dma_wait3A_486, %dma_wait3A_487] : memref<200x8x32x8x128xf32, #tpu.memory_space<hbm>> -> memref<1x1x1x8x128xf32, #tpu.memory_space<hbm>>
    %dma_wait3A_489 = tpu.memref_squeeze %dma_wait3A_488 : memref<1x1x1x8x128xf32, #tpu.memory_space<hbm>> -> memref<8x128xf32, #tpu.memory_space<hbm>>
    tpu.wait_dma2 semaphore(%arg23 : memref<!tpu.dma_semaphore, #tpu.memory_space<semaphore_mem>>) src(%dma_wait3A_489 : memref<8x128xf32, #tpu.memory_space<hbm>>) dst(%dma_wait3A_485 : memref<8x128xf32, #tpu.memory_space<vmem>>)
    %dma_wait3A_490 = arith.constant 0 : i32
    %dma_wait3A_491 = arith.constant 0 : i32
    %dma_wait3A_492 = arith.constant 0 : i32
    %dma_wait3A_493 = arith.constant 24 : i32
    %dma_wait3A_494 = arith.constant 0 : i32
    %dma_wait3A_495 = tpu.memref_slice %arg15[%dma_wait3A_493, %dma_wait3A_494] : memref<64x129xf32, #tpu.memory_space<vmem>> -> memref<8x128xf32, #tpu.memory_space<vmem>>
    %dma_wait3A_496 = arith.constant 0 : i32
    %dma_wait3A_497 = arith.constant 0 : i32
    %dma_wait3A_498 = tpu.memref_slice %arg5[%dma_wait3A_490, %dma_wait3A_491, %dma_wait3A_492, %dma_wait3A_496, %dma_wait3A_497] : memref<200x8x32x8x128xf32, #tpu.memory_space<hbm>> -> memref<1x1x1x8x128xf32, #tpu.memory_space<hbm>>
    %dma_wait3A_499 = tpu.memref_squeeze %dma_wait3A_498 : memref<1x1x1x8x128xf32, #tpu.memory_space<hbm>> -> memref<8x128xf32, #tpu.memory_space<hbm>>
    %dma_wait3A_500 = arith.constant 24 : i32
    %dma_wait3A_501 = arith.constant 0 : i32
    %dma_wait3A_502 = tpu.memref_slice %arg15[%dma_wait3A_500, %dma_wait3A_501] : memref<64x129xf32, #tpu.memory_space<vmem>> -> memref<8x128xf32, #tpu.memory_space<vmem>>
    %dma_wait3A_503 = arith.constant 0 : i32
    %dma_wait3A_504 = arith.constant 0 : i32
    %dma_wait3A_505 = tpu.memref_slice %arg5[%dma_wait3A_490, %dma_wait3A_491, %dma_wait3A_492, %dma_wait3A_503, %dma_wait3A_504] : memref<200x8x32x8x128xf32, #tpu.memory_space<hbm>> -> memref<1x1x1x8x128xf32, #tpu.memory_space<hbm>>
    %dma_wait3A_506 = tpu.memref_squeeze %dma_wait3A_505 : memref<1x1x1x8x128xf32, #tpu.memory_space<hbm>> -> memref<8x128xf32, #tpu.memory_space<hbm>>
    tpu.wait_dma2 semaphore(%arg23 : memref<!tpu.dma_semaphore, #tpu.memory_space<semaphore_mem>>) src(%dma_wait3A_506 : memref<8x128xf32, #tpu.memory_space<hbm>>) dst(%dma_wait3A_502 : memref<8x128xf32, #tpu.memory_space<vmem>>)
    %dma_wait3A_507 = arith.constant 0 : i32
    %dma_wait3A_508 = arith.constant 0 : i32
    %dma_wait3A_509 = arith.constant 0 : i32
    %dma_wait3A_510 = arith.constant 32 : i32
    %dma_wait3A_511 = arith.constant 0 : i32
    %dma_wait3A_512 = tpu.memref_slice %arg15[%dma_wait3A_510, %dma_wait3A_511] : memref<64x129xf32, #tpu.memory_space<vmem>> -> memref<8x128xf32, #tpu.memory_space<vmem>>
    %dma_wait3A_513 = arith.constant 0 : i32
    %dma_wait3A_514 = arith.constant 0 : i32
    %dma_wait3A_515 = tpu.memref_slice %arg5[%dma_wait3A_507, %dma_wait3A_508, %dma_wait3A_509, %dma_wait3A_513, %dma_wait3A_514] : memref<200x8x32x8x128xf32, #tpu.memory_space<hbm>> -> memref<1x1x1x8x128xf32, #tpu.memory_space<hbm>>
    %dma_wait3A_516 = tpu.memref_squeeze %dma_wait3A_515 : memref<1x1x1x8x128xf32, #tpu.memory_space<hbm>> -> memref<8x128xf32, #tpu.memory_space<hbm>>
    %dma_wait3A_517 = arith.constant 32 : i32
    %dma_wait3A_518 = arith.constant 0 : i32
    %dma_wait3A_519 = tpu.memref_slice %arg15[%dma_wait3A_517, %dma_wait3A_518] : memref<64x129xf32, #tpu.memory_space<vmem>> -> memref<8x128xf32, #tpu.memory_space<vmem>>
    %dma_wait3A_520 = arith.constant 0 : i32
    %dma_wait3A_521 = arith.constant 0 : i32
    %dma_wait3A_522 = tpu.memref_slice %arg5[%dma_wait3A_507, %dma_wait3A_508, %dma_wait3A_509, %dma_wait3A_520, %dma_wait3A_521] : memref<200x8x32x8x128xf32, #tpu.memory_space<hbm>> -> memref<1x1x1x8x128xf32, #tpu.memory_space<hbm>>
    %dma_wait3A_523 = tpu.memref_squeeze %dma_wait3A_522 : memref<1x1x1x8x128xf32, #tpu.memory_space<hbm>> -> memref<8x128xf32, #tpu.memory_space<hbm>>
    tpu.wait_dma2 semaphore(%arg23 : memref<!tpu.dma_semaphore, #tpu.memory_space<semaphore_mem>>) src(%dma_wait3A_523 : memref<8x128xf32, #tpu.memory_space<hbm>>) dst(%dma_wait3A_519 : memref<8x128xf32, #tpu.memory_space<vmem>>)
    %dma_wait3A_524 = arith.constant 0 : i32
    %dma_wait3A_525 = arith.constant 0 : i32
    %dma_wait3A_526 = arith.constant 0 : i32
    %dma_wait3A_527 = arith.constant 40 : i32
    %dma_wait3A_528 = arith.constant 0 : i32
    %dma_wait3A_529 = tpu.memref_slice %arg15[%dma_wait3A_527, %dma_wait3A_528] : memref<64x129xf32, #tpu.memory_space<vmem>> -> memref<8x128xf32, #tpu.memory_space<vmem>>
    %dma_wait3A_530 = arith.constant 0 : i32
    %dma_wait3A_531 = arith.constant 0 : i32
    %dma_wait3A_532 = tpu.memref_slice %arg5[%dma_wait3A_524, %dma_wait3A_525, %dma_wait3A_526, %dma_wait3A_530, %dma_wait3A_531] : memref<200x8x32x8x128xf32, #tpu.memory_space<hbm>> -> memref<1x1x1x8x128xf32, #tpu.memory_space<hbm>>
    %dma_wait3A_533 = tpu.memref_squeeze %dma_wait3A_532 : memref<1x1x1x8x128xf32, #tpu.memory_space<hbm>> -> memref<8x128xf32, #tpu.memory_space<hbm>>
    %dma_wait3A_534 = arith.constant 40 : i32
    %dma_wait3A_535 = arith.constant 0 : i32
    %dma_wait3A_536 = tpu.memref_slice %arg15[%dma_wait3A_534, %dma_wait3A_535] : memref<64x129xf32, #tpu.memory_space<vmem>> -> memref<8x128xf32, #tpu.memory_space<vmem>>
    %dma_wait3A_537 = arith.constant 0 : i32
    %dma_wait3A_538 = arith.constant 0 : i32
    %dma_wait3A_539 = tpu.memref_slice %arg5[%dma_wait3A_524, %dma_wait3A_525, %dma_wait3A_526, %dma_wait3A_537, %dma_wait3A_538] : memref<200x8x32x8x128xf32, #tpu.memory_space<hbm>> -> memref<1x1x1x8x128xf32, #tpu.memory_space<hbm>>
    %dma_wait3A_540 = tpu.memref_squeeze %dma_wait3A_539 : memref<1x1x1x8x128xf32, #tpu.memory_space<hbm>> -> memref<8x128xf32, #tpu.memory_space<hbm>>
    tpu.wait_dma2 semaphore(%arg23 : memref<!tpu.dma_semaphore, #tpu.memory_space<semaphore_mem>>) src(%dma_wait3A_540 : memref<8x128xf32, #tpu.memory_space<hbm>>) dst(%dma_wait3A_536 : memref<8x128xf32, #tpu.memory_space<vmem>>)
    %dma_wait3A_541 = arith.constant 0 : i32
    %dma_wait3A_542 = arith.constant 0 : i32
    %dma_wait3A_543 = arith.constant 0 : i32
    %dma_wait3A_544 = arith.constant 48 : i32
    %dma_wait3A_545 = arith.constant 0 : i32
    %dma_wait3A_546 = tpu.memref_slice %arg15[%dma_wait3A_544, %dma_wait3A_545] : memref<64x129xf32, #tpu.memory_space<vmem>> -> memref<8x128xf32, #tpu.memory_space<vmem>>
    %dma_wait3A_547 = arith.constant 0 : i32
    %dma_wait3A_548 = arith.constant 0 : i32
    %dma_wait3A_549 = tpu.memref_slice %arg5[%dma_wait3A_541, %dma_wait3A_542, %dma_wait3A_543, %dma_wait3A_547, %dma_wait3A_548] : memref<200x8x32x8x128xf32, #tpu.memory_space<hbm>> -> memref<1x1x1x8x128xf32, #tpu.memory_space<hbm>>
    %dma_wait3A_550 = tpu.memref_squeeze %dma_wait3A_549 : memref<1x1x1x8x128xf32, #tpu.memory_space<hbm>> -> memref<8x128xf32, #tpu.memory_space<hbm>>
    %dma_wait3A_551 = arith.constant 48 : i32
    %dma_wait3A_552 = arith.constant 0 : i32
    %dma_wait3A_553 = tpu.memref_slice %arg15[%dma_wait3A_551, %dma_wait3A_552] : memref<64x129xf32, #tpu.memory_space<vmem>> -> memref<8x128xf32, #tpu.memory_space<vmem>>
    %dma_wait3A_554 = arith.constant 0 : i32
    %dma_wait3A_555 = arith.constant 0 : i32
    %dma_wait3A_556 = tpu.memref_slice %arg5[%dma_wait3A_541, %dma_wait3A_542, %dma_wait3A_543, %dma_wait3A_554, %dma_wait3A_555] : memref<200x8x32x8x128xf32, #tpu.memory_space<hbm>> -> memref<1x1x1x8x128xf32, #tpu.memory_space<hbm>>
    %dma_wait3A_557 = tpu.memref_squeeze %dma_wait3A_556 : memref<1x1x1x8x128xf32, #tpu.memory_space<hbm>> -> memref<8x128xf32, #tpu.memory_space<hbm>>
    tpu.wait_dma2 semaphore(%arg23 : memref<!tpu.dma_semaphore, #tpu.memory_space<semaphore_mem>>) src(%dma_wait3A_557 : memref<8x128xf32, #tpu.memory_space<hbm>>) dst(%dma_wait3A_553 : memref<8x128xf32, #tpu.memory_space<vmem>>)
    %dma_wait3A_558 = arith.constant 0 : i32
    %dma_wait3A_559 = arith.constant 0 : i32
    %dma_wait3A_560 = arith.constant 0 : i32
    %dma_wait3A_561 = arith.constant 56 : i32
    %dma_wait3A_562 = arith.constant 0 : i32
    %dma_wait3A_563 = tpu.memref_slice %arg15[%dma_wait3A_561, %dma_wait3A_562] : memref<64x129xf32, #tpu.memory_space<vmem>> -> memref<8x128xf32, #tpu.memory_space<vmem>>
    %dma_wait3A_564 = arith.constant 0 : i32
    %dma_wait3A_565 = arith.constant 0 : i32
    %dma_wait3A_566 = tpu.memref_slice %arg5[%dma_wait3A_558, %dma_wait3A_559, %dma_wait3A_560, %dma_wait3A_564, %dma_wait3A_565] : memref<200x8x32x8x128xf32, #tpu.memory_space<hbm>> -> memref<1x1x1x8x128xf32, #tpu.memory_space<hbm>>
    %dma_wait3A_567 = tpu.memref_squeeze %dma_wait3A_566 : memref<1x1x1x8x128xf32, #tpu.memory_space<hbm>> -> memref<8x128xf32, #tpu.memory_space<hbm>>
    %dma_wait3A_568 = arith.constant 56 : i32
    %dma_wait3A_569 = arith.constant 0 : i32
    %dma_wait3A_570 = tpu.memref_slice %arg15[%dma_wait3A_568, %dma_wait3A_569] : memref<64x129xf32, #tpu.memory_space<vmem>> -> memref<8x128xf32, #tpu.memory_space<vmem>>
    %dma_wait3A_571 = arith.constant 0 : i32
    %dma_wait3A_572 = arith.constant 0 : i32
    %dma_wait3A_573 = tpu.memref_slice %arg5[%dma_wait3A_558, %dma_wait3A_559, %dma_wait3A_560, %dma_wait3A_571, %dma_wait3A_572] : memref<200x8x32x8x128xf32, #tpu.memory_space<hbm>> -> memref<1x1x1x8x128xf32, #tpu.memory_space<hbm>>
    %dma_wait3A_574 = tpu.memref_squeeze %dma_wait3A_573 : memref<1x1x1x8x128xf32, #tpu.memory_space<hbm>> -> memref<8x128xf32, #tpu.memory_space<hbm>>
    tpu.wait_dma2 semaphore(%arg23 : memref<!tpu.dma_semaphore, #tpu.memory_space<semaphore_mem>>) src(%dma_wait3A_574 : memref<8x128xf32, #tpu.memory_space<hbm>>) dst(%dma_wait3A_570 : memref<8x128xf32, #tpu.memory_space<vmem>>)
    return
  }
}

module attributes {stable_mosaic.version = 14 : i64} {
  func.func @body(%arg0: i32, %arg1: memref<64x8192xf32, #tpu.memory_space<vmem>>, %arg2: memref<64x64xf32, #tpu.memory_space<vmem>>, %arg3: memref<8192x64xf32, #tpu.memory_space<vmem>>) attributes {dimension_semantics = [#tpu.dimension_semantics<arbitrary>], iteration_bounds = array<i64: 123>, scalar_prefetch = 0 : i64, scratch_operands = 0 : i64, tpu.core_type = #tpu.core_type<tc>, window_params = [{transform_indices = @transform_0, window_bounds = array<i64: 64, 8192>}, {pipeline_mode = #tpu.pipeline_mode<synchronous>, transform_indices = @transform_1, window_bounds = array<i64: 64, 64>}, {transform_indices = @transform_2, window_bounds = array<i64: 8192, 64>}]} {
    %get3A = arith.constant 0 : index
    %get3A_0 = arith.constant 0 : index
    %get3A_1 = vector.load %arg1[%get3A, %get3A_0] : memref<64x8192xf32, #tpu.memory_space<vmem>>, vector<64x8192xf32>
    %get3A_2 = arith.constant 0 : index
    %get3A_3 = arith.constant 0 : index
    %get3A_4 = vector.load %arg2[%get3A_2, %get3A_3] : memref<64x64xf32, #tpu.memory_space<vmem>>, vector<64x64xf32>
    %dot_general3A = arith.constant dense<0.000000e+00> : vector<8192x64xf32>
    %dot_general3A_5 = tpu.matmul %get3A_1, %get3A_4, %dot_general3A {dimension_numbers = #tpu.dot_dimension_numbers<[0], [0], [1], [1], [0, 1, 1, 1], [], []>, transpose_lhs_hint = false} : vector<64x8192xf32>, vector<64x64xf32>, vector<8192x64xf32> -> vector<8192x64xf32>
    %swap3A = arith.constant 0 : index
    %swap3A_6 = arith.constant 0 : index
    %swap3A_7 = vector.load %arg3[%swap3A, %swap3A_6] : memref<8192x64xf32, #tpu.memory_space<vmem>>, vector<8192x64xf32>
    tpu.vector_store %arg3[%swap3A, %swap3A_6], %dot_general3A_5 {strides = array<i32>} : memref<8192x64xf32, #tpu.memory_space<vmem>>, vector<8192x64xf32>,
    return
  }
  func.func @transform_0(%arg0: i32) -> (i32, i32) {
    %c0_i32 = arith.constant 0 : i32
    %c0_i32_0 = arith.constant 0 : i32
    return %c0_i32, %arg0 : i32, i32
  }
  func.func @transform_1(%arg0: i32) -> (i32, i32) {
    %c0_i32 = arith.constant 0 : i32
    %c0_i32_0 = arith.constant 0 : i32
    %c0_i32_1 = arith.constant 0 : i32
    return %c0_i32, %c0_i32_0 : i32, i32
  }
  func.func @transform_2(%arg0: i32) -> (i32, i32) {
    %c0_i32 = arith.constant 0 : i32
    %c0_i32_0 = arith.constant 0 : i32
    return %arg0, %c0_i32 : i32, i32
  }
}

</mosaic_0001>

<sc_bundles>
// kernel: kernel.4.cloned.1.call-start
scs
__scs_entry_jumppad:
0x0: {  	(pc) =	sbr.rel $0x88, $3  }
0x1: {  	(tag) =	ssettag $0x0;
	lr =	simm.s32 $0x1  }
0x2: {  	[smem:$0x3F9F] =	sst lr;
	_ =	strace $0xD0000000  }
0x3: {  	_ = 	snop  }
0x4: {  	_ = 	snop  }
0x5: {  	_ = 	snop  }
0x6: {  	_ = 	snop  }
0x7: {  	_ = 	snop  }
__scs_overlays_trampoline_lowered:
0x8: {  	[smem:$0x3FAE] =	sst s0  }
0x9: {  	[smem:$0x3FAF] =	sst s1  }
0xa: {  	[smem:$0x3FB0] =	sst s2  }
0xb: {  	[smem:$0x3FB1] =	sst s3  }
0xc: {  	[smem:$0x3FB2] =	sst s4  }
0xd: {  	[smem:$0x3FB3] =	sst s5  }
0xe: {  	[smem:$0x3FB4] =	sst s6  }
0xf: {  	[smem:$0x3FB5] =	sst s7  }
0x10: {  	[smem:$0x3FB6] =	sst s8  }
0x11: {  	[smem:$0x3FB7] =	sst s9;
	s0 =	simm.s32 @!p0 $0x0  }
0x12: {  	s1 =	sld [smem:$0x3F9D];
	s0 =	simm.s32 @p0 $0x1  }
0x13: {  	[smem:$0x3FB8] =	sst s0;
	s0 =	simm.s32 @!p1 $0x0  }
0x14: {  	s2 =	sld [smem:$0x3F9C];
	s0 =	simm.s32 @p1 $0x1  }
0x15: {  	[smem:$0x3FB9] =	sst s0;
	s0 =	simm.s32 @!p2 $0x0  }
0x16: {  	s3 =	sld [smem:$0x3FDB];
	s0 =	simm.s32 @p2 $0x1  }
0x17: {  	s4 =	simm.s32 $0x1BF5;
	[smem:$0x3FBB] =	sst s0  }
0x18: {  	s0 =	sld [smem:$0x3F9E];
	_ =	swait.ge [sflag:s4], $0x0  }
0x19: {  	s7 =	sld [smem:$0x3F9F]  }
0x1a: {  	s8 =	sadd.s32 $0xFFFFE003, lr  }
0x1b: {  	s9 =	sadd.s32 $0xFFFFFEF7, lr;
	s5 =	simm.s32 $0xFFFFFFFF;
	p2 =	slt.u32 s8, $0xFFFFF086  }
0x1c: {  	p1 =	slt.u32 s9, $0xF7A;
	s5 =	simm.s32 @!p2 $0x0  }
0x1d: {  	s5 =	simm.s32 @p1 $0x1;
	p0 =	seq.s32 s7, s2  }
0x1e: {  	s7 =	smul.u32 @!p0 $0xF7A, s2;
	p2 =	seq.s32 @!p0 s5, $0x0  }
0x1f: {  	s9 =	smul.u32 $0xF7A, s1;
	s8 =	simm.s32 @!p0 $0x1BF5;
	p2 =	por !p2, p0  }
0x20: {  	[sflag:s8] =	ssyncset.s32 @!p0 $0xFFFFF086;
	s6 =	sadd.s32 @!p0 s3, s7;
	s7 =	simm.s32 @!p0 $0x108  }
0x21: {  	s3 =	sadd.s32 s3, s9;
	s6 =	sadd.s32 @!p0 $0x88, s6;
	s7 =	simm.s32 @p2 $0x1082  }
0x22: {  	[simem:s7], [sflag:s8] =	dma.local @!p0 [hbm:s6], $0xF7A  }
0x23: {  	s9 =	sor.u32 $0xD0000000, s2;
	s6 =	simm.s32 $0x108;
	_ =	swait.ge @!p0 [sflag:s8], $0x0  }
0x24: {  	s3 =	sadd.s32 $0x88, s3;
	s6 =	simm.s32 @!p1 $0x1082;
	[sflag:s4] =	ssyncset.s32 $0xFFFFF086  }
0x25: {  	[simem:s6], [sflag:s4] =	dma.local [hbm:s3], $0xF7A  }
0x26: {  	[smem:$0x3F9F] =	sst s1;
	(tag) =	ssettag s2;
	_ =	strace s9  }
0x27: {  	s1 =	sld [smem:$0x3FAF]  }
0x28: {  	s2 =	sld [smem:$0x3FB0]  }
0x29: {  	s4 =	sld [smem:$0x3FB2]  }
0x2a: {  	p0 =	seq.s32 s5, $0x0;
	s5 =	sld [smem:$0x3FB3]  }
0x2b: {  	s6 =	sld [smem:$0x3FB4]  }
0x2c: {  	s7 =	sld [smem:$0x3FB5]  }
0x2d: {  	s3 =	simm.s32 $0x108;
	s8 =	sld [smem:$0x3FB6]  }
0x2e: {  	s3 =	simm.s32 @!p0 $0x1082;
	s9 =	sld [smem:$0x3FB7]  }
0x2f: {  	lr =	sadd.s32 s0, s3;
	s0 =	sld [smem:$0x3FAE]  }
0x30: {  	s3 =	sld [smem:$0x3FB1]  }
0x31: {  	[smem:$0x3FBA] =	sst s10  }
0x32: {  	s10 =	sld [smem:$0x3FB8];
	_ =	sdelay $0x3  }
0x33: {  	p0 =	seq.s32 s10, $0x1;
	s10 =	sld [smem:$0x3FBA];
	_ =	sdelay $0x3  }
0x34: {  	[smem:$0x3FBA] =	sst s10  }
0x35: {  	s10 =	sld [smem:$0x3FB9];
	_ =	sdelay $0x3  }
0x36: {  	p1 =	seq.s32 s10, $0x1;
	s10 =	sld [smem:$0x3FBA];
	_ =	sdelay $0x3  }
0x37: {  	[smem:$0x3FBA] =	sst s10  }
0x38: {  	s10 =	sld [smem:$0x3FBB]  }
0x39: {  	_ = 	snop;
	(pc) =	sbr.ind lr, $3  }
0x3a: {  	_ = 	snop  }
0x3b: {  	_ = 	snop  }
0x3c: {  	p2 =	seq.s32 s10, $0x1;
	s10 =	sld [smem:$0x3FBA]  }
0x3d: {  	_ =	shalt  }
0x3e: {  	_ =	shalt  }
0x3f: {  	_ =	shalt  }
0x40: {  	_ =	shalt  }
0x41: {  	_ =	shalt  }
0x42: {  	_ =	shalt  }
0x43: {  	_ =	shalt  }
0x44: {  	_ =	shalt  }
0x45: {  	_ =	shalt  }
0x46: {  	_ =	shalt  }
0x47: {  	_ =	shalt  }
0x48: {  	_ =	shalt  }
0x49: {  	_ =	shalt  }
0x4a: {  	_ =	shalt  }
0x4b: {  	_ =	shalt  }
0x4c: {  	_ =	shalt  }
0x4d: {  	_ =	shalt  }
0x4e: {  	_ =	shalt  }
0x4f: {  	_ =	shalt  }
0x50: {  	_ =	shalt  }
0x51: {  	_ =	shalt  }
0x52: {  	_ =	shalt  }
0x53: {  	_ =	shalt  }
0x54: {  	_ =	shalt  }
0x55: {  	_ =	shalt  }
0x56: {  	_ =	shalt  }
0x57: {  	_ =	shalt  }
0x58: {  	_ =	shalt  }
0x59: {  	_ =	shalt  }
0x5a: {  	_ =	shalt  }
0x5b: {  	_ =	shalt  }
0x5c: {  	_ =	shalt  }
0x5d: {  	_ =	shalt  }
0x5e: {  	_ =	shalt  }
0x5f: {  	_ =	shalt  }
0x60: {  	_ =	shalt  }
0x61: {  	_ =	shalt  }
0x62: {  	_ =	shalt  }
0x63: {  	_ =	shalt  }
0x64: {  	_ =	shalt  }
0x65: {  	_ =	shalt  }
0x66: {  	_ =	shalt  }
0x67: {  	_ =	shalt  }
0x68: {  	_ =	shalt  }
0x69: {  	_ =	shalt  }
0x6a: {  	_ =	shalt  }
0x6b: {  	_ =	shalt  }
0x6c: {  	_ =	shalt  }
0x6d: {  	_ =	shalt  }
0x6e: {  	_ =	shalt  }
0x6f: {  	_ =	shalt  }
0x70: {  	_ =	shalt  }
0x71: {  	_ =	shalt  }
0x72: {  	_ =	shalt  }
0x73: {  	_ =	shalt  }
0x74: {  	_ =	shalt  }
0x75: {  	_ =	shalt  }
0x76: {  	_ =	shalt  }
0x77: {  	_ =	shalt  }
0x78: {  	_ =	shalt  }
0x79: {  	_ =	shalt  }
0x7a: {  	_ =	shalt  }
0x7b: {  	_ =	shalt  }
0x7c: {  	_ =	shalt  }
0x7d: {  	_ =	shalt  }
0x7e: {  	_ =	shalt  }
0x7f: {  	_ =	shalt  }
0x80: {  	_ =	shalt  }
0x81: {  	_ =	shalt  }
0x82: {  	_ =	shalt  }
0x83: {  	_ =	shalt  }
0x84: {  	_ =	shalt  }
0x85: {  	_ =	shalt  }
0x86: {  	_ =	shalt  }
0x87: {  	_ =	shalt  }
.Lfunc_end0:
.L_simem_size_0:
called_computation_lowered:
.L_overlay_start_0:
0x88: {  	s2 =	sld [smem:$0x3FD9]  }
0x89: {  	s3 =	sld [smem:$0x3FFE];
	_ =	sdelay $0x1  }
0x8a: {  	s1 =	srdreg.scid  }
0x8b: {  	s0 =	sand.u32 $0x1, s1  }
0x8c: {  	s17 =	sshll.u32 s0, $0xA;
	s2 =	sadd.s32 s3, s2  }
0x8d: {  	s2 =	sadd.s32 s2, s17  }
0x8e: {  	[smem:$0x3FC6] =	sst s2  }
0x8f: {  	_ = 	snop  }
0x90: {  	s2 =	sld [smem:$0x3FD0];
	(tm) =	ssettm $0x1  }
0x91: {  	s18 =	sld [smem:$0x3FFB];
	_ =	sdelay $0x3  }
0x92: {  	_ =	strace s18  }
0x93: {  	s3 =	sld [smem:$0x3FFC];
	_ =	sdelay $0x3  }
0x94: {  	_ =	strace s3  }
0x95: {  	s3 =	sld [smem:$0x3FFD];
	_ =	sdelay $0x3  }
0x96: {  	_ =	strace s3  }
0x97: {  	_ =	strace $0x8FFFFFFF  }
0x98: {  	s19 =	sld [smem:$0x3FDB];
	_ =	sdelay $0x1  }
0x99: {  	s4 =	simm.s32 $_scs_section_size  }
0x9a: {  	s5 =	simm.s32 $_size__tile_overlayer_lowered;
	s6 =	simm.s32 $_tile_overlayer_lowered  }
0x9b: {  	s22 =	simm.s32 $0x1BFF;
	s21 =	sshll.u32 s6, $0x1;
	s3 =	sadd.s32 s4, s19  }
0x9c: {  	s7 =	simm.s32 $0x0;
	s20 =	sshll.u32 s5, $0x1;
	s5 =	sadd.s32 s21, s3  }
0x9d: {  	[timem:s7], [sflag:s22] =	dma.local [hbm:s5], s20  }
0x9e: {  	_ =	swait.ge [sflag:s22], s20  }
0x9f: {  	s4 =	ssub.s32 $0x0, s20;
	[sflag:s22] =	ssyncset.done $0x0  }
0xa0: {  	[sflag:s22] =	ssyncadd.s32 s4;
	_ =	sdelay $0x1  }
0xa1: {  	s23 =	simm.s32 $0x1B8B  }
0xa2: {  	_ =	swait.ge [sflag:s23], $0x1  }
0xa3: {  	[sflag:s23] =	ssyncset.done $0x0  }
0xa4: {  	s25 =	simm.s32 $0x1B8E;
	s24 =	sld [smem:$0x3FFE];
	[sflag:s23] =	ssyncadd.s32 $0xFFFFFFFF  }
0xa5: {  	s26 =	simm.s32 $execute0_lowered;
	[smem:$0x3FD2] =	sst s25  }
0xa6: {  	s5 =	sshll.u32 s26, $0x1;
	_ =	strace $0x80000046;
	[dreg:$0x1] =	wrdreg $0xFFFFFFFF  }
0xa7: {  	s28 =	simm.s32 $_size_execute0_lowered;
	s3 =	sadd.s32 s3, s5;
	[dreg:$0x0] =	wrdreg $0x0  }
0xa8: {  	s5 =	sshll.u32 s28, $0x1;
	[dreg:$0x2] =	wrdreg s3  }
0xa9: {  	[dreg:$0x3] =	wrdreg s5  }
0xaa: {  	[dreg:$0x4] =	wrdreg $0xC0  }
0xab: {  	_ =	task [dreg:s7], $0x5FFFF  }
0xac: {  	[dreg:$0x1] =	wrdreg $0xFFFFFFFF  }
0xad: {  	[dreg:$0x0] =	wrdreg $0x60  }
0xae: {  	[dreg:$0x2] =	wrdreg s24  }
0xaf: {  	[dreg:$0x3] =	wrdreg s2  }
0xb0: {  	[dreg:$0x4] =	wrdreg $0x9  }
0xb1: {  	_ =	task.clear_ibuf [dreg:s7], $0x5FFFF;
	_ =	strace $0x90000046  }
0xb2: {  	s29 =	simm.s32 $0x9;
	_ =	strace $0x80000048  }
0xb3: {  	_ =	swait.ge [sflag:s29], $0x1  }
0xb4: {  	[sflag:s29] =	ssyncadd.s32 $0xFFFFFFFF  }
0xb5: {  	_ =	strace $0x90000048  }
0xb6: {  	_ =	sfence  }
0xb7: {  	s30 =	sld [smem:$0x0];
	_ =	sdelay $0x2  }
0xb8: {  	s31 =	sshll.u32 s1, $0xD;
	s1 =	sshrl.u32 s1, $0x2  }
0xb9: {  	s3 =	sand.u32 $0x4000, s31;
	s1 =	sadd.s32 s1, s30  }
0xba: {  	s0 =	sor.u32 s3, s0;
	s1 =	sshll.u32 s1, $0x11  }
0xbb: {  	s0 =	sor.u32 s1, s0  }
0xbc: {  	s0 =	sadd.s32 $0x8F2B, s0  }
0xbd: {  	[sflag:s0] =	ssyncadd.remote.s32 $0x1  }
0xbe: {  	_ =	sfence.sel $0xFFFF  }
0xbf: {  	[dreg:$0x0] =	wrdreg $0xFFFFFFFF;
	(pc) =	sbr.abs _section_cstart, $3  }
0xc0: {  	[dreg:$0x1] =	wrdreg $0xFFFFFFFF  }
0xc1: {  	_ =	task.clear_ibuf [dreg:s7], $0x2FFFF;
	_ =	strace $0x9FFFFFFF  }
0xc2: {  	(tm) =	ssettm $0x7FFFFFFF  }
0xc3: {  	_ =	shalt  }
tec
execute0_lowered:
.L_overlay_start_1:
0x0: {  	(tag) =	ssettag $0x1  }
0x1: {  	s0 =	rddreg [dreg:$0x0]  }
0x2: {  	s2 =	rddreg [dreg:$0x1];
	s1 =	srdreg.scid;
	v0 =	vlaneseq.u32  }
0x3: {  	s4 =	stileid.u32;
	s3 =	simm.s32 $0x0;
	s18 =	simm.s32 $0x80;
	v0 =	vmul.u32 $0x88, v0  }
0x4: {  	s23 =	simm.s32 $0x1;
	s24 =	simm.s32 $0x11600;
	s15 =	simm.s32 $0x13800;
	v1 =	vimm.s32 $0x0;
	vm0 =	vcmask $0x300  }
0x5: {  	s26 =	simm.s32 $0x3;
	s28 =	simm.s32 $0x15A00;
	s22 =	simm.s32 $0x4;
	v1 =	vsel vm0, $0x3, v1;
	v2 =	vadd.s32 $0x880, v0  }
0x6: {  	s25 =	simm.s32 $0x17C00;
	s19 =	simm.s32 $0x18E10;
	s20 =	simm.s32 $0x18E98;
	v3 =	vadd.s32 $0x1100, v0;
	v4 =	vadd.s32 $0x1980, v0;
	v5 =	vor.u32 $0x1, v0  }
0x7: {  	s1 =	sand.u32 $0x1, s1;
	s4 =	sshll.u32 s4, $0x1;
	[smem:$0x7FF] =	sst s3;
	v6 =	vadd.s32 $0x881, v0;
	v7 =	vadd.s32 $0x1101, v0;
	v8 =	vadd.s32 $0x1981, v0  }
0x8: {  	s29 =	sadd.s32 $0x19A00, s0;
	s8 =	sadd.s32 $0x1000, s2;
	s9 =	sadd.s32 $0x2000, s2;
	v9 =	vor.u32 $0x2, v0;
	v10 =	vadd.s32 $0x882, v0;
	v11 =	vadd.s32 $0x1102, v0  }
0x9: {  	s10 =	sadd.s32 $0x3000, s2;
	s11 =	sadd.s32 $0x4000, s2;
	s12 =	sadd.s32 $0x5000, s2;
	v12 =	vadd.s32 $0x1982, v0;
	v13 =	vor.u32 $0x3, v0;
	v14 =	vadd.s32 $0x883, v0  }
0xa: {  	s13 =	sadd.s32 $0x6000, s2;
	s14 =	sadd.s32 $0x7000, s2;
	s4 =	sor.u32 s1, s4;
	v15 =	vadd.s32 $0x1103, v0;
	v16 =	vadd.s32 $0x1983, v0;
	v17 =	vor.u32 $0x4, v0  }
0xb: {  	_ =	strace $0x80000047;
	s1 =	ssub.s32 $0x2, s1;
	s5 =	sshll.u32 s4, $0x4;
	v18 =	vadd.s32 $0x884, v0;
	v19 =	vadd.s32 $0x1104, v0;
	v20 =	vadd.s32 $0x1984, v0  }
0xc: {  	[dreg:$0x3] =	wrdreg s29;
	s7 =	sshrl.u32 s1, $0x1;
	v21 =	vor.u32 $0x5, v0;
	v22 =	vadd.s32 $0x885, v0;
	v23 =	vadd.s32 $0x1105, v0;
	s6 =	sadd.s32 s5, s0  }
0xd: {  	v24 =	vadd.s32 $0x1985, v0;
	v25 =	vor.u32 $0x6, v0;
	v26 =	vadd.s32 $0x886, v0;
	s5 =	sadd.s32 $0xF42E00, s0;
	s30 =	ssub.s32 s1, s7;
	s31 =	sadd.s32 $0xA00, s6  }
0xe: {  	v27 =	vadd.s32 $0x1106, v0;
	v28 =	vadd.s32 $0x1986, v0;
	v29 =	vor.u32 $0x7, v0;
	s7 =	sshll.u32 s4, $0xA;
	s0 =	smax.u32 s30, $0x1;
	[dreg:$0x4] =	wrdreg s31  }
0xf: {  	v30 =	vadd.s32 $0x887, v0;
	v31 =	vadd.s32 $0x1107, v0;
	v32 =	vadd.s32 $0x1987, v0;
	s4 =	simm.s32 $0x0;
	s6 =	simm.s32 $0x2;
	[dreg:$0x5] =	wrdreg s0  }
.LBB2_1:
0x10: {  	[dreg:$0x6] =	wrdreg s4  }
0x11: {  	s0 =	rddreg [dreg:$0x3];
	s1 =	simm.s32 $0x6400;
	s17 =	simm.s32 $0x9  }
0x12: {  	[tilespmem:s1], [sflag:$0x9] =	stream.linear.gather [hbm4b:s0+s3], $0x3200, $0x38;
	[tilespmem:$0x19E00] =	vst v63  }
0x13: {  	_ =	swait.ge [sflag:s17], $0x3200  }
0x14: {  	[sflag:s17] =	ssyncset.done $0x0  }
0x15: {  	s29 =	simm.s32 $0x1000;
	s21 =	rddreg [dreg:$0x4];
	[sflag:s17] =	ssyncadd.s32 $0xFFFFCE00  }
0x16: {  	[tilespmem:s3], [sflag:$0x9] =	stream.strided.gather [hbm4b:s21+s18], $0x6400, s29, s18, $0x38;
	[tilespmem:$0x19E00] =	vst v63  }
0x17: {  	_ =	swait.ge [sflag:s17], $0x6400  }
0x18: {  	[sflag:s17] =	ssyncset.done $0x0  }
0x19: {  	s30 =	simm.s32 $0x9600;
	[sflag:s17] =	ssyncadd.s32 $0xFFFF9C00  }
0x1a: {  	[tilespmem:s30], [sflag:$0x1] =	stream.indirect.gather [hbm4b:s5+s18], $0x40, s3, s18, $0xb8;
	[tilespmem:$0x19E00] =	vst v63  }
0x1b: {  	s31 =	simm.s32 $0xB600;
	s21 =	simm.s32 $0x0  }
0x1c: {  	[tilespmem:s31], [sflag:$0x2] =	stream.indirect.gather [hbm4b:s5+s18], $0x40, s18, s18, $0xb8;
	[tilespmem:$0x19E00] =	vst v63  }
.LBB2_2:
0x1d: {  	p0 =	seq.s32 s21, $0x0  }
0x1e: {  	s0 =	simm.s32 @!p0 $0x7  }
0x1f: {  	_ =	swait.ge @!p0 [sflag:s0], $0x400  }
0x20: {  	[sflag:s0] =	ssyncset.done @!p0 $0x0  }
0x21: {  	[sflag:s0] =	ssyncadd.s32 @!p0 $0xFFFFFC00  }
0x22: {  	_ =	swait.ge @!p0 [sflag:s0], $0x400  }
0x23: {  	[sflag:s0] =	ssyncset.done @!p0 $0x0  }
0x24: {  	[sflag:s0] =	ssyncadd.s32 @!p0 $0xFFFFFC00  }
0x25: {  	_ =	swait.ge @!p0 [sflag:s0], $0x400  }
0x26: {  	[sflag:s0] =	ssyncset.done @!p0 $0x0  }
0x27: {  	[sflag:s0] =	ssyncadd.s32 @!p0 $0xFFFFFC00  }
0x28: {  	_ =	swait.ge @!p0 [sflag:s0], $0x400  }
0x29: {  	[sflag:s0] =	ssyncset.done @!p0 $0x0  }
0x2a: {  	[sflag:s0] =	ssyncadd.s32 @!p0 $0xFFFFFC00  }
0x2b: {  	_ =	swait.ge @!p0 [sflag:s0], $0x400  }
0x2c: {  	[sflag:s0] =	ssyncset.done @!p0 $0x0  }
0x2d: {  	[sflag:s0] =	ssyncadd.s32 @!p0 $0xFFFFFC00  }
0x2e: {  	_ =	swait.ge @!p0 [sflag:s0], $0x400  }
0x2f: {  	[sflag:s0] =	ssyncset.done @!p0 $0x0  }
0x30: {  	[sflag:s0] =	ssyncadd.s32 @!p0 $0xFFFFFC00  }
0x31: {  	_ =	swait.ge @!p0 [sflag:s0], $0x400  }
0x32: {  	[sflag:s0] =	ssyncset.done @!p0 $0x0  }
0x33: {  	s29 =	sshll.u32 s21, $0x2;
	[sflag:s0] =	ssyncadd.s32 @!p0 $0xFFFFFC00  }
0x34: {  	s4 =	sor.u32 $0x2, s29;
	_ =	swait.ge @!p0 [sflag:s0], $0x400  }
0x35: {  	s1 =	sshll.u32 s4, $0x7;
	[sflag:s0] =	ssyncset.done @!p0 $0x0  }
0x36: {  	s17 =	simm.s32 $0xD600;
	s16 =	sand.u32 $0x3FFFFF80, s1;
	[sflag:s0] =	ssyncadd.s32 @!p0 $0xFFFFFC00  }
0x37: {  	[tilespmem:s17], [sflag:$0x3] =	stream.indirect.gather [hbm4b:s5+s18], $0x40, s16, s18, $0xb8;
	[tilespmem:$0x19E00] =	vst v63  }
0x38: {  	s16 =	simm.s32 $0x0;
	_ =	swait.ge [sflag:s23], $0x2000  }
0x39: {  	s17 =	sshll.u32 s21, $0x8;
	v33 =	vmov s16;
	[sflag:s23] =	ssyncset.done $0x0  }
0x3a: {  	s1 =	sand.u32 $0x3FFFFF00, s17;
	v33 =	vshrl.u32 v33, $0x3;
	[sflag:s23] =	ssyncadd.s32 $0xFFFFE000  }
0x3b: {  	s17 =	simm.s32 $0x9700;
	v33 =	vshll.u32 v33, v1;
	v35 =	vld [tilespmem:s1+$0x6400]  }
0x3c: {  	v37 =	vld [tilespmem:s17+$0xFFFFFF00];
	v38 =	vbroadcast v33, $0x0;
	_ =	sdelay $0x1  }
0x3d: {  	v39 =	vadd.s32 v0, v38;
	_ =	sdelay $0x2  }
0x3e: {  	v36 =	vld [tilespmem:s1+$0x6410];
	v37 =	vadd.f32 v37, v35  }
0x3f: {  	v34 =	vld [tilespmem:s1+$0x6420]  }
0x40: {  	v33 =	vld [tilespmem:s1+$0x6430];
	[tilespmem:v39+s24+$0x0] =	vst.idx.msk $0xffff, v37  }
0x41: {  	v37 =	vld [tilespmem:s17+$0xFFFFFF10];
	_ =	sdelay $0x1  }
0x42: {  	v48 =	vadd.s32 v2, v38;
	_ =	sdelay $0x2  }
0x43: {  	v37 =	vadd.f32 v37, v36;
	_ =	sdelay $0x1  }
0x44: {  	[tilespmem:v48+s24+$0x0] =	vst.idx.msk $0xffff, v37  }
0x45: {  	v37 =	vld [tilespmem:s17+$0xFFFFFF20];
	_ =	sdelay $0x1  }
0x46: {  	v49 =	vadd.s32 v3, v38;
	_ =	sdelay $0x2  }
0x47: {  	v37 =	vadd.f32 v37, v34;
	_ =	sdelay $0x1  }
0x48: {  	[tilespmem:v49+s24+$0x0] =	vst.idx.msk $0xffff, v37  }
0x49: {  	v37 =	vld [tilespmem:s17+$0xFFFFFF30];
	_ =	sdelay $0x1  }
0x4a: {  	v38 =	vadd.s32 v4, v38;
	_ =	sdelay $0x1  }
0x4b: {  	s16 =	simm.s32 $0x1  }
0x4c: {  	v50 =	vmov s16;
	v37 =	vadd.f32 v37, v33  }
0x4d: {  	v39 =	vshrl.u32 v50, $0x3  }
0x4e: {  	v51 =	vshll.u32 v39, v1;
	[tilespmem:v38+s24+$0x0] =	vst.idx.msk $0xffff, v37  }
0x4f: {  	v37 =	vbroadcast v51, $0x0;
	v38 =	vld [tilespmem:s17+$0xFFFFFF40];
	_ =	sdelay $0x1  }
0x50: {  	v52 =	vadd.s32 v5, v37;
	_ =	sdelay $0x2  }
0x51: {  	v38 =	vadd.f32 v38, v35;
	_ =	sdelay $0x1  }
0x52: {  	[tilespmem:v52+s24+$0x0] =	vst.idx.msk $0xffff, v38  }
0x53: {  	v38 =	vld [tilespmem:s17+$0xFFFFFF50];
	_ =	sdelay $0x1  }
0x54: {  	v53 =	vadd.s32 v6, v37;
	_ =	sdelay $0x2  }
0x55: {  	v38 =	vadd.f32 v38, v36;
	_ =	sdelay $0x1  }
0x56: {  	[tilespmem:v53+s24+$0x0] =	vst.idx.msk $0xffff, v38  }
0x57: {  	v38 =	vld [tilespmem:s17+$0xFFFFFF60];
	_ =	sdelay $0x1  }
0x58: {  	v54 =	vadd.s32 v7, v37;
	_ =	sdelay $0x2  }
0x59: {  	v38 =	vadd.f32 v38, v34;
	_ =	sdelay $0x1  }
0x5a: {  	[tilespmem:v54+s24+$0x0] =	vst.idx.msk $0xffff, v38  }
0x5b: {  	v38 =	vld [tilespmem:s17+$0xFFFFFF70];
	_ =	sdelay $0x1  }
0x5c: {  	v37 =	vadd.s32 v8, v37;
	_ =	sdelay $0x1  }
0x5d: {  	s1 =	simm.s32 $0x2  }
0x5e: {  	v55 =	vmov s1;
	v38 =	vadd.f32 v38, v33  }
0x5f: {  	v39 =	vshrl.u32 v55, $0x3  }
0x60: {  	v56 =	vshll.u32 v39, v1;
	[tilespmem:v37+s24+$0x0] =	vst.idx.msk $0xffff, v38  }
0x61: {  	v37 =	vbroadcast v56, $0x0;
	v38 =	vld [tilespmem:s17+$0xFFFFFF80];
	_ =	sdelay $0x1  }
0x62: {  	v57 =	vadd.s32 v9, v37;
	_ =	sdelay $0x2  }
0x63: {  	v38 =	vadd.f32 v38, v35;
	_ =	sdelay $0x1  }
0x64: {  	[tilespmem:v57+s24+$0x0] =	vst.idx.msk $0xffff, v38  }
0x65: {  	v38 =	vld [tilespmem:s17+$0xFFFFFF90];
	_ =	sdelay $0x1  }
0x66: {  	v58 =	vadd.s32 v10, v37;
	_ =	sdelay $0x2  }
0x67: {  	v38 =	vadd.f32 v38, v36;
	_ =	sdelay $0x1  }
0x68: {  	[tilespmem:v58+s24+$0x0] =	vst.idx.msk $0xffff, v38  }
0x69: {  	v38 =	vld [tilespmem:s17+$0xFFFFFFA0];
	_ =	sdelay $0x1  }
0x6a: {  	v59 =	vadd.s32 v11, v37;
	_ =	sdelay $0x2  }
0x6b: {  	v38 =	vadd.f32 v38, v34;
	_ =	sdelay $0x1  }
0x6c: {  	[tilespmem:v59+s24+$0x0] =	vst.idx.msk $0xffff, v38  }
0x6d: {  	v38 =	vld [tilespmem:s17+$0xFFFFFFB0];
	_ =	sdelay $0x1  }
0x6e: {  	v37 =	vadd.s32 v12, v37;
	_ =	sdelay $0x1  }
0x6f: {  	s16 =	simm.s32 $0x3  }
0x70: {  	v60 =	vmov s16;
	v38 =	vadd.f32 v38, v33  }
0x71: {  	v39 =	vshrl.u32 v60, $0x3  }
0x72: {  	v61 =	vshll.u32 v39, v1;
	[tilespmem:v37+s24+$0x0] =	vst.idx.msk $0xffff, v38  }
0x73: {  	v37 =	vbroadcast v61, $0x0;
	v38 =	vld [tilespmem:s17+$0xFFFFFFC0];
	_ =	sdelay $0x1  }
0x74: {  	v62 =	vadd.s32 v13, v37;
	_ =	sdelay $0x2  }
0x75: {  	v38 =	vadd.f32 v38, v35;
	_ =	sdelay $0x1  }
0x76: {  	[tilespmem:v62+s24+$0x0] =	vst.idx.msk $0xffff, v38  }
0x77: {  	v38 =	vld [tilespmem:s17+$0xFFFFFFD0];
	_ =	sdelay $0x1  }
0x78: {  	v63 =	vadd.s32 v14, v37;
	_ =	sdelay $0x2  }
0x79: {  	v38 =	vadd.f32 v38, v36;
	_ =	sdelay $0x1  }
0x7a: {  	[tilespmem:v63+s24+$0x0] =	vst.idx.msk $0xffff, v38  }
0x7b: {  	v38 =	vld [tilespmem:s17+$0xFFFFFFE0];
	_ =	sdelay $0x1  }
0x7c: {  	v42 =	vadd.s32 v15, v37;
	_ =	sdelay $0x2  }
0x7d: {  	v38 =	vadd.f32 v38, v34;
	_ =	sdelay $0x1  }
0x7e: {  	[tilespmem:v42+s24+$0x0] =	vst.idx.msk $0xffff, v38  }
0x7f: {  	v38 =	vld [tilespmem:s17+$0xFFFFFFF0];
	_ =	sdelay $0x1  }
0x80: {  	v37 =	vadd.s32 v16, v37;
	_ =	sdelay $0x1  }
0x81: {  	s1 =	simm.s32 $0x4  }
0x82: {  	v43 =	vmov s1;
	v38 =	vadd.f32 v38, v33  }
0x83: {  	v39 =	vshrl.u32 v43, $0x3  }
0x84: {  	v44 =	vshll.u32 v39, v1;
	[tilespmem:v37+s24+$0x0] =	vst.idx.msk $0xffff, v38  }
0x85: {  	v37 =	vbroadcast v44, $0x0;
	v38 =	vld [tilespmem:s17+$0x0];
	_ =	sdelay $0x1  }
0x86: {  	v45 =	vadd.s32 v17, v37;
	_ =	sdelay $0x2  }
0x87: {  	v38 =	vadd.f32 v38, v35;
	_ =	sdelay $0x1  }
0x88: {  	[tilespmem:v45+s24+$0x0] =	vst.idx.msk $0xffff, v38  }
0x89: {  	v38 =	vld [tilespmem:s17+$0x10];
	_ =	sdelay $0x1  }
0x8a: {  	v46 =	vadd.s32 v18, v37;
	_ =	sdelay $0x2  }
0x8b: {  	v38 =	vadd.f32 v38, v36;
	_ =	sdelay $0x1  }
0x8c: {  	[tilespmem:v46+s24+$0x0] =	vst.idx.msk $0xffff, v38  }
0x8d: {  	v38 =	vld [tilespmem:s17+$0x20];
	_ =	sdelay $0x1  }
0x8e: {  	v47 =	vadd.s32 v19, v37;
	_ =	sdelay $0x2  }
0x8f: {  	v38 =	vadd.f32 v38, v34;
	_ =	sdelay $0x1  }
0x90: {  	[tilespmem:v47+s24+$0x0] =	vst.idx.msk $0xffff, v38  }
0x91: {  	v38 =	vld [tilespmem:s17+$0x30];
	_ =	sdelay $0x1  }
0x92: {  	v37 =	vadd.s32 v20, v37;
	_ =	sdelay $0x1  }
0x93: {  	s16 =	simm.s32 $0x5  }
0x94: {  	v48 =	vmov s16;
	v38 =	vadd.f32 v38, v33  }
0x95: {  	v39 =	vshrl.u32 v48, $0x3  }
0x96: {  	v49 =	vshll.u32 v39, v1;
	[tilespmem:v37+s24+$0x0] =	vst.idx.msk $0xffff, v38  }
0x97: {  	v37 =	vbroadcast v49, $0x0;
	v38 =	vld [tilespmem:s17+$0x40];
	_ =	sdelay $0x1  }
0x98: {  	v50 =	vadd.s32 v21, v37;
	_ =	sdelay $0x2  }
0x99: {  	v38 =	vadd.f32 v38, v35;
	_ =	sdelay $0x1  }
0x9a: {  	[tilespmem:v50+s24+$0x0] =	vst.idx.msk $0xffff, v38  }
0x9b: {  	v38 =	vld [tilespmem:s17+$0x50];
	_ =	sdelay $0x1  }
0x9c: {  	v51 =	vadd.s32 v22, v37;
	_ =	sdelay $0x2  }
0x9d: {  	v38 =	vadd.f32 v38, v36;
	_ =	sdelay $0x1  }
0x9e: {  	[tilespmem:v51+s24+$0x0] =	vst.idx.msk $0xffff, v38  }
0x9f: {  	v38 =	vld [tilespmem:s17+$0x60];
	_ =	sdelay $0x1  }
0xa0: {  	v52 =	vadd.s32 v23, v37;
	_ =	sdelay $0x2  }
0xa1: {  	v38 =	vadd.f32 v38, v34;
	_ =	sdelay $0x1  }
0xa2: {  	[tilespmem:v52+s24+$0x0] =	vst.idx.msk $0xffff, v38  }
0xa3: {  	v38 =	vld [tilespmem:s17+$0x70];
	_ =	sdelay $0x1  }
0xa4: {  	v37 =	vadd.s32 v24, v37;
	_ =	sdelay $0x1  }
0xa5: {  	s1 =	simm.s32 $0x6  }
0xa6: {  	v53 =	vmov s1;
	v38 =	vadd.f32 v38, v33  }
0xa7: {  	v39 =	vshrl.u32 v53, $0x3  }
0xa8: {  	v54 =	vshll.u32 v39, v1;
	[tilespmem:v37+s24+$0x0] =	vst.idx.msk $0xffff, v38  }
0xa9: {  	v37 =	vbroadcast v54, $0x0;
	v38 =	vld [tilespmem:s17+$0x80];
	_ =	sdelay $0x1  }
0xaa: {  	v55 =	vadd.s32 v25, v37;
	_ =	sdelay $0x2  }
0xab: {  	v38 =	vadd.f32 v38, v35;
	_ =	sdelay $0x1  }
0xac: {  	[tilespmem:v55+s24+$0x0] =	vst.idx.msk $0xffff, v38  }
0xad: {  	v38 =	vld [tilespmem:s17+$0x90];
	_ =	sdelay $0x1  }
0xae: {  	v56 =	vadd.s32 v26, v37;
	_ =	sdelay $0x2  }
0xaf: {  	v38 =	vadd.f32 v38, v36;
	_ =	sdelay $0x1  }
0xb0: {  	[tilespmem:v56+s24+$0x0] =	vst.idx.msk $0xffff, v38  }
0xb1: {  	v38 =	vld [tilespmem:s17+$0xA0];
	_ =	sdelay $0x1  }
0xb2: {  	v57 =	vadd.s32 v27, v37;
	_ =	sdelay $0x2  }
0xb3: {  	v38 =	vadd.f32 v38, v34;
	_ =	sdelay $0x1  }
0xb4: {  	[tilespmem:v57+s24+$0x0] =	vst.idx.msk $0xffff, v38  }
0xb5: {  	v38 =	vld [tilespmem:s17+$0xB0];
	_ =	sdelay $0x1  }
0xb6: {  	v37 =	vadd.s32 v28, v37;
	_ =	sdelay $0x1  }
0xb7: {  	s16 =	simm.s32 $0x7  }
0xb8: {  	v58 =	vmov s16;
	v38 =	vadd.f32 v38, v33  }
0xb9: {  	v39 =	vshrl.u32 v58, $0x3  }
0xba: {  	v59 =	vshll.u32 v39, v1;
	[tilespmem:v37+s24+$0x0] =	vst.idx.msk $0xffff, v38  }
0xbb: {  	v37 =	vbroadcast v59, $0x0;
	v38 =	vld [tilespmem:s17+$0xC0];
	_ =	sdelay $0x1  }
0xbc: {  	v60 =	vadd.s32 v29, v37;
	_ =	sdelay $0x2  }
0xbd: {  	v38 =	vadd.f32 v38, v35;
	_ =	sdelay $0x1  }
0xbe: {  	[tilespmem:v60+s24+$0x0] =	vst.idx.msk $0xffff, v38  }
0xbf: {  	v38 =	vld [tilespmem:s17+$0xD0];
	_ =	sdelay $0x1  }
0xc0: {  	v61 =	vadd.s32 v30, v37;
	_ =	sdelay $0x2  }
0xc1: {  	v38 =	vadd.f32 v38, v36;
	_ =	sdelay $0x1  }
0xc2: {  	[tilespmem:v61+s24+$0x0] =	vst.idx.msk $0xffff, v38  }
0xc3: {  	v38 =	vld [tilespmem:s17+$0xE0];
	_ =	sdelay $0x1  }
0xc4: {  	v62 =	vadd.s32 v31, v37;
	_ =	sdelay $0x2  }
0xc5: {  	v38 =	vadd.f32 v38, v34;
	_ =	sdelay $0x1  }
0xc6: {  	[tilespmem:v62+s24+$0x0] =	vst.idx.msk $0xffff, v38  }
0xc7: {  	v38 =	vld [tilespmem:s17+$0xF0];
	_ =	sdelay $0x1  }
0xc8: {  	v37 =	vadd.s32 v32, v37  }
0xc9: {  	s30 =	simm.s32 $0x8  }
0xca: {  	v63 =	vmov s30  }
0xcb: {  	s31 =	simm.s32 $0x10;
	v39 =	vshrl.u32 v63, $0x3;
	v38 =	vadd.f32 v38, v33  }
.LBB2_3:
0xcc: {  	p1 =	slt.u32 s31, $0x78  }
0xcd: {  	v39 =	vshll.u32 v39, v1;
	[tilespmem:v37+s24+$0x0] =	vst.idx.msk $0xffff, v38;
	s17 =	sadd.s32 $0x200, s17;
	s0 =	smov.u32 s31;
	s31 =	sadd.s32 $0x8, s31  }
0xce: {  	v37 =	vld [tilespmem:s17+$0xFFFFFF00];
	v38 =	vbroadcast v39, $0x0;
	_ =	sdelay $0x1  }
0xcf: {  	v39 =	vadd.s32 v0, v38;
	_ =	sdelay $0x2  }
0xd0: {  	v37 =	vadd.f32 v37, v35;
	_ =	sdelay $0x1  }
0xd1: {  	[tilespmem:v39+s24+$0x0] =	vst.idx.msk $0xffff, v37  }
0xd2: {  	v37 =	vld [tilespmem:s17+$0xFFFFFF10];
	_ =	sdelay $0x1  }
0xd3: {  	v39 =	vadd.s32 v2, v38;
	_ =	sdelay $0x2  }
0xd4: {  	v37 =	vadd.f32 v37, v36;
	_ =	sdelay $0x1  }
0xd5: {  	[tilespmem:v39+s24+$0x0] =	vst.idx.msk $0xffff, v37  }
0xd6: {  	v37 =	vld [tilespmem:s17+$0xFFFFFF20];
	_ =	sdelay $0x1  }
0xd7: {  	v39 =	vadd.s32 v3, v38;
	_ =	sdelay $0x2  }
0xd8: {  	v37 =	vadd.f32 v37, v34;
	_ =	sdelay $0x1  }
0xd9: {  	[tilespmem:v39+s24+$0x0] =	vst.idx.msk $0xffff, v37  }
0xda: {  	v37 =	vld [tilespmem:s17+$0xFFFFFF30];
	_ =	sdelay $0x1  }
0xdb: {  	v38 =	vadd.s32 v4, v38;
	_ =	sdelay $0x1  }
0xdc: {  	s1 =	sadd.s32 $0x1, s30  }
0xdd: {  	v39 =	vmov s1;
	v37 =	vadd.f32 v37, v33  }
0xde: {  	v39 =	vshrl.u32 v39, $0x3  }
0xdf: {  	[tilespmem:v38+s24+$0x0] =	vst.idx.msk $0xffff, v37;
	v37 =	vshll.u32 v39, v1  }
0xe0: {  	v38 =	vld [tilespmem:s17+$0xFFFFFF40];
	v37 =	vbroadcast v37, $0x0;
	_ =	sdelay $0x1  }
0xe1: {  	v39 =	vadd.s32 v5, v37;
	_ =	sdelay $0x2  }
0xe2: {  	v38 =	vadd.f32 v38, v35;
	_ =	sdelay $0x1  }
0xe3: {  	[tilespmem:v39+s24+$0x0] =	vst.idx.msk $0xffff, v38  }
0xe4: {  	v38 =	vld [tilespmem:s17+$0xFFFFFF50];
	_ =	sdelay $0x1  }
0xe5: {  	v39 =	vadd.s32 v6, v37;
	_ =	sdelay $0x2  }
0xe6: {  	v38 =	vadd.f32 v38, v36;
	_ =	sdelay $0x1  }
0xe7: {  	[tilespmem:v39+s24+$0x0] =	vst.idx.msk $0xffff, v38  }
0xe8: {  	v38 =	vld [tilespmem:s17+$0xFFFFFF60];
	_ =	sdelay $0x1  }
0xe9: {  	v39 =	vadd.s32 v7, v37;
	_ =	sdelay $0x2  }
0xea: {  	v38 =	vadd.f32 v38, v34;
	_ =	sdelay $0x1  }
0xeb: {  	[tilespmem:v39+s24+$0x0] =	vst.idx.msk $0xffff, v38  }
0xec: {  	v38 =	vld [tilespmem:s17+$0xFFFFFF70];
	_ =	sdelay $0x1  }
0xed: {  	v37 =	vadd.s32 v8, v37;
	_ =	sdelay $0x1  }
0xee: {  	s1 =	sadd.s32 $0x2, s30  }
0xef: {  	v39 =	vmov s1;
	v38 =	vadd.f32 v38, v33  }
0xf0: {  	v39 =	vshrl.u32 v39, $0x3  }
0xf1: {  	[tilespmem:v37+s24+$0x0] =	vst.idx.msk $0xffff, v38;
	v37 =	vshll.u32 v39, v1  }
0xf2: {  	v38 =	vld [tilespmem:s17+$0xFFFFFF80];
	v37 =	vbroadcast v37, $0x0;
	_ =	sdelay $0x1  }
0xf3: {  	v39 =	vadd.s32 v9, v37;
	_ =	sdelay $0x2  }
0xf4: {  	v38 =	vadd.f32 v38, v35;
	_ =	sdelay $0x1  }
0xf5: {  	[tilespmem:v39+s24+$0x0] =	vst.idx.msk $0xffff, v38  }
0xf6: {  	v38 =	vld [tilespmem:s17+$0xFFFFFF90];
	_ =	sdelay $0x1  }
0xf7: {  	v39 =	vadd.s32 v10, v37;
	_ =	sdelay $0x2  }
0xf8: {  	v38 =	vadd.f32 v38, v36;
	_ =	sdelay $0x1  }
0xf9: {  	[tilespmem:v39+s24+$0x0] =	vst.idx.msk $0xffff, v38  }
0xfa: {  	v38 =	vld [tilespmem:s17+$0xFFFFFFA0];
	_ =	sdelay $0x1  }
0xfb: {  	v39 =	vadd.s32 v11, v37;
	_ =	sdelay $0x2  }
0xfc: {  	v38 =	vadd.f32 v38, v34;
	_ =	sdelay $0x1  }
0xfd: {  	[tilespmem:v39+s24+$0x0] =	vst.idx.msk $0xffff, v38  }
0xfe: {  	v38 =	vld [tilespmem:s17+$0xFFFFFFB0];
	_ =	sdelay $0x1  }
0xff: {  	v37 =	vadd.s32 v12, v37;
	_ =	sdelay $0x1  }
0x100: {  	s1 =	sadd.s32 $0x3, s30  }
0x101: {  	v39 =	vmov s1;
	v38 =	vadd.f32 v38, v33  }
0x102: {  	v39 =	vshrl.u32 v39, $0x3  }
0x103: {  	[tilespmem:v37+s24+$0x0] =	vst.idx.msk $0xffff, v38;
	v37 =	vshll.u32 v39, v1  }
0x104: {  	v38 =	vld [tilespmem:s17+$0xFFFFFFC0];
	v37 =	vbroadcast v37, $0x0;
	_ =	sdelay $0x1  }
0x105: {  	v39 =	vadd.s32 v13, v37;
	_ =	sdelay $0x2  }
0x106: {  	v38 =	vadd.f32 v38, v35;
	_ =	sdelay $0x1  }
0x107: {  	[tilespmem:v39+s24+$0x0] =	vst.idx.msk $0xffff, v38  }
0x108: {  	v38 =	vld [tilespmem:s17+$0xFFFFFFD0];
	_ =	sdelay $0x1  }
0x109: {  	v39 =	vadd.s32 v14, v37;
	_ =	sdelay $0x2  }
0x10a: {  	v38 =	vadd.f32 v38, v36;
	_ =	sdelay $0x1  }
0x10b: {  	[tilespmem:v39+s24+$0x0] =	vst.idx.msk $0xffff, v38  }
0x10c: {  	v38 =	vld [tilespmem:s17+$0xFFFFFFE0];
	_ =	sdelay $0x1  }
0x10d: {  	v39 =	vadd.s32 v15, v37;
	_ =	sdelay $0x2  }
0x10e: {  	v38 =	vadd.f32 v38, v34;
	_ =	sdelay $0x1  }
0x10f: {  	[tilespmem:v39+s24+$0x0] =	vst.idx.msk $0xffff, v38  }
0x110: {  	v38 =	vld [tilespmem:s17+$0xFFFFFFF0];
	_ =	sdelay $0x1  }
0x111: {  	v37 =	vadd.s32 v16, v37;
	_ =	sdelay $0x1  }
0x112: {  	s1 =	sadd.s32 $0x4, s30  }
0x113: {  	v39 =	vmov s1;
	v38 =	vadd.f32 v38, v33  }
0x114: {  	v39 =	vshrl.u32 v39, $0x3  }
0x115: {  	[tilespmem:v37+s24+$0x0] =	vst.idx.msk $0xffff, v38;
	v37 =	vshll.u32 v39, v1  }
0x116: {  	v38 =	vld [tilespmem:s17+$0x0];
	v37 =	vbroadcast v37, $0x0;
	_ =	sdelay $0x1  }
0x117: {  	v39 =	vadd.s32 v17, v37;
	_ =	sdelay $0x2  }
0x118: {  	v38 =	vadd.f32 v38, v35;
	_ =	sdelay $0x1  }
0x119: {  	[tilespmem:v39+s24+$0x0] =	vst.idx.msk $0xffff, v38  }
0x11a: {  	v38 =	vld [tilespmem:s17+$0x10];
	_ =	sdelay $0x1  }
0x11b: {  	v39 =	vadd.s32 v18, v37;
	_ =	sdelay $0x2  }
0x11c: {  	v38 =	vadd.f32 v38, v36;
	_ =	sdelay $0x1  }
0x11d: {  	[tilespmem:v39+s24+$0x0] =	vst.idx.msk $0xffff, v38  }
0x11e: {  	v38 =	vld [tilespmem:s17+$0x20];
	_ =	sdelay $0x1  }
0x11f: {  	v39 =	vadd.s32 v19, v37;
	_ =	sdelay $0x2  }
0x120: {  	v38 =	vadd.f32 v38, v34;
	_ =	sdelay $0x1  }
0x121: {  	[tilespmem:v39+s24+$0x0] =	vst.idx.msk $0xffff, v38  }
0x122: {  	v38 =	vld [tilespmem:s17+$0x30];
	_ =	sdelay $0x1  }
0x123: {  	v37 =	vadd.s32 v20, v37;
	_ =	sdelay $0x1  }
0x124: {  	s1 =	sadd.s32 $0x5, s30  }
0x125: {  	v39 =	vmov s1;
	v38 =	vadd.f32 v38, v33  }
0x126: {  	v39 =	vshrl.u32 v39, $0x3  }
0x127: {  	[tilespmem:v37+s24+$0x0] =	vst.idx.msk $0xffff, v38;
	v37 =	vshll.u32 v39, v1  }
0x128: {  	v38 =	vld [tilespmem:s17+$0x40];
	v37 =	vbroadcast v37, $0x0;
	_ =	sdelay $0x1  }
0x129: {  	v39 =	vadd.s32 v21, v37;
	_ =	sdelay $0x2  }
0x12a: {  	v38 =	vadd.f32 v38, v35;
	_ =	sdelay $0x1  }
0x12b: {  	[tilespmem:v39+s24+$0x0] =	vst.idx.msk $0xffff, v38  }
0x12c: {  	v38 =	vld [tilespmem:s17+$0x50];
	_ =	sdelay $0x1  }
0x12d: {  	v39 =	vadd.s32 v22, v37;
	_ =	sdelay $0x2  }
0x12e: {  	v38 =	vadd.f32 v38, v36;
	_ =	sdelay $0x1  }
0x12f: {  	[tilespmem:v39+s24+$0x0] =	vst.idx.msk $0xffff, v38  }
0x130: {  	v38 =	vld [tilespmem:s17+$0x60];
	_ =	sdelay $0x1  }
0x131: {  	v39 =	vadd.s32 v23, v37;
	_ =	sdelay $0x2  }
0x132: {  	v38 =	vadd.f32 v38, v34;
	_ =	sdelay $0x1  }
0x133: {  	[tilespmem:v39+s24+$0x0] =	vst.idx.msk $0xffff, v38  }
0x134: {  	v38 =	vld [tilespmem:s17+$0x70];
	_ =	sdelay $0x1  }
0x135: {  	v37 =	vadd.s32 v24, v37;
	_ =	sdelay $0x1  }
0x136: {  	s1 =	sadd.s32 $0x6, s30  }
0x137: {  	v39 =	vmov s1;
	v38 =	vadd.f32 v38, v33  }
0x138: {  	v39 =	vshrl.u32 v39, $0x3  }
0x139: {  	[tilespmem:v37+s24+$0x0] =	vst.idx.msk $0xffff, v38;
	v37 =	vshll.u32 v39, v1  }
0x13a: {  	v38 =	vld [tilespmem:s17+$0x80];
	v37 =	vbroadcast v37, $0x0;
	_ =	sdelay $0x1  }
0x13b: {  	v39 =	vadd.s32 v25, v37;
	_ =	sdelay $0x2  }
0x13c: {  	v38 =	vadd.f32 v38, v35;
	_ =	sdelay $0x1  }
0x13d: {  	[tilespmem:v39+s24+$0x0] =	vst.idx.msk $0xffff, v38  }
0x13e: {  	v38 =	vld [tilespmem:s17+$0x90];
	_ =	sdelay $0x1  }
0x13f: {  	v39 =	vadd.s32 v26, v37;
	_ =	sdelay $0x2  }
0x140: {  	v38 =	vadd.f32 v38, v36;
	_ =	sdelay $0x1  }
0x141: {  	[tilespmem:v39+s24+$0x0] =	vst.idx.msk $0xffff, v38  }
0x142: {  	v38 =	vld [tilespmem:s17+$0xA0];
	_ =	sdelay $0x1  }
0x143: {  	v39 =	vadd.s32 v27, v37;
	_ =	sdelay $0x2  }
0x144: {  	v38 =	vadd.f32 v38, v34;
	_ =	sdelay $0x1  }
0x145: {  	[tilespmem:v39+s24+$0x0] =	vst.idx.msk $0xffff, v38  }
0x146: {  	v38 =	vld [tilespmem:s17+$0xB0];
	_ =	sdelay $0x1  }
0x147: {  	v37 =	vadd.s32 v28, v37;
	_ =	sdelay $0x1  }
0x148: {  	s1 =	sadd.s32 $0x7, s30;
	s30 =	smov.u32 s0  }
0x149: {  	v39 =	vmov s1;
	v38 =	vadd.f32 v38, v33  }
0x14a: {  	v39 =	vshrl.u32 v39, $0x3  }
0x14b: {  	[tilespmem:v37+s24+$0x0] =	vst.idx.msk $0xffff, v38;
	v37 =	vshll.u32 v39, v1  }
0x14c: {  	v38 =	vld [tilespmem:s17+$0xC0];
	v37 =	vbroadcast v37, $0x0;
	_ =	sdelay $0x1  }
0x14d: {  	v39 =	vadd.s32 v29, v37;
	_ =	sdelay $0x2  }
0x14e: {  	v38 =	vadd.f32 v38, v35;
	_ =	sdelay $0x1  }
0x14f: {  	[tilespmem:v39+s24+$0x0] =	vst.idx.msk $0xffff, v38  }
0x150: {  	v38 =	vld [tilespmem:s17+$0xD0];
	_ =	sdelay $0x1  }
0x151: {  	v39 =	vadd.s32 v30, v37;
	_ =	sdelay $0x2  }
0x152: {  	v38 =	vadd.f32 v38, v36;
	_ =	sdelay $0x1  }
0x153: {  	[tilespmem:v39+s24+$0x0] =	vst.idx.msk $0xffff, v38  }
0x154: {  	v38 =	vld [tilespmem:s17+$0xE0];
	_ =	sdelay $0x1  }
0x155: {  	v39 =	vadd.s32 v31, v37;
	_ =	sdelay $0x2  }
0x156: {  	v38 =	vadd.f32 v38, v34;
	_ =	sdelay $0x1  }
0x157: {  	[tilespmem:v39+s24+$0x0] =	vst.idx.msk $0xffff, v38  }
0x158: {  	v38 =	vld [tilespmem:s17+$0xF0];
	_ =	sdelay $0x1  }
.Ltmp0:
0x159: {  	v37 =	vadd.s32 v32, v37;
	(pc) =	sbr.rel @p1 .LBB2_3-.Ltmp0, $3  }
0x15a: {  	_ =	sdelay $0x1  }
0x15b: {  	v39 =	vmov s30;
	v38 =	vadd.f32 v38, v33  }
0x15c: {  	v39 =	vshrl.u32 v39, $0x3  }
0x15d: {  	_ =	sdelay $0x3  }
0x15e: {  	v39 =	vshll.u32 v39, v1;
	[tilespmem:v37+s24+$0x0] =	vst.idx.msk $0xffff, v38;
	s0 =	sadd.s32 $0x200, s17  }
0x15f: {  	v37 =	vld [tilespmem:s0+$0xFFFFFF00];
	v48 =	vbroadcast v39, $0x0;
	_ =	sdelay $0x1  }
0x160: {  	v39 =	vadd.s32 v0, v48;
	_ =	sdelay $0x2  }
0x161: {  	v37 =	vadd.f32 v37, v35;
	_ =	sdelay $0x1  }
0x162: {  	[tilespmem:v39+s24+$0x0] =	vst.idx.msk $0xffff, v37  }
0x163: {  	v37 =	vld [tilespmem:s0+$0xFFFFFF10];
	_ =	sdelay $0x1  }
0x164: {  	v49 =	vadd.s32 v2, v48;
	_ =	sdelay $0x2  }
0x165: {  	v37 =	vadd.f32 v37, v36;
	_ =	sdelay $0x1  }
0x166: {  	[tilespmem:v49+s24+$0x0] =	vst.idx.msk $0xffff, v37  }
0x167: {  	v37 =	vld [tilespmem:s0+$0xFFFFFF20];
	_ =	sdelay $0x1  }
0x168: {  	v50 =	vadd.s32 v3, v48;
	_ =	sdelay $0x2  }
0x169: {  	v37 =	vadd.f32 v37, v34;
	_ =	sdelay $0x1  }
0x16a: {  	[tilespmem:v50+s24+$0x0] =	vst.idx.msk $0xffff, v37  }
0x16b: {  	v37 =	vld [tilespmem:s0+$0xFFFFFF30];
	_ =	sdelay $0x1  }
0x16c: {  	v38 =	vadd.s32 v4, v48;
	_ =	sdelay $0x1  }
0x16d: {  	s1 =	sadd.s32 $0x1, s30  }
0x16e: {  	v51 =	vmov s1;
	v37 =	vadd.f32 v37, v33  }
0x16f: {  	v39 =	vshrl.u32 v51, $0x3  }
0x170: {  	v52 =	vshll.u32 v39, v1;
	[tilespmem:v38+s24+$0x0] =	vst.idx.msk $0xffff, v37  }
0x171: {  	v37 =	vbroadcast v52, $0x0;
	v38 =	vld [tilespmem:s0+$0xFFFFFF40];
	_ =	sdelay $0x1  }
0x172: {  	v53 =	vadd.s32 v5, v37;
	_ =	sdelay $0x2  }
0x173: {  	v38 =	vadd.f32 v38, v35;
	_ =	sdelay $0x1  }
0x174: {  	[tilespmem:v53+s24+$0x0] =	vst.idx.msk $0xffff, v38  }
0x175: {  	v38 =	vld [tilespmem:s0+$0xFFFFFF50];
	_ =	sdelay $0x1  }
0x176: {  	v54 =	vadd.s32 v6, v37;
	_ =	sdelay $0x2  }
0x177: {  	v38 =	vadd.f32 v38, v36;
	_ =	sdelay $0x1  }
0x178: {  	[tilespmem:v54+s24+$0x0] =	vst.idx.msk $0xffff, v38  }
0x179: {  	v38 =	vld [tilespmem:s0+$0xFFFFFF60];
	_ =	sdelay $0x1  }
0x17a: {  	v55 =	vadd.s32 v7, v37;
	_ =	sdelay $0x2  }
0x17b: {  	v38 =	vadd.f32 v38, v34;
	_ =	sdelay $0x1  }
0x17c: {  	[tilespmem:v55+s24+$0x0] =	vst.idx.msk $0xffff, v38  }
0x17d: {  	v38 =	vld [tilespmem:s0+$0xFFFFFF70];
	_ =	sdelay $0x1  }
0x17e: {  	v37 =	vadd.s32 v8, v37;
	_ =	sdelay $0x1  }
0x17f: {  	s16 =	sadd.s32 $0x2, s30  }
0x180: {  	v56 =	vmov s16;
	v38 =	vadd.f32 v38, v33  }
0x181: {  	v39 =	vshrl.u32 v56, $0x3  }
0x182: {  	v57 =	vshll.u32 v39, v1;
	[tilespmem:v37+s24+$0x0] =	vst.idx.msk $0xffff, v38  }
0x183: {  	v37 =	vbroadcast v57, $0x0;
	v38 =	vld [tilespmem:s0+$0xFFFFFF80];
	_ =	sdelay $0x1  }
0x184: {  	v58 =	vadd.s32 v9, v37;
	_ =	sdelay $0x2  }
0x185: {  	v38 =	vadd.f32 v38, v35;
	_ =	sdelay $0x1  }
0x186: {  	[tilespmem:v58+s24+$0x0] =	vst.idx.msk $0xffff, v38  }
0x187: {  	v38 =	vld [tilespmem:s0+$0xFFFFFF90];
	_ =	sdelay $0x1  }
0x188: {  	v59 =	vadd.s32 v10, v37;
	_ =	sdelay $0x2  }
0x189: {  	v38 =	vadd.f32 v38, v36;
	_ =	sdelay $0x1  }
0x18a: {  	[tilespmem:v59+s24+$0x0] =	vst.idx.msk $0xffff, v38  }
0x18b: {  	v38 =	vld [tilespmem:s0+$0xFFFFFFA0];
	_ =	sdelay $0x1  }
0x18c: {  	v60 =	vadd.s32 v11, v37;
	_ =	sdelay $0x2  }
0x18d: {  	v38 =	vadd.f32 v38, v34;
	_ =	sdelay $0x1  }
0x18e: {  	[tilespmem:v60+s24+$0x0] =	vst.idx.msk $0xffff, v38  }
0x18f: {  	v38 =	vld [tilespmem:s0+$0xFFFFFFB0];
	_ =	sdelay $0x1  }
0x190: {  	v37 =	vadd.s32 v12, v37;
	_ =	sdelay $0x1  }
0x191: {  	s17 =	sadd.s32 $0x3, s30  }
0x192: {  	v61 =	vmov s17;
	v38 =	vadd.f32 v38, v33  }
0x193: {  	v39 =	vshrl.u32 v61, $0x3  }
0x194: {  	v62 =	vshll.u32 v39, v1;
	[tilespmem:v37+s24+$0x0] =	vst.idx.msk $0xffff, v38  }
0x195: {  	v37 =	vbroadcast v62, $0x0;
	v38 =	vld [tilespmem:s0+$0xFFFFFFC0];
	_ =	sdelay $0x1  }
0x196: {  	v63 =	vadd.s32 v13, v37;
	_ =	sdelay $0x2  }
0x197: {  	v38 =	vadd.f32 v38, v35;
	_ =	sdelay $0x1  }
0x198: {  	[tilespmem:v63+s24+$0x0] =	vst.idx.msk $0xffff, v38  }
0x199: {  	v38 =	vld [tilespmem:s0+$0xFFFFFFD0];
	_ =	sdelay $0x1  }
0x19a: {  	v42 =	vadd.s32 v14, v37;
	_ =	sdelay $0x2  }
0x19b: {  	v38 =	vadd.f32 v38, v36;
	_ =	sdelay $0x1  }
0x19c: {  	[tilespmem:v42+s24+$0x0] =	vst.idx.msk $0xffff, v38  }
0x19d: {  	v38 =	vld [tilespmem:s0+$0xFFFFFFE0];
	_ =	sdelay $0x1  }
0x19e: {  	v43 =	vadd.s32 v15, v37;
	_ =	sdelay $0x2  }
0x19f: {  	v38 =	vadd.f32 v38, v34;
	_ =	sdelay $0x1  }
0x1a0: {  	[tilespmem:v43+s24+$0x0] =	vst.idx.msk $0xffff, v38  }
0x1a1: {  	v38 =	vld [tilespmem:s0+$0xFFFFFFF0];
	_ =	sdelay $0x1  }
0x1a2: {  	v37 =	vadd.s32 v16, v37;
	_ =	sdelay $0x1  }
0x1a3: {  	s16 =	sadd.s32 $0x4, s30  }
0x1a4: {  	v44 =	vmov s16;
	v38 =	vadd.f32 v38, v33  }
0x1a5: {  	v39 =	vshrl.u32 v44, $0x3  }
0x1a6: {  	v45 =	vshll.u32 v39, v1;
	[tilespmem:v37+s24+$0x0] =	vst.idx.msk $0xffff, v38  }
0x1a7: {  	v37 =	vbroadcast v45, $0x0;
	v38 =	vld [tilespmem:s0+$0x0];
	_ =	sdelay $0x1  }
0x1a8: {  	v46 =	vadd.s32 v17, v37;
	_ =	sdelay $0x2  }
0x1a9: {  	v38 =	vadd.f32 v38, v35;
	_ =	sdelay $0x1  }
0x1aa: {  	[tilespmem:v46+s24+$0x0] =	vst.idx.msk $0xffff, v38  }
0x1ab: {  	v38 =	vld [tilespmem:s0+$0x10];
	_ =	sdelay $0x1  }
0x1ac: {  	v47 =	vadd.s32 v18, v37;
	_ =	sdelay $0x2  }
0x1ad: {  	v38 =	vadd.f32 v38, v36;
	_ =	sdelay $0x1  }
0x1ae: {  	[tilespmem:v47+s24+$0x0] =	vst.idx.msk $0xffff, v38  }
0x1af: {  	v38 =	vld [tilespmem:s0+$0x20];
	_ =	sdelay $0x1  }
0x1b0: {  	v48 =	vadd.s32 v19, v37;
	_ =	sdelay $0x2  }
0x1b1: {  	v38 =	vadd.f32 v38, v34;
	_ =	sdelay $0x1  }
0x1b2: {  	[tilespmem:v48+s24+$0x0] =	vst.idx.msk $0xffff, v38  }
0x1b3: {  	v38 =	vld [tilespmem:s0+$0x30];
	_ =	sdelay $0x1  }
0x1b4: {  	v37 =	vadd.s32 v20, v37;
	_ =	sdelay $0x1  }
0x1b5: {  	s17 =	sadd.s32 $0x5, s30  }
0x1b6: {  	v49 =	vmov s17;
	v38 =	vadd.f32 v38, v33  }
0x1b7: {  	v39 =	vshrl.u32 v49, $0x3  }
0x1b8: {  	v50 =	vshll.u32 v39, v1;
	[tilespmem:v37+s24+$0x0] =	vst.idx.msk $0xffff, v38  }
0x1b9: {  	v37 =	vbroadcast v50, $0x0;
	v38 =	vld [tilespmem:s0+$0x40];
	_ =	sdelay $0x1  }
0x1ba: {  	v51 =	vadd.s32 v21, v37;
	_ =	sdelay $0x2  }
0x1bb: {  	v38 =	vadd.f32 v38, v35;
	_ =	sdelay $0x1  }
0x1bc: {  	[tilespmem:v51+s24+$0x0] =	vst.idx.msk $0xffff, v38  }
0x1bd: {  	v38 =	vld [tilespmem:s0+$0x50];
	_ =	sdelay $0x1  }
0x1be: {  	v52 =	vadd.s32 v22, v37;
	_ =	sdelay $0x2  }
0x1bf: {  	v38 =	vadd.f32 v38, v36;
	_ =	sdelay $0x1  }
0x1c0: {  	[tilespmem:v52+s24+$0x0] =	vst.idx.msk $0xffff, v38  }
0x1c1: {  	v38 =	vld [tilespmem:s0+$0x60];
	_ =	sdelay $0x1  }
0x1c2: {  	v53 =	vadd.s32 v23, v37;
	_ =	sdelay $0x2  }
0x1c3: {  	v38 =	vadd.f32 v38, v34;
	_ =	sdelay $0x1  }
0x1c4: {  	[tilespmem:v53+s24+$0x0] =	vst.idx.msk $0xffff, v38  }
0x1c5: {  	v38 =	vld [tilespmem:s0+$0x70];
	_ =	sdelay $0x1  }
0x1c6: {  	v37 =	vadd.s32 v24, v37;
	_ =	sdelay $0x1  }
0x1c7: {  	s16 =	sadd.s32 $0x6, s30  }
0x1c8: {  	v54 =	vmov s16;
	v38 =	vadd.f32 v38, v33  }
0x1c9: {  	v39 =	vshrl.u32 v54, $0x3  }
0x1ca: {  	v55 =	vshll.u32 v39, v1;
	[tilespmem:v37+s24+$0x0] =	vst.idx.msk $0xffff, v38  }
0x1cb: {  	v37 =	vbroadcast v55, $0x0;
	v38 =	vld [tilespmem:s0+$0x80];
	_ =	sdelay $0x1  }
0x1cc: {  	v56 =	vadd.s32 v25, v37;
	_ =	sdelay $0x2  }
0x1cd: {  	v38 =	vadd.f32 v38, v35;
	_ =	sdelay $0x1  }
0x1ce: {  	[tilespmem:v56+s24+$0x0] =	vst.idx.msk $0xffff, v38  }
0x1cf: {  	v38 =	vld [tilespmem:s0+$0x90];
	_ =	sdelay $0x1  }
0x1d0: {  	v57 =	vadd.s32 v26, v37;
	_ =	sdelay $0x2  }
0x1d1: {  	v38 =	vadd.f32 v38, v36;
	_ =	sdelay $0x1  }
0x1d2: {  	[tilespmem:v57+s24+$0x0] =	vst.idx.msk $0xffff, v38  }
0x1d3: {  	v38 =	vld [tilespmem:s0+$0xA0];
	_ =	sdelay $0x1  }
0x1d4: {  	v58 =	vadd.s32 v27, v37;
	_ =	sdelay $0x2  }
0x1d5: {  	v38 =	vadd.f32 v38, v34;
	_ =	sdelay $0x1  }
0x1d6: {  	[tilespmem:v58+s24+$0x0] =	vst.idx.msk $0xffff, v38  }
0x1d7: {  	v38 =	vld [tilespmem:s0+$0xB0];
	_ =	sdelay $0x1  }
0x1d8: {  	v37 =	vadd.s32 v28, v37;
	_ =	sdelay $0x1  }
0x1d9: {  	s17 =	sadd.s32 $0x7, s30  }
0x1da: {  	v59 =	vmov s17;
	v38 =	vadd.f32 v38, v33  }
0x1db: {  	v39 =	vshrl.u32 v59, $0x3  }
0x1dc: {  	v60 =	vshll.u32 v39, v1;
	[tilespmem:v37+s24+$0x0] =	vst.idx.msk $0xffff, v38  }
0x1dd: {  	v37 =	vbroadcast v60, $0x0;
	v38 =	vld [tilespmem:s0+$0xC0];
	_ =	sdelay $0x1  }
0x1de: {  	v61 =	vadd.s32 v29, v37;
	_ =	sdelay $0x2  }
0x1df: {  	v62 =	vadd.f32 v38, v35;
	_ =	sdelay $0x1  }
0x1e0: {  	[tilespmem:v61+s24+$0x0] =	vst.idx.msk $0xffff, v62  }
0x1e1: {  	v35 =	vld [tilespmem:s0+$0xD0];
	_ =	sdelay $0x1  }
0x1e2: {  	v63 =	vadd.s32 v30, v37;
	_ =	sdelay $0x2  }
0x1e3: {  	v35 =	vadd.f32 v35, v36;
	_ =	sdelay $0x1  }
0x1e4: {  	[tilespmem:v63+s24+$0x0] =	vst.idx.msk $0xffff, v35  }
0x1e5: {  	v35 =	vld [tilespmem:s0+$0xE0];
	_ =	sdelay $0x1  }
0x1e6: {  	v40 =	vadd.s32 v31, v37;
	_ =	sdelay $0x2  }
0x1e7: {  	v41 =	vadd.f32 v35, v34;
	_ =	sdelay $0x1  }
0x1e8: {  	[tilespmem:v40+s24+$0x0] =	vst.idx.msk $0xffff, v41  }
0x1e9: {  	v34 =	vld [tilespmem:s0+$0xF0];
	_ =	sdelay $0x1  }
0x1ea: {  	v42 =	vadd.s32 v32, v37;
	_ =	sdelay $0x1  }
0x1eb: {  	s16 =	sshll.u32 s21, $0x14  }
0x1ec: {  	s0 =	sor.u32 s7, s16;
	v43 =	vadd.f32 v34, v33  }
0x1ed: {  	s0 =	sshrl.u32 s0, $0x3  }
0x1ee: {  	s1 =	sadd.s32 s2, s0;
	[tilespmem:v42+s24+$0x0] =	vst.idx.msk $0xffff, v43  }
0x1ef: {  	[hbm4b:s1+s3] =	stream.linear.scatter [tilespmem:s24], [sflag:$0x5], $0x80, $0x38;
	[tilespmem:$0x19E00] =	vst v63  }
0x1f0: {  	s16 =	simm.s32 $0x11688;
	s17 =	sadd.s32 $0x10, s1  }
0x1f1: {  	[hbm4b:s17+s3] =	stream.linear.scatter [tilespmem:s16], [sflag:$0x5], $0x80, $0x38;
	[tilespmem:$0x19E00] =	vst v63  }
0x1f2: {  	s17 =	sadd.s32 $0x20, s1;
	s16 =	simm.s32 $0x11710  }
0x1f3: {  	[hbm4b:s17+s3] =	stream.linear.scatter [tilespmem:s16], [sflag:$0x5], $0x80, $0x38;
	[tilespmem:$0x19E00] =	vst v63  }
0x1f4: {  	s17 =	sadd.s32 $0x30, s1;
	s16 =	simm.s32 $0x11798  }
0x1f5: {  	[hbm4b:s17+s3] =	stream.linear.scatter [tilespmem:s16], [sflag:$0x5], $0x80, $0x38;
	[tilespmem:$0x19E00] =	vst v63  }
0x1f6: {  	s17 =	sadd.s32 $0x40, s1;
	s16 =	simm.s32 $0x11820  }
0x1f7: {  	[hbm4b:s17+s3] =	stream.linear.scatter [tilespmem:s16], [sflag:$0x5], $0x80, $0x38;
	[tilespmem:$0x19E00] =	vst v63  }
0x1f8: {  	s17 =	sadd.s32 $0x50, s1;
	s16 =	simm.s32 $0x118A8  }
0x1f9: {  	[hbm4b:s17+s3] =	stream.linear.scatter [tilespmem:s16], [sflag:$0x5], $0x80, $0x38;
	[tilespmem:$0x19E00] =	vst v63  }
0x1fa: {  	s17 =	sadd.s32 $0x60, s1;
	s16 =	simm.s32 $0x11930  }
0x1fb: {  	[hbm4b:s17+s3] =	stream.linear.scatter [tilespmem:s16], [sflag:$0x5], $0x80, $0x38;
	[tilespmem:$0x19E00] =	vst v63  }
0x1fc: {  	s1 =	sadd.s32 $0x70, s1;
	s17 =	simm.s32 $0x119B8  }
0x1fd: {  	[hbm4b:s1+s3] =	stream.linear.scatter [tilespmem:s17], [sflag:$0x5], $0x80, $0x38;
	[tilespmem:$0x19E00] =	vst v63  }
0x1fe: {  	s1 =	sadd.s32 s0, s8;
	s17 =	simm.s32 $0x11A40  }
0x1ff: {  	[hbm4b:s1+s3] =	stream.linear.scatter [tilespmem:s17], [sflag:$0x5], $0x80, $0x38;
	[tilespmem:$0x19E00] =	vst v63  }
0x200: {  	s16 =	simm.s32 $0x11AC8;
	s17 =	sadd.s32 $0x10, s1  }
0x201: {  	[hbm4b:s17+s3] =	stream.linear.scatter [tilespmem:s16], [sflag:$0x5], $0x80, $0x38;
	[tilespmem:$0x19E00] =	vst v63  }
0x202: {  	s17 =	sadd.s32 $0x20, s1;
	s16 =	simm.s32 $0x11B50  }
0x203: {  	[hbm4b:s17+s3] =	stream.linear.scatter [tilespmem:s16], [sflag:$0x5], $0x80, $0x38;
	[tilespmem:$0x19E00] =	vst v63  }
0x204: {  	s17 =	sadd.s32 $0x30, s1;
	s16 =	simm.s32 $0x11BD8  }
0x205: {  	[hbm4b:s17+s3] =	stream.linear.scatter [tilespmem:s16], [sflag:$0x5], $0x80, $0x38;
	[tilespmem:$0x19E00] =	vst v63  }
0x206: {  	s17 =	sadd.s32 $0x40, s1;
	s16 =	simm.s32 $0x11C60  }
0x207: {  	[hbm4b:s17+s3] =	stream.linear.scatter [tilespmem:s16], [sflag:$0x5], $0x80, $0x38;
	[tilespmem:$0x19E00] =	vst v63  }
0x208: {  	s17 =	sadd.s32 $0x50, s1;
	s16 =	simm.s32 $0x11CE8  }
0x209: {  	[hbm4b:s17+s3] =	stream.linear.scatter [tilespmem:s16], [sflag:$0x5], $0x80, $0x38;
	[tilespmem:$0x19E00] =	vst v63  }
0x20a: {  	s17 =	sadd.s32 $0x60, s1;
	s16 =	simm.s32 $0x11D70  }
0x20b: {  	[hbm4b:s17+s3] =	stream.linear.scatter [tilespmem:s16], [sflag:$0x5], $0x80, $0x38;
	[tilespmem:$0x19E00] =	vst v63  }
0x20c: {  	s1 =	sadd.s32 $0x70, s1;
	s17 =	simm.s32 $0x11DF8  }
0x20d: {  	[hbm4b:s1+s3] =	stream.linear.scatter [tilespmem:s17], [sflag:$0x5], $0x80, $0x38;
	[tilespmem:$0x19E00] =	vst v63  }
0x20e: {  	s1 =	sadd.s32 s0, s9;
	s17 =	simm.s32 $0x11E80  }
0x20f: {  	[hbm4b:s1+s3] =	stream.linear.scatter [tilespmem:s17], [sflag:$0x5], $0x80, $0x38;
	[tilespmem:$0x19E00] =	vst v63  }
0x210: {  	s16 =	simm.s32 $0x11F08;
	s17 =	sadd.s32 $0x10, s1  }
0x211: {  	[hbm4b:s17+s3] =	stream.linear.scatter [tilespmem:s16], [sflag:$0x5], $0x80, $0x38;
	[tilespmem:$0x19E00] =	vst v63  }
0x212: {  	s17 =	sadd.s32 $0x20, s1;
	s16 =	simm.s32 $0x11F90  }
0x213: {  	[hbm4b:s17+s3] =	stream.linear.scatter [tilespmem:s16], [sflag:$0x5], $0x80, $0x38;
	[tilespmem:$0x19E00] =	vst v63  }
0x214: {  	s17 =	sadd.s32 $0x30, s1;
	s16 =	simm.s32 $0x12018  }
0x215: {  	[hbm4b:s17+s3] =	stream.linear.scatter [tilespmem:s16], [sflag:$0x5], $0x80, $0x38;
	[tilespmem:$0x19E00] =	vst v63  }
0x216: {  	s17 =	sadd.s32 $0x40, s1;
	s16 =	simm.s32 $0x120A0  }
0x217: {  	[hbm4b:s17+s3] =	stream.linear.scatter [tilespmem:s16], [sflag:$0x5], $0x80, $0x38;
	[tilespmem:$0x19E00] =	vst v63  }
0x218: {  	s17 =	sadd.s32 $0x50, s1;
	s16 =	simm.s32 $0x12128  }
0x219: {  	[hbm4b:s17+s3] =	stream.linear.scatter [tilespmem:s16], [sflag:$0x5], $0x80, $0x38;
	[tilespmem:$0x19E00] =	vst v63  }
0x21a: {  	s17 =	sadd.s32 $0x60, s1;
	s16 =	simm.s32 $0x121B0  }
0x21b: {  	[hbm4b:s17+s3] =	stream.linear.scatter [tilespmem:s16], [sflag:$0x5], $0x80, $0x38;
	[tilespmem:$0x19E00] =	vst v63  }
0x21c: {  	s1 =	sadd.s32 $0x70, s1;
	s17 =	simm.s32 $0x12238  }
0x21d: {  	[hbm4b:s1+s3] =	stream.linear.scatter [tilespmem:s17], [sflag:$0x5], $0x80, $0x38;
	[tilespmem:$0x19E00] =	vst v63  }
0x21e: {  	s1 =	sadd.s32 s0, s10;
	s17 =	simm.s32 $0x122C0  }
0x21f: {  	[hbm4b:s1+s3] =	stream.linear.scatter [tilespmem:s17], [sflag:$0x5], $0x80, $0x38;
	[tilespmem:$0x19E00] =	vst v63  }
0x220: {  	s16 =	simm.s32 $0x12348;
	s17 =	sadd.s32 $0x10, s1  }
0x221: {  	[hbm4b:s17+s3] =	stream.linear.scatter [tilespmem:s16], [sflag:$0x5], $0x80, $0x38;
	[tilespmem:$0x19E00] =	vst v63  }
0x222: {  	s17 =	sadd.s32 $0x20, s1;
	s16 =	simm.s32 $0x123D0  }
0x223: {  	[hbm4b:s17+s3] =	stream.linear.scatter [tilespmem:s16], [sflag:$0x5], $0x80, $0x38;
	[tilespmem:$0x19E00] =	vst v63  }
0x224: {  	s17 =	sadd.s32 $0x30, s1;
	s16 =	simm.s32 $0x12458  }
0x225: {  	[hbm4b:s17+s3] =	stream.linear.scatter [tilespmem:s16], [sflag:$0x5], $0x80, $0x38;
	[tilespmem:$0x19E00] =	vst v63  }
0x226: {  	s17 =	sadd.s32 $0x40, s1;
	s16 =	simm.s32 $0x124E0  }
0x227: {  	[hbm4b:s17+s3] =	stream.linear.scatter [tilespmem:s16], [sflag:$0x5], $0x80, $0x38;
	[tilespmem:$0x19E00] =	vst v63  }
0x228: {  	s17 =	sadd.s32 $0x50, s1;
	s16 =	simm.s32 $0x12568  }
0x229: {  	[hbm4b:s17+s3] =	stream.linear.scatter [tilespmem:s16], [sflag:$0x5], $0x80, $0x38;
	[tilespmem:$0x19E00] =	vst v63  }
0x22a: {  	s17 =	sadd.s32 $0x60, s1;
	s16 =	simm.s32 $0x125F0  }
0x22b: {  	[hbm4b:s17+s3] =	stream.linear.scatter [tilespmem:s16], [sflag:$0x5], $0x80, $0x38;
	[tilespmem:$0x19E00] =	vst v63  }
0x22c: {  	s1 =	sadd.s32 $0x70, s1;
	s17 =	simm.s32 $0x12678  }
0x22d: {  	[hbm4b:s1+s3] =	stream.linear.scatter [tilespmem:s17], [sflag:$0x5], $0x80, $0x38;
	[tilespmem:$0x19E00] =	vst v63  }
0x22e: {  	s1 =	sadd.s32 s0, s11;
	s17 =	simm.s32 $0x12700  }
0x22f: {  	[hbm4b:s1+s3] =	stream.linear.scatter [tilespmem:s17], [sflag:$0x5], $0x80, $0x38;
	[tilespmem:$0x19E00] =	vst v63  }
0x230: {  	s16 =	simm.s32 $0x12788;
	s17 =	sadd.s32 $0x10, s1  }
0x231: {  	[hbm4b:s17+s3] =	stream.linear.scatter [tilespmem:s16], [sflag:$0x5], $0x80, $0x38;
	[tilespmem:$0x19E00] =	vst v63  }
0x232: {  	s17 =	sadd.s32 $0x20, s1;
	s16 =	simm.s32 $0x12810  }
0x233: {  	[hbm4b:s17+s3] =	stream.linear.scatter [tilespmem:s16], [sflag:$0x5], $0x80, $0x38;
	[tilespmem:$0x19E00] =	vst v63  }
0x234: {  	s17 =	sadd.s32 $0x30, s1;
	s16 =	simm.s32 $0x12898  }
0x235: {  	[hbm4b:s17+s3] =	stream.linear.scatter [tilespmem:s16], [sflag:$0x5], $0x80, $0x38;
	[tilespmem:$0x19E00] =	vst v63  }
0x236: {  	s17 =	sadd.s32 $0x40, s1;
	s16 =	simm.s32 $0x12920  }
0x237: {  	[hbm4b:s17+s3] =	stream.linear.scatter [tilespmem:s16], [sflag:$0x5], $0x80, $0x38;
	[tilespmem:$0x19E00] =	vst v63  }
0x238: {  	s17 =	sadd.s32 $0x50, s1;
	s16 =	simm.s32 $0x129A8  }
0x239: {  	[hbm4b:s17+s3] =	stream.linear.scatter [tilespmem:s16], [sflag:$0x5], $0x80, $0x38;
	[tilespmem:$0x19E00] =	vst v63  }
0x23a: {  	s17 =	sadd.s32 $0x60, s1;
	s16 =	simm.s32 $0x12A30  }
0x23b: {  	[hbm4b:s17+s3] =	stream.linear.scatter [tilespmem:s16], [sflag:$0x5], $0x80, $0x38;
	[tilespmem:$0x19E00] =	vst v63  }
0x23c: {  	s1 =	sadd.s32 $0x70, s1;
	s17 =	simm.s32 $0x12AB8  }
0x23d: {  	[hbm4b:s1+s3] =	stream.linear.scatter [tilespmem:s17], [sflag:$0x5], $0x80, $0x38;
	[tilespmem:$0x19E00] =	vst v63  }
0x23e: {  	s1 =	sadd.s32 s0, s12;
	s17 =	simm.s32 $0x12B40  }
0x23f: {  	[hbm4b:s1+s3] =	stream.linear.scatter [tilespmem:s17], [sflag:$0x5], $0x80, $0x38;
	[tilespmem:$0x19E00] =	vst v63  }
0x240: {  	s16 =	simm.s32 $0x12BC8;
	s17 =	sadd.s32 $0x10, s1  }
0x241: {  	[hbm4b:s17+s3] =	stream.linear.scatter [tilespmem:s16], [sflag:$0x5], $0x80, $0x38;
	[tilespmem:$0x19E00] =	vst v63  }
0x242: {  	s17 =	sadd.s32 $0x20, s1;
	s16 =	simm.s32 $0x12C50  }
0x243: {  	[hbm4b:s17+s3] =	stream.linear.scatter [tilespmem:s16], [sflag:$0x5], $0x80, $0x38;
	[tilespmem:$0x19E00] =	vst v63  }
0x244: {  	s17 =	sadd.s32 $0x30, s1;
	s16 =	simm.s32 $0x12CD8  }
0x245: {  	[hbm4b:s17+s3] =	stream.linear.scatter [tilespmem:s16], [sflag:$0x5], $0x80, $0x38;
	[tilespmem:$0x19E00] =	vst v63  }
0x246: {  	s17 =	sadd.s32 $0x40, s1;
	s16 =	simm.s32 $0x12D60  }
0x247: {  	[hbm4b:s17+s3] =	stream.linear.scatter [tilespmem:s16], [sflag:$0x5], $0x80, $0x38;
	[tilespmem:$0x19E00] =	vst v63  }
0x248: {  	s17 =	sadd.s32 $0x50, s1;
	s16 =	simm.s32 $0x12DE8  }
0x249: {  	[hbm4b:s17+s3] =	stream.linear.scatter [tilespmem:s16], [sflag:$0x5], $0x80, $0x38;
	[tilespmem:$0x19E00] =	vst v63  }
0x24a: {  	s17 =	sadd.s32 $0x60, s1;
	s16 =	simm.s32 $0x12E70  }
0x24b: {  	[hbm4b:s17+s3] =	stream.linear.scatter [tilespmem:s16], [sflag:$0x5], $0x80, $0x38;
	[tilespmem:$0x19E00] =	vst v63  }
0x24c: {  	s1 =	sadd.s32 $0x70, s1;
	s17 =	simm.s32 $0x12EF8  }
0x24d: {  	[hbm4b:s1+s3] =	stream.linear.scatter [tilespmem:s17], [sflag:$0x5], $0x80, $0x38;
	[tilespmem:$0x19E00] =	vst v63  }
0x24e: {  	s1 =	sadd.s32 s0, s13;
	s17 =	simm.s32 $0x12F80  }
0x24f: {  	[hbm4b:s1+s3] =	stream.linear.scatter [tilespmem:s17], [sflag:$0x5], $0x80, $0x38;
	[tilespmem:$0x19E00] =	vst v63  }
0x250: {  	s16 =	simm.s32 $0x13008;
	s17 =	sadd.s32 $0x10, s1  }
0x251: {  	[hbm4b:s17+s3] =	stream.linear.scatter [tilespmem:s16], [sflag:$0x5], $0x80, $0x38;
	[tilespmem:$0x19E00] =	vst v63  }
0x252: {  	s17 =	sadd.s32 $0x20, s1;
	s16 =	simm.s32 $0x13090  }
0x253: {  	[hbm4b:s17+s3] =	stream.linear.scatter [tilespmem:s16], [sflag:$0x5], $0x80, $0x38;
	[tilespmem:$0x19E00] =	vst v63  }
0x254: {  	s17 =	sadd.s32 $0x30, s1;
	s16 =	simm.s32 $0x13118  }
0x255: {  	[hbm4b:s17+s3] =	stream.linear.scatter [tilespmem:s16], [sflag:$0x5], $0x80, $0x38;
	[tilespmem:$0x19E00] =	vst v63  }
0x256: {  	s17 =	sadd.s32 $0x40, s1;
	s16 =	simm.s32 $0x131A0  }
0x257: {  	[hbm4b:s17+s3] =	stream.linear.scatter [tilespmem:s16], [sflag:$0x5], $0x80, $0x38;
	[tilespmem:$0x19E00] =	vst v63  }
0x258: {  	s17 =	sadd.s32 $0x50, s1;
	s16 =	simm.s32 $0x13228  }
0x259: {  	[hbm4b:s17+s3] =	stream.linear.scatter [tilespmem:s16], [sflag:$0x5], $0x80, $0x38;
	[tilespmem:$0x19E00] =	vst v63  }
0x25a: {  	s17 =	sadd.s32 $0x60, s1;
	s16 =	simm.s32 $0x132B0  }
0x25b: {  	[hbm4b:s17+s3] =	stream.linear.scatter [tilespmem:s16], [sflag:$0x5], $0x80, $0x38;
	[tilespmem:$0x19E00] =	vst v63  }
0x25c: {  	s1 =	sadd.s32 $0x70, s1;
	s17 =	simm.s32 $0x13338  }
0x25d: {  	[hbm4b:s1+s3] =	stream.linear.scatter [tilespmem:s17], [sflag:$0x5], $0x80, $0x38;
	[tilespmem:$0x19E00] =	vst v63  }
0x25e: {  	s0 =	sadd.s32 s0, s14;
	s17 =	simm.s32 $0x133C0  }
0x25f: {  	[hbm4b:s0+s3] =	stream.linear.scatter [tilespmem:s17], [sflag:$0x5], $0x80, $0x38;
	[tilespmem:$0x19E00] =	vst v63  }
0x260: {  	s16 =	sadd.s32 $0x10, s0;
	s17 =	simm.s32 $0x13448  }
0x261: {  	[hbm4b:s16+s3] =	stream.linear.scatter [tilespmem:s17], [sflag:$0x5], $0x80, $0x38;
	[tilespmem:$0x19E00] =	vst v63  }
0x262: {  	s16 =	sadd.s32 $0x20, s0;
	s17 =	simm.s32 $0x134D0  }
0x263: {  	[hbm4b:s16+s3] =	stream.linear.scatter [tilespmem:s17], [sflag:$0x5], $0x80, $0x38;
	[tilespmem:$0x19E00] =	vst v63  }
0x264: {  	s16 =	sadd.s32 $0x30, s0;
	s17 =	simm.s32 $0x13558  }
0x265: {  	[hbm4b:s16+s3] =	stream.linear.scatter [tilespmem:s17], [sflag:$0x5], $0x80, $0x38;
	[tilespmem:$0x19E00] =	vst v63  }
0x266: {  	s16 =	sadd.s32 $0x40, s0;
	s17 =	simm.s32 $0x135E0  }
0x267: {  	[hbm4b:s16+s3] =	stream.linear.scatter [tilespmem:s17], [sflag:$0x5], $0x80, $0x38;
	[tilespmem:$0x19E00] =	vst v63  }
0x268: {  	s16 =	sadd.s32 $0x50, s0;
	s17 =	simm.s32 $0x13668  }
0x269: {  	[hbm4b:s16+s3] =	stream.linear.scatter [tilespmem:s17], [sflag:$0x5], $0x80, $0x38;
	[tilespmem:$0x19E00] =	vst v63  }
0x26a: {  	s16 =	sadd.s32 $0x60, s0;
	s17 =	simm.s32 $0x136F0  }
0x26b: {  	[hbm4b:s16+s3] =	stream.linear.scatter [tilespmem:s17], [sflag:$0x5], $0x80, $0x38;
	[tilespmem:$0x19E00] =	vst v63  }
0x26c: {  	s0 =	sadd.s32 $0x70, s0;
	s17 =	simm.s32 $0x13778  }
0x26d: {  	[hbm4b:s0+s3] =	stream.linear.scatter [tilespmem:s17], [sflag:$0x5], $0x80, $0x38;
	[tilespmem:$0x19E00] =	vst v63  }
0x26e: {  	s0 =	simm.s32 @!p0 $0x8  }
0x26f: {  	_ =	swait.ge @!p0 [sflag:s0], $0x400  }
0x270: {  	[sflag:s0] =	ssyncset.done @!p0 $0x0  }
0x271: {  	[sflag:s0] =	ssyncadd.s32 @!p0 $0xFFFFFC00  }
0x272: {  	_ =	swait.ge @!p0 [sflag:s0], $0x400  }
0x273: {  	[sflag:s0] =	ssyncset.done @!p0 $0x0  }
0x274: {  	[sflag:s0] =	ssyncadd.s32 @!p0 $0xFFFFFC00  }
0x275: {  	_ =	swait.ge @!p0 [sflag:s0], $0x400  }
0x276: {  	[sflag:s0] =	ssyncset.done @!p0 $0x0  }
0x277: {  	[sflag:s0] =	ssyncadd.s32 @!p0 $0xFFFFFC00  }
0x278: {  	_ =	swait.ge @!p0 [sflag:s0], $0x400  }
0x279: {  	[sflag:s0] =	ssyncset.done @!p0 $0x0  }
0x27a: {  	[sflag:s0] =	ssyncadd.s32 @!p0 $0xFFFFFC00  }
0x27b: {  	_ =	swait.ge @!p0 [sflag:s0], $0x400  }
0x27c: {  	[sflag:s0] =	ssyncset.done @!p0 $0x0  }
0x27d: {  	[sflag:s0] =	ssyncadd.s32 @!p0 $0xFFFFFC00  }
0x27e: {  	_ =	swait.ge @!p0 [sflag:s0], $0x400  }
0x27f: {  	[sflag:s0] =	ssyncset.done @!p0 $0x0  }
0x280: {  	[sflag:s0] =	ssyncadd.s32 @!p0 $0xFFFFFC00  }
0x281: {  	_ =	swait.ge @!p0 [sflag:s0], $0x400  }
0x282: {  	[sflag:s0] =	ssyncset.done @!p0 $0x0  }
0x283: {  	[sflag:s0] =	ssyncadd.s32 @!p0 $0xFFFFFC00  }
0x284: {  	s17 =	sor.u32 $0x3, s29;
	_ =	swait.ge @!p0 [sflag:s0], $0x400  }
0x285: {  	s16 =	sshll.u32 s17, $0x7;
	[sflag:s0] =	ssyncset.done @!p0 $0x0  }
0x286: {  	s1 =	sand.u32 $0x3FFFFF80, s16;
	s16 =	simm.s32 $0xF600;
	[sflag:s0] =	ssyncadd.s32 @!p0 $0xFFFFFC00  }
0x287: {  	[tilespmem:s16], [sflag:$0x4] =	stream.indirect.gather [hbm4b:s5+s18], $0x40, s1, s18, $0xb8;
	[tilespmem:$0x19E00] =	vst v63  }
0x288: {  	s29 =	sor.u32 $0x1, s29;
	s1 =	simm.s32 $0x0;
	_ =	swait.ge [sflag:s6], $0x2000  }
0x289: {  	s16 =	sshll.u32 s29, $0x6;
	v44 =	vmov s1;
	[sflag:s6] =	ssyncset.done $0x0  }
0x28a: {  	s1 =	sand.u32 $0x3FFFFFC0, s16;
	v33 =	vshrl.u32 v44, $0x3;
	[sflag:s6] =	ssyncadd.s32 $0xFFFFE000  }
0x28b: {  	s30 =	simm.s32 $0xB700;
	v33 =	vshll.u32 v33, v1;
	v35 =	vld [tilespmem:s1+$0x6400]  }
0x28c: {  	v45 =	vld [tilespmem:s30+$0xFFFFFF00];
	v46 =	vbroadcast v33, $0x0;
	_ =	sdelay $0x1  }
0x28d: {  	v47 =	vadd.s32 v0, v46;
	_ =	sdelay $0x2  }
0x28e: {  	v36 =	vld [tilespmem:s1+$0x6410];
	v37 =	vadd.f32 v45, v35  }
0x28f: {  	v34 =	vld [tilespmem:s1+$0x6420]  }
0x290: {  	v33 =	vld [tilespmem:s1+$0x6430];
	[tilespmem:v47+s15+$0x0] =	vst.idx.msk $0xffff, v37  }
0x291: {  	v37 =	vld [tilespmem:s30+$0xFFFFFF10];
	_ =	sdelay $0x1  }
0x292: {  	v48 =	vadd.s32 v2, v46;
	_ =	sdelay $0x2  }
0x293: {  	v37 =	vadd.f32 v37, v36;
	_ =	sdelay $0x1  }
0x294: {  	[tilespmem:v48+s15+$0x0] =	vst.idx.msk $0xffff, v37  }
0x295: {  	v37 =	vld [tilespmem:s30+$0xFFFFFF20];
	_ =	sdelay $0x1  }
0x296: {  	v49 =	vadd.s32 v3, v46;
	_ =	sdelay $0x2  }
0x297: {  	v37 =	vadd.f32 v37, v34;
	_ =	sdelay $0x1  }
0x298: {  	[tilespmem:v49+s15+$0x0] =	vst.idx.msk $0xffff, v37  }
0x299: {  	v37 =	vld [tilespmem:s30+$0xFFFFFF30];
	_ =	sdelay $0x1  }
0x29a: {  	v38 =	vadd.s32 v4, v46;
	_ =	sdelay $0x1  }
0x29b: {  	s16 =	simm.s32 $0x1  }
0x29c: {  	v50 =	vmov s16;
	v37 =	vadd.f32 v37, v33  }
0x29d: {  	v39 =	vshrl.u32 v50, $0x3  }
0x29e: {  	v51 =	vshll.u32 v39, v1;
	[tilespmem:v38+s15+$0x0] =	vst.idx.msk $0xffff, v37  }
0x29f: {  	v37 =	vbroadcast v51, $0x0;
	v38 =	vld [tilespmem:s30+$0xFFFFFF40];
	_ =	sdelay $0x1  }
0x2a0: {  	v52 =	vadd.s32 v5, v37;
	_ =	sdelay $0x2  }
0x2a1: {  	v38 =	vadd.f32 v38, v35;
	_ =	sdelay $0x1  }
0x2a2: {  	[tilespmem:v52+s15+$0x0] =	vst.idx.msk $0xffff, v38  }
0x2a3: {  	v38 =	vld [tilespmem:s30+$0xFFFFFF50];
	_ =	sdelay $0x1  }
0x2a4: {  	v53 =	vadd.s32 v6, v37;
	_ =	sdelay $0x2  }
0x2a5: {  	v38 =	vadd.f32 v38, v36;
	_ =	sdelay $0x1  }
0x2a6: {  	[tilespmem:v53+s15+$0x0] =	vst.idx.msk $0xffff, v38  }
0x2a7: {  	v38 =	vld [tilespmem:s30+$0xFFFFFF60];
	_ =	sdelay $0x1  }
0x2a8: {  	v54 =	vadd.s32 v7, v37;
	_ =	sdelay $0x2  }
0x2a9: {  	v38 =	vadd.f32 v38, v34;
	_ =	sdelay $0x1  }
0x2aa: {  	[tilespmem:v54+s15+$0x0] =	vst.idx.msk $0xffff, v38  }
0x2ab: {  	v38 =	vld [tilespmem:s30+$0xFFFFFF70];
	_ =	sdelay $0x1  }
0x2ac: {  	v37 =	vadd.s32 v8, v37;
	_ =	sdelay $0x1  }
0x2ad: {  	s1 =	simm.s32 $0x2  }
0x2ae: {  	v55 =	vmov s1;
	v38 =	vadd.f32 v38, v33  }
0x2af: {  	v39 =	vshrl.u32 v55, $0x3  }
0x2b0: {  	v56 =	vshll.u32 v39, v1;
	[tilespmem:v37+s15+$0x0] =	vst.idx.msk $0xffff, v38  }
0x2b1: {  	v37 =	vbroadcast v56, $0x0;
	v38 =	vld [tilespmem:s30+$0xFFFFFF80];
	_ =	sdelay $0x1  }
0x2b2: {  	v57 =	vadd.s32 v9, v37;
	_ =	sdelay $0x2  }
0x2b3: {  	v38 =	vadd.f32 v38, v35;
	_ =	sdelay $0x1  }
0x2b4: {  	[tilespmem:v57+s15+$0x0] =	vst.idx.msk $0xffff, v38  }
0x2b5: {  	v38 =	vld [tilespmem:s30+$0xFFFFFF90];
	_ =	sdelay $0x1  }
0x2b6: {  	v58 =	vadd.s32 v10, v37;
	_ =	sdelay $0x2  }
0x2b7: {  	v38 =	vadd.f32 v38, v36;
	_ =	sdelay $0x1  }
0x2b8: {  	[tilespmem:v58+s15+$0x0] =	vst.idx.msk $0xffff, v38  }
0x2b9: {  	v38 =	vld [tilespmem:s30+$0xFFFFFFA0];
	_ =	sdelay $0x1  }
0x2ba: {  	v59 =	vadd.s32 v11, v37;
	_ =	sdelay $0x2  }
0x2bb: {  	v38 =	vadd.f32 v38, v34;
	_ =	sdelay $0x1  }
0x2bc: {  	[tilespmem:v59+s15+$0x0] =	vst.idx.msk $0xffff, v38  }
0x2bd: {  	v38 =	vld [tilespmem:s30+$0xFFFFFFB0];
	_ =	sdelay $0x1  }
0x2be: {  	v37 =	vadd.s32 v12, v37;
	_ =	sdelay $0x1  }
0x2bf: {  	s16 =	simm.s32 $0x3  }
0x2c0: {  	v60 =	vmov s16;
	v38 =	vadd.f32 v38, v33  }
0x2c1: {  	v39 =	vshrl.u32 v60, $0x3  }
0x2c2: {  	v61 =	vshll.u32 v39, v1;
	[tilespmem:v37+s15+$0x0] =	vst.idx.msk $0xffff, v38  }
0x2c3: {  	v37 =	vbroadcast v61, $0x0;
	v38 =	vld [tilespmem:s30+$0xFFFFFFC0];
	_ =	sdelay $0x1  }
0x2c4: {  	v62 =	vadd.s32 v13, v37;
	_ =	sdelay $0x2  }
0x2c5: {  	v38 =	vadd.f32 v38, v35;
	_ =	sdelay $0x1  }
0x2c6: {  	[tilespmem:v62+s15+$0x0] =	vst.idx.msk $0xffff, v38  }
0x2c7: {  	v38 =	vld [tilespmem:s30+$0xFFFFFFD0];
	_ =	sdelay $0x1  }
0x2c8: {  	v63 =	vadd.s32 v14, v37;
	_ =	sdelay $0x2  }
0x2c9: {  	v38 =	vadd.f32 v38, v36;
	_ =	sdelay $0x1  }
0x2ca: {  	[tilespmem:v63+s15+$0x0] =	vst.idx.msk $0xffff, v38  }
0x2cb: {  	v38 =	vld [tilespmem:s30+$0xFFFFFFE0];
	_ =	sdelay $0x1  }
0x2cc: {  	v42 =	vadd.s32 v15, v37;
	_ =	sdelay $0x2  }
0x2cd: {  	v38 =	vadd.f32 v38, v34;
	_ =	sdelay $0x1  }
0x2ce: {  	[tilespmem:v42+s15+$0x0] =	vst.idx.msk $0xffff, v38  }
0x2cf: {  	v38 =	vld [tilespmem:s30+$0xFFFFFFF0];
	_ =	sdelay $0x1  }
0x2d0: {  	v37 =	vadd.s32 v16, v37;
	_ =	sdelay $0x1  }
0x2d1: {  	s1 =	simm.s32 $0x4  }
0x2d2: {  	v43 =	vmov s1;
	v38 =	vadd.f32 v38, v33  }
0x2d3: {  	v39 =	vshrl.u32 v43, $0x3  }
0x2d4: {  	v44 =	vshll.u32 v39, v1;
	[tilespmem:v37+s15+$0x0] =	vst.idx.msk $0xffff, v38  }
0x2d5: {  	v37 =	vbroadcast v44, $0x0;
	v38 =	vld [tilespmem:s30+$0x0];
	_ =	sdelay $0x1  }
0x2d6: {  	v45 =	vadd.s32 v17, v37;
	_ =	sdelay $0x2  }
0x2d7: {  	v38 =	vadd.f32 v38, v35;
	_ =	sdelay $0x1  }
0x2d8: {  	[tilespmem:v45+s15+$0x0] =	vst.idx.msk $0xffff, v38  }
0x2d9: {  	v38 =	vld [tilespmem:s30+$0x10];
	_ =	sdelay $0x1  }
0x2da: {  	v46 =	vadd.s32 v18, v37;
	_ =	sdelay $0x2  }
0x2db: {  	v38 =	vadd.f32 v38, v36;
	_ =	sdelay $0x1  }
0x2dc: {  	[tilespmem:v46+s15+$0x0] =	vst.idx.msk $0xffff, v38  }
0x2dd: {  	v38 =	vld [tilespmem:s30+$0x20];
	_ =	sdelay $0x1  }
0x2de: {  	v47 =	vadd.s32 v19, v37;
	_ =	sdelay $0x2  }
0x2df: {  	v38 =	vadd.f32 v38, v34;
	_ =	sdelay $0x1  }
0x2e0: {  	[tilespmem:v47+s15+$0x0] =	vst.idx.msk $0xffff, v38  }
0x2e1: {  	v38 =	vld [tilespmem:s30+$0x30];
	_ =	sdelay $0x1  }
0x2e2: {  	v37 =	vadd.s32 v20, v37;
	_ =	sdelay $0x1  }
0x2e3: {  	s16 =	simm.s32 $0x5  }
0x2e4: {  	v48 =	vmov s16;
	v38 =	vadd.f32 v38, v33  }
0x2e5: {  	v39 =	vshrl.u32 v48, $0x3  }
0x2e6: {  	v49 =	vshll.u32 v39, v1;
	[tilespmem:v37+s15+$0x0] =	vst.idx.msk $0xffff, v38  }
0x2e7: {  	v37 =	vbroadcast v49, $0x0;
	v38 =	vld [tilespmem:s30+$0x40];
	_ =	sdelay $0x1  }
0x2e8: {  	v50 =	vadd.s32 v21, v37;
	_ =	sdelay $0x2  }
0x2e9: {  	v38 =	vadd.f32 v38, v35;
	_ =	sdelay $0x1  }
0x2ea: {  	[tilespmem:v50+s15+$0x0] =	vst.idx.msk $0xffff, v38  }
0x2eb: {  	v38 =	vld [tilespmem:s30+$0x50];
	_ =	sdelay $0x1  }
0x2ec: {  	v51 =	vadd.s32 v22, v37;
	_ =	sdelay $0x2  }
0x2ed: {  	v38 =	vadd.f32 v38, v36;
	_ =	sdelay $0x1  }
0x2ee: {  	[tilespmem:v51+s15+$0x0] =	vst.idx.msk $0xffff, v38  }
0x2ef: {  	v38 =	vld [tilespmem:s30+$0x60];
	_ =	sdelay $0x1  }
0x2f0: {  	v52 =	vadd.s32 v23, v37;
	_ =	sdelay $0x2  }
0x2f1: {  	v38 =	vadd.f32 v38, v34;
	_ =	sdelay $0x1  }
0x2f2: {  	[tilespmem:v52+s15+$0x0] =	vst.idx.msk $0xffff, v38  }
0x2f3: {  	v38 =	vld [tilespmem:s30+$0x70];
	_ =	sdelay $0x1  }
0x2f4: {  	v37 =	vadd.s32 v24, v37;
	_ =	sdelay $0x1  }
0x2f5: {  	s1 =	simm.s32 $0x6  }
0x2f6: {  	v53 =	vmov s1;
	v38 =	vadd.f32 v38, v33  }
0x2f7: {  	v39 =	vshrl.u32 v53, $0x3  }
0x2f8: {  	v54 =	vshll.u32 v39, v1;
	[tilespmem:v37+s15+$0x0] =	vst.idx.msk $0xffff, v38  }
0x2f9: {  	v37 =	vbroadcast v54, $0x0;
	v38 =	vld [tilespmem:s30+$0x80];
	_ =	sdelay $0x1  }
0x2fa: {  	v55 =	vadd.s32 v25, v37;
	_ =	sdelay $0x2  }
0x2fb: {  	v38 =	vadd.f32 v38, v35;
	_ =	sdelay $0x1  }
0x2fc: {  	[tilespmem:v55+s15+$0x0] =	vst.idx.msk $0xffff, v38  }
0x2fd: {  	v38 =	vld [tilespmem:s30+$0x90];
	_ =	sdelay $0x1  }
0x2fe: {  	v56 =	vadd.s32 v26, v37;
	_ =	sdelay $0x2  }
0x2ff: {  	v38 =	vadd.f32 v38, v36;
	_ =	sdelay $0x1  }
0x300: {  	[tilespmem:v56+s15+$0x0] =	vst.idx.msk $0xffff, v38  }
0x301: {  	v38 =	vld [tilespmem:s30+$0xA0];
	_ =	sdelay $0x1  }
0x302: {  	v57 =	vadd.s32 v27, v37;
	_ =	sdelay $0x2  }
0x303: {  	v38 =	vadd.f32 v38, v34;
	_ =	sdelay $0x1  }
0x304: {  	[tilespmem:v57+s15+$0x0] =	vst.idx.msk $0xffff, v38  }
0x305: {  	v38 =	vld [tilespmem:s30+$0xB0];
	_ =	sdelay $0x1  }
0x306: {  	v37 =	vadd.s32 v28, v37;
	_ =	sdelay $0x1  }
0x307: {  	s16 =	simm.s32 $0x7  }
0x308: {  	v58 =	vmov s16;
	v38 =	vadd.f32 v38, v33  }
0x309: {  	v39 =	vshrl.u32 v58, $0x3  }
0x30a: {  	v59 =	vshll.u32 v39, v1;
	[tilespmem:v37+s15+$0x0] =	vst.idx.msk $0xffff, v38  }
0x30b: {  	v37 =	vbroadcast v59, $0x0;
	v38 =	vld [tilespmem:s30+$0xC0];
	_ =	sdelay $0x1  }
0x30c: {  	v60 =	vadd.s32 v29, v37;
	_ =	sdelay $0x2  }
0x30d: {  	v38 =	vadd.f32 v38, v35;
	_ =	sdelay $0x1  }
0x30e: {  	[tilespmem:v60+s15+$0x0] =	vst.idx.msk $0xffff, v38  }
0x30f: {  	v38 =	vld [tilespmem:s30+$0xD0];
	_ =	sdelay $0x1  }
0x310: {  	v61 =	vadd.s32 v30, v37;
	_ =	sdelay $0x2  }
0x311: {  	v38 =	vadd.f32 v38, v36;
	_ =	sdelay $0x1  }
0x312: {  	[tilespmem:v61+s15+$0x0] =	vst.idx.msk $0xffff, v38  }
0x313: {  	v38 =	vld [tilespmem:s30+$0xE0];
	_ =	sdelay $0x1  }
0x314: {  	v62 =	vadd.s32 v31, v37;
	_ =	sdelay $0x2  }
0x315: {  	v38 =	vadd.f32 v38, v34;
	_ =	sdelay $0x1  }
0x316: {  	[tilespmem:v62+s15+$0x0] =	vst.idx.msk $0xffff, v38  }
0x317: {  	v38 =	vld [tilespmem:s30+$0xF0];
	_ =	sdelay $0x1  }
0x318: {  	v37 =	vadd.s32 v32, v37  }
0x319: {  	s31 =	simm.s32 $0x8  }
0x31a: {  	v63 =	vmov s31  }
0x31b: {  	s0 =	simm.s32 $0x10;
	v39 =	vshrl.u32 v63, $0x3;
	v38 =	vadd.f32 v38, v33  }
.LBB2_5:
0x31c: {  	p0 =	slt.u32 s0, $0x78  }
0x31d: {  	v39 =	vshll.u32 v39, v1;
	[tilespmem:v37+s15+$0x0] =	vst.idx.msk $0xffff, v38;
	s30 =	sadd.s32 $0x200, s30;
	s1 =	smov.u32 s0;
	s0 =	sadd.s32 $0x8, s0  }
0x31e: {  	v37 =	vld [tilespmem:s30+$0xFFFFFF00];
	v38 =	vbroadcast v39, $0x0;
	_ =	sdelay $0x1  }
0x31f: {  	v39 =	vadd.s32 v0, v38;
	_ =	sdelay $0x2  }
0x320: {  	v37 =	vadd.f32 v37, v35;
	_ =	sdelay $0x1  }
0x321: {  	[tilespmem:v39+s15+$0x0] =	vst.idx.msk $0xffff, v37  }
0x322: {  	v37 =	vld [tilespmem:s30+$0xFFFFFF10];
	_ =	sdelay $0x1  }
0x323: {  	v39 =	vadd.s32 v2, v38;
	_ =	sdelay $0x2  }
0x324: {  	v37 =	vadd.f32 v37, v36;
	_ =	sdelay $0x1  }
0x325: {  	[tilespmem:v39+s15+$0x0] =	vst.idx.msk $0xffff, v37  }
0x326: {  	v37 =	vld [tilespmem:s30+$0xFFFFFF20];
	_ =	sdelay $0x1  }
0x327: {  	v39 =	vadd.s32 v3, v38;
	_ =	sdelay $0x2  }
0x328: {  	v37 =	vadd.f32 v37, v34;
	_ =	sdelay $0x1  }
0x329: {  	[tilespmem:v39+s15+$0x0] =	vst.idx.msk $0xffff, v37  }
0x32a: {  	v37 =	vld [tilespmem:s30+$0xFFFFFF30];
	_ =	sdelay $0x1  }
0x32b: {  	v38 =	vadd.s32 v4, v38;
	_ =	sdelay $0x1  }
0x32c: {  	s16 =	sadd.s32 $0x1, s31  }
0x32d: {  	v39 =	vmov s16;
	v37 =	vadd.f32 v37, v33  }
0x32e: {  	v39 =	vshrl.u32 v39, $0x3  }
0x32f: {  	[tilespmem:v38+s15+$0x0] =	vst.idx.msk $0xffff, v37;
	v37 =	vshll.u32 v39, v1  }
0x330: {  	v38 =	vld [tilespmem:s30+$0xFFFFFF40];
	v37 =	vbroadcast v37, $0x0;
	_ =	sdelay $0x1  }
0x331: {  	v39 =	vadd.s32 v5, v37;
	_ =	sdelay $0x2  }
0x332: {  	v38 =	vadd.f32 v38, v35;
	_ =	sdelay $0x1  }
0x333: {  	[tilespmem:v39+s15+$0x0] =	vst.idx.msk $0xffff, v38  }
0x334: {  	v38 =	vld [tilespmem:s30+$0xFFFFFF50];
	_ =	sdelay $0x1  }
0x335: {  	v39 =	vadd.s32 v6, v37;
	_ =	sdelay $0x2  }
0x336: {  	v38 =	vadd.f32 v38, v36;
	_ =	sdelay $0x1  }
0x337: {  	[tilespmem:v39+s15+$0x0] =	vst.idx.msk $0xffff, v38  }
0x338: {  	v38 =	vld [tilespmem:s30+$0xFFFFFF60];
	_ =	sdelay $0x1  }
0x339: {  	v39 =	vadd.s32 v7, v37;
	_ =	sdelay $0x2  }
0x33a: {  	v38 =	vadd.f32 v38, v34;
	_ =	sdelay $0x1  }
0x33b: {  	[tilespmem:v39+s15+$0x0] =	vst.idx.msk $0xffff, v38  }
0x33c: {  	v38 =	vld [tilespmem:s30+$0xFFFFFF70];
	_ =	sdelay $0x1  }
0x33d: {  	v37 =	vadd.s32 v8, v37;
	_ =	sdelay $0x1  }
0x33e: {  	s16 =	sadd.s32 $0x2, s31  }
0x33f: {  	v39 =	vmov s16;
	v38 =	vadd.f32 v38, v33  }
0x340: {  	v39 =	vshrl.u32 v39, $0x3  }
0x341: {  	[tilespmem:v37+s15+$0x0] =	vst.idx.msk $0xffff, v38;
	v37 =	vshll.u32 v39, v1  }
0x342: {  	v38 =	vld [tilespmem:s30+$0xFFFFFF80];
	v37 =	vbroadcast v37, $0x0;
	_ =	sdelay $0x1  }
0x343: {  	v39 =	vadd.s32 v9, v37;
	_ =	sdelay $0x2  }
0x344: {  	v38 =	vadd.f32 v38, v35;
	_ =	sdelay $0x1  }
0x345: {  	[tilespmem:v39+s15+$0x0] =	vst.idx.msk $0xffff, v38  }
0x346: {  	v38 =	vld [tilespmem:s30+$0xFFFFFF90];
	_ =	sdelay $0x1  }
0x347: {  	v39 =	vadd.s32 v10, v37;
	_ =	sdelay $0x2  }
0x348: {  	v38 =	vadd.f32 v38, v36;
	_ =	sdelay $0x1  }
0x349: {  	[tilespmem:v39+s15+$0x0] =	vst.idx.msk $0xffff, v38  }
0x34a: {  	v38 =	vld [tilespmem:s30+$0xFFFFFFA0];
	_ =	sdelay $0x1  }
0x34b: {  	v39 =	vadd.s32 v11, v37;
	_ =	sdelay $0x2  }
0x34c: {  	v38 =	vadd.f32 v38, v34;
	_ =	sdelay $0x1  }
0x34d: {  	[tilespmem:v39+s15+$0x0] =	vst.idx.msk $0xffff, v38  }
0x34e: {  	v38 =	vld [tilespmem:s30+$0xFFFFFFB0];
	_ =	sdelay $0x1  }
0x34f: {  	v37 =	vadd.s32 v12, v37;
	_ =	sdelay $0x1  }
0x350: {  	s16 =	sadd.s32 $0x3, s31  }
0x351: {  	v39 =	vmov s16;
	v38 =	vadd.f32 v38, v33  }
0x352: {  	v39 =	vshrl.u32 v39, $0x3  }
0x353: {  	[tilespmem:v37+s15+$0x0] =	vst.idx.msk $0xffff, v38;
	v37 =	vshll.u32 v39, v1  }
0x354: {  	v38 =	vld [tilespmem:s30+$0xFFFFFFC0];
	v37 =	vbroadcast v37, $0x0;
	_ =	sdelay $0x1  }
0x355: {  	v39 =	vadd.s32 v13, v37;
	_ =	sdelay $0x2  }
0x356: {  	v38 =	vadd.f32 v38, v35;
	_ =	sdelay $0x1  }
0x357: {  	[tilespmem:v39+s15+$0x0] =	vst.idx.msk $0xffff, v38  }
0x358: {  	v38 =	vld [tilespmem:s30+$0xFFFFFFD0];
	_ =	sdelay $0x1  }
0x359: {  	v39 =	vadd.s32 v14, v37;
	_ =	sdelay $0x2  }
0x35a: {  	v38 =	vadd.f32 v38, v36;
	_ =	sdelay $0x1  }
0x35b: {  	[tilespmem:v39+s15+$0x0] =	vst.idx.msk $0xffff, v38  }
0x35c: {  	v38 =	vld [tilespmem:s30+$0xFFFFFFE0];
	_ =	sdelay $0x1  }
0x35d: {  	v39 =	vadd.s32 v15, v37;
	_ =	sdelay $0x2  }
0x35e: {  	v38 =	vadd.f32 v38, v34;
	_ =	sdelay $0x1  }
0x35f: {  	[tilespmem:v39+s15+$0x0] =	vst.idx.msk $0xffff, v38  }
0x360: {  	v38 =	vld [tilespmem:s30+$0xFFFFFFF0];
	_ =	sdelay $0x1  }
0x361: {  	v37 =	vadd.s32 v16, v37;
	_ =	sdelay $0x1  }
0x362: {  	s16 =	sadd.s32 $0x4, s31  }
0x363: {  	v39 =	vmov s16;
	v38 =	vadd.f32 v38, v33  }
0x364: {  	v39 =	vshrl.u32 v39, $0x3  }
0x365: {  	[tilespmem:v37+s15+$0x0] =	vst.idx.msk $0xffff, v38;
	v37 =	vshll.u32 v39, v1  }
0x366: {  	v38 =	vld [tilespmem:s30+$0x0];
	v37 =	vbroadcast v37, $0x0;
	_ =	sdelay $0x1  }
0x367: {  	v39 =	vadd.s32 v17, v37;
	_ =	sdelay $0x2  }
0x368: {  	v38 =	vadd.f32 v38, v35;
	_ =	sdelay $0x1  }
0x369: {  	[tilespmem:v39+s15+$0x0] =	vst.idx.msk $0xffff, v38  }
0x36a: {  	v38 =	vld [tilespmem:s30+$0x10];
	_ =	sdelay $0x1  }
0x36b: {  	v39 =	vadd.s32 v18, v37;
	_ =	sdelay $0x2  }
0x36c: {  	v38 =	vadd.f32 v38, v36;
	_ =	sdelay $0x1  }
0x36d: {  	[tilespmem:v39+s15+$0x0] =	vst.idx.msk $0xffff, v38  }
0x36e: {  	v38 =	vld [tilespmem:s30+$0x20];
	_ =	sdelay $0x1  }
0x36f: {  	v39 =	vadd.s32 v19, v37;
	_ =	sdelay $0x2  }
0x370: {  	v38 =	vadd.f32 v38, v34;
	_ =	sdelay $0x1  }
0x371: {  	[tilespmem:v39+s15+$0x0] =	vst.idx.msk $0xffff, v38  }
0x372: {  	v38 =	vld [tilespmem:s30+$0x30];
	_ =	sdelay $0x1  }
0x373: {  	v37 =	vadd.s32 v20, v37;
	_ =	sdelay $0x1  }
0x374: {  	s16 =	sadd.s32 $0x5, s31  }
0x375: {  	v39 =	vmov s16;
	v38 =	vadd.f32 v38, v33  }
0x376: {  	v39 =	vshrl.u32 v39, $0x3  }
0x377: {  	[tilespmem:v37+s15+$0x0] =	vst.idx.msk $0xffff, v38;
	v37 =	vshll.u32 v39, v1  }
0x378: {  	v38 =	vld [tilespmem:s30+$0x40];
	v37 =	vbroadcast v37, $0x0;
	_ =	sdelay $0x1  }
0x379: {  	v39 =	vadd.s32 v21, v37;
	_ =	sdelay $0x2  }
0x37a: {  	v38 =	vadd.f32 v38, v35;
	_ =	sdelay $0x1  }
0x37b: {  	[tilespmem:v39+s15+$0x0] =	vst.idx.msk $0xffff, v38  }
0x37c: {  	v38 =	vld [tilespmem:s30+$0x50];
	_ =	sdelay $0x1  }
0x37d: {  	v39 =	vadd.s32 v22, v37;
	_ =	sdelay $0x2  }
0x37e: {  	v38 =	vadd.f32 v38, v36;
	_ =	sdelay $0x1  }
0x37f: {  	[tilespmem:v39+s15+$0x0] =	vst.idx.msk $0xffff, v38  }
0x380: {  	v38 =	vld [tilespmem:s30+$0x60];
	_ =	sdelay $0x1  }
0x381: {  	v39 =	vadd.s32 v23, v37;
	_ =	sdelay $0x2  }
0x382: {  	v38 =	vadd.f32 v38, v34;
	_ =	sdelay $0x1  }
0x383: {  	[tilespmem:v39+s15+$0x0] =	vst.idx.msk $0xffff, v38  }
0x384: {  	v38 =	vld [tilespmem:s30+$0x70];
	_ =	sdelay $0x1  }
0x385: {  	v37 =	vadd.s32 v24, v37;
	_ =	sdelay $0x1  }
0x386: {  	s16 =	sadd.s32 $0x6, s31  }
0x387: {  	v39 =	vmov s16;
	v38 =	vadd.f32 v38, v33  }
0x388: {  	v39 =	vshrl.u32 v39, $0x3  }
0x389: {  	[tilespmem:v37+s15+$0x0] =	vst.idx.msk $0xffff, v38;
	v37 =	vshll.u32 v39, v1  }
0x38a: {  	v38 =	vld [tilespmem:s30+$0x80];
	v37 =	vbroadcast v37, $0x0;
	_ =	sdelay $0x1  }
0x38b: {  	v39 =	vadd.s32 v25, v37;
	_ =	sdelay $0x2  }
0x38c: {  	v38 =	vadd.f32 v38, v35;
	_ =	sdelay $0x1  }
0x38d: {  	[tilespmem:v39+s15+$0x0] =	vst.idx.msk $0xffff, v38  }
0x38e: {  	v38 =	vld [tilespmem:s30+$0x90];
	_ =	sdelay $0x1  }
0x38f: {  	v39 =	vadd.s32 v26, v37;
	_ =	sdelay $0x2  }
0x390: {  	v38 =	vadd.f32 v38, v36;
	_ =	sdelay $0x1  }
0x391: {  	[tilespmem:v39+s15+$0x0] =	vst.idx.msk $0xffff, v38  }
0x392: {  	v38 =	vld [tilespmem:s30+$0xA0];
	_ =	sdelay $0x1  }
0x393: {  	v39 =	vadd.s32 v27, v37;
	_ =	sdelay $0x2  }
0x394: {  	v38 =	vadd.f32 v38, v34;
	_ =	sdelay $0x1  }
0x395: {  	[tilespmem:v39+s15+$0x0] =	vst.idx.msk $0xffff, v38  }
0x396: {  	v38 =	vld [tilespmem:s30+$0xB0];
	_ =	sdelay $0x1  }
0x397: {  	v37 =	vadd.s32 v28, v37;
	_ =	sdelay $0x1  }
0x398: {  	s16 =	sadd.s32 $0x7, s31;
	s31 =	smov.u32 s1  }
0x399: {  	v39 =	vmov s16;
	v38 =	vadd.f32 v38, v33  }
0x39a: {  	v39 =	vshrl.u32 v39, $0x3  }
0x39b: {  	[tilespmem:v37+s15+$0x0] =	vst.idx.msk $0xffff, v38;
	v37 =	vshll.u32 v39, v1  }
0x39c: {  	v38 =	vld [tilespmem:s30+$0xC0];
	v37 =	vbroadcast v37, $0x0;
	_ =	sdelay $0x1  }
0x39d: {  	v39 =	vadd.s32 v29, v37;
	_ =	sdelay $0x2  }
0x39e: {  	v38 =	vadd.f32 v38, v35;
	_ =	sdelay $0x1  }
0x39f: {  	[tilespmem:v39+s15+$0x0] =	vst.idx.msk $0xffff, v38  }
0x3a0: {  	v38 =	vld [tilespmem:s30+$0xD0];
	_ =	sdelay $0x1  }
0x3a1: {  	v39 =	vadd.s32 v30, v37;
	_ =	sdelay $0x2  }
0x3a2: {  	v38 =	vadd.f32 v38, v36;
	_ =	sdelay $0x1  }
0x3a3: {  	[tilespmem:v39+s15+$0x0] =	vst.idx.msk $0xffff, v38  }
0x3a4: {  	v38 =	vld [tilespmem:s30+$0xE0];
	_ =	sdelay $0x1  }
0x3a5: {  	v39 =	vadd.s32 v31, v37;
	_ =	sdelay $0x2  }
0x3a6: {  	v38 =	vadd.f32 v38, v34;
	_ =	sdelay $0x1  }
0x3a7: {  	[tilespmem:v39+s15+$0x0] =	vst.idx.msk $0xffff, v38  }
0x3a8: {  	v38 =	vld [tilespmem:s30+$0xF0];
	_ =	sdelay $0x1  }
.Ltmp1:
0x3a9: {  	v37 =	vadd.s32 v32, v37;
	(pc) =	sbr.rel @p0 .LBB2_5-.Ltmp1, $3  }
0x3aa: {  	_ =	sdelay $0x1  }
0x3ab: {  	v39 =	vmov s31;
	v38 =	vadd.f32 v38, v33  }
0x3ac: {  	v39 =	vshrl.u32 v39, $0x3  }
0x3ad: {  	_ =	sdelay $0x3  }
0x3ae: {  	v39 =	vshll.u32 v39, v1;
	[tilespmem:v37+s15+$0x0] =	vst.idx.msk $0xffff, v38;
	s0 =	sadd.s32 $0x200, s30  }
0x3af: {  	v37 =	vld [tilespmem:s0+$0xFFFFFF00];
	v48 =	vbroadcast v39, $0x0;
	_ =	sdelay $0x1  }
0x3b0: {  	v39 =	vadd.s32 v0, v48;
	_ =	sdelay $0x2  }
0x3b1: {  	v37 =	vadd.f32 v37, v35;
	_ =	sdelay $0x1  }
0x3b2: {  	[tilespmem:v39+s15+$0x0] =	vst.idx.msk $0xffff, v37  }
0x3b3: {  	v37 =	vld [tilespmem:s0+$0xFFFFFF10];
	_ =	sdelay $0x1  }
0x3b4: {  	v49 =	vadd.s32 v2, v48;
	_ =	sdelay $0x2  }
0x3b5: {  	v37 =	vadd.f32 v37, v36;
	_ =	sdelay $0x1  }
0x3b6: {  	[tilespmem:v49+s15+$0x0] =	vst.idx.msk $0xffff, v37  }
0x3b7: {  	v37 =	vld [tilespmem:s0+$0xFFFFFF20];
	_ =	sdelay $0x1  }
0x3b8: {  	v50 =	vadd.s32 v3, v48;
	_ =	sdelay $0x2  }
0x3b9: {  	v37 =	vadd.f32 v37, v34;
	_ =	sdelay $0x1  }
0x3ba: {  	[tilespmem:v50+s15+$0x0] =	vst.idx.msk $0xffff, v37  }
0x3bb: {  	v37 =	vld [tilespmem:s0+$0xFFFFFF30];
	_ =	sdelay $0x1  }
0x3bc: {  	v38 =	vadd.s32 v4, v48;
	_ =	sdelay $0x1  }
0x3bd: {  	s1 =	sadd.s32 $0x1, s31  }
0x3be: {  	v51 =	vmov s1;
	v37 =	vadd.f32 v37, v33  }
0x3bf: {  	v39 =	vshrl.u32 v51, $0x3  }
0x3c0: {  	v52 =	vshll.u32 v39, v1;
	[tilespmem:v38+s15+$0x0] =	vst.idx.msk $0xffff, v37  }
0x3c1: {  	v37 =	vbroadcast v52, $0x0;
	v38 =	vld [tilespmem:s0+$0xFFFFFF40];
	_ =	sdelay $0x1  }
0x3c2: {  	v53 =	vadd.s32 v5, v37;
	_ =	sdelay $0x2  }
0x3c3: {  	v38 =	vadd.f32 v38, v35;
	_ =	sdelay $0x1  }
0x3c4: {  	[tilespmem:v53+s15+$0x0] =	vst.idx.msk $0xffff, v38  }
0x3c5: {  	v38 =	vld [tilespmem:s0+$0xFFFFFF50];
	_ =	sdelay $0x1  }
0x3c6: {  	v54 =	vadd.s32 v6, v37;
	_ =	sdelay $0x2  }
0x3c7: {  	v38 =	vadd.f32 v38, v36;
	_ =	sdelay $0x1  }
0x3c8: {  	[tilespmem:v54+s15+$0x0] =	vst.idx.msk $0xffff, v38  }
0x3c9: {  	v38 =	vld [tilespmem:s0+$0xFFFFFF60];
	_ =	sdelay $0x1  }
0x3ca: {  	v55 =	vadd.s32 v7, v37;
	_ =	sdelay $0x2  }
0x3cb: {  	v38 =	vadd.f32 v38, v34;
	_ =	sdelay $0x1  }
0x3cc: {  	[tilespmem:v55+s15+$0x0] =	vst.idx.msk $0xffff, v38  }
0x3cd: {  	v38 =	vld [tilespmem:s0+$0xFFFFFF70];
	_ =	sdelay $0x1  }
0x3ce: {  	v37 =	vadd.s32 v8, v37;
	_ =	sdelay $0x1  }
0x3cf: {  	s16 =	sadd.s32 $0x2, s31  }
0x3d0: {  	v56 =	vmov s16;
	v38 =	vadd.f32 v38, v33  }
0x3d1: {  	v39 =	vshrl.u32 v56, $0x3  }
0x3d2: {  	v57 =	vshll.u32 v39, v1;
	[tilespmem:v37+s15+$0x0] =	vst.idx.msk $0xffff, v38  }
0x3d3: {  	v37 =	vbroadcast v57, $0x0;
	v38 =	vld [tilespmem:s0+$0xFFFFFF80];
	_ =	sdelay $0x1  }
0x3d4: {  	v58 =	vadd.s32 v9, v37;
	_ =	sdelay $0x2  }
0x3d5: {  	v38 =	vadd.f32 v38, v35;
	_ =	sdelay $0x1  }
0x3d6: {  	[tilespmem:v58+s15+$0x0] =	vst.idx.msk $0xffff, v38  }
0x3d7: {  	v38 =	vld [tilespmem:s0+$0xFFFFFF90];
	_ =	sdelay $0x1  }
0x3d8: {  	v59 =	vadd.s32 v10, v37;
	_ =	sdelay $0x2  }
0x3d9: {  	v38 =	vadd.f32 v38, v36;
	_ =	sdelay $0x1  }
0x3da: {  	[tilespmem:v59+s15+$0x0] =	vst.idx.msk $0xffff, v38  }
0x3db: {  	v38 =	vld [tilespmem:s0+$0xFFFFFFA0];
	_ =	sdelay $0x1  }
0x3dc: {  	v60 =	vadd.s32 v11, v37;
	_ =	sdelay $0x2  }
0x3dd: {  	v38 =	vadd.f32 v38, v34;
	_ =	sdelay $0x1  }
0x3de: {  	[tilespmem:v60+s15+$0x0] =	vst.idx.msk $0xffff, v38  }
0x3df: {  	v38 =	vld [tilespmem:s0+$0xFFFFFFB0];
	_ =	sdelay $0x1  }
0x3e0: {  	v37 =	vadd.s32 v12, v37;
	_ =	sdelay $0x1  }
0x3e1: {  	s16 =	sadd.s32 $0x3, s31  }
0x3e2: {  	v61 =	vmov s16;
	v38 =	vadd.f32 v38, v33  }
0x3e3: {  	v39 =	vshrl.u32 v61, $0x3  }
0x3e4: {  	v62 =	vshll.u32 v39, v1;
	[tilespmem:v37+s15+$0x0] =	vst.idx.msk $0xffff, v38  }
0x3e5: {  	v37 =	vbroadcast v62, $0x0;
	v38 =	vld [tilespmem:s0+$0xFFFFFFC0];
	_ =	sdelay $0x1  }
0x3e6: {  	v63 =	vadd.s32 v13, v37;
	_ =	sdelay $0x2  }
0x3e7: {  	v38 =	vadd.f32 v38, v35;
	_ =	sdelay $0x1  }
0x3e8: {  	[tilespmem:v63+s15+$0x0] =	vst.idx.msk $0xffff, v38  }
0x3e9: {  	v38 =	vld [tilespmem:s0+$0xFFFFFFD0];
	_ =	sdelay $0x1  }
0x3ea: {  	v42 =	vadd.s32 v14, v37;
	_ =	sdelay $0x2  }
0x3eb: {  	v38 =	vadd.f32 v38, v36;
	_ =	sdelay $0x1  }
0x3ec: {  	[tilespmem:v42+s15+$0x0] =	vst.idx.msk $0xffff, v38  }
0x3ed: {  	v38 =	vld [tilespmem:s0+$0xFFFFFFE0];
	_ =	sdelay $0x1  }
0x3ee: {  	v43 =	vadd.s32 v15, v37;
	_ =	sdelay $0x2  }
0x3ef: {  	v38 =	vadd.f32 v38, v34;
	_ =	sdelay $0x1  }
0x3f0: {  	[tilespmem:v43+s15+$0x0] =	vst.idx.msk $0xffff, v38  }
0x3f1: {  	v38 =	vld [tilespmem:s0+$0xFFFFFFF0];
	_ =	sdelay $0x1  }
0x3f2: {  	v37 =	vadd.s32 v16, v37;
	_ =	sdelay $0x1  }
0x3f3: {  	s16 =	sadd.s32 $0x4, s31  }
0x3f4: {  	v44 =	vmov s16;
	v38 =	vadd.f32 v38, v33  }
0x3f5: {  	v39 =	vshrl.u32 v44, $0x3  }
0x3f6: {  	v45 =	vshll.u32 v39, v1;
	[tilespmem:v37+s15+$0x0] =	vst.idx.msk $0xffff, v38  }
0x3f7: {  	v37 =	vbroadcast v45, $0x0;
	v38 =	vld [tilespmem:s0+$0x0];
	_ =	sdelay $0x1  }
0x3f8: {  	v46 =	vadd.s32 v17, v37;
	_ =	sdelay $0x2  }
0x3f9: {  	v38 =	vadd.f32 v38, v35;
	_ =	sdelay $0x1  }
0x3fa: {  	[tilespmem:v46+s15+$0x0] =	vst.idx.msk $0xffff, v38  }
0x3fb: {  	v38 =	vld [tilespmem:s0+$0x10];
	_ =	sdelay $0x1  }
0x3fc: {  	v47 =	vadd.s32 v18, v37;
	_ =	sdelay $0x2  }
0x3fd: {  	v38 =	vadd.f32 v38, v36;
	_ =	sdelay $0x1  }
0x3fe: {  	[tilespmem:v47+s15+$0x0] =	vst.idx.msk $0xffff, v38  }
0x3ff: {  	v38 =	vld [tilespmem:s0+$0x20];
	_ =	sdelay $0x1  }
0x400: {  	v48 =	vadd.s32 v19, v37;
	_ =	sdelay $0x2  }
0x401: {  	v38 =	vadd.f32 v38, v34;
	_ =	sdelay $0x1  }
0x402: {  	[tilespmem:v48+s15+$0x0] =	vst.idx.msk $0xffff, v38  }
0x403: {  	v38 =	vld [tilespmem:s0+$0x30];
	_ =	sdelay $0x1  }
0x404: {  	v37 =	vadd.s32 v20, v37;
	_ =	sdelay $0x1  }
0x405: {  	s16 =	sadd.s32 $0x5, s31  }
0x406: {  	v49 =	vmov s16;
	v38 =	vadd.f32 v38, v33  }
0x407: {  	v39 =	vshrl.u32 v49, $0x3  }
0x408: {  	v50 =	vshll.u32 v39, v1;
	[tilespmem:v37+s15+$0x0] =	vst.idx.msk $0xffff, v38  }
0x409: {  	v37 =	vbroadcast v50, $0x0;
	v38 =	vld [tilespmem:s0+$0x40];
	_ =	sdelay $0x1  }
0x40a: {  	v51 =	vadd.s32 v21, v37;
	_ =	sdelay $0x2  }
0x40b: {  	v38 =	vadd.f32 v38, v35;
	_ =	sdelay $0x1  }
0x40c: {  	[tilespmem:v51+s15+$0x0] =	vst.idx.msk $0xffff, v38  }
0x40d: {  	v38 =	vld [tilespmem:s0+$0x50];
	_ =	sdelay $0x1  }
0x40e: {  	v52 =	vadd.s32 v22, v37;
	_ =	sdelay $0x2  }
0x40f: {  	v38 =	vadd.f32 v38, v36;
	_ =	sdelay $0x1  }
0x410: {  	[tilespmem:v52+s15+$0x0] =	vst.idx.msk $0xffff, v38  }
0x411: {  	v38 =	vld [tilespmem:s0+$0x60];
	_ =	sdelay $0x1  }
0x412: {  	v53 =	vadd.s32 v23, v37;
	_ =	sdelay $0x2  }
0x413: {  	v38 =	vadd.f32 v38, v34;
	_ =	sdelay $0x1  }
0x414: {  	[tilespmem:v53+s15+$0x0] =	vst.idx.msk $0xffff, v38  }
0x415: {  	v38 =	vld [tilespmem:s0+$0x70];
	_ =	sdelay $0x1  }
0x416: {  	v37 =	vadd.s32 v24, v37;
	_ =	sdelay $0x1  }
0x417: {  	s16 =	sadd.s32 $0x6, s31  }
0x418: {  	v54 =	vmov s16;
	v38 =	vadd.f32 v38, v33  }
0x419: {  	v39 =	vshrl.u32 v54, $0x3  }
0x41a: {  	v55 =	vshll.u32 v39, v1;
	[tilespmem:v37+s15+$0x0] =	vst.idx.msk $0xffff, v38  }
0x41b: {  	v37 =	vbroadcast v55, $0x0;
	v38 =	vld [tilespmem:s0+$0x80];
	_ =	sdelay $0x1  }
0x41c: {  	v56 =	vadd.s32 v25, v37;
	_ =	sdelay $0x2  }
0x41d: {  	v38 =	vadd.f32 v38, v35;
	_ =	sdelay $0x1  }
0x41e: {  	[tilespmem:v56+s15+$0x0] =	vst.idx.msk $0xffff, v38  }
0x41f: {  	v38 =	vld [tilespmem:s0+$0x90];
	_ =	sdelay $0x1  }
0x420: {  	v57 =	vadd.s32 v26, v37;
	_ =	sdelay $0x2  }
0x421: {  	v38 =	vadd.f32 v38, v36;
	_ =	sdelay $0x1  }
0x422: {  	[tilespmem:v57+s15+$0x0] =	vst.idx.msk $0xffff, v38  }
0x423: {  	v38 =	vld [tilespmem:s0+$0xA0];
	_ =	sdelay $0x1  }
0x424: {  	v58 =	vadd.s32 v27, v37;
	_ =	sdelay $0x2  }
0x425: {  	v38 =	vadd.f32 v38, v34;
	_ =	sdelay $0x1  }
0x426: {  	[tilespmem:v58+s15+$0x0] =	vst.idx.msk $0xffff, v38  }
0x427: {  	v38 =	vld [tilespmem:s0+$0xB0];
	_ =	sdelay $0x1  }
0x428: {  	v37 =	vadd.s32 v28, v37;
	_ =	sdelay $0x1  }
0x429: {  	s16 =	sadd.s32 $0x7, s31  }
0x42a: {  	v59 =	vmov s16;
	v38 =	vadd.f32 v38, v33  }
0x42b: {  	v39 =	vshrl.u32 v59, $0x3  }
0x42c: {  	v60 =	vshll.u32 v39, v1;
	[tilespmem:v37+s15+$0x0] =	vst.idx.msk $0xffff, v38  }
0x42d: {  	v37 =	vbroadcast v60, $0x0;
	v38 =	vld [tilespmem:s0+$0xC0];
	_ =	sdelay $0x1  }
0x42e: {  	v61 =	vadd.s32 v29, v37;
	_ =	sdelay $0x2  }
0x42f: {  	v62 =	vadd.f32 v38, v35;
	_ =	sdelay $0x1  }
0x430: {  	[tilespmem:v61+s15+$0x0] =	vst.idx.msk $0xffff, v62  }
0x431: {  	v35 =	vld [tilespmem:s0+$0xD0];
	_ =	sdelay $0x1  }
0x432: {  	v63 =	vadd.s32 v30, v37;
	_ =	sdelay $0x2  }
0x433: {  	v35 =	vadd.f32 v35, v36;
	_ =	sdelay $0x1  }
0x434: {  	[tilespmem:v63+s15+$0x0] =	vst.idx.msk $0xffff, v35  }
0x435: {  	v35 =	vld [tilespmem:s0+$0xE0];
	_ =	sdelay $0x1  }
0x436: {  	v40 =	vadd.s32 v31, v37;
	_ =	sdelay $0x2  }
0x437: {  	v41 =	vadd.f32 v35, v34;
	_ =	sdelay $0x1  }
0x438: {  	[tilespmem:v40+s15+$0x0] =	vst.idx.msk $0xffff, v41  }
0x439: {  	v34 =	vld [tilespmem:s0+$0xF0];
	_ =	sdelay $0x1  }
0x43a: {  	v42 =	vadd.s32 v32, v37;
	_ =	sdelay $0x1  }
0x43b: {  	s1 =	sshll.u32 s29, $0x12  }
0x43c: {  	s0 =	sor.u32 s7, s1;
	v43 =	vadd.f32 v34, v33  }
0x43d: {  	s0 =	sshrl.u32 s0, $0x3  }
0x43e: {  	s1 =	sadd.s32 s2, s0;
	[tilespmem:v42+s15+$0x0] =	vst.idx.msk $0xffff, v43  }
0x43f: {  	[hbm4b:s1+s3] =	stream.linear.scatter [tilespmem:s15], [sflag:$0x6], $0x80, $0x38;
	[tilespmem:$0x19E00] =	vst v63  }
0x440: {  	s29 =	simm.s32 $0x13888;
	s16 =	sadd.s32 $0x10, s1  }
0x441: {  	[hbm4b:s16+s3] =	stream.linear.scatter [tilespmem:s29], [sflag:$0x6], $0x80, $0x38;
	[tilespmem:$0x19E00] =	vst v63  }
0x442: {  	s16 =	sadd.s32 $0x20, s1;
	s29 =	simm.s32 $0x13910  }
0x443: {  	[hbm4b:s16+s3] =	stream.linear.scatter [tilespmem:s29], [sflag:$0x6], $0x80, $0x38;
	[tilespmem:$0x19E00] =	vst v63  }
0x444: {  	s16 =	sadd.s32 $0x30, s1;
	s29 =	simm.s32 $0x13998  }
0x445: {  	[hbm4b:s16+s3] =	stream.linear.scatter [tilespmem:s29], [sflag:$0x6], $0x80, $0x38;
	[tilespmem:$0x19E00] =	vst v63  }
0x446: {  	s16 =	sadd.s32 $0x40, s1;
	s29 =	simm.s32 $0x13A20  }
0x447: {  	[hbm4b:s16+s3] =	stream.linear.scatter [tilespmem:s29], [sflag:$0x6], $0x80, $0x38;
	[tilespmem:$0x19E00] =	vst v63  }
0x448: {  	s16 =	sadd.s32 $0x50, s1;
	s29 =	simm.s32 $0x13AA8  }
0x449: {  	[hbm4b:s16+s3] =	stream.linear.scatter [tilespmem:s29], [sflag:$0x6], $0x80, $0x38;
	[tilespmem:$0x19E00] =	vst v63  }
0x44a: {  	s16 =	sadd.s32 $0x60, s1;
	s29 =	simm.s32 $0x13B30  }
0x44b: {  	[hbm4b:s16+s3] =	stream.linear.scatter [tilespmem:s29], [sflag:$0x6], $0x80, $0x38;
	[tilespmem:$0x19E00] =	vst v63  }
0x44c: {  	s1 =	sadd.s32 $0x70, s1;
	s16 =	simm.s32 $0x13BB8  }
0x44d: {  	[hbm4b:s1+s3] =	stream.linear.scatter [tilespmem:s16], [sflag:$0x6], $0x80, $0x38;
	[tilespmem:$0x19E00] =	vst v63  }
0x44e: {  	s1 =	sadd.s32 s0, s8;
	s16 =	simm.s32 $0x13C40  }
0x44f: {  	[hbm4b:s1+s3] =	stream.linear.scatter [tilespmem:s16], [sflag:$0x6], $0x80, $0x38;
	[tilespmem:$0x19E00] =	vst v63  }
0x450: {  	s29 =	simm.s32 $0x13CC8;
	s16 =	sadd.s32 $0x10, s1  }
0x451: {  	[hbm4b:s16+s3] =	stream.linear.scatter [tilespmem:s29], [sflag:$0x6], $0x80, $0x38;
	[tilespmem:$0x19E00] =	vst v63  }
0x452: {  	s16 =	sadd.s32 $0x20, s1;
	s29 =	simm.s32 $0x13D50  }
0x453: {  	[hbm4b:s16+s3] =	stream.linear.scatter [tilespmem:s29], [sflag:$0x6], $0x80, $0x38;
	[tilespmem:$0x19E00] =	vst v63  }
0x454: {  	s16 =	sadd.s32 $0x30, s1;
	s29 =	simm.s32 $0x13DD8  }
0x455: {  	[hbm4b:s16+s3] =	stream.linear.scatter [tilespmem:s29], [sflag:$0x6], $0x80, $0x38;
	[tilespmem:$0x19E00] =	vst v63  }
0x456: {  	s16 =	sadd.s32 $0x40, s1;
	s29 =	simm.s32 $0x13E60  }
0x457: {  	[hbm4b:s16+s3] =	stream.linear.scatter [tilespmem:s29], [sflag:$0x6], $0x80, $0x38;
	[tilespmem:$0x19E00] =	vst v63  }
0x458: {  	s16 =	sadd.s32 $0x50, s1;
	s29 =	simm.s32 $0x13EE8  }
0x459: {  	[hbm4b:s16+s3] =	stream.linear.scatter [tilespmem:s29], [sflag:$0x6], $0x80, $0x38;
	[tilespmem:$0x19E00] =	vst v63  }
0x45a: {  	s16 =	sadd.s32 $0x60, s1;
	s29 =	simm.s32 $0x13F70  }
0x45b: {  	[hbm4b:s16+s3] =	stream.linear.scatter [tilespmem:s29], [sflag:$0x6], $0x80, $0x38;
	[tilespmem:$0x19E00] =	vst v63  }
0x45c: {  	s1 =	sadd.s32 $0x70, s1;
	s16 =	simm.s32 $0x13FF8  }
0x45d: {  	[hbm4b:s1+s3] =	stream.linear.scatter [tilespmem:s16], [sflag:$0x6], $0x80, $0x38;
	[tilespmem:$0x19E00] =	vst v63  }
0x45e: {  	s1 =	sadd.s32 s0, s9;
	s16 =	simm.s32 $0x14080  }
0x45f: {  	[hbm4b:s1+s3] =	stream.linear.scatter [tilespmem:s16], [sflag:$0x6], $0x80, $0x38;
	[tilespmem:$0x19E00] =	vst v63  }
0x460: {  	s29 =	simm.s32 $0x14108;
	s16 =	sadd.s32 $0x10, s1  }
0x461: {  	[hbm4b:s16+s3] =	stream.linear.scatter [tilespmem:s29], [sflag:$0x6], $0x80, $0x38;
	[tilespmem:$0x19E00] =	vst v63  }
0x462: {  	s16 =	sadd.s32 $0x20, s1;
	s29 =	simm.s32 $0x14190  }
0x463: {  	[hbm4b:s16+s3] =	stream.linear.scatter [tilespmem:s29], [sflag:$0x6], $0x80, $0x38;
	[tilespmem:$0x19E00] =	vst v63  }
0x464: {  	s16 =	sadd.s32 $0x30, s1;
	s29 =	simm.s32 $0x14218  }
0x465: {  	[hbm4b:s16+s3] =	stream.linear.scatter [tilespmem:s29], [sflag:$0x6], $0x80, $0x38;
	[tilespmem:$0x19E00] =	vst v63  }
0x466: {  	s16 =	sadd.s32 $0x40, s1;
	s29 =	simm.s32 $0x142A0  }
0x467: {  	[hbm4b:s16+s3] =	stream.linear.scatter [tilespmem:s29], [sflag:$0x6], $0x80, $0x38;
	[tilespmem:$0x19E00] =	vst v63  }
0x468: {  	s16 =	sadd.s32 $0x50, s1;
	s29 =	simm.s32 $0x14328  }
0x469: {  	[hbm4b:s16+s3] =	stream.linear.scatter [tilespmem:s29], [sflag:$0x6], $0x80, $0x38;
	[tilespmem:$0x19E00] =	vst v63  }
0x46a: {  	s16 =	sadd.s32 $0x60, s1;
	s29 =	simm.s32 $0x143B0  }
0x46b: {  	[hbm4b:s16+s3] =	stream.linear.scatter [tilespmem:s29], [sflag:$0x6], $0x80, $0x38;
	[tilespmem:$0x19E00] =	vst v63  }
0x46c: {  	s1 =	sadd.s32 $0x70, s1;
	s16 =	simm.s32 $0x14438  }
0x46d: {  	[hbm4b:s1+s3] =	stream.linear.scatter [tilespmem:s16], [sflag:$0x6], $0x80, $0x38;
	[tilespmem:$0x19E00] =	vst v63  }
0x46e: {  	s1 =	sadd.s32 s0, s10;
	s16 =	simm.s32 $0x144C0  }
0x46f: {  	[hbm4b:s1+s3] =	stream.linear.scatter [tilespmem:s16], [sflag:$0x6], $0x80, $0x38;
	[tilespmem:$0x19E00] =	vst v63  }
0x470: {  	s29 =	simm.s32 $0x14548;
	s16 =	sadd.s32 $0x10, s1  }
0x471: {  	[hbm4b:s16+s3] =	stream.linear.scatter [tilespmem:s29], [sflag:$0x6], $0x80, $0x38;
	[tilespmem:$0x19E00] =	vst v63  }
0x472: {  	s16 =	sadd.s32 $0x20, s1;
	s29 =	simm.s32 $0x145D0  }
0x473: {  	[hbm4b:s16+s3] =	stream.linear.scatter [tilespmem:s29], [sflag:$0x6], $0x80, $0x38;
	[tilespmem:$0x19E00] =	vst v63  }
0x474: {  	s16 =	sadd.s32 $0x30, s1;
	s29 =	simm.s32 $0x14658  }
0x475: {  	[hbm4b:s16+s3] =	stream.linear.scatter [tilespmem:s29], [sflag:$0x6], $0x80, $0x38;
	[tilespmem:$0x19E00] =	vst v63  }
0x476: {  	s16 =	sadd.s32 $0x40, s1;
	s29 =	simm.s32 $0x146E0  }
0x477: {  	[hbm4b:s16+s3] =	stream.linear.scatter [tilespmem:s29], [sflag:$0x6], $0x80, $0x38;
	[tilespmem:$0x19E00] =	vst v63  }
0x478: {  	s16 =	sadd.s32 $0x50, s1;
	s29 =	simm.s32 $0x14768  }
0x479: {  	[hbm4b:s16+s3] =	stream.linear.scatter [tilespmem:s29], [sflag:$0x6], $0x80, $0x38;
	[tilespmem:$0x19E00] =	vst v63  }
0x47a: {  	s16 =	sadd.s32 $0x60, s1;
	s29 =	simm.s32 $0x147F0  }
0x47b: {  	[hbm4b:s16+s3] =	stream.linear.scatter [tilespmem:s29], [sflag:$0x6], $0x80, $0x38;
	[tilespmem:$0x19E00] =	vst v63  }
0x47c: {  	s1 =	sadd.s32 $0x70, s1;
	s16 =	simm.s32 $0x14878  }
0x47d: {  	[hbm4b:s1+s3] =	stream.linear.scatter [tilespmem:s16], [sflag:$0x6], $0x80, $0x38;
	[tilespmem:$0x19E00] =	vst v63  }
0x47e: {  	s1 =	sadd.s32 s0, s11;
	s16 =	simm.s32 $0x14900  }
0x47f: {  	[hbm4b:s1+s3] =	stream.linear.scatter [tilespmem:s16], [sflag:$0x6], $0x80, $0x38;
	[tilespmem:$0x19E00] =	vst v63  }
0x480: {  	s29 =	simm.s32 $0x14988;
	s16 =	sadd.s32 $0x10, s1  }
0x481: {  	[hbm4b:s16+s3] =	stream.linear.scatter [tilespmem:s29], [sflag:$0x6], $0x80, $0x38;
	[tilespmem:$0x19E00] =	vst v63  }
0x482: {  	s16 =	sadd.s32 $0x20, s1;
	s29 =	simm.s32 $0x14A10  }
0x483: {  	[hbm4b:s16+s3] =	stream.linear.scatter [tilespmem:s29], [sflag:$0x6], $0x80, $0x38;
	[tilespmem:$0x19E00] =	vst v63  }
0x484: {  	s16 =	sadd.s32 $0x30, s1;
	s29 =	simm.s32 $0x14A98  }
0x485: {  	[hbm4b:s16+s3] =	stream.linear.scatter [tilespmem:s29], [sflag:$0x6], $0x80, $0x38;
	[tilespmem:$0x19E00] =	vst v63  }
0x486: {  	s16 =	sadd.s32 $0x40, s1;
	s29 =	simm.s32 $0x14B20  }
0x487: {  	[hbm4b:s16+s3] =	stream.linear.scatter [tilespmem:s29], [sflag:$0x6], $0x80, $0x38;
	[tilespmem:$0x19E00] =	vst v63  }
0x488: {  	s16 =	sadd.s32 $0x50, s1;
	s29 =	simm.s32 $0x14BA8  }
0x489: {  	[hbm4b:s16+s3] =	stream.linear.scatter [tilespmem:s29], [sflag:$0x6], $0x80, $0x38;
	[tilespmem:$0x19E00] =	vst v63  }
0x48a: {  	s16 =	sadd.s32 $0x60, s1;
	s29 =	simm.s32 $0x14C30  }
0x48b: {  	[hbm4b:s16+s3] =	stream.linear.scatter [tilespmem:s29], [sflag:$0x6], $0x80, $0x38;
	[tilespmem:$0x19E00] =	vst v63  }
0x48c: {  	s1 =	sadd.s32 $0x70, s1;
	s16 =	simm.s32 $0x14CB8  }
0x48d: {  	[hbm4b:s1+s3] =	stream.linear.scatter [tilespmem:s16], [sflag:$0x6], $0x80, $0x38;
	[tilespmem:$0x19E00] =	vst v63  }
0x48e: {  	s1 =	sadd.s32 s0, s12;
	s16 =	simm.s32 $0x14D40  }
0x48f: {  	[hbm4b:s1+s3] =	stream.linear.scatter [tilespmem:s16], [sflag:$0x6], $0x80, $0x38;
	[tilespmem:$0x19E00] =	vst v63  }
0x490: {  	s29 =	simm.s32 $0x14DC8;
	s16 =	sadd.s32 $0x10, s1  }
0x491: {  	[hbm4b:s16+s3] =	stream.linear.scatter [tilespmem:s29], [sflag:$0x6], $0x80, $0x38;
	[tilespmem:$0x19E00] =	vst v63  }
0x492: {  	s16 =	sadd.s32 $0x20, s1;
	s29 =	simm.s32 $0x14E50  }
0x493: {  	[hbm4b:s16+s3] =	stream.linear.scatter [tilespmem:s29], [sflag:$0x6], $0x80, $0x38;
	[tilespmem:$0x19E00] =	vst v63  }
0x494: {  	s16 =	sadd.s32 $0x30, s1;
	s29 =	simm.s32 $0x14ED8  }
0x495: {  	[hbm4b:s16+s3] =	stream.linear.scatter [tilespmem:s29], [sflag:$0x6], $0x80, $0x38;
	[tilespmem:$0x19E00] =	vst v63  }
0x496: {  	s16 =	sadd.s32 $0x40, s1;
	s29 =	simm.s32 $0x14F60  }
0x497: {  	[hbm4b:s16+s3] =	stream.linear.scatter [tilespmem:s29], [sflag:$0x6], $0x80, $0x38;
	[tilespmem:$0x19E00] =	vst v63  }
0x498: {  	s16 =	sadd.s32 $0x50, s1;
	s29 =	simm.s32 $0x14FE8  }
0x499: {  	[hbm4b:s16+s3] =	stream.linear.scatter [tilespmem:s29], [sflag:$0x6], $0x80, $0x38;
	[tilespmem:$0x19E00] =	vst v63  }
0x49a: {  	s16 =	sadd.s32 $0x60, s1;
	s29 =	simm.s32 $0x15070  }
0x49b: {  	[hbm4b:s16+s3] =	stream.linear.scatter [tilespmem:s29], [sflag:$0x6], $0x80, $0x38;
	[tilespmem:$0x19E00] =	vst v63  }
0x49c: {  	s1 =	sadd.s32 $0x70, s1;
	s16 =	simm.s32 $0x150F8  }
0x49d: {  	[hbm4b:s1+s3] =	stream.linear.scatter [tilespmem:s16], [sflag:$0x6], $0x80, $0x38;
	[tilespmem:$0x19E00] =	vst v63  }
0x49e: {  	s1 =	sadd.s32 s0, s13;
	s16 =	simm.s32 $0x15180  }
0x49f: {  	[hbm4b:s1+s3] =	stream.linear.scatter [tilespmem:s16], [sflag:$0x6], $0x80, $0x38;
	[tilespmem:$0x19E00] =	vst v63  }
0x4a0: {  	s29 =	simm.s32 $0x15208;
	s16 =	sadd.s32 $0x10, s1  }
0x4a1: {  	[hbm4b:s16+s3] =	stream.linear.scatter [tilespmem:s29], [sflag:$0x6], $0x80, $0x38;
	[tilespmem:$0x19E00] =	vst v63  }
0x4a2: {  	s16 =	sadd.s32 $0x20, s1;
	s29 =	simm.s32 $0x15290  }
0x4a3: {  	[hbm4b:s16+s3] =	stream.linear.scatter [tilespmem:s29], [sflag:$0x6], $0x80, $0x38;
	[tilespmem:$0x19E00] =	vst v63  }
0x4a4: {  	s16 =	sadd.s32 $0x30, s1;
	s29 =	simm.s32 $0x15318  }
0x4a5: {  	[hbm4b:s16+s3] =	stream.linear.scatter [tilespmem:s29], [sflag:$0x6], $0x80, $0x38;
	[tilespmem:$0x19E00] =	vst v63  }
0x4a6: {  	s16 =	sadd.s32 $0x40, s1;
	s29 =	simm.s32 $0x153A0  }
0x4a7: {  	[hbm4b:s16+s3] =	stream.linear.scatter [tilespmem:s29], [sflag:$0x6], $0x80, $0x38;
	[tilespmem:$0x19E00] =	vst v63  }
0x4a8: {  	s16 =	sadd.s32 $0x50, s1;
	s29 =	simm.s32 $0x15428  }
0x4a9: {  	[hbm4b:s16+s3] =	stream.linear.scatter [tilespmem:s29], [sflag:$0x6], $0x80, $0x38;
	[tilespmem:$0x19E00] =	vst v63  }
0x4aa: {  	s16 =	sadd.s32 $0x60, s1;
	s29 =	simm.s32 $0x154B0  }
0x4ab: {  	[hbm4b:s16+s3] =	stream.linear.scatter [tilespmem:s29], [sflag:$0x6], $0x80, $0x38;
	[tilespmem:$0x19E00] =	vst v63  }
0x4ac: {  	s1 =	sadd.s32 $0x70, s1;
	s16 =	simm.s32 $0x15538  }
0x4ad: {  	[hbm4b:s1+s3] =	stream.linear.scatter [tilespmem:s16], [sflag:$0x6], $0x80, $0x38;
	[tilespmem:$0x19E00] =	vst v63  }
0x4ae: {  	s0 =	sadd.s32 s0, s14;
	s16 =	simm.s32 $0x155C0  }
0x4af: {  	[hbm4b:s0+s3] =	stream.linear.scatter [tilespmem:s16], [sflag:$0x6], $0x80, $0x38;
	[tilespmem:$0x19E00] =	vst v63  }
0x4b0: {  	s1 =	sadd.s32 $0x10, s0;
	s16 =	simm.s32 $0x15648  }
0x4b1: {  	[hbm4b:s1+s3] =	stream.linear.scatter [tilespmem:s16], [sflag:$0x6], $0x80, $0x38;
	[tilespmem:$0x19E00] =	vst v63  }
0x4b2: {  	s1 =	sadd.s32 $0x20, s0;
	s16 =	simm.s32 $0x156D0  }
0x4b3: {  	[hbm4b:s1+s3] =	stream.linear.scatter [tilespmem:s16], [sflag:$0x6], $0x80, $0x38;
	[tilespmem:$0x19E00] =	vst v63  }
0x4b4: {  	s1 =	sadd.s32 $0x30, s0;
	s16 =	simm.s32 $0x15758  }
0x4b5: {  	[hbm4b:s1+s3] =	stream.linear.scatter [tilespmem:s16], [sflag:$0x6], $0x80, $0x38;
	[tilespmem:$0x19E00] =	vst v63  }
0x4b6: {  	s1 =	sadd.s32 $0x40, s0;
	s16 =	simm.s32 $0x157E0  }
0x4b7: {  	[hbm4b:s1+s3] =	stream.linear.scatter [tilespmem:s16], [sflag:$0x6], $0x80, $0x38;
	[tilespmem:$0x19E00] =	vst v63  }
0x4b8: {  	s1 =	sadd.s32 $0x50, s0;
	s16 =	simm.s32 $0x15868  }
0x4b9: {  	[hbm4b:s1+s3] =	stream.linear.scatter [tilespmem:s16], [sflag:$0x6], $0x80, $0x38;
	[tilespmem:$0x19E00] =	vst v63  }
0x4ba: {  	s1 =	sadd.s32 $0x60, s0;
	s16 =	simm.s32 $0x158F0  }
0x4bb: {  	[hbm4b:s1+s3] =	stream.linear.scatter [tilespmem:s16], [sflag:$0x6], $0x80, $0x38;
	[tilespmem:$0x19E00] =	vst v63  }
0x4bc: {  	p0 =	seq.s32 s21, $0x31;
	s0 =	sadd.s32 $0x70, s0;
	s16 =	simm.s32 $0x15978  }
0x4bd: {  	[hbm4b:s0+s3] =	stream.linear.scatter [tilespmem:s16], [sflag:$0x6], $0x80, $0x38;
	[tilespmem:$0x19E00] =	vst v63  }
0x4be: {  	s0 =	simm.s32 @!p0 $0x5  }
0x4bf: {  	_ =	swait.ge @!p0 [sflag:s0], $0x400  }
0x4c0: {  	[sflag:s0] =	ssyncset.done @!p0 $0x0  }
0x4c1: {  	[sflag:s0] =	ssyncadd.s32 @!p0 $0xFFFFFC00  }
0x4c2: {  	_ =	swait.ge @!p0 [sflag:s0], $0x400  }
0x4c3: {  	[sflag:s0] =	ssyncset.done @!p0 $0x0  }
0x4c4: {  	[sflag:s0] =	ssyncadd.s32 @!p0 $0xFFFFFC00  }
0x4c5: {  	_ =	swait.ge @!p0 [sflag:s0], $0x400  }
0x4c6: {  	[sflag:s0] =	ssyncset.done @!p0 $0x0  }
0x4c7: {  	[sflag:s0] =	ssyncadd.s32 @!p0 $0xFFFFFC00  }
0x4c8: {  	_ =	swait.ge @!p0 [sflag:s0], $0x400  }
0x4c9: {  	[sflag:s0] =	ssyncset.done @!p0 $0x0  }
0x4ca: {  	[sflag:s0] =	ssyncadd.s32 @!p0 $0xFFFFFC00  }
0x4cb: {  	_ =	swait.ge @!p0 [sflag:s0], $0x400  }
0x4cc: {  	[sflag:s0] =	ssyncset.done @!p0 $0x0  }
0x4cd: {  	[sflag:s0] =	ssyncadd.s32 @!p0 $0xFFFFFC00  }
0x4ce: {  	_ =	swait.ge @!p0 [sflag:s0], $0x400  }
0x4cf: {  	[sflag:s0] =	ssyncset.done @!p0 $0x0  }
0x4d0: {  	[sflag:s0] =	ssyncadd.s32 @!p0 $0xFFFFFC00  }
0x4d1: {  	_ =	swait.ge @!p0 [sflag:s0], $0x400  }
0x4d2: {  	[sflag:s0] =	ssyncset.done @!p0 $0x0  }
0x4d3: {  	[sflag:s0] =	ssyncadd.s32 @!p0 $0xFFFFFC00  }
0x4d4: {  	s1 =	sshll.u32 @!p0 s21, $0x9;
	_ =	swait.ge @!p0 [sflag:s0], $0x400  }
0x4d5: {  	s29 =	sand.u32 @!p0 $0x3FFFFE00, s1;
	s1 =	simm.s32 @!p0 $0x80;
	[sflag:s0] =	ssyncset.done @!p0 $0x0  }
0x4d6: {  	s16 =	simm.s32 @!p0 $0x9600;
	[sflag:s0] =	ssyncadd.s32 @!p0 $0xFFFFFC00;
	s0 =	sadd.s32 @!p0 $0x200, s29  }
0x4d7: {  	[tilespmem:s16], [sflag:$0x1] =	stream.indirect.gather @!p0 [hbm4b:s5+s1], $0x40, s0, s1, $0xb8;
	[tilespmem:$0x19E00] =	vst v63  }
0x4d8: {  	s1 =	simm.s32 $0x0;
	_ =	swait.ge [sflag:s26], $0x2000  }
0x4d9: {  	s16 =	sshll.u32 s4, $0x6;
	v44 =	vmov s1;
	[sflag:s26] =	ssyncset.done $0x0  }
0x4da: {  	s1 =	sand.u32 $0x3FFFFFC0, s16;
	v33 =	vshrl.u32 v44, $0x3;
	[sflag:s26] =	ssyncadd.s32 $0xFFFFE000  }
0x4db: {  	s30 =	simm.s32 $0xD700;
	v33 =	vshll.u32 v33, v1;
	v35 =	vld [tilespmem:s1+$0x6400]  }
0x4dc: {  	v45 =	vld [tilespmem:s30+$0xFFFFFF00];
	v46 =	vbroadcast v33, $0x0;
	_ =	sdelay $0x1  }
0x4dd: {  	v47 =	vadd.s32 v0, v46;
	_ =	sdelay $0x2  }
0x4de: {  	v36 =	vld [tilespmem:s1+$0x6410];
	v37 =	vadd.f32 v45, v35  }
0x4df: {  	v34 =	vld [tilespmem:s1+$0x6420]  }
0x4e0: {  	v33 =	vld [tilespmem:s1+$0x6430];
	[tilespmem:v47+s28+$0x0] =	vst.idx.msk $0xffff, v37  }
0x4e1: {  	v37 =	vld [tilespmem:s30+$0xFFFFFF10];
	_ =	sdelay $0x1  }
0x4e2: {  	v48 =	vadd.s32 v2, v46;
	_ =	sdelay $0x2  }
0x4e3: {  	v37 =	vadd.f32 v37, v36;
	_ =	sdelay $0x1  }
0x4e4: {  	[tilespmem:v48+s28+$0x0] =	vst.idx.msk $0xffff, v37  }
0x4e5: {  	v37 =	vld [tilespmem:s30+$0xFFFFFF20];
	_ =	sdelay $0x1  }
0x4e6: {  	v49 =	vadd.s32 v3, v46;
	_ =	sdelay $0x2  }
0x4e7: {  	v37 =	vadd.f32 v37, v34;
	_ =	sdelay $0x1  }
0x4e8: {  	[tilespmem:v49+s28+$0x0] =	vst.idx.msk $0xffff, v37  }
0x4e9: {  	v37 =	vld [tilespmem:s30+$0xFFFFFF30];
	_ =	sdelay $0x1  }
0x4ea: {  	v38 =	vadd.s32 v4, v46;
	_ =	sdelay $0x1  }
0x4eb: {  	s16 =	simm.s32 $0x1  }
0x4ec: {  	v50 =	vmov s16;
	v37 =	vadd.f32 v37, v33  }
0x4ed: {  	v39 =	vshrl.u32 v50, $0x3  }
0x4ee: {  	v51 =	vshll.u32 v39, v1;
	[tilespmem:v38+s28+$0x0] =	vst.idx.msk $0xffff, v37  }
0x4ef: {  	v37 =	vbroadcast v51, $0x0;
	v38 =	vld [tilespmem:s30+$0xFFFFFF40];
	_ =	sdelay $0x1  }
0x4f0: {  	v52 =	vadd.s32 v5, v37;
	_ =	sdelay $0x2  }
0x4f1: {  	v38 =	vadd.f32 v38, v35;
	_ =	sdelay $0x1  }
0x4f2: {  	[tilespmem:v52+s28+$0x0] =	vst.idx.msk $0xffff, v38  }
0x4f3: {  	v38 =	vld [tilespmem:s30+$0xFFFFFF50];
	_ =	sdelay $0x1  }
0x4f4: {  	v53 =	vadd.s32 v6, v37;
	_ =	sdelay $0x2  }
0x4f5: {  	v38 =	vadd.f32 v38, v36;
	_ =	sdelay $0x1  }
0x4f6: {  	[tilespmem:v53+s28+$0x0] =	vst.idx.msk $0xffff, v38  }
0x4f7: {  	v38 =	vld [tilespmem:s30+$0xFFFFFF60];
	_ =	sdelay $0x1  }
0x4f8: {  	v54 =	vadd.s32 v7, v37;
	_ =	sdelay $0x2  }
0x4f9: {  	v38 =	vadd.f32 v38, v34;
	_ =	sdelay $0x1  }
0x4fa: {  	[tilespmem:v54+s28+$0x0] =	vst.idx.msk $0xffff, v38  }
0x4fb: {  	v38 =	vld [tilespmem:s30+$0xFFFFFF70];
	_ =	sdelay $0x1  }
0x4fc: {  	v37 =	vadd.s32 v8, v37;
	_ =	sdelay $0x1  }
0x4fd: {  	s1 =	simm.s32 $0x2  }
0x4fe: {  	v55 =	vmov s1;
	v38 =	vadd.f32 v38, v33  }
0x4ff: {  	v39 =	vshrl.u32 v55, $0x3  }
0x500: {  	v56 =	vshll.u32 v39, v1;
	[tilespmem:v37+s28+$0x0] =	vst.idx.msk $0xffff, v38  }
0x501: {  	v37 =	vbroadcast v56, $0x0;
	v38 =	vld [tilespmem:s30+$0xFFFFFF80];
	_ =	sdelay $0x1  }
0x502: {  	v57 =	vadd.s32 v9, v37;
	_ =	sdelay $0x2  }
0x503: {  	v38 =	vadd.f32 v38, v35;
	_ =	sdelay $0x1  }
0x504: {  	[tilespmem:v57+s28+$0x0] =	vst.idx.msk $0xffff, v38  }
0x505: {  	v38 =	vld [tilespmem:s30+$0xFFFFFF90];
	_ =	sdelay $0x1  }
0x506: {  	v58 =	vadd.s32 v10, v37;
	_ =	sdelay $0x2  }
0x507: {  	v38 =	vadd.f32 v38, v36;
	_ =	sdelay $0x1  }
0x508: {  	[tilespmem:v58+s28+$0x0] =	vst.idx.msk $0xffff, v38  }
0x509: {  	v38 =	vld [tilespmem:s30+$0xFFFFFFA0];
	_ =	sdelay $0x1  }
0x50a: {  	v59 =	vadd.s32 v11, v37;
	_ =	sdelay $0x2  }
0x50b: {  	v38 =	vadd.f32 v38, v34;
	_ =	sdelay $0x1  }
0x50c: {  	[tilespmem:v59+s28+$0x0] =	vst.idx.msk $0xffff, v38  }
0x50d: {  	v38 =	vld [tilespmem:s30+$0xFFFFFFB0];
	_ =	sdelay $0x1  }
0x50e: {  	v37 =	vadd.s32 v12, v37;
	_ =	sdelay $0x1  }
0x50f: {  	s16 =	simm.s32 $0x3  }
0x510: {  	v60 =	vmov s16;
	v38 =	vadd.f32 v38, v33  }
0x511: {  	v39 =	vshrl.u32 v60, $0x3  }
0x512: {  	v61 =	vshll.u32 v39, v1;
	[tilespmem:v37+s28+$0x0] =	vst.idx.msk $0xffff, v38  }
0x513: {  	v37 =	vbroadcast v61, $0x0;
	v38 =	vld [tilespmem:s30+$0xFFFFFFC0];
	_ =	sdelay $0x1  }
0x514: {  	v62 =	vadd.s32 v13, v37;
	_ =	sdelay $0x2  }
0x515: {  	v38 =	vadd.f32 v38, v35;
	_ =	sdelay $0x1  }
0x516: {  	[tilespmem:v62+s28+$0x0] =	vst.idx.msk $0xffff, v38  }
0x517: {  	v38 =	vld [tilespmem:s30+$0xFFFFFFD0];
	_ =	sdelay $0x1  }
0x518: {  	v63 =	vadd.s32 v14, v37;
	_ =	sdelay $0x2  }
0x519: {  	v38 =	vadd.f32 v38, v36;
	_ =	sdelay $0x1  }
0x51a: {  	[tilespmem:v63+s28+$0x0] =	vst.idx.msk $0xffff, v38  }
0x51b: {  	v38 =	vld [tilespmem:s30+$0xFFFFFFE0];
	_ =	sdelay $0x1  }
0x51c: {  	v42 =	vadd.s32 v15, v37;
	_ =	sdelay $0x2  }
0x51d: {  	v38 =	vadd.f32 v38, v34;
	_ =	sdelay $0x1  }
0x51e: {  	[tilespmem:v42+s28+$0x0] =	vst.idx.msk $0xffff, v38  }
0x51f: {  	v38 =	vld [tilespmem:s30+$0xFFFFFFF0];
	_ =	sdelay $0x1  }
0x520: {  	v37 =	vadd.s32 v16, v37;
	_ =	sdelay $0x1  }
0x521: {  	s1 =	simm.s32 $0x4  }
0x522: {  	v43 =	vmov s1;
	v38 =	vadd.f32 v38, v33  }
0x523: {  	v39 =	vshrl.u32 v43, $0x3  }
0x524: {  	v44 =	vshll.u32 v39, v1;
	[tilespmem:v37+s28+$0x0] =	vst.idx.msk $0xffff, v38  }
0x525: {  	v37 =	vbroadcast v44, $0x0;
	v38 =	vld [tilespmem:s30+$0x0];
	_ =	sdelay $0x1  }
0x526: {  	v45 =	vadd.s32 v17, v37;
	_ =	sdelay $0x2  }
0x527: {  	v38 =	vadd.f32 v38, v35;
	_ =	sdelay $0x1  }
0x528: {  	[tilespmem:v45+s28+$0x0] =	vst.idx.msk $0xffff, v38  }
0x529: {  	v38 =	vld [tilespmem:s30+$0x10];
	_ =	sdelay $0x1  }
0x52a: {  	v46 =	vadd.s32 v18, v37;
	_ =	sdelay $0x2  }
0x52b: {  	v38 =	vadd.f32 v38, v36;
	_ =	sdelay $0x1  }
0x52c: {  	[tilespmem:v46+s28+$0x0] =	vst.idx.msk $0xffff, v38  }
0x52d: {  	v38 =	vld [tilespmem:s30+$0x20];
	_ =	sdelay $0x1  }
0x52e: {  	v47 =	vadd.s32 v19, v37;
	_ =	sdelay $0x2  }
0x52f: {  	v38 =	vadd.f32 v38, v34;
	_ =	sdelay $0x1  }
0x530: {  	[tilespmem:v47+s28+$0x0] =	vst.idx.msk $0xffff, v38  }
0x531: {  	v38 =	vld [tilespmem:s30+$0x30];
	_ =	sdelay $0x1  }
0x532: {  	v37 =	vadd.s32 v20, v37;
	_ =	sdelay $0x1  }
0x533: {  	s16 =	simm.s32 $0x5  }
0x534: {  	v48 =	vmov s16;
	v38 =	vadd.f32 v38, v33  }
0x535: {  	v39 =	vshrl.u32 v48, $0x3  }
0x536: {  	v49 =	vshll.u32 v39, v1;
	[tilespmem:v37+s28+$0x0] =	vst.idx.msk $0xffff, v38  }
0x537: {  	v37 =	vbroadcast v49, $0x0;
	v38 =	vld [tilespmem:s30+$0x40];
	_ =	sdelay $0x1  }
0x538: {  	v50 =	vadd.s32 v21, v37;
	_ =	sdelay $0x2  }
0x539: {  	v38 =	vadd.f32 v38, v35;
	_ =	sdelay $0x1  }
0x53a: {  	[tilespmem:v50+s28+$0x0] =	vst.idx.msk $0xffff, v38  }
0x53b: {  	v38 =	vld [tilespmem:s30+$0x50];
	_ =	sdelay $0x1  }
0x53c: {  	v51 =	vadd.s32 v22, v37;
	_ =	sdelay $0x2  }
0x53d: {  	v38 =	vadd.f32 v38, v36;
	_ =	sdelay $0x1  }
0x53e: {  	[tilespmem:v51+s28+$0x0] =	vst.idx.msk $0xffff, v38  }
0x53f: {  	v38 =	vld [tilespmem:s30+$0x60];
	_ =	sdelay $0x1  }
0x540: {  	v52 =	vadd.s32 v23, v37;
	_ =	sdelay $0x2  }
0x541: {  	v38 =	vadd.f32 v38, v34;
	_ =	sdelay $0x1  }
0x542: {  	[tilespmem:v52+s28+$0x0] =	vst.idx.msk $0xffff, v38  }
0x543: {  	v38 =	vld [tilespmem:s30+$0x70];
	_ =	sdelay $0x1  }
0x544: {  	v37 =	vadd.s32 v24, v37;
	_ =	sdelay $0x1  }
0x545: {  	s1 =	simm.s32 $0x6  }
0x546: {  	v53 =	vmov s1;
	v38 =	vadd.f32 v38, v33  }
0x547: {  	v39 =	vshrl.u32 v53, $0x3  }
0x548: {  	v54 =	vshll.u32 v39, v1;
	[tilespmem:v37+s28+$0x0] =	vst.idx.msk $0xffff, v38  }
0x549: {  	v37 =	vbroadcast v54, $0x0;
	v38 =	vld [tilespmem:s30+$0x80];
	_ =	sdelay $0x1  }
0x54a: {  	v55 =	vadd.s32 v25, v37;
	_ =	sdelay $0x2  }
0x54b: {  	v38 =	vadd.f32 v38, v35;
	_ =	sdelay $0x1  }
0x54c: {  	[tilespmem:v55+s28+$0x0] =	vst.idx.msk $0xffff, v38  }
0x54d: {  	v38 =	vld [tilespmem:s30+$0x90];
	_ =	sdelay $0x1  }
0x54e: {  	v56 =	vadd.s32 v26, v37;
	_ =	sdelay $0x2  }
0x54f: {  	v38 =	vadd.f32 v38, v36;
	_ =	sdelay $0x1  }
0x550: {  	[tilespmem:v56+s28+$0x0] =	vst.idx.msk $0xffff, v38  }
0x551: {  	v38 =	vld [tilespmem:s30+$0xA0];
	_ =	sdelay $0x1  }
0x552: {  	v57 =	vadd.s32 v27, v37;
	_ =	sdelay $0x2  }
0x553: {  	v38 =	vadd.f32 v38, v34;
	_ =	sdelay $0x1  }
0x554: {  	[tilespmem:v57+s28+$0x0] =	vst.idx.msk $0xffff, v38  }
0x555: {  	v38 =	vld [tilespmem:s30+$0xB0];
	_ =	sdelay $0x1  }
0x556: {  	v37 =	vadd.s32 v28, v37;
	_ =	sdelay $0x1  }
0x557: {  	s16 =	simm.s32 $0x7  }
0x558: {  	v58 =	vmov s16;
	v38 =	vadd.f32 v38, v33  }
0x559: {  	v39 =	vshrl.u32 v58, $0x3  }
0x55a: {  	v59 =	vshll.u32 v39, v1;
	[tilespmem:v37+s28+$0x0] =	vst.idx.msk $0xffff, v38  }
0x55b: {  	v37 =	vbroadcast v59, $0x0;
	v38 =	vld [tilespmem:s30+$0xC0];
	_ =	sdelay $0x1  }
0x55c: {  	v60 =	vadd.s32 v29, v37;
	_ =	sdelay $0x2  }
0x55d: {  	v38 =	vadd.f32 v38, v35;
	_ =	sdelay $0x1  }
0x55e: {  	[tilespmem:v60+s28+$0x0] =	vst.idx.msk $0xffff, v38  }
0x55f: {  	v38 =	vld [tilespmem:s30+$0xD0];
	_ =	sdelay $0x1  }
0x560: {  	v61 =	vadd.s32 v30, v37;
	_ =	sdelay $0x2  }
0x561: {  	v38 =	vadd.f32 v38, v36;
	_ =	sdelay $0x1  }
0x562: {  	[tilespmem:v61+s28+$0x0] =	vst.idx.msk $0xffff, v38  }
0x563: {  	v38 =	vld [tilespmem:s30+$0xE0];
	_ =	sdelay $0x1  }
0x564: {  	v62 =	vadd.s32 v31, v37;
	_ =	sdelay $0x2  }
0x565: {  	v38 =	vadd.f32 v38, v34;
	_ =	sdelay $0x1  }
0x566: {  	[tilespmem:v62+s28+$0x0] =	vst.idx.msk $0xffff, v38  }
0x567: {  	v38 =	vld [tilespmem:s30+$0xF0];
	_ =	sdelay $0x1  }
0x568: {  	v37 =	vadd.s32 v32, v37  }
0x569: {  	s31 =	simm.s32 $0x8  }
0x56a: {  	v63 =	vmov s31  }
0x56b: {  	s0 =	simm.s32 $0x10;
	v39 =	vshrl.u32 v63, $0x3;
	v38 =	vadd.f32 v38, v33  }
.LBB2_7:
0x56c: {  	p1 =	slt.u32 s0, $0x78  }
0x56d: {  	v39 =	vshll.u32 v39, v1;
	[tilespmem:v37+s28+$0x0] =	vst.idx.msk $0xffff, v38;
	s30 =	sadd.s32 $0x200, s30;
	s1 =	smov.u32 s0;
	s0 =	sadd.s32 $0x8, s0  }
0x56e: {  	v37 =	vld [tilespmem:s30+$0xFFFFFF00];
	v38 =	vbroadcast v39, $0x0;
	_ =	sdelay $0x1  }
0x56f: {  	v39 =	vadd.s32 v0, v38;
	_ =	sdelay $0x2  }
0x570: {  	v37 =	vadd.f32 v37, v35;
	_ =	sdelay $0x1  }
0x571: {  	[tilespmem:v39+s28+$0x0] =	vst.idx.msk $0xffff, v37  }
0x572: {  	v37 =	vld [tilespmem:s30+$0xFFFFFF10];
	_ =	sdelay $0x1  }
0x573: {  	v39 =	vadd.s32 v2, v38;
	_ =	sdelay $0x2  }
0x574: {  	v37 =	vadd.f32 v37, v36;
	_ =	sdelay $0x1  }
0x575: {  	[tilespmem:v39+s28+$0x0] =	vst.idx.msk $0xffff, v37  }
0x576: {  	v37 =	vld [tilespmem:s30+$0xFFFFFF20];
	_ =	sdelay $0x1  }
0x577: {  	v39 =	vadd.s32 v3, v38;
	_ =	sdelay $0x2  }
0x578: {  	v37 =	vadd.f32 v37, v34;
	_ =	sdelay $0x1  }
0x579: {  	[tilespmem:v39+s28+$0x0] =	vst.idx.msk $0xffff, v37  }
0x57a: {  	v37 =	vld [tilespmem:s30+$0xFFFFFF30];
	_ =	sdelay $0x1  }
0x57b: {  	v38 =	vadd.s32 v4, v38;
	_ =	sdelay $0x1  }
0x57c: {  	s16 =	sadd.s32 $0x1, s31  }
0x57d: {  	v39 =	vmov s16;
	v37 =	vadd.f32 v37, v33  }
0x57e: {  	v39 =	vshrl.u32 v39, $0x3  }
0x57f: {  	[tilespmem:v38+s28+$0x0] =	vst.idx.msk $0xffff, v37;
	v37 =	vshll.u32 v39, v1  }
0x580: {  	v38 =	vld [tilespmem:s30+$0xFFFFFF40];
	v37 =	vbroadcast v37, $0x0;
	_ =	sdelay $0x1  }
0x581: {  	v39 =	vadd.s32 v5, v37;
	_ =	sdelay $0x2  }
0x582: {  	v38 =	vadd.f32 v38, v35;
	_ =	sdelay $0x1  }
0x583: {  	[tilespmem:v39+s28+$0x0] =	vst.idx.msk $0xffff, v38  }
0x584: {  	v38 =	vld [tilespmem:s30+$0xFFFFFF50];
	_ =	sdelay $0x1  }
0x585: {  	v39 =	vadd.s32 v6, v37;
	_ =	sdelay $0x2  }
0x586: {  	v38 =	vadd.f32 v38, v36;
	_ =	sdelay $0x1  }
0x587: {  	[tilespmem:v39+s28+$0x0] =	vst.idx.msk $0xffff, v38  }
0x588: {  	v38 =	vld [tilespmem:s30+$0xFFFFFF60];
	_ =	sdelay $0x1  }
0x589: {  	v39 =	vadd.s32 v7, v37;
	_ =	sdelay $0x2  }
0x58a: {  	v38 =	vadd.f32 v38, v34;
	_ =	sdelay $0x1  }
0x58b: {  	[tilespmem:v39+s28+$0x0] =	vst.idx.msk $0xffff, v38  }
0x58c: {  	v38 =	vld [tilespmem:s30+$0xFFFFFF70];
	_ =	sdelay $0x1  }
0x58d: {  	v37 =	vadd.s32 v8, v37;
	_ =	sdelay $0x1  }
0x58e: {  	s16 =	sadd.s32 $0x2, s31  }
0x58f: {  	v39 =	vmov s16;
	v38 =	vadd.f32 v38, v33  }
0x590: {  	v39 =	vshrl.u32 v39, $0x3  }
0x591: {  	[tilespmem:v37+s28+$0x0] =	vst.idx.msk $0xffff, v38;
	v37 =	vshll.u32 v39, v1  }
0x592: {  	v38 =	vld [tilespmem:s30+$0xFFFFFF80];
	v37 =	vbroadcast v37, $0x0;
	_ =	sdelay $0x1  }
0x593: {  	v39 =	vadd.s32 v9, v37;
	_ =	sdelay $0x2  }
0x594: {  	v38 =	vadd.f32 v38, v35;
	_ =	sdelay $0x1  }
0x595: {  	[tilespmem:v39+s28+$0x0] =	vst.idx.msk $0xffff, v38  }
0x596: {  	v38 =	vld [tilespmem:s30+$0xFFFFFF90];
	_ =	sdelay $0x1  }
0x597: {  	v39 =	vadd.s32 v10, v37;
	_ =	sdelay $0x2  }
0x598: {  	v38 =	vadd.f32 v38, v36;
	_ =	sdelay $0x1  }
0x599: {  	[tilespmem:v39+s28+$0x0] =	vst.idx.msk $0xffff, v38  }
0x59a: {  	v38 =	vld [tilespmem:s30+$0xFFFFFFA0];
	_ =	sdelay $0x1  }
0x59b: {  	v39 =	vadd.s32 v11, v37;
	_ =	sdelay $0x2  }
0x59c: {  	v38 =	vadd.f32 v38, v34;
	_ =	sdelay $0x1  }
0x59d: {  	[tilespmem:v39+s28+$0x0] =	vst.idx.msk $0xffff, v38  }
0x59e: {  	v38 =	vld [tilespmem:s30+$0xFFFFFFB0];
	_ =	sdelay $0x1  }
0x59f: {  	v37 =	vadd.s32 v12, v37;
	_ =	sdelay $0x1  }
0x5a0: {  	s16 =	sadd.s32 $0x3, s31  }
0x5a1: {  	v39 =	vmov s16;
	v38 =	vadd.f32 v38, v33  }
0x5a2: {  	v39 =	vshrl.u32 v39, $0x3  }
0x5a3: {  	[tilespmem:v37+s28+$0x0] =	vst.idx.msk $0xffff, v38;
	v37 =	vshll.u32 v39, v1  }
0x5a4: {  	v38 =	vld [tilespmem:s30+$0xFFFFFFC0];
	v37 =	vbroadcast v37, $0x0;
	_ =	sdelay $0x1  }
0x5a5: {  	v39 =	vadd.s32 v13, v37;
	_ =	sdelay $0x2  }
0x5a6: {  	v38 =	vadd.f32 v38, v35;
	_ =	sdelay $0x1  }
0x5a7: {  	[tilespmem:v39+s28+$0x0] =	vst.idx.msk $0xffff, v38  }
0x5a8: {  	v38 =	vld [tilespmem:s30+$0xFFFFFFD0];
	_ =	sdelay $0x1  }
0x5a9: {  	v39 =	vadd.s32 v14, v37;
	_ =	sdelay $0x2  }
0x5aa: {  	v38 =	vadd.f32 v38, v36;
	_ =	sdelay $0x1  }
0x5ab: {  	[tilespmem:v39+s28+$0x0] =	vst.idx.msk $0xffff, v38  }
0x5ac: {  	v38 =	vld [tilespmem:s30+$0xFFFFFFE0];
	_ =	sdelay $0x1  }
0x5ad: {  	v39 =	vadd.s32 v15, v37;
	_ =	sdelay $0x2  }
0x5ae: {  	v38 =	vadd.f32 v38, v34;
	_ =	sdelay $0x1  }
0x5af: {  	[tilespmem:v39+s28+$0x0] =	vst.idx.msk $0xffff, v38  }
0x5b0: {  	v38 =	vld [tilespmem:s30+$0xFFFFFFF0];
	_ =	sdelay $0x1  }
0x5b1: {  	v37 =	vadd.s32 v16, v37;
	_ =	sdelay $0x1  }
0x5b2: {  	s16 =	sadd.s32 $0x4, s31  }
0x5b3: {  	v39 =	vmov s16;
	v38 =	vadd.f32 v38, v33  }
0x5b4: {  	v39 =	vshrl.u32 v39, $0x3  }
0x5b5: {  	[tilespmem:v37+s28+$0x0] =	vst.idx.msk $0xffff, v38;
	v37 =	vshll.u32 v39, v1  }
0x5b6: {  	v38 =	vld [tilespmem:s30+$0x0];
	v37 =	vbroadcast v37, $0x0;
	_ =	sdelay $0x1  }
0x5b7: {  	v39 =	vadd.s32 v17, v37;
	_ =	sdelay $0x2  }
0x5b8: {  	v38 =	vadd.f32 v38, v35;
	_ =	sdelay $0x1  }
0x5b9: {  	[tilespmem:v39+s28+$0x0] =	vst.idx.msk $0xffff, v38  }
0x5ba: {  	v38 =	vld [tilespmem:s30+$0x10];
	_ =	sdelay $0x1  }
0x5bb: {  	v39 =	vadd.s32 v18, v37;
	_ =	sdelay $0x2  }
0x5bc: {  	v38 =	vadd.f32 v38, v36;
	_ =	sdelay $0x1  }
0x5bd: {  	[tilespmem:v39+s28+$0x0] =	vst.idx.msk $0xffff, v38  }
0x5be: {  	v38 =	vld [tilespmem:s30+$0x20];
	_ =	sdelay $0x1  }
0x5bf: {  	v39 =	vadd.s32 v19, v37;
	_ =	sdelay $0x2  }
0x5c0: {  	v38 =	vadd.f32 v38, v34;
	_ =	sdelay $0x1  }
0x5c1: {  	[tilespmem:v39+s28+$0x0] =	vst.idx.msk $0xffff, v38  }
0x5c2: {  	v38 =	vld [tilespmem:s30+$0x30];
	_ =	sdelay $0x1  }
0x5c3: {  	v37 =	vadd.s32 v20, v37;
	_ =	sdelay $0x1  }
0x5c4: {  	s16 =	sadd.s32 $0x5, s31  }
0x5c5: {  	v39 =	vmov s16;
	v38 =	vadd.f32 v38, v33  }
0x5c6: {  	v39 =	vshrl.u32 v39, $0x3  }
0x5c7: {  	[tilespmem:v37+s28+$0x0] =	vst.idx.msk $0xffff, v38;
	v37 =	vshll.u32 v39, v1  }
0x5c8: {  	v38 =	vld [tilespmem:s30+$0x40];
	v37 =	vbroadcast v37, $0x0;
	_ =	sdelay $0x1  }
0x5c9: {  	v39 =	vadd.s32 v21, v37;
	_ =	sdelay $0x2  }
0x5ca: {  	v38 =	vadd.f32 v38, v35;
	_ =	sdelay $0x1  }
0x5cb: {  	[tilespmem:v39+s28+$0x0] =	vst.idx.msk $0xffff, v38  }
0x5cc: {  	v38 =	vld [tilespmem:s30+$0x50];
	_ =	sdelay $0x1  }
0x5cd: {  	v39 =	vadd.s32 v22, v37;
	_ =	sdelay $0x2  }
0x5ce: {  	v38 =	vadd.f32 v38, v36;
	_ =	sdelay $0x1  }
0x5cf: {  	[tilespmem:v39+s28+$0x0] =	vst.idx.msk $0xffff, v38  }
0x5d0: {  	v38 =	vld [tilespmem:s30+$0x60];
	_ =	sdelay $0x1  }
0x5d1: {  	v39 =	vadd.s32 v23, v37;
	_ =	sdelay $0x2  }
0x5d2: {  	v38 =	vadd.f32 v38, v34;
	_ =	sdelay $0x1  }
0x5d3: {  	[tilespmem:v39+s28+$0x0] =	vst.idx.msk $0xffff, v38  }
0x5d4: {  	v38 =	vld [tilespmem:s30+$0x70];
	_ =	sdelay $0x1  }
0x5d5: {  	v37 =	vadd.s32 v24, v37;
	_ =	sdelay $0x1  }
0x5d6: {  	s16 =	sadd.s32 $0x6, s31  }
0x5d7: {  	v39 =	vmov s16;
	v38 =	vadd.f32 v38, v33  }
0x5d8: {  	v39 =	vshrl.u32 v39, $0x3  }
0x5d9: {  	[tilespmem:v37+s28+$0x0] =	vst.idx.msk $0xffff, v38;
	v37 =	vshll.u32 v39, v1  }
0x5da: {  	v38 =	vld [tilespmem:s30+$0x80];
	v37 =	vbroadcast v37, $0x0;
	_ =	sdelay $0x1  }
0x5db: {  	v39 =	vadd.s32 v25, v37;
	_ =	sdelay $0x2  }
0x5dc: {  	v38 =	vadd.f32 v38, v35;
	_ =	sdelay $0x1  }
0x5dd: {  	[tilespmem:v39+s28+$0x0] =	vst.idx.msk $0xffff, v38  }
0x5de: {  	v38 =	vld [tilespmem:s30+$0x90];
	_ =	sdelay $0x1  }
0x5df: {  	v39 =	vadd.s32 v26, v37;
	_ =	sdelay $0x2  }
0x5e0: {  	v38 =	vadd.f32 v38, v36;
	_ =	sdelay $0x1  }
0x5e1: {  	[tilespmem:v39+s28+$0x0] =	vst.idx.msk $0xffff, v38  }
0x5e2: {  	v38 =	vld [tilespmem:s30+$0xA0];
	_ =	sdelay $0x1  }
0x5e3: {  	v39 =	vadd.s32 v27, v37;
	_ =	sdelay $0x2  }
0x5e4: {  	v38 =	vadd.f32 v38, v34;
	_ =	sdelay $0x1  }
0x5e5: {  	[tilespmem:v39+s28+$0x0] =	vst.idx.msk $0xffff, v38  }
0x5e6: {  	v38 =	vld [tilespmem:s30+$0xB0];
	_ =	sdelay $0x1  }
0x5e7: {  	v37 =	vadd.s32 v28, v37;
	_ =	sdelay $0x1  }
0x5e8: {  	s16 =	sadd.s32 $0x7, s31;
	s31 =	smov.u32 s1  }
0x5e9: {  	v39 =	vmov s16;
	v38 =	vadd.f32 v38, v33  }
0x5ea: {  	v39 =	vshrl.u32 v39, $0x3  }
0x5eb: {  	[tilespmem:v37+s28+$0x0] =	vst.idx.msk $0xffff, v38;
	v37 =	vshll.u32 v39, v1  }
0x5ec: {  	v38 =	vld [tilespmem:s30+$0xC0];
	v37 =	vbroadcast v37, $0x0;
	_ =	sdelay $0x1  }
0x5ed: {  	v39 =	vadd.s32 v29, v37;
	_ =	sdelay $0x2  }
0x5ee: {  	v38 =	vadd.f32 v38, v35;
	_ =	sdelay $0x1  }
0x5ef: {  	[tilespmem:v39+s28+$0x0] =	vst.idx.msk $0xffff, v38  }
0x5f0: {  	v38 =	vld [tilespmem:s30+$0xD0];
	_ =	sdelay $0x1  }
0x5f1: {  	v39 =	vadd.s32 v30, v37;
	_ =	sdelay $0x2  }
0x5f2: {  	v38 =	vadd.f32 v38, v36;
	_ =	sdelay $0x1  }
0x5f3: {  	[tilespmem:v39+s28+$0x0] =	vst.idx.msk $0xffff, v38  }
0x5f4: {  	v38 =	vld [tilespmem:s30+$0xE0];
	_ =	sdelay $0x1  }
0x5f5: {  	v39 =	vadd.s32 v31, v37;
	_ =	sdelay $0x2  }
0x5f6: {  	v38 =	vadd.f32 v38, v34;
	_ =	sdelay $0x1  }
0x5f7: {  	[tilespmem:v39+s28+$0x0] =	vst.idx.msk $0xffff, v38  }
0x5f8: {  	v38 =	vld [tilespmem:s30+$0xF0];
	_ =	sdelay $0x1  }
.Ltmp2:
0x5f9: {  	v37 =	vadd.s32 v32, v37;
	(pc) =	sbr.rel @p1 .LBB2_7-.Ltmp2, $3  }
0x5fa: {  	_ =	sdelay $0x1  }
0x5fb: {  	v39 =	vmov s31;
	v38 =	vadd.f32 v38, v33  }
0x5fc: {  	v39 =	vshrl.u32 v39, $0x3  }
0x5fd: {  	_ =	sdelay $0x3  }
0x5fe: {  	v39 =	vshll.u32 v39, v1;
	[tilespmem:v37+s28+$0x0] =	vst.idx.msk $0xffff, v38;
	s0 =	sadd.s32 $0x200, s30  }
0x5ff: {  	v37 =	vld [tilespmem:s0+$0xFFFFFF00];
	v48 =	vbroadcast v39, $0x0;
	_ =	sdelay $0x1  }
0x600: {  	v39 =	vadd.s32 v0, v48;
	_ =	sdelay $0x2  }
0x601: {  	v37 =	vadd.f32 v37, v35;
	_ =	sdelay $0x1  }
0x602: {  	[tilespmem:v39+s28+$0x0] =	vst.idx.msk $0xffff, v37  }
0x603: {  	v37 =	vld [tilespmem:s0+$0xFFFFFF10];
	_ =	sdelay $0x1  }
0x604: {  	v49 =	vadd.s32 v2, v48;
	_ =	sdelay $0x2  }
0x605: {  	v37 =	vadd.f32 v37, v36;
	_ =	sdelay $0x1  }
0x606: {  	[tilespmem:v49+s28+$0x0] =	vst.idx.msk $0xffff, v37  }
0x607: {  	v37 =	vld [tilespmem:s0+$0xFFFFFF20];
	_ =	sdelay $0x1  }
0x608: {  	v50 =	vadd.s32 v3, v48;
	_ =	sdelay $0x2  }
0x609: {  	v37 =	vadd.f32 v37, v34;
	_ =	sdelay $0x1  }
0x60a: {  	[tilespmem:v50+s28+$0x0] =	vst.idx.msk $0xffff, v37  }
0x60b: {  	v37 =	vld [tilespmem:s0+$0xFFFFFF30];
	_ =	sdelay $0x1  }
0x60c: {  	v38 =	vadd.s32 v4, v48;
	_ =	sdelay $0x1  }
0x60d: {  	s1 =	sadd.s32 $0x1, s31  }
0x60e: {  	v51 =	vmov s1;
	v37 =	vadd.f32 v37, v33  }
0x60f: {  	v39 =	vshrl.u32 v51, $0x3  }
0x610: {  	v52 =	vshll.u32 v39, v1;
	[tilespmem:v38+s28+$0x0] =	vst.idx.msk $0xffff, v37  }
0x611: {  	v37 =	vbroadcast v52, $0x0;
	v38 =	vld [tilespmem:s0+$0xFFFFFF40];
	_ =	sdelay $0x1  }
0x612: {  	v53 =	vadd.s32 v5, v37;
	_ =	sdelay $0x2  }
0x613: {  	v38 =	vadd.f32 v38, v35;
	_ =	sdelay $0x1  }
0x614: {  	[tilespmem:v53+s28+$0x0] =	vst.idx.msk $0xffff, v38  }
0x615: {  	v38 =	vld [tilespmem:s0+$0xFFFFFF50];
	_ =	sdelay $0x1  }
0x616: {  	v54 =	vadd.s32 v6, v37;
	_ =	sdelay $0x2  }
0x617: {  	v38 =	vadd.f32 v38, v36;
	_ =	sdelay $0x1  }
0x618: {  	[tilespmem:v54+s28+$0x0] =	vst.idx.msk $0xffff, v38  }
0x619: {  	v38 =	vld [tilespmem:s0+$0xFFFFFF60];
	_ =	sdelay $0x1  }
0x61a: {  	v55 =	vadd.s32 v7, v37;
	_ =	sdelay $0x2  }
0x61b: {  	v38 =	vadd.f32 v38, v34;
	_ =	sdelay $0x1  }
0x61c: {  	[tilespmem:v55+s28+$0x0] =	vst.idx.msk $0xffff, v38  }
0x61d: {  	v38 =	vld [tilespmem:s0+$0xFFFFFF70];
	_ =	sdelay $0x1  }
0x61e: {  	v37 =	vadd.s32 v8, v37;
	_ =	sdelay $0x1  }
0x61f: {  	s30 =	sadd.s32 $0x2, s31  }
0x620: {  	v56 =	vmov s30;
	v38 =	vadd.f32 v38, v33  }
0x621: {  	v39 =	vshrl.u32 v56, $0x3  }
0x622: {  	v57 =	vshll.u32 v39, v1;
	[tilespmem:v37+s28+$0x0] =	vst.idx.msk $0xffff, v38  }
0x623: {  	v37 =	vbroadcast v57, $0x0;
	v38 =	vld [tilespmem:s0+$0xFFFFFF80];
	_ =	sdelay $0x1  }
0x624: {  	v58 =	vadd.s32 v9, v37;
	_ =	sdelay $0x2  }
0x625: {  	v38 =	vadd.f32 v38, v35;
	_ =	sdelay $0x1  }
0x626: {  	[tilespmem:v58+s28+$0x0] =	vst.idx.msk $0xffff, v38  }
0x627: {  	v38 =	vld [tilespmem:s0+$0xFFFFFF90];
	_ =	sdelay $0x1  }
0x628: {  	v59 =	vadd.s32 v10, v37;
	_ =	sdelay $0x2  }
0x629: {  	v38 =	vadd.f32 v38, v36;
	_ =	sdelay $0x1  }
0x62a: {  	[tilespmem:v59+s28+$0x0] =	vst.idx.msk $0xffff, v38  }
0x62b: {  	v38 =	vld [tilespmem:s0+$0xFFFFFFA0];
	_ =	sdelay $0x1  }
0x62c: {  	v60 =	vadd.s32 v11, v37;
	_ =	sdelay $0x2  }
0x62d: {  	v38 =	vadd.f32 v38, v34;
	_ =	sdelay $0x1  }
0x62e: {  	[tilespmem:v60+s28+$0x0] =	vst.idx.msk $0xffff, v38  }
0x62f: {  	v38 =	vld [tilespmem:s0+$0xFFFFFFB0];
	_ =	sdelay $0x1  }
0x630: {  	v37 =	vadd.s32 v12, v37;
	_ =	sdelay $0x1  }
0x631: {  	s16 =	sadd.s32 $0x3, s31  }
0x632: {  	v61 =	vmov s16;
	v38 =	vadd.f32 v38, v33  }
0x633: {  	v39 =	vshrl.u32 v61, $0x3  }
0x634: {  	v62 =	vshll.u32 v39, v1;
	[tilespmem:v37+s28+$0x0] =	vst.idx.msk $0xffff, v38  }
0x635: {  	v37 =	vbroadcast v62, $0x0;
	v38 =	vld [tilespmem:s0+$0xFFFFFFC0];
	_ =	sdelay $0x1  }
0x636: {  	v63 =	vadd.s32 v13, v37;
	_ =	sdelay $0x2  }
0x637: {  	v38 =	vadd.f32 v38, v35;
	_ =	sdelay $0x1  }
0x638: {  	[tilespmem:v63+s28+$0x0] =	vst.idx.msk $0xffff, v38  }
0x639: {  	v38 =	vld [tilespmem:s0+$0xFFFFFFD0];
	_ =	sdelay $0x1  }
0x63a: {  	v42 =	vadd.s32 v14, v37;
	_ =	sdelay $0x2  }
0x63b: {  	v38 =	vadd.f32 v38, v36;
	_ =	sdelay $0x1  }
0x63c: {  	[tilespmem:v42+s28+$0x0] =	vst.idx.msk $0xffff, v38  }
0x63d: {  	v38 =	vld [tilespmem:s0+$0xFFFFFFE0];
	_ =	sdelay $0x1  }
0x63e: {  	v43 =	vadd.s32 v15, v37;
	_ =	sdelay $0x2  }
0x63f: {  	v38 =	vadd.f32 v38, v34;
	_ =	sdelay $0x1  }
0x640: {  	[tilespmem:v43+s28+$0x0] =	vst.idx.msk $0xffff, v38  }
0x641: {  	v38 =	vld [tilespmem:s0+$0xFFFFFFF0];
	_ =	sdelay $0x1  }
0x642: {  	v37 =	vadd.s32 v16, v37;
	_ =	sdelay $0x1  }
0x643: {  	s30 =	sadd.s32 $0x4, s31  }
0x644: {  	v44 =	vmov s30;
	v38 =	vadd.f32 v38, v33  }
0x645: {  	v39 =	vshrl.u32 v44, $0x3  }
0x646: {  	v45 =	vshll.u32 v39, v1;
	[tilespmem:v37+s28+$0x0] =	vst.idx.msk $0xffff, v38  }
0x647: {  	v37 =	vbroadcast v45, $0x0;
	v38 =	vld [tilespmem:s0+$0x0];
	_ =	sdelay $0x1  }
0x648: {  	v46 =	vadd.s32 v17, v37;
	_ =	sdelay $0x2  }
0x649: {  	v38 =	vadd.f32 v38, v35;
	_ =	sdelay $0x1  }
0x64a: {  	[tilespmem:v46+s28+$0x0] =	vst.idx.msk $0xffff, v38  }
0x64b: {  	v38 =	vld [tilespmem:s0+$0x10];
	_ =	sdelay $0x1  }
0x64c: {  	v47 =	vadd.s32 v18, v37;
	_ =	sdelay $0x2  }
0x64d: {  	v38 =	vadd.f32 v38, v36;
	_ =	sdelay $0x1  }
0x64e: {  	[tilespmem:v47+s28+$0x0] =	vst.idx.msk $0xffff, v38  }
0x64f: {  	v38 =	vld [tilespmem:s0+$0x20];
	_ =	sdelay $0x1  }
0x650: {  	v48 =	vadd.s32 v19, v37;
	_ =	sdelay $0x2  }
0x651: {  	v38 =	vadd.f32 v38, v34;
	_ =	sdelay $0x1  }
0x652: {  	[tilespmem:v48+s28+$0x0] =	vst.idx.msk $0xffff, v38  }
0x653: {  	v38 =	vld [tilespmem:s0+$0x30];
	_ =	sdelay $0x1  }
0x654: {  	v37 =	vadd.s32 v20, v37;
	_ =	sdelay $0x1  }
0x655: {  	s16 =	sadd.s32 $0x5, s31  }
0x656: {  	v49 =	vmov s16;
	v38 =	vadd.f32 v38, v33  }
0x657: {  	v39 =	vshrl.u32 v49, $0x3  }
0x658: {  	v50 =	vshll.u32 v39, v1;
	[tilespmem:v37+s28+$0x0] =	vst.idx.msk $0xffff, v38  }
0x659: {  	v37 =	vbroadcast v50, $0x0;
	v38 =	vld [tilespmem:s0+$0x40];
	_ =	sdelay $0x1  }
0x65a: {  	v51 =	vadd.s32 v21, v37;
	_ =	sdelay $0x2  }
0x65b: {  	v38 =	vadd.f32 v38, v35;
	_ =	sdelay $0x1  }
0x65c: {  	[tilespmem:v51+s28+$0x0] =	vst.idx.msk $0xffff, v38  }
0x65d: {  	v38 =	vld [tilespmem:s0+$0x50];
	_ =	sdelay $0x1  }
0x65e: {  	v52 =	vadd.s32 v22, v37;
	_ =	sdelay $0x2  }
0x65f: {  	v38 =	vadd.f32 v38, v36;
	_ =	sdelay $0x1  }
0x660: {  	[tilespmem:v52+s28+$0x0] =	vst.idx.msk $0xffff, v38  }
0x661: {  	v38 =	vld [tilespmem:s0+$0x60];
	_ =	sdelay $0x1  }
0x662: {  	v53 =	vadd.s32 v23, v37;
	_ =	sdelay $0x2  }
0x663: {  	v38 =	vadd.f32 v38, v34;
	_ =	sdelay $0x1  }
0x664: {  	[tilespmem:v53+s28+$0x0] =	vst.idx.msk $0xffff, v38  }
0x665: {  	v38 =	vld [tilespmem:s0+$0x70];
	_ =	sdelay $0x1  }
0x666: {  	v37 =	vadd.s32 v24, v37;
	_ =	sdelay $0x1  }
0x667: {  	s30 =	sadd.s32 $0x6, s31  }
0x668: {  	v54 =	vmov s30;
	v38 =	vadd.f32 v38, v33  }
0x669: {  	v39 =	vshrl.u32 v54, $0x3  }
0x66a: {  	v55 =	vshll.u32 v39, v1;
	[tilespmem:v37+s28+$0x0] =	vst.idx.msk $0xffff, v38  }
0x66b: {  	v37 =	vbroadcast v55, $0x0;
	v38 =	vld [tilespmem:s0+$0x80];
	_ =	sdelay $0x1  }
0x66c: {  	v56 =	vadd.s32 v25, v37;
	_ =	sdelay $0x2  }
0x66d: {  	v38 =	vadd.f32 v38, v35;
	_ =	sdelay $0x1  }
0x66e: {  	[tilespmem:v56+s28+$0x0] =	vst.idx.msk $0xffff, v38  }
0x66f: {  	v38 =	vld [tilespmem:s0+$0x90];
	_ =	sdelay $0x1  }
0x670: {  	v57 =	vadd.s32 v26, v37;
	_ =	sdelay $0x2  }
0x671: {  	v38 =	vadd.f32 v38, v36;
	_ =	sdelay $0x1  }
0x672: {  	[tilespmem:v57+s28+$0x0] =	vst.idx.msk $0xffff, v38  }
0x673: {  	v38 =	vld [tilespmem:s0+$0xA0];
	_ =	sdelay $0x1  }
0x674: {  	v58 =	vadd.s32 v27, v37;
	_ =	sdelay $0x2  }
0x675: {  	v38 =	vadd.f32 v38, v34;
	_ =	sdelay $0x1  }
0x676: {  	[tilespmem:v58+s28+$0x0] =	vst.idx.msk $0xffff, v38  }
0x677: {  	v38 =	vld [tilespmem:s0+$0xB0];
	_ =	sdelay $0x1  }
0x678: {  	v37 =	vadd.s32 v28, v37;
	_ =	sdelay $0x1  }
0x679: {  	s16 =	sadd.s32 $0x7, s31  }
0x67a: {  	v59 =	vmov s16;
	v38 =	vadd.f32 v38, v33  }
0x67b: {  	v39 =	vshrl.u32 v59, $0x3  }
0x67c: {  	v60 =	vshll.u32 v39, v1;
	[tilespmem:v37+s28+$0x0] =	vst.idx.msk $0xffff, v38  }
0x67d: {  	v37 =	vbroadcast v60, $0x0;
	v38 =	vld [tilespmem:s0+$0xC0];
	_ =	sdelay $0x1  }
0x67e: {  	v61 =	vadd.s32 v29, v37;
	_ =	sdelay $0x2  }
0x67f: {  	v62 =	vadd.f32 v38, v35;
	_ =	sdelay $0x1  }
0x680: {  	[tilespmem:v61+s28+$0x0] =	vst.idx.msk $0xffff, v62  }
0x681: {  	v35 =	vld [tilespmem:s0+$0xD0];
	_ =	sdelay $0x1  }
0x682: {  	v63 =	vadd.s32 v30, v37;
	_ =	sdelay $0x2  }
0x683: {  	v35 =	vadd.f32 v35, v36;
	_ =	sdelay $0x1  }
0x684: {  	[tilespmem:v63+s28+$0x0] =	vst.idx.msk $0xffff, v35  }
0x685: {  	v35 =	vld [tilespmem:s0+$0xE0];
	_ =	sdelay $0x1  }
0x686: {  	v40 =	vadd.s32 v31, v37;
	_ =	sdelay $0x2  }
0x687: {  	v41 =	vadd.f32 v35, v34;
	_ =	sdelay $0x1  }
0x688: {  	[tilespmem:v40+s28+$0x0] =	vst.idx.msk $0xffff, v41  }
0x689: {  	v34 =	vld [tilespmem:s0+$0xF0];
	_ =	sdelay $0x1  }
0x68a: {  	v42 =	vadd.s32 v32, v37;
	_ =	sdelay $0x1  }
0x68b: {  	s30 =	sshll.u32 s4, $0x12  }
0x68c: {  	s0 =	sor.u32 s7, s30;
	v43 =	vadd.f32 v34, v33  }
0x68d: {  	s0 =	sshrl.u32 s0, $0x3  }
0x68e: {  	s1 =	sadd.s32 s2, s0;
	[tilespmem:v42+s28+$0x0] =	vst.idx.msk $0xffff, v43  }
0x68f: {  	[hbm4b:s1+s3] =	stream.linear.scatter [tilespmem:s28], [sflag:$0x7], $0x80, $0x38;
	[tilespmem:$0x19E00] =	vst v63  }
0x690: {  	s16 =	simm.s32 $0x15A88;
	s31 =	sadd.s32 $0x10, s1  }
0x691: {  	[hbm4b:s31+s3] =	stream.linear.scatter [tilespmem:s16], [sflag:$0x7], $0x80, $0x38;
	[tilespmem:$0x19E00] =	vst v63  }
0x692: {  	s30 =	sadd.s32 $0x20, s1;
	s31 =	simm.s32 $0x15B10  }
0x693: {  	[hbm4b:s30+s3] =	stream.linear.scatter [tilespmem:s31], [sflag:$0x7], $0x80, $0x38;
	[tilespmem:$0x19E00] =	vst v63  }
0x694: {  	s30 =	sadd.s32 $0x30, s1;
	s31 =	simm.s32 $0x15B98  }
0x695: {  	[hbm4b:s30+s3] =	stream.linear.scatter [tilespmem:s31], [sflag:$0x7], $0x80, $0x38;
	[tilespmem:$0x19E00] =	vst v63  }
0x696: {  	s30 =	sadd.s32 $0x40, s1;
	s31 =	simm.s32 $0x15C20  }
0x697: {  	[hbm4b:s30+s3] =	stream.linear.scatter [tilespmem:s31], [sflag:$0x7], $0x80, $0x38;
	[tilespmem:$0x19E00] =	vst v63  }
0x698: {  	s30 =	sadd.s32 $0x50, s1;
	s31 =	simm.s32 $0x15CA8  }
0x699: {  	[hbm4b:s30+s3] =	stream.linear.scatter [tilespmem:s31], [sflag:$0x7], $0x80, $0x38;
	[tilespmem:$0x19E00] =	vst v63  }
0x69a: {  	s16 =	sadd.s32 $0x60, s1;
	s30 =	simm.s32 $0x15D30  }
0x69b: {  	[hbm4b:s16+s3] =	stream.linear.scatter [tilespmem:s30], [sflag:$0x7], $0x80, $0x38;
	[tilespmem:$0x19E00] =	vst v63  }
0x69c: {  	s1 =	sadd.s32 $0x70, s1;
	s31 =	simm.s32 $0x15DB8  }
0x69d: {  	[hbm4b:s1+s3] =	stream.linear.scatter [tilespmem:s31], [sflag:$0x7], $0x80, $0x38;
	[tilespmem:$0x19E00] =	vst v63  }
0x69e: {  	s16 =	simm.s32 $0x15E40;
	s1 =	sadd.s32 s0, s8  }
0x69f: {  	[hbm4b:s1+s3] =	stream.linear.scatter [tilespmem:s16], [sflag:$0x7], $0x80, $0x38;
	[tilespmem:$0x19E00] =	vst v63  }
0x6a0: {  	s31 =	simm.s32 $0x15EC8;
	s30 =	sadd.s32 $0x10, s1  }
0x6a1: {  	[hbm4b:s30+s3] =	stream.linear.scatter [tilespmem:s31], [sflag:$0x7], $0x80, $0x38;
	[tilespmem:$0x19E00] =	vst v63  }
0x6a2: {  	s30 =	sadd.s32 $0x20, s1;
	s31 =	simm.s32 $0x15F50  }
0x6a3: {  	[hbm4b:s30+s3] =	stream.linear.scatter [tilespmem:s31], [sflag:$0x7], $0x80, $0x38;
	[tilespmem:$0x19E00] =	vst v63  }
0x6a4: {  	s30 =	sadd.s32 $0x30, s1;
	s31 =	simm.s32 $0x15FD8  }
0x6a5: {  	[hbm4b:s30+s3] =	stream.linear.scatter [tilespmem:s31], [sflag:$0x7], $0x80, $0x38;
	[tilespmem:$0x19E00] =	vst v63  }
0x6a6: {  	s30 =	sadd.s32 $0x40, s1;
	s31 =	simm.s32 $0x16060  }
0x6a7: {  	[hbm4b:s30+s3] =	stream.linear.scatter [tilespmem:s31], [sflag:$0x7], $0x80, $0x38;
	[tilespmem:$0x19E00] =	vst v63  }
0x6a8: {  	s30 =	sadd.s32 $0x50, s1;
	s31 =	simm.s32 $0x160E8  }
0x6a9: {  	[hbm4b:s30+s3] =	stream.linear.scatter [tilespmem:s31], [sflag:$0x7], $0x80, $0x38;
	[tilespmem:$0x19E00] =	vst v63  }
0x6aa: {  	s16 =	sadd.s32 $0x60, s1;
	s30 =	simm.s32 $0x16170  }
0x6ab: {  	[hbm4b:s16+s3] =	stream.linear.scatter [tilespmem:s30], [sflag:$0x7], $0x80, $0x38;
	[tilespmem:$0x19E00] =	vst v63  }
0x6ac: {  	s1 =	sadd.s32 $0x70, s1;
	s31 =	simm.s32 $0x161F8  }
0x6ad: {  	[hbm4b:s1+s3] =	stream.linear.scatter [tilespmem:s31], [sflag:$0x7], $0x80, $0x38;
	[tilespmem:$0x19E00] =	vst v63  }
0x6ae: {  	s16 =	simm.s32 $0x16280;
	s1 =	sadd.s32 s0, s9  }
0x6af: {  	[hbm4b:s1+s3] =	stream.linear.scatter [tilespmem:s16], [sflag:$0x7], $0x80, $0x38;
	[tilespmem:$0x19E00] =	vst v63  }
0x6b0: {  	s31 =	simm.s32 $0x16308;
	s30 =	sadd.s32 $0x10, s1  }
0x6b1: {  	[hbm4b:s30+s3] =	stream.linear.scatter [tilespmem:s31], [sflag:$0x7], $0x80, $0x38;
	[tilespmem:$0x19E00] =	vst v63  }
0x6b2: {  	s30 =	sadd.s32 $0x20, s1;
	s31 =	simm.s32 $0x16390  }
0x6b3: {  	[hbm4b:s30+s3] =	stream.linear.scatter [tilespmem:s31], [sflag:$0x7], $0x80, $0x38;
	[tilespmem:$0x19E00] =	vst v63  }
0x6b4: {  	s30 =	sadd.s32 $0x30, s1;
	s31 =	simm.s32 $0x16418  }
0x6b5: {  	[hbm4b:s30+s3] =	stream.linear.scatter [tilespmem:s31], [sflag:$0x7], $0x80, $0x38;
	[tilespmem:$0x19E00] =	vst v63  }
0x6b6: {  	s30 =	sadd.s32 $0x40, s1;
	s31 =	simm.s32 $0x164A0  }
0x6b7: {  	[hbm4b:s30+s3] =	stream.linear.scatter [tilespmem:s31], [sflag:$0x7], $0x80, $0x38;
	[tilespmem:$0x19E00] =	vst v63  }
0x6b8: {  	s30 =	sadd.s32 $0x50, s1;
	s31 =	simm.s32 $0x16528  }
0x6b9: {  	[hbm4b:s30+s3] =	stream.linear.scatter [tilespmem:s31], [sflag:$0x7], $0x80, $0x38;
	[tilespmem:$0x19E00] =	vst v63  }
0x6ba: {  	s16 =	sadd.s32 $0x60, s1;
	s30 =	simm.s32 $0x165B0  }
0x6bb: {  	[hbm4b:s16+s3] =	stream.linear.scatter [tilespmem:s30], [sflag:$0x7], $0x80, $0x38;
	[tilespmem:$0x19E00] =	vst v63  }
0x6bc: {  	s1 =	sadd.s32 $0x70, s1;
	s31 =	simm.s32 $0x16638  }
0x6bd: {  	[hbm4b:s1+s3] =	stream.linear.scatter [tilespmem:s31], [sflag:$0x7], $0x80, $0x38;
	[tilespmem:$0x19E00] =	vst v63  }
0x6be: {  	s16 =	simm.s32 $0x166C0;
	s1 =	sadd.s32 s0, s10  }
0x6bf: {  	[hbm4b:s1+s3] =	stream.linear.scatter [tilespmem:s16], [sflag:$0x7], $0x80, $0x38;
	[tilespmem:$0x19E00] =	vst v63  }
0x6c0: {  	s31 =	simm.s32 $0x16748;
	s30 =	sadd.s32 $0x10, s1  }
0x6c1: {  	[hbm4b:s30+s3] =	stream.linear.scatter [tilespmem:s31], [sflag:$0x7], $0x80, $0x38;
	[tilespmem:$0x19E00] =	vst v63  }
0x6c2: {  	s30 =	sadd.s32 $0x20, s1;
	s31 =	simm.s32 $0x167D0  }
0x6c3: {  	[hbm4b:s30+s3] =	stream.linear.scatter [tilespmem:s31], [sflag:$0x7], $0x80, $0x38;
	[tilespmem:$0x19E00] =	vst v63  }
0x6c4: {  	s30 =	sadd.s32 $0x30, s1;
	s31 =	simm.s32 $0x16858  }
0x6c5: {  	[hbm4b:s30+s3] =	stream.linear.scatter [tilespmem:s31], [sflag:$0x7], $0x80, $0x38;
	[tilespmem:$0x19E00] =	vst v63  }
0x6c6: {  	s30 =	sadd.s32 $0x40, s1;
	s31 =	simm.s32 $0x168E0  }
0x6c7: {  	[hbm4b:s30+s3] =	stream.linear.scatter [tilespmem:s31], [sflag:$0x7], $0x80, $0x38;
	[tilespmem:$0x19E00] =	vst v63  }
0x6c8: {  	s30 =	sadd.s32 $0x50, s1;
	s31 =	simm.s32 $0x16968  }
0x6c9: {  	[hbm4b:s30+s3] =	stream.linear.scatter [tilespmem:s31], [sflag:$0x7], $0x80, $0x38;
	[tilespmem:$0x19E00] =	vst v63  }
0x6ca: {  	s16 =	sadd.s32 $0x60, s1;
	s30 =	simm.s32 $0x169F0  }
0x6cb: {  	[hbm4b:s16+s3] =	stream.linear.scatter [tilespmem:s30], [sflag:$0x7], $0x80, $0x38;
	[tilespmem:$0x19E00] =	vst v63  }
0x6cc: {  	s1 =	sadd.s32 $0x70, s1;
	s31 =	simm.s32 $0x16A78  }
0x6cd: {  	[hbm4b:s1+s3] =	stream.linear.scatter [tilespmem:s31], [sflag:$0x7], $0x80, $0x38;
	[tilespmem:$0x19E00] =	vst v63  }
0x6ce: {  	s16 =	simm.s32 $0x16B00;
	s1 =	sadd.s32 s0, s11  }
0x6cf: {  	[hbm4b:s1+s3] =	stream.linear.scatter [tilespmem:s16], [sflag:$0x7], $0x80, $0x38;
	[tilespmem:$0x19E00] =	vst v63  }
0x6d0: {  	s31 =	simm.s32 $0x16B88;
	s30 =	sadd.s32 $0x10, s1  }
0x6d1: {  	[hbm4b:s30+s3] =	stream.linear.scatter [tilespmem:s31], [sflag:$0x7], $0x80, $0x38;
	[tilespmem:$0x19E00] =	vst v63  }
0x6d2: {  	s30 =	sadd.s32 $0x20, s1;
	s31 =	simm.s32 $0x16C10  }
0x6d3: {  	[hbm4b:s30+s3] =	stream.linear.scatter [tilespmem:s31], [sflag:$0x7], $0x80, $0x38;
	[tilespmem:$0x19E00] =	vst v63  }
0x6d4: {  	s30 =	sadd.s32 $0x30, s1;
	s31 =	simm.s32 $0x16C98  }
0x6d5: {  	[hbm4b:s30+s3] =	stream.linear.scatter [tilespmem:s31], [sflag:$0x7], $0x80, $0x38;
	[tilespmem:$0x19E00] =	vst v63  }
0x6d6: {  	s30 =	sadd.s32 $0x40, s1;
	s31 =	simm.s32 $0x16D20  }
0x6d7: {  	[hbm4b:s30+s3] =	stream.linear.scatter [tilespmem:s31], [sflag:$0x7], $0x80, $0x38;
	[tilespmem:$0x19E00] =	vst v63  }
0x6d8: {  	s30 =	sadd.s32 $0x50, s1;
	s31 =	simm.s32 $0x16DA8  }
0x6d9: {  	[hbm4b:s30+s3] =	stream.linear.scatter [tilespmem:s31], [sflag:$0x7], $0x80, $0x38;
	[tilespmem:$0x19E00] =	vst v63  }
0x6da: {  	s16 =	sadd.s32 $0x60, s1;
	s30 =	simm.s32 $0x16E30  }
0x6db: {  	[hbm4b:s16+s3] =	stream.linear.scatter [tilespmem:s30], [sflag:$0x7], $0x80, $0x38;
	[tilespmem:$0x19E00] =	vst v63  }
0x6dc: {  	s1 =	sadd.s32 $0x70, s1;
	s31 =	simm.s32 $0x16EB8  }
0x6dd: {  	[hbm4b:s1+s3] =	stream.linear.scatter [tilespmem:s31], [sflag:$0x7], $0x80, $0x38;
	[tilespmem:$0x19E00] =	vst v63  }
0x6de: {  	s16 =	simm.s32 $0x16F40;
	s1 =	sadd.s32 s0, s12  }
0x6df: {  	[hbm4b:s1+s3] =	stream.linear.scatter [tilespmem:s16], [sflag:$0x7], $0x80, $0x38;
	[tilespmem:$0x19E00] =	vst v63  }
0x6e0: {  	s31 =	simm.s32 $0x16FC8;
	s30 =	sadd.s32 $0x10, s1  }
0x6e1: {  	[hbm4b:s30+s3] =	stream.linear.scatter [tilespmem:s31], [sflag:$0x7], $0x80, $0x38;
	[tilespmem:$0x19E00] =	vst v63  }
0x6e2: {  	s30 =	sadd.s32 $0x20, s1;
	s31 =	simm.s32 $0x17050  }
0x6e3: {  	[hbm4b:s30+s3] =	stream.linear.scatter [tilespmem:s31], [sflag:$0x7], $0x80, $0x38;
	[tilespmem:$0x19E00] =	vst v63  }
0x6e4: {  	s30 =	sadd.s32 $0x30, s1;
	s31 =	simm.s32 $0x170D8  }
0x6e5: {  	[hbm4b:s30+s3] =	stream.linear.scatter [tilespmem:s31], [sflag:$0x7], $0x80, $0x38;
	[tilespmem:$0x19E00] =	vst v63  }
0x6e6: {  	s30 =	sadd.s32 $0x40, s1;
	s31 =	simm.s32 $0x17160  }
0x6e7: {  	[hbm4b:s30+s3] =	stream.linear.scatter [tilespmem:s31], [sflag:$0x7], $0x80, $0x38;
	[tilespmem:$0x19E00] =	vst v63  }
0x6e8: {  	s30 =	sadd.s32 $0x50, s1;
	s31 =	simm.s32 $0x171E8  }
0x6e9: {  	[hbm4b:s30+s3] =	stream.linear.scatter [tilespmem:s31], [sflag:$0x7], $0x80, $0x38;
	[tilespmem:$0x19E00] =	vst v63  }
0x6ea: {  	s16 =	sadd.s32 $0x60, s1;
	s30 =	simm.s32 $0x17270  }
0x6eb: {  	[hbm4b:s16+s3] =	stream.linear.scatter [tilespmem:s30], [sflag:$0x7], $0x80, $0x38;
	[tilespmem:$0x19E00] =	vst v63  }
0x6ec: {  	s1 =	sadd.s32 $0x70, s1;
	s31 =	simm.s32 $0x172F8  }
0x6ed: {  	[hbm4b:s1+s3] =	stream.linear.scatter [tilespmem:s31], [sflag:$0x7], $0x80, $0x38;
	[tilespmem:$0x19E00] =	vst v63  }
0x6ee: {  	s16 =	simm.s32 $0x17380;
	s1 =	sadd.s32 s0, s13  }
0x6ef: {  	[hbm4b:s1+s3] =	stream.linear.scatter [tilespmem:s16], [sflag:$0x7], $0x80, $0x38;
	[tilespmem:$0x19E00] =	vst v63  }
0x6f0: {  	s31 =	simm.s32 $0x17408;
	s30 =	sadd.s32 $0x10, s1  }
0x6f1: {  	[hbm4b:s30+s3] =	stream.linear.scatter [tilespmem:s31], [sflag:$0x7], $0x80, $0x38;
	[tilespmem:$0x19E00] =	vst v63  }
0x6f2: {  	s30 =	sadd.s32 $0x20, s1;
	s31 =	simm.s32 $0x17490  }
0x6f3: {  	[hbm4b:s30+s3] =	stream.linear.scatter [tilespmem:s31], [sflag:$0x7], $0x80, $0x38;
	[tilespmem:$0x19E00] =	vst v63  }
0x6f4: {  	s30 =	sadd.s32 $0x30, s1;
	s31 =	simm.s32 $0x17518  }
0x6f5: {  	[hbm4b:s30+s3] =	stream.linear.scatter [tilespmem:s31], [sflag:$0x7], $0x80, $0x38;
	[tilespmem:$0x19E00] =	vst v63  }
0x6f6: {  	s30 =	sadd.s32 $0x40, s1;
	s31 =	simm.s32 $0x175A0  }
0x6f7: {  	[hbm4b:s30+s3] =	stream.linear.scatter [tilespmem:s31], [sflag:$0x7], $0x80, $0x38;
	[tilespmem:$0x19E00] =	vst v63  }
0x6f8: {  	s30 =	sadd.s32 $0x50, s1;
	s31 =	simm.s32 $0x17628  }
0x6f9: {  	[hbm4b:s30+s3] =	stream.linear.scatter [tilespmem:s31], [sflag:$0x7], $0x80, $0x38;
	[tilespmem:$0x19E00] =	vst v63  }
0x6fa: {  	s30 =	sadd.s32 $0x60, s1;
	s31 =	simm.s32 $0x176B0  }
0x6fb: {  	[hbm4b:s30+s3] =	stream.linear.scatter [tilespmem:s31], [sflag:$0x7], $0x80, $0x38;
	[tilespmem:$0x19E00] =	vst v63  }
0x6fc: {  	s1 =	sadd.s32 $0x70, s1;
	s30 =	simm.s32 $0x17738  }
0x6fd: {  	[hbm4b:s1+s3] =	stream.linear.scatter [tilespmem:s30], [sflag:$0x7], $0x80, $0x38;
	[tilespmem:$0x19E00] =	vst v63  }
0x6fe: {  	s0 =	sadd.s32 s0, s14;
	s31 =	simm.s32 $0x177C0  }
0x6ff: {  	[hbm4b:s0+s3] =	stream.linear.scatter [tilespmem:s31], [sflag:$0x7], $0x80, $0x38;
	[tilespmem:$0x19E00] =	vst v63  }
0x700: {  	s4 =	sadd.s32 $0x10, s0;
	s16 =	simm.s32 $0x17848  }
0x701: {  	[hbm4b:s4+s3] =	stream.linear.scatter [tilespmem:s16], [sflag:$0x7], $0x80, $0x38;
	[tilespmem:$0x19E00] =	vst v63  }
0x702: {  	s30 =	sadd.s32 $0x20, s0;
	s31 =	simm.s32 $0x178D0  }
0x703: {  	[hbm4b:s30+s3] =	stream.linear.scatter [tilespmem:s31], [sflag:$0x7], $0x80, $0x38;
	[tilespmem:$0x19E00] =	vst v63  }
0x704: {  	s4 =	sadd.s32 $0x30, s0;
	s16 =	simm.s32 $0x17958  }
0x705: {  	[hbm4b:s4+s3] =	stream.linear.scatter [tilespmem:s16], [sflag:$0x7], $0x80, $0x38;
	[tilespmem:$0x19E00] =	vst v63  }
0x706: {  	s30 =	sadd.s32 $0x40, s0;
	s31 =	simm.s32 $0x179E0  }
0x707: {  	[hbm4b:s30+s3] =	stream.linear.scatter [tilespmem:s31], [sflag:$0x7], $0x80, $0x38;
	[tilespmem:$0x19E00] =	vst v63  }
0x708: {  	s4 =	sadd.s32 $0x50, s0;
	s16 =	simm.s32 $0x17A68  }
0x709: {  	[hbm4b:s4+s3] =	stream.linear.scatter [tilespmem:s16], [sflag:$0x7], $0x80, $0x38;
	[tilespmem:$0x19E00] =	vst v63  }
0x70a: {  	s30 =	sadd.s32 $0x60, s0;
	s31 =	simm.s32 $0x17AF0  }
0x70b: {  	[hbm4b:s30+s3] =	stream.linear.scatter [tilespmem:s31], [sflag:$0x7], $0x80, $0x38;
	[tilespmem:$0x19E00] =	vst v63  }
0x70c: {  	s0 =	sadd.s32 $0x70, s0;
	s16 =	simm.s32 $0x17B78  }
0x70d: {  	[hbm4b:s0+s3] =	stream.linear.scatter [tilespmem:s16], [sflag:$0x7], $0x80, $0x38;
	[tilespmem:$0x19E00] =	vst v63  }
0x70e: {  	s0 =	simm.s32 @!p0 $0x6  }
0x70f: {  	_ =	swait.ge @!p0 [sflag:s0], $0x400  }
0x710: {  	[sflag:s0] =	ssyncset.done @!p0 $0x0  }
0x711: {  	[sflag:s0] =	ssyncadd.s32 @!p0 $0xFFFFFC00  }
0x712: {  	_ =	swait.ge @!p0 [sflag:s0], $0x400  }
0x713: {  	[sflag:s0] =	ssyncset.done @!p0 $0x0  }
0x714: {  	[sflag:s0] =	ssyncadd.s32 @!p0 $0xFFFFFC00  }
0x715: {  	_ =	swait.ge @!p0 [sflag:s0], $0x400  }
0x716: {  	[sflag:s0] =	ssyncset.done @!p0 $0x0  }
0x717: {  	[sflag:s0] =	ssyncadd.s32 @!p0 $0xFFFFFC00  }
0x718: {  	_ =	swait.ge @!p0 [sflag:s0], $0x400  }
0x719: {  	[sflag:s0] =	ssyncset.done @!p0 $0x0  }
0x71a: {  	[sflag:s0] =	ssyncadd.s32 @!p0 $0xFFFFFC00  }
0x71b: {  	_ =	swait.ge @!p0 [sflag:s0], $0x400  }
0x71c: {  	[sflag:s0] =	ssyncset.done @!p0 $0x0  }
0x71d: {  	[sflag:s0] =	ssyncadd.s32 @!p0 $0xFFFFFC00  }
0x71e: {  	_ =	swait.ge @!p0 [sflag:s0], $0x400  }
0x71f: {  	[sflag:s0] =	ssyncset.done @!p0 $0x0  }
0x720: {  	[sflag:s0] =	ssyncadd.s32 @!p0 $0xFFFFFC00  }
0x721: {  	_ =	swait.ge @!p0 [sflag:s0], $0x400  }
0x722: {  	[sflag:s0] =	ssyncset.done @!p0 $0x0  }
0x723: {  	[sflag:s0] =	ssyncadd.s32 @!p0 $0xFFFFFC00  }
0x724: {  	_ =	swait.ge @!p0 [sflag:s0], $0x400  }
0x725: {  	s1 =	simm.s32 @!p0 $0x80;
	[sflag:s0] =	ssyncset.done @!p0 $0x0  }
0x726: {  	s4 =	simm.s32 @!p0 $0xB600;
	[sflag:s0] =	ssyncadd.s32 @!p0 $0xFFFFFC00;
	s0 =	sadd.s32 @!p0 $0x280, s29  }
0x727: {  	[tilespmem:s4], [sflag:$0x2] =	stream.indirect.gather @!p0 [hbm4b:s5+s1], $0x40, s0, s1, $0xb8;
	[tilespmem:$0x19E00] =	vst v63  }
0x728: {  	s30 =	simm.s32 $0x0;
	_ =	swait.ge [sflag:s22], $0x2000  }
0x729: {  	s31 =	sshll.u32 s17, $0x6;
	v44 =	vmov s30;
	[sflag:s22] =	ssyncset.done $0x0  }
0x72a: {  	v33 =	vshrl.u32 v44, $0x3;
	s1 =	sand.u32 $0x3FFFFFC0, s31;
	[sflag:s22] =	ssyncadd.s32 $0xFFFFE000  }
0x72b: {  	v33 =	vshll.u32 v33, v1;
	s4 =	simm.s32 $0xF700;
	v35 =	vld [tilespmem:s1+$0x6400]  }
0x72c: {  	v46 =	vbroadcast v33, $0x0;
	v45 =	vld [tilespmem:s4+$0xFFFFFF00];
	_ =	sdelay $0x1  }
0x72d: {  	v47 =	vadd.s32 v0, v46;
	_ =	sdelay $0x2  }
0x72e: {  	v36 =	vld [tilespmem:s1+$0x6410];
	v37 =	vadd.f32 v45, v35  }
0x72f: {  	v34 =	vld [tilespmem:s1+$0x6420]  }
0x730: {  	v33 =	vld [tilespmem:s1+$0x6430];
	[tilespmem:v47+s25+$0x0] =	vst.idx.msk $0xffff, v37  }
0x731: {  	v37 =	vld [tilespmem:s4+$0xFFFFFF10];
	_ =	sdelay $0x1  }
0x732: {  	v48 =	vadd.s32 v2, v46;
	_ =	sdelay $0x2  }
0x733: {  	v37 =	vadd.f32 v37, v36;
	_ =	sdelay $0x1  }
0x734: {  	[tilespmem:v48+s25+$0x0] =	vst.idx.msk $0xffff, v37  }
0x735: {  	v37 =	vld [tilespmem:s4+$0xFFFFFF20];
	_ =	sdelay $0x1  }
0x736: {  	v49 =	vadd.s32 v3, v46;
	_ =	sdelay $0x2  }
0x737: {  	v37 =	vadd.f32 v37, v34;
	_ =	sdelay $0x1  }
0x738: {  	[tilespmem:v49+s25+$0x0] =	vst.idx.msk $0xffff, v37  }
0x739: {  	v37 =	vld [tilespmem:s4+$0xFFFFFF30];
	_ =	sdelay $0x1  }
0x73a: {  	v38 =	vadd.s32 v4, v46;
	_ =	sdelay $0x1  }
0x73b: {  	s16 =	simm.s32 $0x1  }
0x73c: {  	v50 =	vmov s16;
	v37 =	vadd.f32 v37, v33  }
0x73d: {  	v39 =	vshrl.u32 v50, $0x3  }
0x73e: {  	v51 =	vshll.u32 v39, v1;
	[tilespmem:v38+s25+$0x0] =	vst.idx.msk $0xffff, v37  }
0x73f: {  	v37 =	vbroadcast v51, $0x0;
	v38 =	vld [tilespmem:s4+$0xFFFFFF40];
	_ =	sdelay $0x1  }
0x740: {  	v52 =	vadd.s32 v5, v37;
	_ =	sdelay $0x2  }
0x741: {  	v38 =	vadd.f32 v38, v35;
	_ =	sdelay $0x1  }
0x742: {  	[tilespmem:v52+s25+$0x0] =	vst.idx.msk $0xffff, v38  }
0x743: {  	v38 =	vld [tilespmem:s4+$0xFFFFFF50];
	_ =	sdelay $0x1  }
0x744: {  	v53 =	vadd.s32 v6, v37;
	_ =	sdelay $0x2  }
0x745: {  	v38 =	vadd.f32 v38, v36;
	_ =	sdelay $0x1  }
0x746: {  	[tilespmem:v53+s25+$0x0] =	vst.idx.msk $0xffff, v38  }
0x747: {  	v38 =	vld [tilespmem:s4+$0xFFFFFF60];
	_ =	sdelay $0x1  }
0x748: {  	v54 =	vadd.s32 v7, v37;
	_ =	sdelay $0x2  }
0x749: {  	v38 =	vadd.f32 v38, v34;
	_ =	sdelay $0x1  }
0x74a: {  	[tilespmem:v54+s25+$0x0] =	vst.idx.msk $0xffff, v38  }
0x74b: {  	v38 =	vld [tilespmem:s4+$0xFFFFFF70];
	_ =	sdelay $0x1  }
0x74c: {  	v37 =	vadd.s32 v8, v37;
	_ =	sdelay $0x1  }
0x74d: {  	s30 =	simm.s32 $0x2  }
0x74e: {  	v55 =	vmov s30;
	v38 =	vadd.f32 v38, v33  }
0x74f: {  	v39 =	vshrl.u32 v55, $0x3  }
0x750: {  	v56 =	vshll.u32 v39, v1;
	[tilespmem:v37+s25+$0x0] =	vst.idx.msk $0xffff, v38  }
0x751: {  	v37 =	vbroadcast v56, $0x0;
	v38 =	vld [tilespmem:s4+$0xFFFFFF80];
	_ =	sdelay $0x1  }
0x752: {  	v57 =	vadd.s32 v9, v37;
	_ =	sdelay $0x2  }
0x753: {  	v38 =	vadd.f32 v38, v35;
	_ =	sdelay $0x1  }
0x754: {  	[tilespmem:v57+s25+$0x0] =	vst.idx.msk $0xffff, v38  }
0x755: {  	v38 =	vld [tilespmem:s4+$0xFFFFFF90];
	_ =	sdelay $0x1  }
0x756: {  	v58 =	vadd.s32 v10, v37;
	_ =	sdelay $0x2  }
0x757: {  	v38 =	vadd.f32 v38, v36;
	_ =	sdelay $0x1  }
0x758: {  	[tilespmem:v58+s25+$0x0] =	vst.idx.msk $0xffff, v38  }
0x759: {  	v38 =	vld [tilespmem:s4+$0xFFFFFFA0];
	_ =	sdelay $0x1  }
0x75a: {  	v59 =	vadd.s32 v11, v37;
	_ =	sdelay $0x2  }
0x75b: {  	v38 =	vadd.f32 v38, v34;
	_ =	sdelay $0x1  }
0x75c: {  	[tilespmem:v59+s25+$0x0] =	vst.idx.msk $0xffff, v38  }
0x75d: {  	v38 =	vld [tilespmem:s4+$0xFFFFFFB0];
	_ =	sdelay $0x1  }
0x75e: {  	v37 =	vadd.s32 v12, v37;
	_ =	sdelay $0x1  }
0x75f: {  	s31 =	simm.s32 $0x3  }
0x760: {  	v60 =	vmov s31;
	v38 =	vadd.f32 v38, v33  }
0x761: {  	v39 =	vshrl.u32 v60, $0x3  }
0x762: {  	v61 =	vshll.u32 v39, v1;
	[tilespmem:v37+s25+$0x0] =	vst.idx.msk $0xffff, v38  }
0x763: {  	v37 =	vbroadcast v61, $0x0;
	v38 =	vld [tilespmem:s4+$0xFFFFFFC0];
	_ =	sdelay $0x1  }
0x764: {  	v62 =	vadd.s32 v13, v37;
	_ =	sdelay $0x2  }
0x765: {  	v38 =	vadd.f32 v38, v35;
	_ =	sdelay $0x1  }
0x766: {  	[tilespmem:v62+s25+$0x0] =	vst.idx.msk $0xffff, v38  }
0x767: {  	v38 =	vld [tilespmem:s4+$0xFFFFFFD0];
	_ =	sdelay $0x1  }
0x768: {  	v63 =	vadd.s32 v14, v37;
	_ =	sdelay $0x2  }
0x769: {  	v38 =	vadd.f32 v38, v36;
	_ =	sdelay $0x1  }
0x76a: {  	[tilespmem:v63+s25+$0x0] =	vst.idx.msk $0xffff, v38  }
0x76b: {  	v38 =	vld [tilespmem:s4+$0xFFFFFFE0];
	_ =	sdelay $0x1  }
0x76c: {  	v42 =	vadd.s32 v15, v37;
	_ =	sdelay $0x2  }
0x76d: {  	v38 =	vadd.f32 v38, v34;
	_ =	sdelay $0x1  }
0x76e: {  	[tilespmem:v42+s25+$0x0] =	vst.idx.msk $0xffff, v38  }
0x76f: {  	v38 =	vld [tilespmem:s4+$0xFFFFFFF0];
	_ =	sdelay $0x1  }
0x770: {  	v37 =	vadd.s32 v16, v37;
	_ =	sdelay $0x1  }
0x771: {  	s1 =	simm.s32 $0x4  }
0x772: {  	v43 =	vmov s1;
	v38 =	vadd.f32 v38, v33  }
0x773: {  	v39 =	vshrl.u32 v43, $0x3  }
0x774: {  	v44 =	vshll.u32 v39, v1;
	[tilespmem:v37+s25+$0x0] =	vst.idx.msk $0xffff, v38  }
0x775: {  	v37 =	vbroadcast v44, $0x0;
	v38 =	vld [tilespmem:s4+$0x0];
	_ =	sdelay $0x1  }
0x776: {  	v45 =	vadd.s32 v17, v37;
	_ =	sdelay $0x2  }
0x777: {  	v38 =	vadd.f32 v38, v35;
	_ =	sdelay $0x1  }
0x778: {  	[tilespmem:v45+s25+$0x0] =	vst.idx.msk $0xffff, v38  }
0x779: {  	v38 =	vld [tilespmem:s4+$0x10];
	_ =	sdelay $0x1  }
0x77a: {  	v46 =	vadd.s32 v18, v37;
	_ =	sdelay $0x2  }
0x77b: {  	v38 =	vadd.f32 v38, v36;
	_ =	sdelay $0x1  }
0x77c: {  	[tilespmem:v46+s25+$0x0] =	vst.idx.msk $0xffff, v38  }
0x77d: {  	v38 =	vld [tilespmem:s4+$0x20];
	_ =	sdelay $0x1  }
0x77e: {  	v47 =	vadd.s32 v19, v37;
	_ =	sdelay $0x2  }
0x77f: {  	v38 =	vadd.f32 v38, v34;
	_ =	sdelay $0x1  }
0x780: {  	[tilespmem:v47+s25+$0x0] =	vst.idx.msk $0xffff, v38  }
0x781: {  	v38 =	vld [tilespmem:s4+$0x30];
	_ =	sdelay $0x1  }
0x782: {  	v37 =	vadd.s32 v20, v37;
	_ =	sdelay $0x1  }
0x783: {  	s16 =	simm.s32 $0x5  }
0x784: {  	v48 =	vmov s16;
	v38 =	vadd.f32 v38, v33  }
0x785: {  	v39 =	vshrl.u32 v48, $0x3  }
0x786: {  	v49 =	vshll.u32 v39, v1;
	[tilespmem:v37+s25+$0x0] =	vst.idx.msk $0xffff, v38  }
0x787: {  	v37 =	vbroadcast v49, $0x0;
	v38 =	vld [tilespmem:s4+$0x40];
	_ =	sdelay $0x1  }
0x788: {  	v50 =	vadd.s32 v21, v37;
	_ =	sdelay $0x2  }
0x789: {  	v38 =	vadd.f32 v38, v35;
	_ =	sdelay $0x1  }
0x78a: {  	[tilespmem:v50+s25+$0x0] =	vst.idx.msk $0xffff, v38  }
0x78b: {  	v38 =	vld [tilespmem:s4+$0x50];
	_ =	sdelay $0x1  }
0x78c: {  	v51 =	vadd.s32 v22, v37;
	_ =	sdelay $0x2  }
0x78d: {  	v38 =	vadd.f32 v38, v36;
	_ =	sdelay $0x1  }
0x78e: {  	[tilespmem:v51+s25+$0x0] =	vst.idx.msk $0xffff, v38  }
0x78f: {  	v38 =	vld [tilespmem:s4+$0x60];
	_ =	sdelay $0x1  }
0x790: {  	v52 =	vadd.s32 v23, v37;
	_ =	sdelay $0x2  }
0x791: {  	v38 =	vadd.f32 v38, v34;
	_ =	sdelay $0x1  }
0x792: {  	[tilespmem:v52+s25+$0x0] =	vst.idx.msk $0xffff, v38  }
0x793: {  	v38 =	vld [tilespmem:s4+$0x70];
	_ =	sdelay $0x1  }
0x794: {  	v37 =	vadd.s32 v24, v37;
	_ =	sdelay $0x1  }
0x795: {  	s30 =	simm.s32 $0x6  }
0x796: {  	v53 =	vmov s30;
	v38 =	vadd.f32 v38, v33  }
0x797: {  	v39 =	vshrl.u32 v53, $0x3  }
0x798: {  	v54 =	vshll.u32 v39, v1;
	[tilespmem:v37+s25+$0x0] =	vst.idx.msk $0xffff, v38  }
0x799: {  	v37 =	vbroadcast v54, $0x0;
	v38 =	vld [tilespmem:s4+$0x80];
	_ =	sdelay $0x1  }
0x79a: {  	v55 =	vadd.s32 v25, v37;
	_ =	sdelay $0x2  }
0x79b: {  	v38 =	vadd.f32 v38, v35;
	_ =	sdelay $0x1  }
0x79c: {  	[tilespmem:v55+s25+$0x0] =	vst.idx.msk $0xffff, v38  }
0x79d: {  	v38 =	vld [tilespmem:s4+$0x90];
	_ =	sdelay $0x1  }
0x79e: {  	v56 =	vadd.s32 v26, v37;
	_ =	sdelay $0x2  }
0x79f: {  	v38 =	vadd.f32 v38, v36;
	_ =	sdelay $0x1  }
0x7a0: {  	[tilespmem:v56+s25+$0x0] =	vst.idx.msk $0xffff, v38  }
0x7a1: {  	v38 =	vld [tilespmem:s4+$0xA0];
	_ =	sdelay $0x1  }
0x7a2: {  	v57 =	vadd.s32 v27, v37;
	_ =	sdelay $0x2  }
0x7a3: {  	v38 =	vadd.f32 v38, v34;
	_ =	sdelay $0x1  }
0x7a4: {  	[tilespmem:v57+s25+$0x0] =	vst.idx.msk $0xffff, v38  }
0x7a5: {  	v38 =	vld [tilespmem:s4+$0xB0];
	_ =	sdelay $0x1  }
0x7a6: {  	v37 =	vadd.s32 v28, v37;
	_ =	sdelay $0x1  }
0x7a7: {  	s31 =	simm.s32 $0x7  }
0x7a8: {  	v58 =	vmov s31;
	v38 =	vadd.f32 v38, v33  }
0x7a9: {  	v39 =	vshrl.u32 v58, $0x3  }
0x7aa: {  	v59 =	vshll.u32 v39, v1;
	[tilespmem:v37+s25+$0x0] =	vst.idx.msk $0xffff, v38  }
0x7ab: {  	v37 =	vbroadcast v59, $0x0;
	v38 =	vld [tilespmem:s4+$0xC0];
	_ =	sdelay $0x1  }
0x7ac: {  	v60 =	vadd.s32 v29, v37;
	_ =	sdelay $0x2  }
0x7ad: {  	v38 =	vadd.f32 v38, v35;
	_ =	sdelay $0x1  }
0x7ae: {  	[tilespmem:v60+s25+$0x0] =	vst.idx.msk $0xffff, v38  }
0x7af: {  	v38 =	vld [tilespmem:s4+$0xD0];
	_ =	sdelay $0x1  }
0x7b0: {  	v61 =	vadd.s32 v30, v37;
	_ =	sdelay $0x2  }
0x7b1: {  	v38 =	vadd.f32 v38, v36;
	_ =	sdelay $0x1  }
0x7b2: {  	[tilespmem:v61+s25+$0x0] =	vst.idx.msk $0xffff, v38  }
0x7b3: {  	v38 =	vld [tilespmem:s4+$0xE0];
	_ =	sdelay $0x1  }
0x7b4: {  	v62 =	vadd.s32 v31, v37;
	_ =	sdelay $0x2  }
0x7b5: {  	v38 =	vadd.f32 v38, v34;
	_ =	sdelay $0x1  }
0x7b6: {  	[tilespmem:v62+s25+$0x0] =	vst.idx.msk $0xffff, v38  }
0x7b7: {  	v38 =	vld [tilespmem:s4+$0xF0];
	_ =	sdelay $0x1  }
0x7b8: {  	v37 =	vadd.s32 v32, v37  }
0x7b9: {  	s29 =	simm.s32 $0x8  }
0x7ba: {  	v63 =	vmov s29  }
0x7bb: {  	s0 =	simm.s32 $0x10;
	v39 =	vshrl.u32 v63, $0x3;
	v38 =	vadd.f32 v38, v33  }
.LBB2_9:
0x7bc: {  	p0 =	slt.u32 s0, $0x78  }
0x7bd: {  	v39 =	vshll.u32 v39, v1;
	[tilespmem:v37+s25+$0x0] =	vst.idx.msk $0xffff, v38;
	s4 =	sadd.s32 $0x200, s4;
	s1 =	smov.u32 s0;
	s0 =	sadd.s32 $0x8, s0  }
0x7be: {  	v37 =	vld [tilespmem:s4+$0xFFFFFF00];
	v38 =	vbroadcast v39, $0x0;
	_ =	sdelay $0x1  }
0x7bf: {  	v39 =	vadd.s32 v0, v38;
	_ =	sdelay $0x2  }
0x7c0: {  	v37 =	vadd.f32 v37, v35;
	_ =	sdelay $0x1  }
0x7c1: {  	[tilespmem:v39+s25+$0x0] =	vst.idx.msk $0xffff, v37  }
0x7c2: {  	v37 =	vld [tilespmem:s4+$0xFFFFFF10];
	_ =	sdelay $0x1  }
0x7c3: {  	v39 =	vadd.s32 v2, v38;
	_ =	sdelay $0x2  }
0x7c4: {  	v37 =	vadd.f32 v37, v36;
	_ =	sdelay $0x1  }
0x7c5: {  	[tilespmem:v39+s25+$0x0] =	vst.idx.msk $0xffff, v37  }
0x7c6: {  	v37 =	vld [tilespmem:s4+$0xFFFFFF20];
	_ =	sdelay $0x1  }
0x7c7: {  	v39 =	vadd.s32 v3, v38;
	_ =	sdelay $0x2  }
0x7c8: {  	v37 =	vadd.f32 v37, v34;
	_ =	sdelay $0x1  }
0x7c9: {  	[tilespmem:v39+s25+$0x0] =	vst.idx.msk $0xffff, v37  }
0x7ca: {  	v37 =	vld [tilespmem:s4+$0xFFFFFF30];
	_ =	sdelay $0x1  }
0x7cb: {  	v38 =	vadd.s32 v4, v38;
	_ =	sdelay $0x1  }
0x7cc: {  	s16 =	sadd.s32 $0x1, s29  }
0x7cd: {  	v39 =	vmov s16;
	v37 =	vadd.f32 v37, v33  }
0x7ce: {  	v39 =	vshrl.u32 v39, $0x3  }
0x7cf: {  	[tilespmem:v38+s25+$0x0] =	vst.idx.msk $0xffff, v37;
	v37 =	vshll.u32 v39, v1  }
0x7d0: {  	v38 =	vld [tilespmem:s4+$0xFFFFFF40];
	v37 =	vbroadcast v37, $0x0;
	_ =	sdelay $0x1  }
0x7d1: {  	v39 =	vadd.s32 v5, v37;
	_ =	sdelay $0x2  }
0x7d2: {  	v38 =	vadd.f32 v38, v35;
	_ =	sdelay $0x1  }
0x7d3: {  	[tilespmem:v39+s25+$0x0] =	vst.idx.msk $0xffff, v38  }
0x7d4: {  	v38 =	vld [tilespmem:s4+$0xFFFFFF50];
	_ =	sdelay $0x1  }
0x7d5: {  	v39 =	vadd.s32 v6, v37;
	_ =	sdelay $0x2  }
0x7d6: {  	v38 =	vadd.f32 v38, v36;
	_ =	sdelay $0x1  }
0x7d7: {  	[tilespmem:v39+s25+$0x0] =	vst.idx.msk $0xffff, v38  }
0x7d8: {  	v38 =	vld [tilespmem:s4+$0xFFFFFF60];
	_ =	sdelay $0x1  }
0x7d9: {  	v39 =	vadd.s32 v7, v37;
	_ =	sdelay $0x2  }
0x7da: {  	v38 =	vadd.f32 v38, v34;
	_ =	sdelay $0x1  }
0x7db: {  	[tilespmem:v39+s25+$0x0] =	vst.idx.msk $0xffff, v38  }
0x7dc: {  	v38 =	vld [tilespmem:s4+$0xFFFFFF70];
	_ =	sdelay $0x1  }
0x7dd: {  	v37 =	vadd.s32 v8, v37;
	_ =	sdelay $0x1  }
0x7de: {  	s16 =	sadd.s32 $0x2, s29  }
0x7df: {  	v39 =	vmov s16;
	v38 =	vadd.f32 v38, v33  }
0x7e0: {  	v39 =	vshrl.u32 v39, $0x3  }
0x7e1: {  	[tilespmem:v37+s25+$0x0] =	vst.idx.msk $0xffff, v38;
	v37 =	vshll.u32 v39, v1  }
0x7e2: {  	v38 =	vld [tilespmem:s4+$0xFFFFFF80];
	v37 =	vbroadcast v37, $0x0;
	_ =	sdelay $0x1  }
0x7e3: {  	v39 =	vadd.s32 v9, v37;
	_ =	sdelay $0x2  }
0x7e4: {  	v38 =	vadd.f32 v38, v35;
	_ =	sdelay $0x1  }
0x7e5: {  	[tilespmem:v39+s25+$0x0] =	vst.idx.msk $0xffff, v38  }
0x7e6: {  	v38 =	vld [tilespmem:s4+$0xFFFFFF90];
	_ =	sdelay $0x1  }
0x7e7: {  	v39 =	vadd.s32 v10, v37;
	_ =	sdelay $0x2  }
0x7e8: {  	v38 =	vadd.f32 v38, v36;
	_ =	sdelay $0x1  }
0x7e9: {  	[tilespmem:v39+s25+$0x0] =	vst.idx.msk $0xffff, v38  }
0x7ea: {  	v38 =	vld [tilespmem:s4+$0xFFFFFFA0];
	_ =	sdelay $0x1  }
0x7eb: {  	v39 =	vadd.s32 v11, v37;
	_ =	sdelay $0x2  }
0x7ec: {  	v38 =	vadd.f32 v38, v34;
	_ =	sdelay $0x1  }
0x7ed: {  	[tilespmem:v39+s25+$0x0] =	vst.idx.msk $0xffff, v38  }
0x7ee: {  	v38 =	vld [tilespmem:s4+$0xFFFFFFB0];
	_ =	sdelay $0x1  }
0x7ef: {  	v37 =	vadd.s32 v12, v37;
	_ =	sdelay $0x1  }
0x7f0: {  	s16 =	sadd.s32 $0x3, s29  }
0x7f1: {  	v39 =	vmov s16;
	v38 =	vadd.f32 v38, v33  }
0x7f2: {  	v39 =	vshrl.u32 v39, $0x3  }
0x7f3: {  	[tilespmem:v37+s25+$0x0] =	vst.idx.msk $0xffff, v38;
	v37 =	vshll.u32 v39, v1  }
0x7f4: {  	v38 =	vld [tilespmem:s4+$0xFFFFFFC0];
	v37 =	vbroadcast v37, $0x0;
	_ =	sdelay $0x1  }
0x7f5: {  	v39 =	vadd.s32 v13, v37;
	_ =	sdelay $0x2  }
0x7f6: {  	v38 =	vadd.f32 v38, v35;
	_ =	sdelay $0x1  }
0x7f7: {  	[tilespmem:v39+s25+$0x0] =	vst.idx.msk $0xffff, v38  }
0x7f8: {  	v38 =	vld [tilespmem:s4+$0xFFFFFFD0];
	_ =	sdelay $0x1  }
0x7f9: {  	v39 =	vadd.s32 v14, v37;
	_ =	sdelay $0x2  }
0x7fa: {  	v38 =	vadd.f32 v38, v36;
	_ =	sdelay $0x1  }
0x7fb: {  	[tilespmem:v39+s25+$0x0] =	vst.idx.msk $0xffff, v38  }
0x7fc: {  	v38 =	vld [tilespmem:s4+$0xFFFFFFE0];
	_ =	sdelay $0x1  }
0x7fd: {  	v39 =	vadd.s32 v15, v37;
	_ =	sdelay $0x2  }
0x7fe: {  	v38 =	vadd.f32 v38, v34;
	_ =	sdelay $0x1  }
0x7ff: {  	[tilespmem:v39+s25+$0x0] =	vst.idx.msk $0xffff, v38  }
0x800: {  	v38 =	vld [tilespmem:s4+$0xFFFFFFF0];
	_ =	sdelay $0x1  }
0x801: {  	v37 =	vadd.s32 v16, v37;
	_ =	sdelay $0x1  }
0x802: {  	s16 =	sadd.s32 $0x4, s29  }
0x803: {  	v39 =	vmov s16;
	v38 =	vadd.f32 v38, v33  }
0x804: {  	v39 =	vshrl.u32 v39, $0x3  }
0x805: {  	[tilespmem:v37+s25+$0x0] =	vst.idx.msk $0xffff, v38;
	v37 =	vshll.u32 v39, v1  }
0x806: {  	v38 =	vld [tilespmem:s4+$0x0];
	v37 =	vbroadcast v37, $0x0;
	_ =	sdelay $0x1  }
0x807: {  	v39 =	vadd.s32 v17, v37;
	_ =	sdelay $0x2  }
0x808: {  	v38 =	vadd.f32 v38, v35;
	_ =	sdelay $0x1  }
0x809: {  	[tilespmem:v39+s25+$0x0] =	vst.idx.msk $0xffff, v38  }
0x80a: {  	v38 =	vld [tilespmem:s4+$0x10];
	_ =	sdelay $0x1  }
0x80b: {  	v39 =	vadd.s32 v18, v37;
	_ =	sdelay $0x2  }
0x80c: {  	v38 =	vadd.f32 v38, v36;
	_ =	sdelay $0x1  }
0x80d: {  	[tilespmem:v39+s25+$0x0] =	vst.idx.msk $0xffff, v38  }
0x80e: {  	v38 =	vld [tilespmem:s4+$0x20];
	_ =	sdelay $0x1  }
0x80f: {  	v39 =	vadd.s32 v19, v37;
	_ =	sdelay $0x2  }
0x810: {  	v38 =	vadd.f32 v38, v34;
	_ =	sdelay $0x1  }
0x811: {  	[tilespmem:v39+s25+$0x0] =	vst.idx.msk $0xffff, v38  }
0x812: {  	v38 =	vld [tilespmem:s4+$0x30];
	_ =	sdelay $0x1  }
0x813: {  	v37 =	vadd.s32 v20, v37;
	_ =	sdelay $0x1  }
0x814: {  	s16 =	sadd.s32 $0x5, s29  }
0x815: {  	v39 =	vmov s16;
	v38 =	vadd.f32 v38, v33  }
0x816: {  	v39 =	vshrl.u32 v39, $0x3  }
0x817: {  	[tilespmem:v37+s25+$0x0] =	vst.idx.msk $0xffff, v38;
	v37 =	vshll.u32 v39, v1  }
0x818: {  	v38 =	vld [tilespmem:s4+$0x40];
	v37 =	vbroadcast v37, $0x0;
	_ =	sdelay $0x1  }
0x819: {  	v39 =	vadd.s32 v21, v37;
	_ =	sdelay $0x2  }
0x81a: {  	v38 =	vadd.f32 v38, v35;
	_ =	sdelay $0x1  }
0x81b: {  	[tilespmem:v39+s25+$0x0] =	vst.idx.msk $0xffff, v38  }
0x81c: {  	v38 =	vld [tilespmem:s4+$0x50];
	_ =	sdelay $0x1  }
0x81d: {  	v39 =	vadd.s32 v22, v37;
	_ =	sdelay $0x2  }
0x81e: {  	v38 =	vadd.f32 v38, v36;
	_ =	sdelay $0x1  }
0x81f: {  	[tilespmem:v39+s25+$0x0] =	vst.idx.msk $0xffff, v38  }
0x820: {  	v38 =	vld [tilespmem:s4+$0x60];
	_ =	sdelay $0x1  }
0x821: {  	v39 =	vadd.s32 v23, v37;
	_ =	sdelay $0x2  }
0x822: {  	v38 =	vadd.f32 v38, v34;
	_ =	sdelay $0x1  }
0x823: {  	[tilespmem:v39+s25+$0x0] =	vst.idx.msk $0xffff, v38  }
0x824: {  	v38 =	vld [tilespmem:s4+$0x70];
	_ =	sdelay $0x1  }
0x825: {  	v37 =	vadd.s32 v24, v37;
	_ =	sdelay $0x1  }
0x826: {  	s16 =	sadd.s32 $0x6, s29  }
0x827: {  	v39 =	vmov s16;
	v38 =	vadd.f32 v38, v33  }
0x828: {  	v39 =	vshrl.u32 v39, $0x3  }
0x829: {  	[tilespmem:v37+s25+$0x0] =	vst.idx.msk $0xffff, v38;
	v37 =	vshll.u32 v39, v1  }
0x82a: {  	v38 =	vld [tilespmem:s4+$0x80];
	v37 =	vbroadcast v37, $0x0;
	_ =	sdelay $0x1  }
0x82b: {  	v39 =	vadd.s32 v25, v37;
	_ =	sdelay $0x2  }
0x82c: {  	v38 =	vadd.f32 v38, v35;
	_ =	sdelay $0x1  }
0x82d: {  	[tilespmem:v39+s25+$0x0] =	vst.idx.msk $0xffff, v38  }
0x82e: {  	v38 =	vld [tilespmem:s4+$0x90];
	_ =	sdelay $0x1  }
0x82f: {  	v39 =	vadd.s32 v26, v37;
	_ =	sdelay $0x2  }
0x830: {  	v38 =	vadd.f32 v38, v36;
	_ =	sdelay $0x1  }
0x831: {  	[tilespmem:v39+s25+$0x0] =	vst.idx.msk $0xffff, v38  }
0x832: {  	v38 =	vld [tilespmem:s4+$0xA0];
	_ =	sdelay $0x1  }
0x833: {  	v39 =	vadd.s32 v27, v37;
	_ =	sdelay $0x2  }
0x834: {  	v38 =	vadd.f32 v38, v34;
	_ =	sdelay $0x1  }
0x835: {  	[tilespmem:v39+s25+$0x0] =	vst.idx.msk $0xffff, v38  }
0x836: {  	v38 =	vld [tilespmem:s4+$0xB0];
	_ =	sdelay $0x1  }
0x837: {  	v37 =	vadd.s32 v28, v37;
	_ =	sdelay $0x1  }
0x838: {  	s16 =	sadd.s32 $0x7, s29;
	s29 =	smov.u32 s1  }
0x839: {  	v39 =	vmov s16;
	v38 =	vadd.f32 v38, v33  }
0x83a: {  	v39 =	vshrl.u32 v39, $0x3  }
0x83b: {  	[tilespmem:v37+s25+$0x0] =	vst.idx.msk $0xffff, v38;
	v37 =	vshll.u32 v39, v1  }
0x83c: {  	v38 =	vld [tilespmem:s4+$0xC0];
	v37 =	vbroadcast v37, $0x0;
	_ =	sdelay $0x1  }
0x83d: {  	v39 =	vadd.s32 v29, v37;
	_ =	sdelay $0x2  }
0x83e: {  	v38 =	vadd.f32 v38, v35;
	_ =	sdelay $0x1  }
0x83f: {  	[tilespmem:v39+s25+$0x0] =	vst.idx.msk $0xffff, v38  }
0x840: {  	v38 =	vld [tilespmem:s4+$0xD0];
	_ =	sdelay $0x1  }
0x841: {  	v39 =	vadd.s32 v30, v37;
	_ =	sdelay $0x2  }
0x842: {  	v38 =	vadd.f32 v38, v36;
	_ =	sdelay $0x1  }
0x843: {  	[tilespmem:v39+s25+$0x0] =	vst.idx.msk $0xffff, v38  }
0x844: {  	v38 =	vld [tilespmem:s4+$0xE0];
	_ =	sdelay $0x1  }
0x845: {  	v39 =	vadd.s32 v31, v37;
	_ =	sdelay $0x2  }
0x846: {  	v38 =	vadd.f32 v38, v34;
	_ =	sdelay $0x1  }
0x847: {  	[tilespmem:v39+s25+$0x0] =	vst.idx.msk $0xffff, v38  }
0x848: {  	v38 =	vld [tilespmem:s4+$0xF0];
	_ =	sdelay $0x1  }
.Ltmp3:
0x849: {  	v37 =	vadd.s32 v32, v37;
	(pc) =	sbr.rel @p0 .LBB2_9-.Ltmp3, $3  }
0x84a: {  	_ =	sdelay $0x1  }
0x84b: {  	v39 =	vmov s29;
	v38 =	vadd.f32 v38, v33  }
0x84c: {  	v39 =	vshrl.u32 v39, $0x3  }
0x84d: {  	_ =	sdelay $0x3  }
0x84e: {  	v39 =	vshll.u32 v39, v1;
	[tilespmem:v37+s25+$0x0] =	vst.idx.msk $0xffff, v38;
	s0 =	sadd.s32 $0x200, s4  }
0x84f: {  	v37 =	vld [tilespmem:s0+$0xFFFFFF00];
	v45 =	vbroadcast v39, $0x0;
	_ =	sdelay $0x1  }
0x850: {  	v39 =	vadd.s32 v0, v45;
	_ =	sdelay $0x2  }
0x851: {  	v37 =	vadd.f32 v37, v35;
	_ =	sdelay $0x1  }
0x852: {  	[tilespmem:v39+s25+$0x0] =	vst.idx.msk $0xffff, v37  }
0x853: {  	v37 =	vld [tilespmem:s0+$0xFFFFFF10];
	_ =	sdelay $0x1  }
0x854: {  	v46 =	vadd.s32 v2, v45;
	_ =	sdelay $0x2  }
0x855: {  	v37 =	vadd.f32 v37, v36;
	_ =	sdelay $0x1  }
0x856: {  	[tilespmem:v46+s25+$0x0] =	vst.idx.msk $0xffff, v37  }
0x857: {  	v37 =	vld [tilespmem:s0+$0xFFFFFF20];
	_ =	sdelay $0x1  }
0x858: {  	v47 =	vadd.s32 v3, v45;
	_ =	sdelay $0x2  }
0x859: {  	v37 =	vadd.f32 v37, v34;
	_ =	sdelay $0x1  }
0x85a: {  	[tilespmem:v47+s25+$0x0] =	vst.idx.msk $0xffff, v37  }
0x85b: {  	v37 =	vld [tilespmem:s0+$0xFFFFFF30];
	_ =	sdelay $0x1  }
0x85c: {  	v38 =	vadd.s32 v4, v45;
	_ =	sdelay $0x1  }
0x85d: {  	s1 =	sadd.s32 $0x1, s29  }
0x85e: {  	v48 =	vmov s1;
	v37 =	vadd.f32 v37, v33  }
0x85f: {  	v39 =	vshrl.u32 v48, $0x3  }
0x860: {  	v49 =	vshll.u32 v39, v1;
	[tilespmem:v38+s25+$0x0] =	vst.idx.msk $0xffff, v37  }
0x861: {  	v37 =	vbroadcast v49, $0x0;
	v38 =	vld [tilespmem:s0+$0xFFFFFF40];
	_ =	sdelay $0x1  }
0x862: {  	v50 =	vadd.s32 v5, v37;
	_ =	sdelay $0x2  }
0x863: {  	v38 =	vadd.f32 v38, v35;
	_ =	sdelay $0x1  }
0x864: {  	[tilespmem:v50+s25+$0x0] =	vst.idx.msk $0xffff, v38  }
0x865: {  	v38 =	vld [tilespmem:s0+$0xFFFFFF50];
	_ =	sdelay $0x1  }
0x866: {  	v51 =	vadd.s32 v6, v37;
	_ =	sdelay $0x2  }
0x867: {  	v38 =	vadd.f32 v38, v36;
	_ =	sdelay $0x1  }
0x868: {  	[tilespmem:v51+s25+$0x0] =	vst.idx.msk $0xffff, v38  }
0x869: {  	v38 =	vld [tilespmem:s0+$0xFFFFFF60];
	_ =	sdelay $0x1  }
0x86a: {  	v52 =	vadd.s32 v7, v37;
	_ =	sdelay $0x2  }
0x86b: {  	v38 =	vadd.f32 v38, v34;
	_ =	sdelay $0x1  }
0x86c: {  	[tilespmem:v52+s25+$0x0] =	vst.idx.msk $0xffff, v38  }
0x86d: {  	v38 =	vld [tilespmem:s0+$0xFFFFFF70];
	_ =	sdelay $0x1  }
0x86e: {  	v37 =	vadd.s32 v8, v37;
	_ =	sdelay $0x1  }
0x86f: {  	s4 =	sadd.s32 $0x2, s29  }
0x870: {  	v53 =	vmov s4;
	v38 =	vadd.f32 v38, v33  }
0x871: {  	v39 =	vshrl.u32 v53, $0x3  }
0x872: {  	v54 =	vshll.u32 v39, v1;
	[tilespmem:v37+s25+$0x0] =	vst.idx.msk $0xffff, v38  }
0x873: {  	v37 =	vbroadcast v54, $0x0;
	v38 =	vld [tilespmem:s0+$0xFFFFFF80];
	_ =	sdelay $0x1  }
0x874: {  	v55 =	vadd.s32 v9, v37;
	_ =	sdelay $0x2  }
0x875: {  	v38 =	vadd.f32 v38, v35;
	_ =	sdelay $0x1  }
0x876: {  	[tilespmem:v55+s25+$0x0] =	vst.idx.msk $0xffff, v38  }
0x877: {  	v38 =	vld [tilespmem:s0+$0xFFFFFF90];
	_ =	sdelay $0x1  }
0x878: {  	v56 =	vadd.s32 v10, v37;
	_ =	sdelay $0x2  }
0x879: {  	v38 =	vadd.f32 v38, v36;
	_ =	sdelay $0x1  }
0x87a: {  	[tilespmem:v56+s25+$0x0] =	vst.idx.msk $0xffff, v38  }
0x87b: {  	v38 =	vld [tilespmem:s0+$0xFFFFFFA0];
	_ =	sdelay $0x1  }
0x87c: {  	v57 =	vadd.s32 v11, v37;
	_ =	sdelay $0x2  }
0x87d: {  	v38 =	vadd.f32 v38, v34;
	_ =	sdelay $0x1  }
0x87e: {  	[tilespmem:v57+s25+$0x0] =	vst.idx.msk $0xffff, v38  }
0x87f: {  	v38 =	vld [tilespmem:s0+$0xFFFFFFB0];
	_ =	sdelay $0x1  }
0x880: {  	v37 =	vadd.s32 v12, v37;
	_ =	sdelay $0x1  }
0x881: {  	s16 =	sadd.s32 $0x3, s29  }
0x882: {  	v58 =	vmov s16;
	v38 =	vadd.f32 v38, v33  }
0x883: {  	v39 =	vshrl.u32 v58, $0x3  }
0x884: {  	v59 =	vshll.u32 v39, v1;
	[tilespmem:v37+s25+$0x0] =	vst.idx.msk $0xffff, v38  }
0x885: {  	v37 =	vbroadcast v59, $0x0;
	v38 =	vld [tilespmem:s0+$0xFFFFFFC0];
	_ =	sdelay $0x1  }
0x886: {  	v60 =	vadd.s32 v13, v37;
	_ =	sdelay $0x2  }
0x887: {  	v38 =	vadd.f32 v38, v35;
	_ =	sdelay $0x1  }
0x888: {  	[tilespmem:v60+s25+$0x0] =	vst.idx.msk $0xffff, v38  }
0x889: {  	v38 =	vld [tilespmem:s0+$0xFFFFFFD0];
	_ =	sdelay $0x1  }
0x88a: {  	v61 =	vadd.s32 v14, v37;
	_ =	sdelay $0x2  }
0x88b: {  	v38 =	vadd.f32 v38, v36;
	_ =	sdelay $0x1  }
0x88c: {  	[tilespmem:v61+s25+$0x0] =	vst.idx.msk $0xffff, v38  }
0x88d: {  	v38 =	vld [tilespmem:s0+$0xFFFFFFE0];
	_ =	sdelay $0x1  }
0x88e: {  	v62 =	vadd.s32 v15, v37;
	_ =	sdelay $0x2  }
0x88f: {  	v38 =	vadd.f32 v38, v34;
	_ =	sdelay $0x1  }
0x890: {  	[tilespmem:v62+s25+$0x0] =	vst.idx.msk $0xffff, v38  }
0x891: {  	v38 =	vld [tilespmem:s0+$0xFFFFFFF0];
	_ =	sdelay $0x1  }
0x892: {  	v37 =	vadd.s32 v16, v37;
	_ =	sdelay $0x1  }
0x893: {  	s30 =	sadd.s32 $0x4, s29  }
0x894: {  	v63 =	vmov s30;
	v38 =	vadd.f32 v38, v33  }
0x895: {  	v39 =	vshrl.u32 v63, $0x3  }
0x896: {  	v41 =	vshll.u32 v39, v1;
	[tilespmem:v37+s25+$0x0] =	vst.idx.msk $0xffff, v38  }
0x897: {  	v37 =	vbroadcast v41, $0x0;
	v38 =	vld [tilespmem:s0+$0x0];
	_ =	sdelay $0x1  }
0x898: {  	v42 =	vadd.s32 v17, v37;
	_ =	sdelay $0x2  }
0x899: {  	v38 =	vadd.f32 v38, v35;
	_ =	sdelay $0x1  }
0x89a: {  	[tilespmem:v42+s25+$0x0] =	vst.idx.msk $0xffff, v38  }
0x89b: {  	v38 =	vld [tilespmem:s0+$0x10];
	_ =	sdelay $0x1  }
0x89c: {  	v43 =	vadd.s32 v18, v37;
	_ =	sdelay $0x2  }
0x89d: {  	v38 =	vadd.f32 v38, v36;
	_ =	sdelay $0x1  }
0x89e: {  	[tilespmem:v43+s25+$0x0] =	vst.idx.msk $0xffff, v38  }
0x89f: {  	v38 =	vld [tilespmem:s0+$0x20];
	_ =	sdelay $0x1  }
0x8a0: {  	v44 =	vadd.s32 v19, v37;
	_ =	sdelay $0x2  }
0x8a1: {  	v38 =	vadd.f32 v38, v34;
	_ =	sdelay $0x1  }
0x8a2: {  	[tilespmem:v44+s25+$0x0] =	vst.idx.msk $0xffff, v38  }
0x8a3: {  	v38 =	vld [tilespmem:s0+$0x30];
	_ =	sdelay $0x1  }
0x8a4: {  	v37 =	vadd.s32 v20, v37;
	_ =	sdelay $0x1  }
0x8a5: {  	s31 =	sadd.s32 $0x5, s29  }
0x8a6: {  	v45 =	vmov s31;
	v38 =	vadd.f32 v38, v33  }
0x8a7: {  	v39 =	vshrl.u32 v45, $0x3  }
0x8a8: {  	v46 =	vshll.u32 v39, v1;
	[tilespmem:v37+s25+$0x0] =	vst.idx.msk $0xffff, v38  }
0x8a9: {  	v37 =	vbroadcast v46, $0x0;
	v38 =	vld [tilespmem:s0+$0x40];
	_ =	sdelay $0x1  }
0x8aa: {  	v47 =	vadd.s32 v21, v37;
	_ =	sdelay $0x2  }
0x8ab: {  	v38 =	vadd.f32 v38, v35;
	_ =	sdelay $0x1  }
0x8ac: {  	[tilespmem:v47+s25+$0x0] =	vst.idx.msk $0xffff, v38  }
0x8ad: {  	v38 =	vld [tilespmem:s0+$0x50];
	_ =	sdelay $0x1  }
0x8ae: {  	v48 =	vadd.s32 v22, v37;
	_ =	sdelay $0x2  }
0x8af: {  	v38 =	vadd.f32 v38, v36;
	_ =	sdelay $0x1  }
0x8b0: {  	[tilespmem:v48+s25+$0x0] =	vst.idx.msk $0xffff, v38  }
0x8b1: {  	v38 =	vld [tilespmem:s0+$0x60];
	_ =	sdelay $0x1  }
0x8b2: {  	v49 =	vadd.s32 v23, v37;
	_ =	sdelay $0x2  }
0x8b3: {  	v38 =	vadd.f32 v38, v34;
	_ =	sdelay $0x1  }
0x8b4: {  	[tilespmem:v49+s25+$0x0] =	vst.idx.msk $0xffff, v38  }
0x8b5: {  	v38 =	vld [tilespmem:s0+$0x70];
	_ =	sdelay $0x1  }
0x8b6: {  	v37 =	vadd.s32 v24, v37;
	_ =	sdelay $0x1  }
0x8b7: {  	s4 =	sadd.s32 $0x6, s29  }
0x8b8: {  	v50 =	vmov s4;
	v38 =	vadd.f32 v38, v33  }
0x8b9: {  	v39 =	vshrl.u32 v50, $0x3  }
0x8ba: {  	v51 =	vshll.u32 v39, v1;
	[tilespmem:v37+s25+$0x0] =	vst.idx.msk $0xffff, v38  }
0x8bb: {  	v37 =	vbroadcast v51, $0x0;
	v38 =	vld [tilespmem:s0+$0x80];
	_ =	sdelay $0x1  }
0x8bc: {  	v52 =	vadd.s32 v25, v37;
	_ =	sdelay $0x2  }
0x8bd: {  	v38 =	vadd.f32 v38, v35;
	_ =	sdelay $0x1  }
0x8be: {  	[tilespmem:v52+s25+$0x0] =	vst.idx.msk $0xffff, v38  }
0x8bf: {  	v38 =	vld [tilespmem:s0+$0x90];
	_ =	sdelay $0x1  }
0x8c0: {  	v53 =	vadd.s32 v26, v37;
	_ =	sdelay $0x2  }
0x8c1: {  	v38 =	vadd.f32 v38, v36;
	_ =	sdelay $0x1  }
0x8c2: {  	[tilespmem:v53+s25+$0x0] =	vst.idx.msk $0xffff, v38  }
0x8c3: {  	v38 =	vld [tilespmem:s0+$0xA0];
	_ =	sdelay $0x1  }
0x8c4: {  	v54 =	vadd.s32 v27, v37;
	_ =	sdelay $0x2  }
0x8c5: {  	v38 =	vadd.f32 v38, v34;
	_ =	sdelay $0x1  }
0x8c6: {  	[tilespmem:v54+s25+$0x0] =	vst.idx.msk $0xffff, v38  }
0x8c7: {  	v38 =	vld [tilespmem:s0+$0xB0];
	_ =	sdelay $0x1  }
0x8c8: {  	v37 =	vadd.s32 v28, v37;
	_ =	sdelay $0x1  }
0x8c9: {  	s16 =	sadd.s32 $0x7, s29  }
0x8ca: {  	v55 =	vmov s16;
	v38 =	vadd.f32 v38, v33  }
0x8cb: {  	v39 =	vshrl.u32 v55, $0x3  }
0x8cc: {  	v56 =	vshll.u32 v39, v1;
	[tilespmem:v37+s25+$0x0] =	vst.idx.msk $0xffff, v38  }
0x8cd: {  	v37 =	vbroadcast v56, $0x0;
	v38 =	vld [tilespmem:s0+$0xC0];
	_ =	sdelay $0x1  }
0x8ce: {  	v57 =	vadd.s32 v29, v37;
	_ =	sdelay $0x2  }
0x8cf: {  	v58 =	vadd.f32 v38, v35;
	_ =	sdelay $0x1  }
0x8d0: {  	[tilespmem:v57+s25+$0x0] =	vst.idx.msk $0xffff, v58  }
0x8d1: {  	v35 =	vld [tilespmem:s0+$0xD0];
	_ =	sdelay $0x1  }
0x8d2: {  	v59 =	vadd.s32 v30, v37;
	_ =	sdelay $0x2  }
0x8d3: {  	v35 =	vadd.f32 v35, v36;
	_ =	sdelay $0x1  }
0x8d4: {  	[tilespmem:v59+s25+$0x0] =	vst.idx.msk $0xffff, v35  }
0x8d5: {  	v35 =	vld [tilespmem:s0+$0xE0];
	_ =	sdelay $0x1  }
0x8d6: {  	v60 =	vadd.s32 v31, v37;
	_ =	sdelay $0x2  }
0x8d7: {  	v61 =	vadd.f32 v35, v34;
	_ =	sdelay $0x1  }
0x8d8: {  	[tilespmem:v60+s25+$0x0] =	vst.idx.msk $0xffff, v61  }
0x8d9: {  	v34 =	vld [tilespmem:s0+$0xF0];
	_ =	sdelay $0x1  }
0x8da: {  	v62 =	vadd.s32 v32, v37;
	_ =	sdelay $0x1  }
0x8db: {  	s17 =	sshll.u32 s17, $0x12  }
0x8dc: {  	s0 =	sor.u32 s7, s17;
	v63 =	vadd.f32 v34, v33  }
0x8dd: {  	s0 =	sshrl.u32 s0, $0x3  }
0x8de: {  	s1 =	sadd.s32 s2, s0;
	[tilespmem:v62+s25+$0x0] =	vst.idx.msk $0xffff, v63  }
0x8df: {  	[hbm4b:s1+s3] =	stream.linear.scatter [tilespmem:s25], [sflag:$0x8], $0x80, $0x38;
	[tilespmem:$0x19E00] =	vst v63  }
0x8e0: {  	s16 =	simm.s32 $0x17C88;
	s29 =	sadd.s32 $0x10, s1  }
0x8e1: {  	[hbm4b:s29+s3] =	stream.linear.scatter [tilespmem:s16], [sflag:$0x8], $0x80, $0x38;
	[tilespmem:$0x19E00] =	vst v63  }
0x8e2: {  	s31 =	simm.s32 $0x17D10;
	s30 =	sadd.s32 $0x20, s1  }
0x8e3: {  	[hbm4b:s30+s3] =	stream.linear.scatter [tilespmem:s31], [sflag:$0x8], $0x80, $0x38;
	[tilespmem:$0x19E00] =	vst v63  }
0x8e4: {  	s17 =	sadd.s32 $0x30, s1;
	s29 =	simm.s32 $0x17D98  }
0x8e5: {  	[hbm4b:s17+s3] =	stream.linear.scatter [tilespmem:s29], [sflag:$0x8], $0x80, $0x38;
	[tilespmem:$0x19E00] =	vst v63  }
0x8e6: {  	s30 =	sadd.s32 $0x40, s1;
	s31 =	simm.s32 $0x17E20  }
0x8e7: {  	[hbm4b:s30+s3] =	stream.linear.scatter [tilespmem:s31], [sflag:$0x8], $0x80, $0x38;
	[tilespmem:$0x19E00] =	vst v63  }
0x8e8: {  	s16 =	sadd.s32 $0x50, s1;
	s17 =	simm.s32 $0x17EA8  }
0x8e9: {  	[hbm4b:s16+s3] =	stream.linear.scatter [tilespmem:s17], [sflag:$0x8], $0x80, $0x38;
	[tilespmem:$0x19E00] =	vst v63  }
0x8ea: {  	s29 =	sadd.s32 $0x60, s1;
	s30 =	simm.s32 $0x17F30  }
0x8eb: {  	[hbm4b:s29+s3] =	stream.linear.scatter [tilespmem:s30], [sflag:$0x8], $0x80, $0x38;
	[tilespmem:$0x19E00] =	vst v63  }
0x8ec: {  	s1 =	sadd.s32 $0x70, s1;
	s31 =	simm.s32 $0x17FB8  }
0x8ed: {  	[hbm4b:s1+s3] =	stream.linear.scatter [tilespmem:s31], [sflag:$0x8], $0x80, $0x38;
	[tilespmem:$0x19E00] =	vst v63  }
0x8ee: {  	s16 =	simm.s32 $0x18040;
	s1 =	sadd.s32 s0, s8  }
0x8ef: {  	[hbm4b:s1+s3] =	stream.linear.scatter [tilespmem:s16], [sflag:$0x8], $0x80, $0x38;
	[tilespmem:$0x19E00] =	vst v63  }
0x8f0: {  	s29 =	simm.s32 $0x180C8;
	s17 =	sadd.s32 $0x10, s1  }
0x8f1: {  	[hbm4b:s17+s3] =	stream.linear.scatter [tilespmem:s29], [sflag:$0x8], $0x80, $0x38;
	[tilespmem:$0x19E00] =	vst v63  }
0x8f2: {  	s31 =	simm.s32 $0x18150;
	s30 =	sadd.s32 $0x20, s1  }
0x8f3: {  	[hbm4b:s30+s3] =	stream.linear.scatter [tilespmem:s31], [sflag:$0x8], $0x80, $0x38;
	[tilespmem:$0x19E00] =	vst v63  }
0x8f4: {  	s17 =	sadd.s32 $0x30, s1;
	s29 =	simm.s32 $0x181D8  }
0x8f5: {  	[hbm4b:s17+s3] =	stream.linear.scatter [tilespmem:s29], [sflag:$0x8], $0x80, $0x38;
	[tilespmem:$0x19E00] =	vst v63  }
0x8f6: {  	s30 =	sadd.s32 $0x40, s1;
	s31 =	simm.s32 $0x18260  }
0x8f7: {  	[hbm4b:s30+s3] =	stream.linear.scatter [tilespmem:s31], [sflag:$0x8], $0x80, $0x38;
	[tilespmem:$0x19E00] =	vst v63  }
0x8f8: {  	s16 =	sadd.s32 $0x50, s1;
	s17 =	simm.s32 $0x182E8  }
0x8f9: {  	[hbm4b:s16+s3] =	stream.linear.scatter [tilespmem:s17], [sflag:$0x8], $0x80, $0x38;
	[tilespmem:$0x19E00] =	vst v63  }
0x8fa: {  	s29 =	sadd.s32 $0x60, s1;
	s30 =	simm.s32 $0x18370  }
0x8fb: {  	[hbm4b:s29+s3] =	stream.linear.scatter [tilespmem:s30], [sflag:$0x8], $0x80, $0x38;
	[tilespmem:$0x19E00] =	vst v63  }
0x8fc: {  	s1 =	sadd.s32 $0x70, s1;
	s31 =	simm.s32 $0x183F8  }
0x8fd: {  	[hbm4b:s1+s3] =	stream.linear.scatter [tilespmem:s31], [sflag:$0x8], $0x80, $0x38;
	[tilespmem:$0x19E00] =	vst v63  }
0x8fe: {  	s16 =	simm.s32 $0x18480;
	s1 =	sadd.s32 s0, s9  }
0x8ff: {  	[hbm4b:s1+s3] =	stream.linear.scatter [tilespmem:s16], [sflag:$0x8], $0x80, $0x38;
	[tilespmem:$0x19E00] =	vst v63  }
0x900: {  	s29 =	simm.s32 $0x18508;
	s17 =	sadd.s32 $0x10, s1  }
0x901: {  	[hbm4b:s17+s3] =	stream.linear.scatter [tilespmem:s29], [sflag:$0x8], $0x80, $0x38;
	[tilespmem:$0x19E00] =	vst v63  }
0x902: {  	s31 =	simm.s32 $0x18590;
	s30 =	sadd.s32 $0x20, s1  }
0x903: {  	[hbm4b:s30+s3] =	stream.linear.scatter [tilespmem:s31], [sflag:$0x8], $0x80, $0x38;
	[tilespmem:$0x19E00] =	vst v63  }
0x904: {  	s17 =	sadd.s32 $0x30, s1;
	s29 =	simm.s32 $0x18618  }
0x905: {  	[hbm4b:s17+s3] =	stream.linear.scatter [tilespmem:s29], [sflag:$0x8], $0x80, $0x38;
	[tilespmem:$0x19E00] =	vst v63  }
0x906: {  	s30 =	sadd.s32 $0x40, s1;
	s31 =	simm.s32 $0x186A0  }
0x907: {  	[hbm4b:s30+s3] =	stream.linear.scatter [tilespmem:s31], [sflag:$0x8], $0x80, $0x38;
	[tilespmem:$0x19E00] =	vst v63  }
0x908: {  	s16 =	sadd.s32 $0x50, s1;
	s17 =	simm.s32 $0x18728  }
0x909: {  	[hbm4b:s16+s3] =	stream.linear.scatter [tilespmem:s17], [sflag:$0x8], $0x80, $0x38;
	[tilespmem:$0x19E00] =	vst v63  }
0x90a: {  	s29 =	sadd.s32 $0x60, s1;
	s30 =	simm.s32 $0x187B0  }
0x90b: {  	[hbm4b:s29+s3] =	stream.linear.scatter [tilespmem:s30], [sflag:$0x8], $0x80, $0x38;
	[tilespmem:$0x19E00] =	vst v63  }
0x90c: {  	s1 =	sadd.s32 $0x70, s1;
	s31 =	simm.s32 $0x18838  }
0x90d: {  	[hbm4b:s1+s3] =	stream.linear.scatter [tilespmem:s31], [sflag:$0x8], $0x80, $0x38;
	[tilespmem:$0x19E00] =	vst v63  }
0x90e: {  	s16 =	simm.s32 $0x188C0;
	s1 =	sadd.s32 s0, s10  }
0x90f: {  	[hbm4b:s1+s3] =	stream.linear.scatter [tilespmem:s16], [sflag:$0x8], $0x80, $0x38;
	[tilespmem:$0x19E00] =	vst v63  }
0x910: {  	s29 =	simm.s32 $0x18948;
	s17 =	sadd.s32 $0x10, s1  }
0x911: {  	[hbm4b:s17+s3] =	stream.linear.scatter [tilespmem:s29], [sflag:$0x8], $0x80, $0x38;
	[tilespmem:$0x19E00] =	vst v63  }
0x912: {  	s31 =	simm.s32 $0x189D0;
	s30 =	sadd.s32 $0x20, s1  }
0x913: {  	[hbm4b:s30+s3] =	stream.linear.scatter [tilespmem:s31], [sflag:$0x8], $0x80, $0x38;
	[tilespmem:$0x19E00] =	vst v63  }
0x914: {  	s17 =	sadd.s32 $0x30, s1;
	s29 =	simm.s32 $0x18A58  }
0x915: {  	[hbm4b:s17+s3] =	stream.linear.scatter [tilespmem:s29], [sflag:$0x8], $0x80, $0x38;
	[tilespmem:$0x19E00] =	vst v63  }
0x916: {  	s30 =	sadd.s32 $0x40, s1;
	s31 =	simm.s32 $0x18AE0  }
0x917: {  	[hbm4b:s30+s3] =	stream.linear.scatter [tilespmem:s31], [sflag:$0x8], $0x80, $0x38;
	[tilespmem:$0x19E00] =	vst v63  }
0x918: {  	s17 =	sadd.s32 $0x50, s1;
	s29 =	simm.s32 $0x18B68  }
0x919: {  	[hbm4b:s17+s3] =	stream.linear.scatter [tilespmem:s29], [sflag:$0x8], $0x80, $0x38;
	[tilespmem:$0x19E00] =	vst v63  }
0x91a: {  	s30 =	sadd.s32 $0x60, s1;
	s31 =	simm.s32 $0x18BF0  }
0x91b: {  	[hbm4b:s30+s3] =	stream.linear.scatter [tilespmem:s31], [sflag:$0x8], $0x80, $0x38;
	[tilespmem:$0x19E00] =	vst v63  }
0x91c: {  	s1 =	sadd.s32 $0x70, s1;
	s17 =	simm.s32 $0x18C78  }
0x91d: {  	[hbm4b:s1+s3] =	stream.linear.scatter [tilespmem:s17], [sflag:$0x8], $0x80, $0x38;
	[tilespmem:$0x19E00] =	vst v63  }
0x91e: {  	s29 =	simm.s32 $0x18D00;
	s1 =	sadd.s32 s0, s11  }
0x91f: {  	[hbm4b:s1+s3] =	stream.linear.scatter [tilespmem:s29], [sflag:$0x8], $0x80, $0x38;
	[tilespmem:$0x19E00] =	vst v63  }
0x920: {  	s31 =	simm.s32 $0x18D88;
	s30 =	sadd.s32 $0x10, s1  }
0x921: {  	[hbm4b:s30+s3] =	stream.linear.scatter [tilespmem:s31], [sflag:$0x8], $0x80, $0x38;
	[tilespmem:$0x19E00] =	vst v63  }
0x922: {  	s17 =	sadd.s32 $0x20, s1  }
0x923: {  	[hbm4b:s17+s3] =	stream.linear.scatter [tilespmem:s19], [sflag:$0x8], $0x80, $0x38;
	[tilespmem:$0x19E00] =	vst v63  }
0x924: {  	s29 =	sadd.s32 $0x30, s1  }
0x925: {  	[hbm4b:s29+s3] =	stream.linear.scatter [tilespmem:s20], [sflag:$0x8], $0x80, $0x38;
	[tilespmem:$0x19E00] =	vst v63  }
0x926: {  	s30 =	sadd.s32 $0x40, s1;
	s31 =	simm.s32 $0x18F20  }
0x927: {  	[hbm4b:s30+s3] =	stream.linear.scatter [tilespmem:s31], [sflag:$0x8], $0x80, $0x38;
	[tilespmem:$0x19E00] =	vst v63  }
0x928: {  	s16 =	sadd.s32 $0x50, s1;
	s17 =	simm.s32 $0x18FA8  }
0x929: {  	[hbm4b:s16+s3] =	stream.linear.scatter [tilespmem:s17], [sflag:$0x8], $0x80, $0x38;
	[tilespmem:$0x19E00] =	vst v63  }
0x92a: {  	s29 =	sadd.s32 $0x60, s1;
	s30 =	simm.s32 $0x19030  }
0x92b: {  	[hbm4b:s29+s3] =	stream.linear.scatter [tilespmem:s30], [sflag:$0x8], $0x80, $0x38;
	[tilespmem:$0x19E00] =	vst v63  }
0x92c: {  	s1 =	sadd.s32 $0x70, s1;
	s31 =	simm.s32 $0x190B8  }
0x92d: {  	[hbm4b:s1+s3] =	stream.linear.scatter [tilespmem:s31], [sflag:$0x8], $0x80, $0x38;
	[tilespmem:$0x19E00] =	vst v63  }
0x92e: {  	s16 =	simm.s32 $0x19140;
	s1 =	sadd.s32 s0, s12  }
0x92f: {  	[hbm4b:s1+s3] =	stream.linear.scatter [tilespmem:s16], [sflag:$0x8], $0x80, $0x38;
	[tilespmem:$0x19E00] =	vst v63  }
0x930: {  	s29 =	simm.s32 $0x191C8;
	s17 =	sadd.s32 $0x10, s1  }
0x931: {  	[hbm4b:s17+s3] =	stream.linear.scatter [tilespmem:s29], [sflag:$0x8], $0x80, $0x38;
	[tilespmem:$0x19E00] =	vst v63  }
0x932: {  	s31 =	simm.s32 $0x19250;
	s30 =	sadd.s32 $0x20, s1  }
0x933: {  	[hbm4b:s30+s3] =	stream.linear.scatter [tilespmem:s31], [sflag:$0x8], $0x80, $0x38;
	[tilespmem:$0x19E00] =	vst v63  }
0x934: {  	s17 =	sadd.s32 $0x30, s1;
	s29 =	simm.s32 $0x192D8  }
0x935: {  	[hbm4b:s17+s3] =	stream.linear.scatter [tilespmem:s29], [sflag:$0x8], $0x80, $0x38;
	[tilespmem:$0x19E00] =	vst v63  }
0x936: {  	s30 =	sadd.s32 $0x40, s1;
	s31 =	simm.s32 $0x19360  }
0x937: {  	[hbm4b:s30+s3] =	stream.linear.scatter [tilespmem:s31], [sflag:$0x8], $0x80, $0x38;
	[tilespmem:$0x19E00] =	vst v63  }
0x938: {  	s16 =	sadd.s32 $0x50, s1;
	s17 =	simm.s32 $0x193E8  }
0x939: {  	[hbm4b:s16+s3] =	stream.linear.scatter [tilespmem:s17], [sflag:$0x8], $0x80, $0x38;
	[tilespmem:$0x19E00] =	vst v63  }
0x93a: {  	s29 =	sadd.s32 $0x60, s1;
	s30 =	simm.s32 $0x19470  }
0x93b: {  	[hbm4b:s29+s3] =	stream.linear.scatter [tilespmem:s30], [sflag:$0x8], $0x80, $0x38;
	[tilespmem:$0x19E00] =	vst v63  }
0x93c: {  	s1 =	sadd.s32 $0x70, s1;
	s31 =	simm.s32 $0x194F8  }
0x93d: {  	[hbm4b:s1+s3] =	stream.linear.scatter [tilespmem:s31], [sflag:$0x8], $0x80, $0x38;
	[tilespmem:$0x19E00] =	vst v63  }
0x93e: {  	s16 =	simm.s32 $0x19580;
	s1 =	sadd.s32 s0, s13  }
0x93f: {  	[hbm4b:s1+s3] =	stream.linear.scatter [tilespmem:s16], [sflag:$0x8], $0x80, $0x38;
	[tilespmem:$0x19E00] =	vst v63  }
0x940: {  	s29 =	simm.s32 $0x19608;
	s17 =	sadd.s32 $0x10, s1  }
0x941: {  	[hbm4b:s17+s3] =	stream.linear.scatter [tilespmem:s29], [sflag:$0x8], $0x80, $0x38;
	[tilespmem:$0x19E00] =	vst v63  }
0x942: {  	s31 =	simm.s32 $0x19690;
	s30 =	sadd.s32 $0x20, s1  }
0x943: {  	[hbm4b:s30+s3] =	stream.linear.scatter [tilespmem:s31], [sflag:$0x8], $0x80, $0x38;
	[tilespmem:$0x19E00] =	vst v63  }
0x944: {  	s17 =	sadd.s32 $0x30, s1;
	s29 =	simm.s32 $0x19718  }
0x945: {  	[hbm4b:s17+s3] =	stream.linear.scatter [tilespmem:s29], [sflag:$0x8], $0x80, $0x38;
	[tilespmem:$0x19E00] =	vst v63  }
0x946: {  	s30 =	sadd.s32 $0x40, s1;
	s31 =	simm.s32 $0x197A0  }
0x947: {  	[hbm4b:s30+s3] =	stream.linear.scatter [tilespmem:s31], [sflag:$0x8], $0x80, $0x38;
	[tilespmem:$0x19E00] =	vst v63  }
0x948: {  	s17 =	sadd.s32 $0x50, s1;
	s29 =	simm.s32 $0x19828  }
0x949: {  	[hbm4b:s17+s3] =	stream.linear.scatter [tilespmem:s29], [sflag:$0x8], $0x80, $0x38;
	[tilespmem:$0x19E00] =	vst v63  }
0x94a: {  	s30 =	sadd.s32 $0x60, s1;
	s31 =	simm.s32 $0x198B0  }
0x94b: {  	[hbm4b:s30+s3] =	stream.linear.scatter [tilespmem:s31], [sflag:$0x8], $0x80, $0x38;
	[tilespmem:$0x19E00] =	vst v63  }
0x94c: {  	s1 =	sadd.s32 $0x70, s1;
	s17 =	simm.s32 $0x19938  }
0x94d: {  	[hbm4b:s1+s3] =	stream.linear.scatter [tilespmem:s17], [sflag:$0x8], $0x80, $0x38;
	[tilespmem:$0x19E00] =	vst v63  }
0x94e: {  	s0 =	sadd.s32 s0, s14;
	s29 =	simm.s32 $0x199C0  }
0x94f: {  	[hbm4b:s0+s3] =	stream.linear.scatter [tilespmem:s29], [sflag:$0x8], $0x80, $0x38;
	[tilespmem:$0x19E00] =	vst v63  }
0x950: {  	s30 =	sadd.s32 $0x10, s0;
	s31 =	simm.s32 $0x19A48  }
0x951: {  	[hbm4b:s30+s3] =	stream.linear.scatter [tilespmem:s31], [sflag:$0x8], $0x80, $0x38;
	[tilespmem:$0x19E00] =	vst v63  }
0x952: {  	s4 =	sadd.s32 $0x20, s0;
	s16 =	simm.s32 $0x19AD0  }
0x953: {  	[hbm4b:s4+s3] =	stream.linear.scatter [tilespmem:s16], [sflag:$0x8], $0x80, $0x38;
	[tilespmem:$0x19E00] =	vst v63  }
0x954: {  	s17 =	sadd.s32 $0x30, s0;
	s29 =	simm.s32 $0x19B58  }
0x955: {  	[hbm4b:s17+s3] =	stream.linear.scatter [tilespmem:s29], [sflag:$0x8], $0x80, $0x38;
	[tilespmem:$0x19E00] =	vst v63  }
0x956: {  	s21 =	sadd.s32 $0x1, s21;
	s30 =	sadd.s32 $0x40, s0;
	s31 =	simm.s32 $0x19BE0  }
0x957: {  	[hbm4b:s30+s3] =	stream.linear.scatter [tilespmem:s31], [sflag:$0x8], $0x80, $0x38;
	[tilespmem:$0x19E00] =	vst v63  }
0x958: {  	p0 =	sne.s32 s21, $0x32;
	s16 =	sadd.s32 $0x50, s0;
	s17 =	simm.s32 $0x19C68  }
0x959: {  	[hbm4b:s16+s3] =	stream.linear.scatter [tilespmem:s17], [sflag:$0x8], $0x80, $0x38;
	[tilespmem:$0x19E00] =	vst v63  }
.Ltmp4:
0x95a: {  	_ = 	snop;
	(pc) =	sbr.rel @p0 .LBB2_2-.Ltmp4, $4  }
0x95b: {  	s29 =	sadd.s32 $0x60, s0;
	s30 =	simm.s32 $0x19CF0  }
0x95c: {  	[hbm4b:s29+s3] =	stream.linear.scatter [tilespmem:s30], [sflag:$0x8], $0x80, $0x38;
	[tilespmem:$0x19E00] =	vst v63  }
0x95d: {  	s0 =	sadd.s32 $0x70, s0;
	s31 =	simm.s32 $0x19D78  }
0x95e: {  	[hbm4b:s0+s3] =	stream.linear.scatter [tilespmem:s31], [sflag:$0x8], $0x80, $0x38;
	[tilespmem:$0x19E00] =	vst v63  }
0x95f: {  	s0 =	simm.s32 $0x5  }
0x960: {  	_ =	swait.ge [sflag:s0], $0x400  }
0x961: {  	[sflag:s0] =	ssyncset.done $0x0  }
0x962: {  	[sflag:s0] =	ssyncadd.s32 $0xFFFFFC00  }
0x963: {  	_ =	swait.ge [sflag:s0], $0x400  }
0x964: {  	[sflag:s0] =	ssyncset.done $0x0  }
0x965: {  	[sflag:s0] =	ssyncadd.s32 $0xFFFFFC00  }
0x966: {  	_ =	swait.ge [sflag:s0], $0x400  }
0x967: {  	[sflag:s0] =	ssyncset.done $0x0  }
0x968: {  	[sflag:s0] =	ssyncadd.s32 $0xFFFFFC00  }
0x969: {  	_ =	swait.ge [sflag:s0], $0x400  }
0x96a: {  	[sflag:s0] =	ssyncset.done $0x0  }
0x96b: {  	[sflag:s0] =	ssyncadd.s32 $0xFFFFFC00  }
0x96c: {  	_ =	swait.ge [sflag:s0], $0x400  }
0x96d: {  	[sflag:s0] =	ssyncset.done $0x0  }
0x96e: {  	[sflag:s0] =	ssyncadd.s32 $0xFFFFFC00  }
0x96f: {  	_ =	swait.ge [sflag:s0], $0x400  }
0x970: {  	[sflag:s0] =	ssyncset.done $0x0  }
0x971: {  	[sflag:s0] =	ssyncadd.s32 $0xFFFFFC00  }
0x972: {  	_ =	swait.ge [sflag:s0], $0x400  }
0x973: {  	[sflag:s0] =	ssyncset.done $0x0  }
0x974: {  	[sflag:s0] =	ssyncadd.s32 $0xFFFFFC00  }
0x975: {  	_ =	swait.ge [sflag:s0], $0x400  }
0x976: {  	[sflag:s0] =	ssyncset.done $0x0  }
0x977: {  	s29 =	simm.s32 $0x6;
	[sflag:s0] =	ssyncadd.s32 $0xFFFFFC00  }
0x978: {  	_ =	swait.ge [sflag:s29], $0x400  }
0x979: {  	[sflag:s29] =	ssyncset.done $0x0  }
0x97a: {  	[sflag:s29] =	ssyncadd.s32 $0xFFFFFC00  }
0x97b: {  	_ =	swait.ge [sflag:s29], $0x400  }
0x97c: {  	[sflag:s29] =	ssyncset.done $0x0  }
0x97d: {  	[sflag:s29] =	ssyncadd.s32 $0xFFFFFC00  }
0x97e: {  	_ =	swait.ge [sflag:s29], $0x400  }
0x97f: {  	[sflag:s29] =	ssyncset.done $0x0  }
0x980: {  	[sflag:s29] =	ssyncadd.s32 $0xFFFFFC00  }
0x981: {  	_ =	swait.ge [sflag:s29], $0x400  }
0x982: {  	[sflag:s29] =	ssyncset.done $0x0  }
0x983: {  	[sflag:s29] =	ssyncadd.s32 $0xFFFFFC00  }
0x984: {  	_ =	swait.ge [sflag:s29], $0x400  }
0x985: {  	[sflag:s29] =	ssyncset.done $0x0  }
0x986: {  	[sflag:s29] =	ssyncadd.s32 $0xFFFFFC00  }
0x987: {  	_ =	swait.ge [sflag:s29], $0x400  }
0x988: {  	[sflag:s29] =	ssyncset.done $0x0  }
0x989: {  	[sflag:s29] =	ssyncadd.s32 $0xFFFFFC00  }
0x98a: {  	_ =	swait.ge [sflag:s29], $0x400  }
0x98b: {  	[sflag:s29] =	ssyncset.done $0x0  }
0x98c: {  	[sflag:s29] =	ssyncadd.s32 $0xFFFFFC00  }
0x98d: {  	_ =	swait.ge [sflag:s29], $0x400  }
0x98e: {  	[sflag:s29] =	ssyncset.done $0x0  }
0x98f: {  	s30 =	simm.s32 $0x7;
	[sflag:s29] =	ssyncadd.s32 $0xFFFFFC00  }
0x990: {  	_ =	swait.ge [sflag:s30], $0x400  }
0x991: {  	[sflag:s30] =	ssyncset.done $0x0  }
0x992: {  	[sflag:s30] =	ssyncadd.s32 $0xFFFFFC00  }
0x993: {  	_ =	swait.ge [sflag:s30], $0x400  }
0x994: {  	[sflag:s30] =	ssyncset.done $0x0  }
0x995: {  	[sflag:s30] =	ssyncadd.s32 $0xFFFFFC00  }
0x996: {  	_ =	swait.ge [sflag:s30], $0x400  }
0x997: {  	[sflag:s30] =	ssyncset.done $0x0  }
0x998: {  	[sflag:s30] =	ssyncadd.s32 $0xFFFFFC00  }
0x999: {  	_ =	swait.ge [sflag:s30], $0x400  }
0x99a: {  	[sflag:s30] =	ssyncset.done $0x0  }
0x99b: {  	[sflag:s30] =	ssyncadd.s32 $0xFFFFFC00  }
0x99c: {  	_ =	swait.ge [sflag:s30], $0x400  }
0x99d: {  	[sflag:s30] =	ssyncset.done $0x0  }
0x99e: {  	[sflag:s30] =	ssyncadd.s32 $0xFFFFFC00  }
0x99f: {  	_ =	swait.ge [sflag:s30], $0x400  }
0x9a0: {  	[sflag:s30] =	ssyncset.done $0x0  }
0x9a1: {  	[sflag:s30] =	ssyncadd.s32 $0xFFFFFC00  }
0x9a2: {  	_ =	swait.ge [sflag:s30], $0x400  }
0x9a3: {  	[sflag:s30] =	ssyncset.done $0x0  }
0x9a4: {  	[sflag:s30] =	ssyncadd.s32 $0xFFFFFC00  }
0x9a5: {  	_ =	swait.ge [sflag:s30], $0x400  }
0x9a6: {  	[sflag:s30] =	ssyncset.done $0x0  }
0x9a7: {  	s1 =	simm.s32 $0x8;
	[sflag:s30] =	ssyncadd.s32 $0xFFFFFC00  }
0x9a8: {  	_ =	swait.ge [sflag:s1], $0x400  }
0x9a9: {  	[sflag:s1] =	ssyncset.done $0x0  }
0x9aa: {  	[sflag:s1] =	ssyncadd.s32 $0xFFFFFC00  }
0x9ab: {  	_ =	swait.ge [sflag:s1], $0x400  }
0x9ac: {  	[sflag:s1] =	ssyncset.done $0x0  }
0x9ad: {  	[sflag:s1] =	ssyncadd.s32 $0xFFFFFC00  }
0x9ae: {  	_ =	swait.ge [sflag:s1], $0x400  }
0x9af: {  	[sflag:s1] =	ssyncset.done $0x0  }
0x9b0: {  	[sflag:s1] =	ssyncadd.s32 $0xFFFFFC00  }
0x9b1: {  	_ =	swait.ge [sflag:s1], $0x400  }
0x9b2: {  	[sflag:s1] =	ssyncset.done $0x0  }
0x9b3: {  	[sflag:s1] =	ssyncadd.s32 $0xFFFFFC00  }
0x9b4: {  	_ =	swait.ge [sflag:s1], $0x400  }
0x9b5: {  	[sflag:s1] =	ssyncset.done $0x0  }
0x9b6: {  	[sflag:s1] =	ssyncadd.s32 $0xFFFFFC00  }
0x9b7: {  	_ =	swait.ge [sflag:s1], $0x400  }
0x9b8: {  	[sflag:s1] =	ssyncset.done $0x0  }
0x9b9: {  	[sflag:s1] =	ssyncadd.s32 $0xFFFFFC00  }
0x9ba: {  	_ =	swait.ge [sflag:s1], $0x400  }
0x9bb: {  	[sflag:s1] =	ssyncset.done $0x0  }
0x9bc: {  	[sflag:s1] =	ssyncadd.s32 $0xFFFFFC00  }
0x9bd: {  	_ =	swait.ge [sflag:s1], $0x400  }
0x9be: {  	s4 =	rddreg [dreg:$0x6]  }
0x9bf: {  	s31 =	rddreg [dreg:$0x5];
	s4 =	sadd.s32 $0x1, s4  }
0x9c0: {  	p0 =	sne.s32 s4, s31  }
.Ltmp5:
0x9c1: {  	_ = 	snop;
	(pc) =	sbr.rel @p0 .LBB2_1-.Ltmp5, $3  }
0x9c2: {  	_ =	sdelay $0x1  }
0x9c3: {  	[sflag:s1] =	ssyncset.done $0x0  }
0x9c4: {  	[sflag:s1] =	ssyncadd.s32 $0xFFFFFC00  }
0x9c5: {  	_ =	sfence.sel $0x180000  }
0x9c6: {  	[bflag:$0x0] =	sbarrier.arrive $0xFFFF  }
0x9c7: {  	_ =	strace $0x90000047  }
0x9c8: {  	s0 =	stileid.u32;
	[bflag:$0x2] =	sbarrier.arrive $0xFFFF  }
0x9c9: {  	p0 =	sne.s32 s0, $0x0;
	s0 =	rddreg [dreg:$0x2]  }
0x9ca: {  	s0 =	sadd.s32 @!p0 $0x100000, s0  }
0x9cb: {  	[sflag:s0] =	ssyncadd.tile.s32 @!p0 $0x1;
	_ =	shalt  }
.Lfunc_end2:
_tile_overlayer_lowered:
.L_overlay_start_2:
0x9cc: {  	(tag) =	ssettag $0x2  }
0x9cd: {  	s0 =	rddreg [dreg:$0x0];
	s2 =	stileid.u32  }
0x9ce: {  	s1 =	rddreg [dreg:$0x1];
	p0 =	sne.s32 s2, $0x0  }
0x9cf: {  	s3 =	rddreg [dreg:$0x2];
	[bflag:$0x3] =	sbarrier.arrive $0xFFFF;
	s2 =	simm.s32 @!p0 $0x1C09  }
0x9d0: {  	[timem:s3], [sflag:s2] =	dma.local @!p0 [hbm:s0], s1  }
0x9d1: {  	s0 =	simm.s32 @!p0 $0x9  }
0x9d2: {  	_ =	swait.ge @!p0 [sflag:s0], s1  }
0x9d3: {  	s1 =	ssub.s32 @!p0 $0x0, s1;
	[sflag:s0] =	ssyncset.done @!p0 $0x0  }
0x9d4: {  	[sflag:s0] =	ssyncadd.s32 @!p0 s1  }
0x9d5: {  	[bflag:$0x3] =	sbarrier.arrive $0xFFFF  }
0x9d6: {  	_ =	shalt  }

</sc_bundles>
